<compile_context>
chip_gen: v7x
topology: tpu7x:2x2x1
jax: 0.10.2.dev20260603
libtpu: 0.0.44.dev20260713+nightly
codegen_flags: <defaults>
</compile_context>

<pallas_src>
import functools

import jax
import jax.numpy as jnp
from jax import lax
from jax.experimental import pallas as pl
from jax.experimental.pallas import tpu as pltpu
from jax.experimental.pallas import tpu_sc as plsc

NC, NS, L = 2, 16, 16
B, C, H, W = 32, 7, 256, 256
N = 100
NPAD = 112
NCHUNK = NPAD // L


def _sc_gather_body(preds_hbm, boxes_hbm, out_hbm,
                    cx_v, cy_v, idx_v, lanes_v, cells_v, grid_v, rows_v,
                    vals_v, sem0, sem1, sem2, sem3, sem4, sem5):
    sems = [sem0, sem1, sem2, sem3, sem4, sem5]
    b = lax.axis_index("s") * NC + lax.axis_index("c")
    pltpu.sync_copy(boxes_hbm.at[0, b], cx_v)
    pltpu.sync_copy(boxes_hbm.at[1, b], cy_v)
    iota = lax.iota(jnp.int32, L)
    base_b = b * (C * H)
    for c in range(NCHUNK):
        cx = cx_v[pl.ds(c * L, L)]
        cy = cy_v[pl.ds(c * L, L)]
        ii = (cy * float(H)).astype(jnp.int32)
        jj = (cx * float(W)).astype(jnp.int32)
        lanes_v[pl.ds(c * L, L)] = jj
        cells_v[pl.ds(c * L, L)] = ii * W + jj
        base = base_b + ii
        for ch in range(C):
            idx_v[ch, pl.ds(c * L, L)] = base + ch * H
    segs = [(ch, base, ln) for ch in range(C) for base, ln in
            ((0, 32), (32, 32), (64, 32), (96, 8))]
    NBUF = 6

    def _fire(t):
        ch, base, ln = segs[t]
        return pltpu.async_copy(
            preds_hbm.at[idx_v.at[ch, pl.ds(base, ln)]],
            rows_v.at[t % NBUF, pl.ds(0, ln)], sems[t % NBUF])

    copies = [_fire(t) for t in range(NBUF)]
    for c in range(NCHUNK):
        n_vec = iota + c * L
        plsc.store_scatter(grid_v, [cells_v[pl.ds(c * L, L)]], n_vec,
                           mask=n_vec < N)
    for c in range(NCHUNK):
        n_vec = iota + c * L
        winner = plsc.load_gather(grid_v, [cells_v[pl.ds(c * L, L)]])
        valid = jnp.logical_and(winner == n_vec, n_vec < N)
        vals_v[C, pl.ds(c * L, L)] = jnp.where(valid, 1.0, 0.0)
    for t, (ch, base, ln) in enumerate(segs):
        copies[t % NBUF].wait()
        buf = rows_v.at[t % NBUF]
        cover = ln if ln % L == 0 else NPAD - base
        for c in range(cover // L):
            rowsel = jnp.minimum(iota + c * L, ln - 1)
            v = plsc.load_gather(
                buf, [rowsel, lanes_v[pl.ds(base + c * L, L)]])
            vals_v[ch, pl.ds(base + c * L, L)] = v
        if t + NBUF < len(segs):
            copies[t % NBUF] = _fire(t + NBUF)
    pltpu.sync_copy(vals_v, out_hbm.at[:, b])


def _sc_gather(preds_rows, boxes_c):
    mesh = plsc.VectorSubcoreMesh(core_axis_name="c", subcore_axis_name="s",
                                  num_cores=NC, num_subcores=NS)
    run = functools.partial(
        pl.kernel,
        out_type=jax.ShapeDtypeStruct((C + 1, B, NPAD), jnp.float32),
        mesh=mesh,
        compiler_params=pltpu.CompilerParams(needs_layout_passes=False,
                                             skip_device_barrier=True),
        scratch_types=[
            pltpu.VMEM((NPAD,), jnp.float32),
            pltpu.VMEM((NPAD,), jnp.float32),
            pltpu.VMEM((C, NPAD), jnp.int32),
            pltpu.VMEM((NPAD,), jnp.int32),
            pltpu.VMEM((NPAD,), jnp.int32),
            pltpu.VMEM((H * W,), jnp.int32),
            pltpu.VMEM((6, 32, W), jnp.float32),
            pltpu.VMEM((C + 1, NPAD), jnp.float32),
            pltpu.SemaphoreType.DMA,
            pltpu.SemaphoreType.DMA,
            pltpu.SemaphoreType.DMA,
            pltpu.SemaphoreType.DMA,
            pltpu.SemaphoreType.DMA,
            pltpu.SemaphoreType.DMA,
        ],
    )(_sc_gather_body)
    return run(preds_rows, boxes_c)


def _softplus(x):
    return jnp.maximum(x, 0.0) + jnp.log(1.0 + jnp.exp(-jnp.abs(x)))


DB = 4


def _tc_dense_body(obj_ref, out_ref):
    step = pl.program_id(0)

    @pl.when(step == 0)
    def _():
        out_ref[0, 0] = 0.0

    x = obj_ref[:, 0]
    out_ref[0, 0] += jnp.sum(_softplus(x))


def _tc_dense(preds):
    return pl.pallas_call(
        _tc_dense_body,
        grid=(B // DB,),
        in_specs=[pl.BlockSpec((DB, 1, H, W), lambda i: (i, 4, 0, 0))],
        out_specs=pl.BlockSpec((1, 1), lambda i: (0, 0),
                               memory_space=pltpu.SMEM),
        out_shape=jax.ShapeDtypeStruct((1, 1), jnp.float32),
    )(preds)


def _tc_sparse_body(vals_ref, boxes_c_ref, lab_ref, dense_ref, out_ref):
    valid = vals_ref[C]
    box_l1 = jnp.zeros((), jnp.float32)
    for k in range(4):
        box_l1 += jnp.sum(jnp.abs(vals_ref[k] - boxes_c_ref[k]) * valid)
    pobj = jnp.sum(vals_ref[4] * valid)
    c0 = vals_ref[5]
    c1 = vals_ref[6]
    lf = lab_ref[...]
    c_sel = c0 * (1.0 - lf) + c1 * lf
    cls = jnp.sum((_softplus(c0) + _softplus(c1) - c_sel) * valid)
    total = dense_ref[0, 0] + 5.0 * box_l1 - pobj + cls
    out_ref[0, 0] = total * (1.0 / B)


def _tc_sparse(vals, boxes_c, lab, dense):
    return pl.pallas_call(
        _tc_sparse_body,
        in_specs=[
            pl.BlockSpec((C + 1, B, NPAD), lambda: (0, 0, 0)),
            pl.BlockSpec((4, B, NPAD), lambda: (0, 0, 0)),
            pl.BlockSpec((B, NPAD), lambda: (0, 0)),
            pl.BlockSpec((1, 1), lambda: (0, 0), memory_space=pltpu.SMEM),
        ],
        out_specs=pl.BlockSpec((1, 1), lambda: (0, 0),
                               memory_space=pltpu.SMEM),
        out_shape=jax.ShapeDtypeStruct((1, 1), jnp.float32),
    )(vals, boxes_c, lab, dense)


def kernel(preds, boxes, labels):
    preds_rows = preds.reshape(B * C * H, W)
    boxes_c = jnp.pad(jnp.transpose(boxes, (2, 0, 1)),
                      ((0, 0), (0, 0), (0, NPAD - N)))
    lab = jnp.pad(labels.astype(jnp.float32), ((0, 0), (0, NPAD - N)))
    vals = _sc_gather(preds_rows, boxes_c)
    dense = _tc_dense(preds)
    out = _tc_sparse(vals, boxes_c, lab, dense)
    return out[0, 0]

# --- scband reference (transcript-rebuilt; emitter-appended) ---
"""Pipeline reference for scband-yololoss-83399674953940 (READ-ONLY COPY).

The authoritative reference and input builder live on the scoring server;
editing this copy changes nothing except your own understanding.
"""

import jax, jax.numpy as jnp
import numpy as np


def setup_inputs(seed: int = 0):
    key = jax.random.key(seed)
    k1, k2, k3 = jax.random.split(key, 3)
    preds = jax.random.normal(k1, (32, 7, 256, 256), dtype=jnp.float32)
    boxes = jax.random.uniform(k2, (32, 100, 4), dtype=jnp.float32)
    labels = jax.random.randint(k3, (32, 100), 0, 2)
    return {"preds": preds, "boxes": boxes, "labels": labels}


def _bce_logits_sum_elem(x, t):
    # elementwise binary_cross_entropy_with_logits (no reduction)
    return jnp.maximum(x, 0.0) - x * t + jnp.log1p(jnp.exp(-jnp.abs(x)))


def reference(preds, boxes, labels):
    num_classes = 2
    lambda_coord = 5.0
    B, _, H, W = preds.shape
    N = boxes.shape[1]
    pred = jnp.transpose(preds, (0, 2, 3, 1))  # (B,H,W,7)
    pred_boxes = pred[..., 0:4]
    pred_obj = pred[..., 4]
    pred_cls = pred[..., 5:]
    cx = boxes[..., 0]
    cy = boxes[..., 1]
    ii = (cy * H).astype(jnp.int32)  # row index
    jj = (cx * W).astype(jnp.int32)  # col index
    b_idx = jnp.broadcast_to(jnp.arange(B)[:, None], (B, N))
    target_obj = jnp.zeros((B, H, W), jnp.float32).at[b_idx, ii, jj].set(1.0)
    target_boxes = jnp.zeros((B, H, W, 4), jnp.float32).at[b_idx, ii, jj].set(boxes)
    target_cls = jnp.zeros((B, H, W, num_classes), jnp.float32).at[b_idx, ii, jj, labels].set(1.0)
    mask = (target_obj > 0.5).astype(jnp.float32)
    box_loss = jnp.sum(jnp.abs(pred_boxes - target_boxes) * mask[..., None])
    obj_loss = jnp.sum(_bce_logits_sum_elem(pred_obj, target_obj))
    cls_loss = jnp.sum(_bce_logits_sum_elem(pred_cls, target_cls) * mask[..., None])
    total_loss = lambda_coord * box_loss + obj_loss + cls_loss
    return total_loss / B

if __name__ == "__main__":
    import jax
    _d = setup_inputs()
    print(jax.jit(kernel)(*tuple(_d.values())))

</pallas_src>

<mosaic_0001>
#map = affine_map<(d0, d1) -> (0, 0)>
#map1 = affine_map<(d0, d1) -> (0, 0, 0)>
module attributes {stable_mosaic.version = 14 : i64} {
  func.func @_sc_gather_body(%arg0: i32, %arg1: i32, %arg2: memref<57344x256xf32, #tpu.memory_space<hbm>>, %arg3: memref<4x32x112xf32, #tpu.memory_space<hbm>>, %arg4: memref<8x32x112xf32, #tpu.memory_space<hbm>>, %arg5: memref<112xf32, #tpu.memory_space<vmem>>, %arg6: memref<112xf32, #tpu.memory_space<vmem>>, %arg7: memref<7x112xi32, #tpu.memory_space<vmem>>, %arg8: memref<112xi32, #tpu.memory_space<vmem>>, %arg9: memref<112xi32, #tpu.memory_space<vmem>>, %arg10: memref<65536xi32, #tpu.memory_space<vmem>>, %arg11: memref<6x32x256xf32, #tpu.memory_space<vmem>>, %arg12: memref<8x112xf32, #tpu.memory_space<vmem>>, %arg13: memref<!tpu.dma_semaphore, #tpu.memory_space<semaphore_mem>>, %arg14: memref<!tpu.dma_semaphore, #tpu.memory_space<semaphore_mem>>, %arg15: memref<!tpu.dma_semaphore, #tpu.memory_space<semaphore_mem>>, %arg16: memref<!tpu.dma_semaphore, #tpu.memory_space<semaphore_mem>>, %arg17: memref<!tpu.dma_semaphore, #tpu.memory_space<semaphore_mem>>, %arg18: memref<!tpu.dma_semaphore, #tpu.memory_space<semaphore_mem>>) attributes {dimension_semantics = [#tpu.dimension_semantics<core_parallel>, #tpu.dimension_semantics<subcore_parallel>], iteration_bounds = array<i64: 2, 16>, scalar_prefetch = 0 : i64, scratch_operands = 14 : i64, tpu.core_type = #tpu.core_type<sc_vector_subcore>, window_params = [{transform_indices = #map}, {transform_indices = #map1}, {transform_indices = #map1}]} {
    %mul3A = arith.constant 2 : i32
    %mul3A_0 = arith.muli %arg1, %mul3A : i32
    %add3A = arith.addi %mul3A_0, %arg0 : i32
    %run_scoped3A = arith.constant 0 : i32
    "tpu.region"() ({
      %run_scoped3A_2238 = tpu.sem_alloc : memref<!tpu.dma_semaphore, #tpu.memory_space<semaphore_mem>>
      %dma_start3A_2239 = arith.constant 0 : i32
      %dma_start3A_2240 = tpu.memref_slice %arg3[%run_scoped3A, %add3A, %dma_start3A_2239] : memref<4x32x112xf32, #tpu.memory_space<hbm>> -> memref<1x1x112xf32, #tpu.memory_space<hbm>>
      %dma_start3A_2241 = tpu.memref_squeeze %dma_start3A_2240 : memref<1x1x112xf32, #tpu.memory_space<hbm>> -> memref<112xf32, #tpu.memory_space<hbm>>
      %dma_start3A_2242 = arith.constant 0 : i32
      %dma_start3A_2243 = tpu.memref_slice %arg3[%run_scoped3A, %add3A, %dma_start3A_2242] : memref<4x32x112xf32, #tpu.memory_space<hbm>> -> memref<1x1x112xf32, #tpu.memory_space<hbm>>
      %dma_start3A_2244 = tpu.memref_squeeze %dma_start3A_2243 : memref<1x1x112xf32, #tpu.memory_space<hbm>> -> memref<112xf32, #tpu.memory_space<hbm>>
      tpu.enqueue_dma source(%dma_start3A_2244 : memref<112xf32, #tpu.memory_space<hbm>>) target(%arg5 : memref<112xf32, #tpu.memory_space<vmem>>) target_semaphore(%run_scoped3A_2238 : memref<!tpu.dma_semaphore, #tpu.memory_space<semaphore_mem>>)
      %dma_wait3A_2245 = arith.constant 0 : i32
      %dma_wait3A_2246 = tpu.memref_slice %arg3[%run_scoped3A, %add3A, %dma_wait3A_2245] : memref<4x32x112xf32, #tpu.memory_space<hbm>> -> memref<1x1x112xf32, #tpu.memory_space<hbm>>
      %dma_wait3A_2247 = tpu.memref_squeeze %dma_wait3A_2246 : memref<1x1x112xf32, #tpu.memory_space<hbm>> -> memref<112xf32, #tpu.memory_space<hbm>>
      %dma_wait3A_2248 = arith.constant 0 : i32
      %dma_wait3A_2249 = tpu.memref_slice %arg3[%run_scoped3A, %add3A, %dma_wait3A_2248] : memref<4x32x112xf32, #tpu.memory_space<hbm>> -> memref<1x1x112xf32, #tpu.memory_space<hbm>>
      %dma_wait3A_2250 = tpu.memref_squeeze %dma_wait3A_2249 : memref<1x1x112xf32, #tpu.memory_space<hbm>> -> memref<112xf32, #tpu.memory_space<hbm>>
      tpu.wait_dma2 semaphore(%run_scoped3A_2238 : memref<!tpu.dma_semaphore, #tpu.memory_space<semaphore_mem>>) src(%dma_wait3A_2250 : memref<112xf32, #tpu.memory_space<hbm>>) dst(%arg5 : memref<112xf32, #tpu.memory_space<vmem>>)
      tpu.yield
    }) : () -> ()
    %run_scoped3A_1 = arith.constant 1 : i32
    "tpu.region"() ({
      %run_scoped3A_2238 = tpu.sem_alloc : memref<!tpu.dma_semaphore, #tpu.memory_space<semaphore_mem>>
      %dma_start3A_2239 = arith.constant 0 : i32
      %dma_start3A_2240 = tpu.memref_slice %arg3[%run_scoped3A_1, %add3A, %dma_start3A_2239] : memref<4x32x112xf32, #tpu.memory_space<hbm>> -> memref<1x1x112xf32, #tpu.memory_space<hbm>>
      %dma_start3A_2241 = tpu.memref_squeeze %dma_start3A_2240 : memref<1x1x112xf32, #tpu.memory_space<hbm>> -> memref<112xf32, #tpu.memory_space<hbm>>
      %dma_start3A_2242 = arith.constant 0 : i32
      %dma_start3A_2243 = tpu.memref_slice %arg3[%run_scoped3A_1, %add3A, %dma_start3A_2242] : memref<4x32x112xf32, #tpu.memory_space<hbm>> -> memref<1x1x112xf32, #tpu.memory_space<hbm>>
      %dma_start3A_2244 = tpu.memref_squeeze %dma_start3A_2243 : memref<1x1x112xf32, #tpu.memory_space<hbm>> -> memref<112xf32, #tpu.memory_space<hbm>>
      tpu.enqueue_dma source(%dma_start3A_2244 : memref<112xf32, #tpu.memory_space<hbm>>) target(%arg6 : memref<112xf32, #tpu.memory_space<vmem>>) target_semaphore(%run_scoped3A_2238 : memref<!tpu.dma_semaphore, #tpu.memory_space<semaphore_mem>>)
      %dma_wait3A_2245 = arith.constant 0 : i32
      %dma_wait3A_2246 = tpu.memref_slice %arg3[%run_scoped3A_1, %add3A, %dma_wait3A_2245] : memref<4x32x112xf32, #tpu.memory_space<hbm>> -> memref<1x1x112xf32, #tpu.memory_space<hbm>>
      %dma_wait3A_2247 = tpu.memref_squeeze %dma_wait3A_2246 : memref<1x1x112xf32, #tpu.memory_space<hbm>> -> memref<112xf32, #tpu.memory_space<hbm>>
      %dma_wait3A_2248 = arith.constant 0 : i32
      %dma_wait3A_2249 = tpu.memref_slice %arg3[%run_scoped3A_1, %add3A, %dma_wait3A_2248] : memref<4x32x112xf32, #tpu.memory_space<hbm>> -> memref<1x1x112xf32, #tpu.memory_space<hbm>>
      %dma_wait3A_2250 = tpu.memref_squeeze %dma_wait3A_2249 : memref<1x1x112xf32, #tpu.memory_space<hbm>> -> memref<112xf32, #tpu.memory_space<hbm>>
      tpu.wait_dma2 semaphore(%run_scoped3A_2238 : memref<!tpu.dma_semaphore, #tpu.memory_space<semaphore_mem>>) src(%dma_wait3A_2250 : memref<112xf32, #tpu.memory_space<hbm>>) dst(%arg6 : memref<112xf32, #tpu.memory_space<vmem>>)
      tpu.yield
    }) : () -> ()
    %iota3A = tpu.iota {dimensions = array<i32: 0>} : vector<16xi32>
    %mul3A_2 = arith.constant 1792 : i32
    %mul3A_3 = arith.muli %add3A, %mul3A_2 : i32
    %get3A = arith.constant 0 : index
    %get3A_4 = tpu.vector_load %arg5[%get3A] {strides = array<i32>} : memref<112xf32, #tpu.memory_space<vmem>>, vector<16xf32>,
    %get3A_5 = arith.constant 0 : index
    %get3A_6 = tpu.vector_load %arg6[%get3A_5] {strides = array<i32>} : memref<112xf32, #tpu.memory_space<vmem>>, vector<16xf32>,
    %mul3A_7 = arith.constant 2.560000e+02 : f32
    %mul3A_8 = vector.broadcast %mul3A_7 : f32 to vector<16xf32>
    %mul3A_9 = arith.mulf %get3A_6, %mul3A_8 : vector<16xf32>
    %convert_element_type3A = arith.fptosi %mul3A_9 : vector<16xf32> to vector<16xi32>
    %mul3A_10 = arith.constant 2.560000e+02 : f32
    %mul3A_11 = vector.broadcast %mul3A_10 : f32 to vector<16xf32>
    %mul3A_12 = arith.mulf %get3A_4, %mul3A_11 : vector<16xf32>
    %convert_element_type3A_13 = arith.fptosi %mul3A_12 : vector<16xf32> to vector<16xi32>
    %swap3A = arith.constant 0 : index
    %swap3A_14 = tpu.vector_load %arg8[%swap3A] {strides = array<i32>} : memref<112xi32, #tpu.memory_space<vmem>>, vector<16xi32>,
    tpu.vector_store %arg8[%swap3A], %convert_element_type3A_13 {strides = array<i32>} : memref<112xi32, #tpu.memory_space<vmem>>, vector<16xi32>,
    %mul3A_15 = arith.constant 256 : i32
    %mul3A_16 = vector.broadcast %mul3A_15 : i32 to vector<16xi32>
    %mul3A_17 = arith.muli %convert_element_type3A, %mul3A_16 : vector<16xi32>
    %add3A_18 = arith.addi %mul3A_17, %convert_element_type3A_13 : vector<16xi32>
    %swap3A_19 = arith.constant 0 : index
    %swap3A_20 = tpu.vector_load %arg9[%swap3A_19] {strides = array<i32>} : memref<112xi32, #tpu.memory_space<vmem>>, vector<16xi32>,
    tpu.vector_store %arg9[%swap3A_19], %add3A_18 {strides = array<i32>} : memref<112xi32, #tpu.memory_space<vmem>>, vector<16xi32>,
    %add3A_21 = vector.broadcast %mul3A_3 : i32 to vector<16xi32>
    %add3A_22 = arith.addi %add3A_21, %convert_element_type3A : vector<16xi32>
    %add3A_23 = arith.constant 0 : i32
    %add3A_24 = vector.broadcast %add3A_23 : i32 to vector<16xi32>
    %add3A_25 = arith.addi %add3A_22, %add3A_24 : vector<16xi32>
    %swap3A_26 = arith.constant 0 : i32
    %swap3A_27 = arith.index_cast %swap3A_26 : i32 to index
    %swap3A_28 = arith.constant 0 : index
    %swap3A_29 = tpu.vector_load %arg7[%swap3A_27, %swap3A_28] {strides = array<i32>} : memref<7x112xi32, #tpu.memory_space<vmem>>, vector<16xi32>,
    tpu.vector_store %arg7[%swap3A_27, %swap3A_28], %add3A_25 {strides = array<i32>} : memref<7x112xi32, #tpu.memory_space<vmem>>, vector<16xi32>,
    %add3A_30 = arith.constant 256 : i32
    %add3A_31 = vector.broadcast %add3A_30 : i32 to vector<16xi32>
    %add3A_32 = arith.addi %add3A_22, %add3A_31 : vector<16xi32>
    %swap3A_33 = arith.constant 1 : i32
    %swap3A_34 = arith.index_cast %swap3A_33 : i32 to index
    %swap3A_35 = arith.constant 0 : index
    %swap3A_36 = tpu.vector_load %arg7[%swap3A_34, %swap3A_35] {strides = array<i32>} : memref<7x112xi32, #tpu.memory_space<vmem>>, vector<16xi32>,
    tpu.vector_store %arg7[%swap3A_34, %swap3A_35], %add3A_32 {strides = array<i32>} : memref<7x112xi32, #tpu.memory_space<vmem>>, vector<16xi32>,
    %add3A_37 = arith.constant 512 : i32
    %add3A_38 = vector.broadcast %add3A_37 : i32 to vector<16xi32>
    %add3A_39 = arith.addi %add3A_22, %add3A_38 : vector<16xi32>
    %swap3A_40 = arith.constant 2 : i32
    %swap3A_41 = arith.index_cast %swap3A_40 : i32 to index
    %swap3A_42 = arith.constant 0 : index
    %swap3A_43 = tpu.vector_load %arg7[%swap3A_41, %swap3A_42] {strides = array<i32>} : memref<7x112xi32, #tpu.memory_space<vmem>>, vector<16xi32>,
    tpu.vector_store %arg7[%swap3A_41, %swap3A_42], %add3A_39 {strides = array<i32>} : memref<7x112xi32, #tpu.memory_space<vmem>>, vector<16xi32>,
    %add3A_44 = arith.constant 768 : i32
    %add3A_45 = vector.broadcast %add3A_44 : i32 to vector<16xi32>
    %add3A_46 = arith.addi %add3A_22, %add3A_45 : vector<16xi32>
    %swap3A_47 = arith.constant 3 : i32
    %swap3A_48 = arith.index_cast %swap3A_47 : i32 to index
    %swap3A_49 = arith.constant 0 : index
    %swap3A_50 = tpu.vector_load %arg7[%swap3A_48, %swap3A_49] {strides = array<i32>} : memref<7x112xi32, #tpu.memory_space<vmem>>, vector<16xi32>,
    tpu.vector_store %arg7[%swap3A_48, %swap3A_49], %add3A_46 {strides = array<i32>} : memref<7x112xi32, #tpu.memory_space<vmem>>, vector<16xi32>,
    %add3A_51 = arith.constant 1024 : i32
    %add3A_52 = vector.broadcast %add3A_51 : i32 to vector<16xi32>
    %add3A_53 = arith.addi %add3A_22, %add3A_52 : vector<16xi32>
    %swap3A_54 = arith.constant 4 : i32
    %swap3A_55 = arith.index_cast %swap3A_54 : i32 to index
    %swap3A_56 = arith.constant 0 : index
    %swap3A_57 = tpu.vector_load %arg7[%swap3A_55, %swap3A_56] {strides = array<i32>} : memref<7x112xi32, #tpu.memory_space<vmem>>, vector<16xi32>,
    tpu.vector_store %arg7[%swap3A_55, %swap3A_56], %add3A_53 {strides = array<i32>} : memref<7x112xi32, #tpu.memory_space<vmem>>, vector<16xi32>,
    %add3A_58 = arith.constant 1280 : i32
    %add3A_59 = vector.broadcast %add3A_58 : i32 to vector<16xi32>
    %add3A_60 = arith.addi %add3A_22, %add3A_59 : vector<16xi32>
    %swap3A_61 = arith.constant 5 : i32
    %swap3A_62 = arith.index_cast %swap3A_61 : i32 to index
    %swap3A_63 = arith.constant 0 : index
    %swap3A_64 = tpu.vector_load %arg7[%swap3A_62, %swap3A_63] {strides = array<i32>} : memref<7x112xi32, #tpu.memory_space<vmem>>, vector<16xi32>,
    tpu.vector_store %arg7[%swap3A_62, %swap3A_63], %add3A_60 {strides = array<i32>} : memref<7x112xi32, #tpu.memory_space<vmem>>, vector<16xi32>,
    %add3A_65 = arith.constant 1536 : i32
    %add3A_66 = vector.broadcast %add3A_65 : i32 to vector<16xi32>
    %add3A_67 = arith.addi %add3A_22, %add3A_66 : vector<16xi32>
    %swap3A_68 = arith.constant 6 : i32
    %swap3A_69 = arith.index_cast %swap3A_68 : i32 to index
    %swap3A_70 = arith.constant 0 : index
    %swap3A_71 = tpu.vector_load %arg7[%swap3A_69, %swap3A_70] {strides = array<i32>} : memref<7x112xi32, #tpu.memory_space<vmem>>, vector<16xi32>,
    tpu.vector_store %arg7[%swap3A_69, %swap3A_70], %add3A_67 {strides = array<i32>} : memref<7x112xi32, #tpu.memory_space<vmem>>, vector<16xi32>,
    %get3A_72 = arith.constant 16 : index
    %get3A_73 = tpu.vector_load %arg5[%get3A_72] {strides = array<i32>} : memref<112xf32, #tpu.memory_space<vmem>>, vector<16xf32>,
    %get3A_74 = arith.constant 16 : index
    %get3A_75 = tpu.vector_load %arg6[%get3A_74] {strides = array<i32>} : memref<112xf32, #tpu.memory_space<vmem>>, vector<16xf32>,
    %mul3A_76 = arith.constant 2.560000e+02 : f32
    %mul3A_77 = vector.broadcast %mul3A_76 : f32 to vector<16xf32>
    %mul3A_78 = arith.mulf %get3A_75, %mul3A_77 : vector<16xf32>
    %convert_element_type3A_79 = arith.fptosi %mul3A_78 : vector<16xf32> to vector<16xi32>
    %mul3A_80 = arith.constant 2.560000e+02 : f32
    %mul3A_81 = vector.broadcast %mul3A_80 : f32 to vector<16xf32>
    %mul3A_82 = arith.mulf %get3A_73, %mul3A_81 : vector<16xf32>
    %convert_element_type3A_83 = arith.fptosi %mul3A_82 : vector<16xf32> to vector<16xi32>
    %swap3A_84 = arith.constant 16 : index
    %swap3A_85 = tpu.vector_load %arg8[%swap3A_84] {strides = array<i32>} : memref<112xi32, #tpu.memory_space<vmem>>, vector<16xi32>,
    tpu.vector_store %arg8[%swap3A_84], %convert_element_type3A_83 {strides = array<i32>} : memref<112xi32, #tpu.memory_space<vmem>>, vector<16xi32>,
    %mul3A_86 = arith.constant 256 : i32
    %mul3A_87 = vector.broadcast %mul3A_86 : i32 to vector<16xi32>
    %mul3A_88 = arith.muli %convert_element_type3A_79, %mul3A_87 : vector<16xi32>
    %add3A_89 = arith.addi %mul3A_88, %convert_element_type3A_83 : vector<16xi32>
    %swap3A_90 = arith.constant 16 : index
    %swap3A_91 = tpu.vector_load %arg9[%swap3A_90] {strides = array<i32>} : memref<112xi32, #tpu.memory_space<vmem>>, vector<16xi32>,
    tpu.vector_store %arg9[%swap3A_90], %add3A_89 {strides = array<i32>} : memref<112xi32, #tpu.memory_space<vmem>>, vector<16xi32>,
    %add3A_92 = vector.broadcast %mul3A_3 : i32 to vector<16xi32>
    %add3A_93 = arith.addi %add3A_92, %convert_element_type3A_79 : vector<16xi32>
    %add3A_94 = arith.constant 0 : i32
    %add3A_95 = vector.broadcast %add3A_94 : i32 to vector<16xi32>
    %add3A_96 = arith.addi %add3A_93, %add3A_95 : vector<16xi32>
    %swap3A_97 = arith.constant 0 : i32
    %swap3A_98 = arith.index_cast %swap3A_97 : i32 to index
    %swap3A_99 = arith.constant 16 : index
    %swap3A_100 = tpu.vector_load %arg7[%swap3A_98, %swap3A_99] {strides = array<i32>} : memref<7x112xi32, #tpu.memory_space<vmem>>, vector<16xi32>,
    tpu.vector_store %arg7[%swap3A_98, %swap3A_99], %add3A_96 {strides = array<i32>} : memref<7x112xi32, #tpu.memory_space<vmem>>, vector<16xi32>,
    %add3A_101 = arith.constant 256 : i32
    %add3A_102 = vector.broadcast %add3A_101 : i32 to vector<16xi32>
    %add3A_103 = arith.addi %add3A_93, %add3A_102 : vector<16xi32>
    %swap3A_104 = arith.constant 1 : i32
    %swap3A_105 = arith.index_cast %swap3A_104 : i32 to index
    %swap3A_106 = arith.constant 16 : index
    %swap3A_107 = tpu.vector_load %arg7[%swap3A_105, %swap3A_106] {strides = array<i32>} : memref<7x112xi32, #tpu.memory_space<vmem>>, vector<16xi32>,
    tpu.vector_store %arg7[%swap3A_105, %swap3A_106], %add3A_103 {strides = array<i32>} : memref<7x112xi32, #tpu.memory_space<vmem>>, vector<16xi32>,
    %add3A_108 = arith.constant 512 : i32
    %add3A_109 = vector.broadcast %add3A_108 : i32 to vector<16xi32>
    %add3A_110 = arith.addi %add3A_93, %add3A_109 : vector<16xi32>
    %swap3A_111 = arith.constant 2 : i32
    %swap3A_112 = arith.index_cast %swap3A_111 : i32 to index
    %swap3A_113 = arith.constant 16 : index
    %swap3A_114 = tpu.vector_load %arg7[%swap3A_112, %swap3A_113] {strides = array<i32>} : memref<7x112xi32, #tpu.memory_space<vmem>>, vector<16xi32>,
    tpu.vector_store %arg7[%swap3A_112, %swap3A_113], %add3A_110 {strides = array<i32>} : memref<7x112xi32, #tpu.memory_space<vmem>>, vector<16xi32>,
    %add3A_115 = arith.constant 768 : i32
    %add3A_116 = vector.broadcast %add3A_115 : i32 to vector<16xi32>
    %add3A_117 = arith.addi %add3A_93, %add3A_116 : vector<16xi32>
    %swap3A_118 = arith.constant 3 : i32
    %swap3A_119 = arith.index_cast %swap3A_118 : i32 to index
    %swap3A_120 = arith.constant 16 : index
    %swap3A_121 = tpu.vector_load %arg7[%swap3A_119, %swap3A_120] {strides = array<i32>} : memref<7x112xi32, #tpu.memory_space<vmem>>, vector<16xi32>,
    tpu.vector_store %arg7[%swap3A_119, %swap3A_120], %add3A_117 {strides = array<i32>} : memref<7x112xi32, #tpu.memory_space<vmem>>, vector<16xi32>,
    %add3A_122 = arith.constant 1024 : i32
    %add3A_123 = vector.broadcast %add3A_122 : i32 to vector<16xi32>
    %add3A_124 = arith.addi %add3A_93, %add3A_123 : vector<16xi32>
    %swap3A_125 = arith.constant 4 : i32
    %swap3A_126 = arith.index_cast %swap3A_125 : i32 to index
    %swap3A_127 = arith.constant 16 : index
    %swap3A_128 = tpu.vector_load %arg7[%swap3A_126, %swap3A_127] {strides = array<i32>} : memref<7x112xi32, #tpu.memory_space<vmem>>, vector<16xi32>,
    tpu.vector_store %arg7[%swap3A_126, %swap3A_127], %add3A_124 {strides = array<i32>} : memref<7x112xi32, #tpu.memory_space<vmem>>, vector<16xi32>,
    %add3A_129 = arith.constant 1280 : i32
    %add3A_130 = vector.broadcast %add3A_129 : i32 to vector<16xi32>
    %add3A_131 = arith.addi %add3A_93, %add3A_130 : vector<16xi32>
    %swap3A_132 = arith.constant 5 : i32
    %swap3A_133 = arith.index_cast %swap3A_132 : i32 to index
    %swap3A_134 = arith.constant 16 : index
    %swap3A_135 = tpu.vector_load %arg7[%swap3A_133, %swap3A_134] {strides = array<i32>} : memref<7x112xi32, #tpu.memory_space<vmem>>, vector<16xi32>,
    tpu.vector_store %arg7[%swap3A_133, %swap3A_134], %add3A_131 {strides = array<i32>} : memref<7x112xi32, #tpu.memory_space<vmem>>, vector<16xi32>,
    %add3A_136 = arith.constant 1536 : i32
    %add3A_137 = vector.broadcast %add3A_136 : i32 to vector<16xi32>
    %add3A_138 = arith.addi %add3A_93, %add3A_137 : vector<16xi32>
    %swap3A_139 = arith.constant 6 : i32
    %swap3A_140 = arith.index_cast %swap3A_139 : i32 to index
    %swap3A_141 = arith.constant 16 : index
    %swap3A_142 = tpu.vector_load %arg7[%swap3A_140, %swap3A_141] {strides = array<i32>} : memref<7x112xi32, #tpu.memory_space<vmem>>, vector<16xi32>,
    tpu.vector_store %arg7[%swap3A_140, %swap3A_141], %add3A_138 {strides = array<i32>} : memref<7x112xi32, #tpu.memory_space<vmem>>, vector<16xi32>,
    %get3A_143 = arith.constant 32 : index
    %get3A_144 = tpu.vector_load %arg5[%get3A_143] {strides = array<i32>} : memref<112xf32, #tpu.memory_space<vmem>>, vector<16xf32>,
    %get3A_145 = arith.constant 32 : index
    %get3A_146 = tpu.vector_load %arg6[%get3A_145] {strides = array<i32>} : memref<112xf32, #tpu.memory_space<vmem>>, vector<16xf32>,
    %mul3A_147 = arith.constant 2.560000e+02 : f32
    %mul3A_148 = vector.broadcast %mul3A_147 : f32 to vector<16xf32>
    %mul3A_149 = arith.mulf %get3A_146, %mul3A_148 : vector<16xf32>
    %convert_element_type3A_150 = arith.fptosi %mul3A_149 : vector<16xf32> to vector<16xi32>
    %mul3A_151 = arith.constant 2.560000e+02 : f32
    %mul3A_152 = vector.broadcast %mul3A_151 : f32 to vector<16xf32>
    %mul3A_153 = arith.mulf %get3A_144, %mul3A_152 : vector<16xf32>
    %convert_element_type3A_154 = arith.fptosi %mul3A_153 : vector<16xf32> to vector<16xi32>
    %swap3A_155 = arith.constant 32 : index
    %swap3A_156 = tpu.vector_load %arg8[%swap3A_155] {strides = array<i32>} : memref<112xi32, #tpu.memory_space<vmem>>, vector<16xi32>,
    tpu.vector_store %arg8[%swap3A_155], %convert_element_type3A_154 {strides = array<i32>} : memref<112xi32, #tpu.memory_space<vmem>>, vector<16xi32>,
    %mul3A_157 = arith.constant 256 : i32
    %mul3A_158 = vector.broadcast %mul3A_157 : i32 to vector<16xi32>
    %mul3A_159 = arith.muli %convert_element_type3A_150, %mul3A_158 : vector<16xi32>
    %add3A_160 = arith.addi %mul3A_159, %convert_element_type3A_154 : vector<16xi32>
    %swap3A_161 = arith.constant 32 : index
    %swap3A_162 = tpu.vector_load %arg9[%swap3A_161] {strides = array<i32>} : memref<112xi32, #tpu.memory_space<vmem>>, vector<16xi32>,
    tpu.vector_store %arg9[%swap3A_161], %add3A_160 {strides = array<i32>} : memref<112xi32, #tpu.memory_space<vmem>>, vector<16xi32>,
    %add3A_163 = vector.broadcast %mul3A_3 : i32 to vector<16xi32>
    %add3A_164 = arith.addi %add3A_163, %convert_element_type3A_150 : vector<16xi32>
    %add3A_165 = arith.constant 0 : i32
    %add3A_166 = vector.broadcast %add3A_165 : i32 to vector<16xi32>
    %add3A_167 = arith.addi %add3A_164, %add3A_166 : vector<16xi32>
    %swap3A_168 = arith.constant 0 : i32
    %swap3A_169 = arith.index_cast %swap3A_168 : i32 to index
    %swap3A_170 = arith.constant 32 : index
    %swap3A_171 = tpu.vector_load %arg7[%swap3A_169, %swap3A_170] {strides = array<i32>} : memref<7x112xi32, #tpu.memory_space<vmem>>, vector<16xi32>,
    tpu.vector_store %arg7[%swap3A_169, %swap3A_170], %add3A_167 {strides = array<i32>} : memref<7x112xi32, #tpu.memory_space<vmem>>, vector<16xi32>,
    %add3A_172 = arith.constant 256 : i32
    %add3A_173 = vector.broadcast %add3A_172 : i32 to vector<16xi32>
    %add3A_174 = arith.addi %add3A_164, %add3A_173 : vector<16xi32>
    %swap3A_175 = arith.constant 1 : i32
    %swap3A_176 = arith.index_cast %swap3A_175 : i32 to index
    %swap3A_177 = arith.constant 32 : index
    %swap3A_178 = tpu.vector_load %arg7[%swap3A_176, %swap3A_177] {strides = array<i32>} : memref<7x112xi32, #tpu.memory_space<vmem>>, vector<16xi32>,
    tpu.vector_store %arg7[%swap3A_176, %swap3A_177], %add3A_174 {strides = array<i32>} : memref<7x112xi32, #tpu.memory_space<vmem>>, vector<16xi32>,
    %add3A_179 = arith.constant 512 : i32
    %add3A_180 = vector.broadcast %add3A_179 : i32 to vector<16xi32>
    %add3A_181 = arith.addi %add3A_164, %add3A_180 : vector<16xi32>
    %swap3A_182 = arith.constant 2 : i32
    %swap3A_183 = arith.index_cast %swap3A_182 : i32 to index
    %swap3A_184 = arith.constant 32 : index
    %swap3A_185 = tpu.vector_load %arg7[%swap3A_183, %swap3A_184] {strides = array<i32>} : memref<7x112xi32, #tpu.memory_space<vmem>>, vector<16xi32>,
    tpu.vector_store %arg7[%swap3A_183, %swap3A_184], %add3A_181 {strides = array<i32>} : memref<7x112xi32, #tpu.memory_space<vmem>>, vector<16xi32>,
    %add3A_186 = arith.constant 768 : i32
    %add3A_187 = vector.broadcast %add3A_186 : i32 to vector<16xi32>
    %add3A_188 = arith.addi %add3A_164, %add3A_187 : vector<16xi32>
    %swap3A_189 = arith.constant 3 : i32
    %swap3A_190 = arith.index_cast %swap3A_189 : i32 to index
    %swap3A_191 = arith.constant 32 : index
    %swap3A_192 = tpu.vector_load %arg7[%swap3A_190, %swap3A_191] {strides = array<i32>} : memref<7x112xi32, #tpu.memory_space<vmem>>, vector<16xi32>,
    tpu.vector_store %arg7[%swap3A_190, %swap3A_191], %add3A_188 {strides = array<i32>} : memref<7x112xi32, #tpu.memory_space<vmem>>, vector<16xi32>,
    %add3A_193 = arith.constant 1024 : i32
    %add3A_194 = vector.broadcast %add3A_193 : i32 to vector<16xi32>
    %add3A_195 = arith.addi %add3A_164, %add3A_194 : vector<16xi32>
    %swap3A_196 = arith.constant 4 : i32
    %swap3A_197 = arith.index_cast %swap3A_196 : i32 to index
    %swap3A_198 = arith.constant 32 : index
    %swap3A_199 = tpu.vector_load %arg7[%swap3A_197, %swap3A_198] {strides = array<i32>} : memref<7x112xi32, #tpu.memory_space<vmem>>, vector<16xi32>,
    tpu.vector_store %arg7[%swap3A_197, %swap3A_198], %add3A_195 {strides = array<i32>} : memref<7x112xi32, #tpu.memory_space<vmem>>, vector<16xi32>,
    %add3A_200 = arith.constant 1280 : i32
    %add3A_201 = vector.broadcast %add3A_200 : i32 to vector<16xi32>
    %add3A_202 = arith.addi %add3A_164, %add3A_201 : vector<16xi32>
    %swap3A_203 = arith.constant 5 : i32
    %swap3A_204 = arith.index_cast %swap3A_203 : i32 to index
    %swap3A_205 = arith.constant 32 : index
    %swap3A_206 = tpu.vector_load %arg7[%swap3A_204, %swap3A_205] {strides = array<i32>} : memref<7x112xi32, #tpu.memory_space<vmem>>, vector<16xi32>,
    tpu.vector_store %arg7[%swap3A_204, %swap3A_205], %add3A_202 {strides = array<i32>} : memref<7x112xi32, #tpu.memory_space<vmem>>, vector<16xi32>,
    %add3A_207 = arith.constant 1536 : i32
    %add3A_208 = vector.broadcast %add3A_207 : i32 to vector<16xi32>
    %add3A_209 = arith.addi %add3A_164, %add3A_208 : vector<16xi32>
    %swap3A_210 = arith.constant 6 : i32
    %swap3A_211 = arith.index_cast %swap3A_210 : i32 to index
    %swap3A_212 = arith.constant 32 : index
    %swap3A_213 = tpu.vector_load %arg7[%swap3A_211, %swap3A_212] {strides = array<i32>} : memref<7x112xi32, #tpu.memory_space<vmem>>, vector<16xi32>,
    tpu.vector_store %arg7[%swap3A_211, %swap3A_212], %add3A_209 {strides = array<i32>} : memref<7x112xi32, #tpu.memory_space<vmem>>, vector<16xi32>,
    %get3A_214 = arith.constant 48 : index
    %get3A_215 = tpu.vector_load %arg5[%get3A_214] {strides = array<i32>} : memref<112xf32, #tpu.memory_space<vmem>>, vector<16xf32>,
    %get3A_216 = arith.constant 48 : index
    %get3A_217 = tpu.vector_load %arg6[%get3A_216] {strides = array<i32>} : memref<112xf32, #tpu.memory_space<vmem>>, vector<16xf32>,
    %mul3A_218 = arith.constant 2.560000e+02 : f32
    %mul3A_219 = vector.broadcast %mul3A_218 : f32 to vector<16xf32>
    %mul3A_220 = arith.mulf %get3A_217, %mul3A_219 : vector<16xf32>
    %convert_element_type3A_221 = arith.fptosi %mul3A_220 : vector<16xf32> to vector<16xi32>
    %mul3A_222 = arith.constant 2.560000e+02 : f32
    %mul3A_223 = vector.broadcast %mul3A_222 : f32 to vector<16xf32>
    %mul3A_224 = arith.mulf %get3A_215, %mul3A_223 : vector<16xf32>
    %convert_element_type3A_225 = arith.fptosi %mul3A_224 : vector<16xf32> to vector<16xi32>
    %swap3A_226 = arith.constant 48 : index
    %swap3A_227 = tpu.vector_load %arg8[%swap3A_226] {strides = array<i32>} : memref<112xi32, #tpu.memory_space<vmem>>, vector<16xi32>,
    tpu.vector_store %arg8[%swap3A_226], %convert_element_type3A_225 {strides = array<i32>} : memref<112xi32, #tpu.memory_space<vmem>>, vector<16xi32>,
    %mul3A_228 = arith.constant 256 : i32
    %mul3A_229 = vector.broadcast %mul3A_228 : i32 to vector<16xi32>
    %mul3A_230 = arith.muli %convert_element_type3A_221, %mul3A_229 : vector<16xi32>
    %add3A_231 = arith.addi %mul3A_230, %convert_element_type3A_225 : vector<16xi32>
    %swap3A_232 = arith.constant 48 : index
    %swap3A_233 = tpu.vector_load %arg9[%swap3A_232] {strides = array<i32>} : memref<112xi32, #tpu.memory_space<vmem>>, vector<16xi32>,
    tpu.vector_store %arg9[%swap3A_232], %add3A_231 {strides = array<i32>} : memref<112xi32, #tpu.memory_space<vmem>>, vector<16xi32>,
    %add3A_234 = vector.broadcast %mul3A_3 : i32 to vector<16xi32>
    %add3A_235 = arith.addi %add3A_234, %convert_element_type3A_221 : vector<16xi32>
    %add3A_236 = arith.constant 0 : i32
    %add3A_237 = vector.broadcast %add3A_236 : i32 to vector<16xi32>
    %add3A_238 = arith.addi %add3A_235, %add3A_237 : vector<16xi32>
    %swap3A_239 = arith.constant 0 : i32
    %swap3A_240 = arith.index_cast %swap3A_239 : i32 to index
    %swap3A_241 = arith.constant 48 : index
    %swap3A_242 = tpu.vector_load %arg7[%swap3A_240, %swap3A_241] {strides = array<i32>} : memref<7x112xi32, #tpu.memory_space<vmem>>, vector<16xi32>,
    tpu.vector_store %arg7[%swap3A_240, %swap3A_241], %add3A_238 {strides = array<i32>} : memref<7x112xi32, #tpu.memory_space<vmem>>, vector<16xi32>,
    %add3A_243 = arith.constant 256 : i32
    %add3A_244 = vector.broadcast %add3A_243 : i32 to vector<16xi32>
    %add3A_245 = arith.addi %add3A_235, %add3A_244 : vector<16xi32>
    %swap3A_246 = arith.constant 1 : i32
    %swap3A_247 = arith.index_cast %swap3A_246 : i32 to index
    %swap3A_248 = arith.constant 48 : index
    %swap3A_249 = tpu.vector_load %arg7[%swap3A_247, %swap3A_248] {strides = array<i32>} : memref<7x112xi32, #tpu.memory_space<vmem>>, vector<16xi32>,
    tpu.vector_store %arg7[%swap3A_247, %swap3A_248], %add3A_245 {strides = array<i32>} : memref<7x112xi32, #tpu.memory_space<vmem>>, vector<16xi32>,
    %add3A_250 = arith.constant 512 : i32
    %add3A_251 = vector.broadcast %add3A_250 : i32 to vector<16xi32>
    %add3A_252 = arith.addi %add3A_235, %add3A_251 : vector<16xi32>
    %swap3A_253 = arith.constant 2 : i32
    %swap3A_254 = arith.index_cast %swap3A_253 : i32 to index
    %swap3A_255 = arith.constant 48 : index
    %swap3A_256 = tpu.vector_load %arg7[%swap3A_254, %swap3A_255] {strides = array<i32>} : memref<7x112xi32, #tpu.memory_space<vmem>>, vector<16xi32>,
    tpu.vector_store %arg7[%swap3A_254, %swap3A_255], %add3A_252 {strides = array<i32>} : memref<7x112xi32, #tpu.memory_space<vmem>>, vector<16xi32>,
    %add3A_257 = arith.constant 768 : i32
    %add3A_258 = vector.broadcast %add3A_257 : i32 to vector<16xi32>
    %add3A_259 = arith.addi %add3A_235, %add3A_258 : vector<16xi32>
    %swap3A_260 = arith.constant 3 : i32
    %swap3A_261 = arith.index_cast %swap3A_260 : i32 to index
    %swap3A_262 = arith.constant 48 : index
    %swap3A_263 = tpu.vector_load %arg7[%swap3A_261, %swap3A_262] {strides = array<i32>} : memref<7x112xi32, #tpu.memory_space<vmem>>, vector<16xi32>,
    tpu.vector_store %arg7[%swap3A_261, %swap3A_262], %add3A_259 {strides = array<i32>} : memref<7x112xi32, #tpu.memory_space<vmem>>, vector<16xi32>,
    %add3A_264 = arith.constant 1024 : i32
    %add3A_265 = vector.broadcast %add3A_264 : i32 to vector<16xi32>
    %add3A_266 = arith.addi %add3A_235, %add3A_265 : vector<16xi32>
    %swap3A_267 = arith.constant 4 : i32
    %swap3A_268 = arith.index_cast %swap3A_267 : i32 to index
    %swap3A_269 = arith.constant 48 : index
    %swap3A_270 = tpu.vector_load %arg7[%swap3A_268, %swap3A_269] {strides = array<i32>} : memref<7x112xi32, #tpu.memory_space<vmem>>, vector<16xi32>,
    tpu.vector_store %arg7[%swap3A_268, %swap3A_269], %add3A_266 {strides = array<i32>} : memref<7x112xi32, #tpu.memory_space<vmem>>, vector<16xi32>,
    %add3A_271 = arith.constant 1280 : i32
    %add3A_272 = vector.broadcast %add3A_271 : i32 to vector<16xi32>
    %add3A_273 = arith.addi %add3A_235, %add3A_272 : vector<16xi32>
    %swap3A_274 = arith.constant 5 : i32
    %swap3A_275 = arith.index_cast %swap3A_274 : i32 to index
    %swap3A_276 = arith.constant 48 : index
    %swap3A_277 = tpu.vector_load %arg7[%swap3A_275, %swap3A_276] {strides = array<i32>} : memref<7x112xi32, #tpu.memory_space<vmem>>, vector<16xi32>,
    tpu.vector_store %arg7[%swap3A_275, %swap3A_276], %add3A_273 {strides = array<i32>} : memref<7x112xi32, #tpu.memory_space<vmem>>, vector<16xi32>,
    %add3A_278 = arith.constant 1536 : i32
    %add3A_279 = vector.broadcast %add3A_278 : i32 to vector<16xi32>
    %add3A_280 = arith.addi %add3A_235, %add3A_279 : vector<16xi32>
    %swap3A_281 = arith.constant 6 : i32
    %swap3A_282 = arith.index_cast %swap3A_281 : i32 to index
    %swap3A_283 = arith.constant 48 : index
    %swap3A_284 = tpu.vector_load %arg7[%swap3A_282, %swap3A_283] {strides = array<i32>} : memref<7x112xi32, #tpu.memory_space<vmem>>, vector<16xi32>,
    tpu.vector_store %arg7[%swap3A_282, %swap3A_283], %add3A_280 {strides = array<i32>} : memref<7x112xi32, #tpu.memory_space<vmem>>, vector<16xi32>,
    %get3A_285 = arith.constant 64 : index
    %get3A_286 = tpu.vector_load %arg5[%get3A_285] {strides = array<i32>} : memref<112xf32, #tpu.memory_space<vmem>>, vector<16xf32>,
    %get3A_287 = arith.constant 64 : index
    %get3A_288 = tpu.vector_load %arg6[%get3A_287] {strides = array<i32>} : memref<112xf32, #tpu.memory_space<vmem>>, vector<16xf32>,
    %mul3A_289 = arith.constant 2.560000e+02 : f32
    %mul3A_290 = vector.broadcast %mul3A_289 : f32 to vector<16xf32>
    %mul3A_291 = arith.mulf %get3A_288, %mul3A_290 : vector<16xf32>
    %convert_element_type3A_292 = arith.fptosi %mul3A_291 : vector<16xf32> to vector<16xi32>
    %mul3A_293 = arith.constant 2.560000e+02 : f32
    %mul3A_294 = vector.broadcast %mul3A_293 : f32 to vector<16xf32>
    %mul3A_295 = arith.mulf %get3A_286, %mul3A_294 : vector<16xf32>
    %convert_element_type3A_296 = arith.fptosi %mul3A_295 : vector<16xf32> to vector<16xi32>
    %swap3A_297 = arith.constant 64 : index
    %swap3A_298 = tpu.vector_load %arg8[%swap3A_297] {strides = array<i32>} : memref<112xi32, #tpu.memory_space<vmem>>, vector<16xi32>,
    tpu.vector_store %arg8[%swap3A_297], %convert_element_type3A_296 {strides = array<i32>} : memref<112xi32, #tpu.memory_space<vmem>>, vector<16xi32>,
    %mul3A_299 = arith.constant 256 : i32
    %mul3A_300 = vector.broadcast %mul3A_299 : i32 to vector<16xi32>
    %mul3A_301 = arith.muli %convert_element_type3A_292, %mul3A_300 : vector<16xi32>
    %add3A_302 = arith.addi %mul3A_301, %convert_element_type3A_296 : vector<16xi32>
    %swap3A_303 = arith.constant 64 : index
    %swap3A_304 = tpu.vector_load %arg9[%swap3A_303] {strides = array<i32>} : memref<112xi32, #tpu.memory_space<vmem>>, vector<16xi32>,
    tpu.vector_store %arg9[%swap3A_303], %add3A_302 {strides = array<i32>} : memref<112xi32, #tpu.memory_space<vmem>>, vector<16xi32>,
    %add3A_305 = vector.broadcast %mul3A_3 : i32 to vector<16xi32>
    %add3A_306 = arith.addi %add3A_305, %convert_element_type3A_292 : vector<16xi32>
    %add3A_307 = arith.constant 0 : i32
    %add3A_308 = vector.broadcast %add3A_307 : i32 to vector<16xi32>
    %add3A_309 = arith.addi %add3A_306, %add3A_308 : vector<16xi32>
    %swap3A_310 = arith.constant 0 : i32
    %swap3A_311 = arith.index_cast %swap3A_310 : i32 to index
    %swap3A_312 = arith.constant 64 : index
    %swap3A_313 = tpu.vector_load %arg7[%swap3A_311, %swap3A_312] {strides = array<i32>} : memref<7x112xi32, #tpu.memory_space<vmem>>, vector<16xi32>,
    tpu.vector_store %arg7[%swap3A_311, %swap3A_312], %add3A_309 {strides = array<i32>} : memref<7x112xi32, #tpu.memory_space<vmem>>, vector<16xi32>,
    %add3A_314 = arith.constant 256 : i32
    %add3A_315 = vector.broadcast %add3A_314 : i32 to vector<16xi32>
    %add3A_316 = arith.addi %add3A_306, %add3A_315 : vector<16xi32>
    %swap3A_317 = arith.constant 1 : i32
    %swap3A_318 = arith.index_cast %swap3A_317 : i32 to index
    %swap3A_319 = arith.constant 64 : index
    %swap3A_320 = tpu.vector_load %arg7[%swap3A_318, %swap3A_319] {strides = array<i32>} : memref<7x112xi32, #tpu.memory_space<vmem>>, vector<16xi32>,
    tpu.vector_store %arg7[%swap3A_318, %swap3A_319], %add3A_316 {strides = array<i32>} : memref<7x112xi32, #tpu.memory_space<vmem>>, vector<16xi32>,
    %add3A_321 = arith.constant 512 : i32
    %add3A_322 = vector.broadcast %add3A_321 : i32 to vector<16xi32>
    %add3A_323 = arith.addi %add3A_306, %add3A_322 : vector<16xi32>
    %swap3A_324 = arith.constant 2 : i32
    %swap3A_325 = arith.index_cast %swap3A_324 : i32 to index
    %swap3A_326 = arith.constant 64 : index
    %swap3A_327 = tpu.vector_load %arg7[%swap3A_325, %swap3A_326] {strides = array<i32>} : memref<7x112xi32, #tpu.memory_space<vmem>>, vector<16xi32>,
    tpu.vector_store %arg7[%swap3A_325, %swap3A_326], %add3A_323 {strides = array<i32>} : memref<7x112xi32, #tpu.memory_space<vmem>>, vector<16xi32>,
    %add3A_328 = arith.constant 768 : i32
    %add3A_329 = vector.broadcast %add3A_328 : i32 to vector<16xi32>
    %add3A_330 = arith.addi %add3A_306, %add3A_329 : vector<16xi32>
    %swap3A_331 = arith.constant 3 : i32
    %swap3A_332 = arith.index_cast %swap3A_331 : i32 to index
    %swap3A_333 = arith.constant 64 : index
    %swap3A_334 = tpu.vector_load %arg7[%swap3A_332, %swap3A_333] {strides = array<i32>} : memref<7x112xi32, #tpu.memory_space<vmem>>, vector<16xi32>,
    tpu.vector_store %arg7[%swap3A_332, %swap3A_333], %add3A_330 {strides = array<i32>} : memref<7x112xi32, #tpu.memory_space<vmem>>, vector<16xi32>,
    %add3A_335 = arith.constant 1024 : i32
    %add3A_336 = vector.broadcast %add3A_335 : i32 to vector<16xi32>
    %add3A_337 = arith.addi %add3A_306, %add3A_336 : vector<16xi32>
    %swap3A_338 = arith.constant 4 : i32
    %swap3A_339 = arith.index_cast %swap3A_338 : i32 to index
    %swap3A_340 = arith.constant 64 : index
    %swap3A_341 = tpu.vector_load %arg7[%swap3A_339, %swap3A_340] {strides = array<i32>} : memref<7x112xi32, #tpu.memory_space<vmem>>, vector<16xi32>,
    tpu.vector_store %arg7[%swap3A_339, %swap3A_340], %add3A_337 {strides = array<i32>} : memref<7x112xi32, #tpu.memory_space<vmem>>, vector<16xi32>,
    %add3A_342 = arith.constant 1280 : i32
    %add3A_343 = vector.broadcast %add3A_342 : i32 to vector<16xi32>
    %add3A_344 = arith.addi %add3A_306, %add3A_343 : vector<16xi32>
    %swap3A_345 = arith.constant 5 : i32
    %swap3A_346 = arith.index_cast %swap3A_345 : i32 to index
    %swap3A_347 = arith.constant 64 : index
    %swap3A_348 = tpu.vector_load %arg7[%swap3A_346, %swap3A_347] {strides = array<i32>} : memref<7x112xi32, #tpu.memory_space<vmem>>, vector<16xi32>,
    tpu.vector_store %arg7[%swap3A_346, %swap3A_347], %add3A_344 {strides = array<i32>} : memref<7x112xi32, #tpu.memory_space<vmem>>, vector<16xi32>,
    %add3A_349 = arith.constant 1536 : i32
    %add3A_350 = vector.broadcast %add3A_349 : i32 to vector<16xi32>
    %add3A_351 = arith.addi %add3A_306, %add3A_350 : vector<16xi32>
    %swap3A_352 = arith.constant 6 : i32
    %swap3A_353 = arith.index_cast %swap3A_352 : i32 to index
    %swap3A_354 = arith.constant 64 : index
    %swap3A_355 = tpu.vector_load %arg7[%swap3A_353, %swap3A_354] {strides = array<i32>} : memref<7x112xi32, #tpu.memory_space<vmem>>, vector<16xi32>,
    tpu.vector_store %arg7[%swap3A_353, %swap3A_354], %add3A_351 {strides = array<i32>} : memref<7x112xi32, #tpu.memory_space<vmem>>, vector<16xi32>,
    %get3A_356 = arith.constant 80 : index
    %get3A_357 = tpu.vector_load %arg5[%get3A_356] {strides = array<i32>} : memref<112xf32, #tpu.memory_space<vmem>>, vector<16xf32>,
    %get3A_358 = arith.constant 80 : index
    %get3A_359 = tpu.vector_load %arg6[%get3A_358] {strides = array<i32>} : memref<112xf32, #tpu.memory_space<vmem>>, vector<16xf32>,
    %mul3A_360 = arith.constant 2.560000e+02 : f32
    %mul3A_361 = vector.broadcast %mul3A_360 : f32 to vector<16xf32>
    %mul3A_362 = arith.mulf %get3A_359, %mul3A_361 : vector<16xf32>
    %convert_element_type3A_363 = arith.fptosi %mul3A_362 : vector<16xf32> to vector<16xi32>
    %mul3A_364 = arith.constant 2.560000e+02 : f32
    %mul3A_365 = vector.broadcast %mul3A_364 : f32 to vector<16xf32>
    %mul3A_366 = arith.mulf %get3A_357, %mul3A_365 : vector<16xf32>
    %convert_element_type3A_367 = arith.fptosi %mul3A_366 : vector<16xf32> to vector<16xi32>
    %swap3A_368 = arith.constant 80 : index
    %swap3A_369 = tpu.vector_load %arg8[%swap3A_368] {strides = array<i32>} : memref<112xi32, #tpu.memory_space<vmem>>, vector<16xi32>,
    tpu.vector_store %arg8[%swap3A_368], %convert_element_type3A_367 {strides = array<i32>} : memref<112xi32, #tpu.memory_space<vmem>>, vector<16xi32>,
    %mul3A_370 = arith.constant 256 : i32
    %mul3A_371 = vector.broadcast %mul3A_370 : i32 to vector<16xi32>
    %mul3A_372 = arith.muli %convert_element_type3A_363, %mul3A_371 : vector<16xi32>
    %add3A_373 = arith.addi %mul3A_372, %convert_element_type3A_367 : vector<16xi32>
    %swap3A_374 = arith.constant 80 : index
    %swap3A_375 = tpu.vector_load %arg9[%swap3A_374] {strides = array<i32>} : memref<112xi32, #tpu.memory_space<vmem>>, vector<16xi32>,
    tpu.vector_store %arg9[%swap3A_374], %add3A_373 {strides = array<i32>} : memref<112xi32, #tpu.memory_space<vmem>>, vector<16xi32>,
    %add3A_376 = vector.broadcast %mul3A_3 : i32 to vector<16xi32>
    %add3A_377 = arith.addi %add3A_376, %convert_element_type3A_363 : vector<16xi32>
    %add3A_378 = arith.constant 0 : i32
    %add3A_379 = vector.broadcast %add3A_378 : i32 to vector<16xi32>
    %add3A_380 = arith.addi %add3A_377, %add3A_379 : vector<16xi32>
    %swap3A_381 = arith.constant 0 : i32
    %swap3A_382 = arith.index_cast %swap3A_381 : i32 to index
    %swap3A_383 = arith.constant 80 : index
    %swap3A_384 = tpu.vector_load %arg7[%swap3A_382, %swap3A_383] {strides = array<i32>} : memref<7x112xi32, #tpu.memory_space<vmem>>, vector<16xi32>,
    tpu.vector_store %arg7[%swap3A_382, %swap3A_383], %add3A_380 {strides = array<i32>} : memref<7x112xi32, #tpu.memory_space<vmem>>, vector<16xi32>,
    %add3A_385 = arith.constant 256 : i32
    %add3A_386 = vector.broadcast %add3A_385 : i32 to vector<16xi32>
    %add3A_387 = arith.addi %add3A_377, %add3A_386 : vector<16xi32>
    %swap3A_388 = arith.constant 1 : i32
    %swap3A_389 = arith.index_cast %swap3A_388 : i32 to index
    %swap3A_390 = arith.constant 80 : index
    %swap3A_391 = tpu.vector_load %arg7[%swap3A_389, %swap3A_390] {strides = array<i32>} : memref<7x112xi32, #tpu.memory_space<vmem>>, vector<16xi32>,
    tpu.vector_store %arg7[%swap3A_389, %swap3A_390], %add3A_387 {strides = array<i32>} : memref<7x112xi32, #tpu.memory_space<vmem>>, vector<16xi32>,
    %add3A_392 = arith.constant 512 : i32
    %add3A_393 = vector.broadcast %add3A_392 : i32 to vector<16xi32>
    %add3A_394 = arith.addi %add3A_377, %add3A_393 : vector<16xi32>
    %swap3A_395 = arith.constant 2 : i32
    %swap3A_396 = arith.index_cast %swap3A_395 : i32 to index
    %swap3A_397 = arith.constant 80 : index
    %swap3A_398 = tpu.vector_load %arg7[%swap3A_396, %swap3A_397] {strides = array<i32>} : memref<7x112xi32, #tpu.memory_space<vmem>>, vector<16xi32>,
    tpu.vector_store %arg7[%swap3A_396, %swap3A_397], %add3A_394 {strides = array<i32>} : memref<7x112xi32, #tpu.memory_space<vmem>>, vector<16xi32>,
    %add3A_399 = arith.constant 768 : i32
    %add3A_400 = vector.broadcast %add3A_399 : i32 to vector<16xi32>
    %add3A_401 = arith.addi %add3A_377, %add3A_400 : vector<16xi32>
    %swap3A_402 = arith.constant 3 : i32
    %swap3A_403 = arith.index_cast %swap3A_402 : i32 to index
    %swap3A_404 = arith.constant 80 : index
    %swap3A_405 = tpu.vector_load %arg7[%swap3A_403, %swap3A_404] {strides = array<i32>} : memref<7x112xi32, #tpu.memory_space<vmem>>, vector<16xi32>,
    tpu.vector_store %arg7[%swap3A_403, %swap3A_404], %add3A_401 {strides = array<i32>} : memref<7x112xi32, #tpu.memory_space<vmem>>, vector<16xi32>,
    %add3A_406 = arith.constant 1024 : i32
    %add3A_407 = vector.broadcast %add3A_406 : i32 to vector<16xi32>
    %add3A_408 = arith.addi %add3A_377, %add3A_407 : vector<16xi32>
    %swap3A_409 = arith.constant 4 : i32
    %swap3A_410 = arith.index_cast %swap3A_409 : i32 to index
    %swap3A_411 = arith.constant 80 : index
    %swap3A_412 = tpu.vector_load %arg7[%swap3A_410, %swap3A_411] {strides = array<i32>} : memref<7x112xi32, #tpu.memory_space<vmem>>, vector<16xi32>,
    tpu.vector_store %arg7[%swap3A_410, %swap3A_411], %add3A_408 {strides = array<i32>} : memref<7x112xi32, #tpu.memory_space<vmem>>, vector<16xi32>,
    %add3A_413 = arith.constant 1280 : i32
    %add3A_414 = vector.broadcast %add3A_413 : i32 to vector<16xi32>
    %add3A_415 = arith.addi %add3A_377, %add3A_414 : vector<16xi32>
    %swap3A_416 = arith.constant 5 : i32
    %swap3A_417 = arith.index_cast %swap3A_416 : i32 to index
    %swap3A_418 = arith.constant 80 : index
    %swap3A_419 = tpu.vector_load %arg7[%swap3A_417, %swap3A_418] {strides = array<i32>} : memref<7x112xi32, #tpu.memory_space<vmem>>, vector<16xi32>,
    tpu.vector_store %arg7[%swap3A_417, %swap3A_418], %add3A_415 {strides = array<i32>} : memref<7x112xi32, #tpu.memory_space<vmem>>, vector<16xi32>,
    %add3A_420 = arith.constant 1536 : i32
    %add3A_421 = vector.broadcast %add3A_420 : i32 to vector<16xi32>
    %add3A_422 = arith.addi %add3A_377, %add3A_421 : vector<16xi32>
    %swap3A_423 = arith.constant 6 : i32
    %swap3A_424 = arith.index_cast %swap3A_423 : i32 to index
    %swap3A_425 = arith.constant 80 : index
    %swap3A_426 = tpu.vector_load %arg7[%swap3A_424, %swap3A_425] {strides = array<i32>} : memref<7x112xi32, #tpu.memory_space<vmem>>, vector<16xi32>,
    tpu.vector_store %arg7[%swap3A_424, %swap3A_425], %add3A_422 {strides = array<i32>} : memref<7x112xi32, #tpu.memory_space<vmem>>, vector<16xi32>,
    %get3A_427 = arith.constant 96 : index
    %get3A_428 = tpu.vector_load %arg5[%get3A_427] {strides = array<i32>} : memref<112xf32, #tpu.memory_space<vmem>>, vector<16xf32>,
    %get3A_429 = arith.constant 96 : index
    %get3A_430 = tpu.vector_load %arg6[%get3A_429] {strides = array<i32>} : memref<112xf32, #tpu.memory_space<vmem>>, vector<16xf32>,
    %mul3A_431 = arith.constant 2.560000e+02 : f32
    %mul3A_432 = vector.broadcast %mul3A_431 : f32 to vector<16xf32>
    %mul3A_433 = arith.mulf %get3A_430, %mul3A_432 : vector<16xf32>
    %convert_element_type3A_434 = arith.fptosi %mul3A_433 : vector<16xf32> to vector<16xi32>
    %mul3A_435 = arith.constant 2.560000e+02 : f32
    %mul3A_436 = vector.broadcast %mul3A_435 : f32 to vector<16xf32>
    %mul3A_437 = arith.mulf %get3A_428, %mul3A_436 : vector<16xf32>
    %convert_element_type3A_438 = arith.fptosi %mul3A_437 : vector<16xf32> to vector<16xi32>
    %swap3A_439 = arith.constant 96 : index
    %swap3A_440 = tpu.vector_load %arg8[%swap3A_439] {strides = array<i32>} : memref<112xi32, #tpu.memory_space<vmem>>, vector<16xi32>,
    tpu.vector_store %arg8[%swap3A_439], %convert_element_type3A_438 {strides = array<i32>} : memref<112xi32, #tpu.memory_space<vmem>>, vector<16xi32>,
    %mul3A_441 = arith.constant 256 : i32
    %mul3A_442 = vector.broadcast %mul3A_441 : i32 to vector<16xi32>
    %mul3A_443 = arith.muli %convert_element_type3A_434, %mul3A_442 : vector<16xi32>
    %add3A_444 = arith.addi %mul3A_443, %convert_element_type3A_438 : vector<16xi32>
    %swap3A_445 = arith.constant 96 : index
    %swap3A_446 = tpu.vector_load %arg9[%swap3A_445] {strides = array<i32>} : memref<112xi32, #tpu.memory_space<vmem>>, vector<16xi32>,
    tpu.vector_store %arg9[%swap3A_445], %add3A_444 {strides = array<i32>} : memref<112xi32, #tpu.memory_space<vmem>>, vector<16xi32>,
    %add3A_447 = vector.broadcast %mul3A_3 : i32 to vector<16xi32>
    %add3A_448 = arith.addi %add3A_447, %convert_element_type3A_434 : vector<16xi32>
    %add3A_449 = arith.constant 0 : i32
    %add3A_450 = vector.broadcast %add3A_449 : i32 to vector<16xi32>
    %add3A_451 = arith.addi %add3A_448, %add3A_450 : vector<16xi32>
    %swap3A_452 = arith.constant 0 : i32
    %swap3A_453 = arith.index_cast %swap3A_452 : i32 to index
    %swap3A_454 = arith.constant 96 : index
    %swap3A_455 = tpu.vector_load %arg7[%swap3A_453, %swap3A_454] {strides = array<i32>} : memref<7x112xi32, #tpu.memory_space<vmem>>, vector<16xi32>,
    tpu.vector_store %arg7[%swap3A_453, %swap3A_454], %add3A_451 {strides = array<i32>} : memref<7x112xi32, #tpu.memory_space<vmem>>, vector<16xi32>,
    %add3A_456 = arith.constant 256 : i32
    %add3A_457 = vector.broadcast %add3A_456 : i32 to vector<16xi32>
    %add3A_458 = arith.addi %add3A_448, %add3A_457 : vector<16xi32>
    %swap3A_459 = arith.constant 1 : i32
    %swap3A_460 = arith.index_cast %swap3A_459 : i32 to index
    %swap3A_461 = arith.constant 96 : index
    %swap3A_462 = tpu.vector_load %arg7[%swap3A_460, %swap3A_461] {strides = array<i32>} : memref<7x112xi32, #tpu.memory_space<vmem>>, vector<16xi32>,
    tpu.vector_store %arg7[%swap3A_460, %swap3A_461], %add3A_458 {strides = array<i32>} : memref<7x112xi32, #tpu.memory_space<vmem>>, vector<16xi32>,
    %add3A_463 = arith.constant 512 : i32
    %add3A_464 = vector.broadcast %add3A_463 : i32 to vector<16xi32>
    %add3A_465 = arith.addi %add3A_448, %add3A_464 : vector<16xi32>
    %swap3A_466 = arith.constant 2 : i32
    %swap3A_467 = arith.index_cast %swap3A_466 : i32 to index
    %swap3A_468 = arith.constant 96 : index
    %swap3A_469 = tpu.vector_load %arg7[%swap3A_467, %swap3A_468] {strides = array<i32>} : memref<7x112xi32, #tpu.memory_space<vmem>>, vector<16xi32>,
    tpu.vector_store %arg7[%swap3A_467, %swap3A_468], %add3A_465 {strides = array<i32>} : memref<7x112xi32, #tpu.memory_space<vmem>>, vector<16xi32>,
    %add3A_470 = arith.constant 768 : i32
    %add3A_471 = vector.broadcast %add3A_470 : i32 to vector<16xi32>
    %add3A_472 = arith.addi %add3A_448, %add3A_471 : vector<16xi32>
    %swap3A_473 = arith.constant 3 : i32
    %swap3A_474 = arith.index_cast %swap3A_473 : i32 to index
    %swap3A_475 = arith.constant 96 : index
    %swap3A_476 = tpu.vector_load %arg7[%swap3A_474, %swap3A_475] {strides = array<i32>} : memref<7x112xi32, #tpu.memory_space<vmem>>, vector<16xi32>,
    tpu.vector_store %arg7[%swap3A_474, %swap3A_475], %add3A_472 {strides = array<i32>} : memref<7x112xi32, #tpu.memory_space<vmem>>, vector<16xi32>,
    %add3A_477 = arith.constant 1024 : i32
    %add3A_478 = vector.broadcast %add3A_477 : i32 to vector<16xi32>
    %add3A_479 = arith.addi %add3A_448, %add3A_478 : vector<16xi32>
    %swap3A_480 = arith.constant 4 : i32
    %swap3A_481 = arith.index_cast %swap3A_480 : i32 to index
    %swap3A_482 = arith.constant 96 : index
    %swap3A_483 = tpu.vector_load %arg7[%swap3A_481, %swap3A_482] {strides = array<i32>} : memref<7x112xi32, #tpu.memory_space<vmem>>, vector<16xi32>,
    tpu.vector_store %arg7[%swap3A_481, %swap3A_482], %add3A_479 {strides = array<i32>} : memref<7x112xi32, #tpu.memory_space<vmem>>, vector<16xi32>,
    %add3A_484 = arith.constant 1280 : i32
    %add3A_485 = vector.broadcast %add3A_484 : i32 to vector<16xi32>
    %add3A_486 = arith.addi %add3A_448, %add3A_485 : vector<16xi32>
    %swap3A_487 = arith.constant 5 : i32
    %swap3A_488 = arith.index_cast %swap3A_487 : i32 to index
    %swap3A_489 = arith.constant 96 : index
    %swap3A_490 = tpu.vector_load %arg7[%swap3A_488, %swap3A_489] {strides = array<i32>} : memref<7x112xi32, #tpu.memory_space<vmem>>, vector<16xi32>,
    tpu.vector_store %arg7[%swap3A_488, %swap3A_489], %add3A_486 {strides = array<i32>} : memref<7x112xi32, #tpu.memory_space<vmem>>, vector<16xi32>,
    %add3A_491 = arith.constant 1536 : i32
    %add3A_492 = vector.broadcast %add3A_491 : i32 to vector<16xi32>
    %add3A_493 = arith.addi %add3A_448, %add3A_492 : vector<16xi32>
    %swap3A_494 = arith.constant 6 : i32
    %swap3A_495 = arith.index_cast %swap3A_494 : i32 to index
    %swap3A_496 = arith.constant 96 : index
    %swap3A_497 = tpu.vector_load %arg7[%swap3A_495, %swap3A_496] {strides = array<i32>} : memref<7x112xi32, #tpu.memory_space<vmem>>, vector<16xi32>,
    tpu.vector_store %arg7[%swap3A_495, %swap3A_496], %add3A_493 {strides = array<i32>} : memref<7x112xi32, #tpu.memory_space<vmem>>, vector<16xi32>,
    %dma_start3A = arith.constant 0 : i32
    %dma_start3A_498 = arith.constant 0 : i32
    %dma_start3A_499 = arith.constant 0 : i32
    %dma_start3A_500 = arith.constant 0 : i32
    %dma_start3A_501 = tpu.memref_slice %arg11[%dma_start3A_498, %dma_start3A_499, %dma_start3A_500] : memref<6x32x256xf32, #tpu.memory_space<vmem>> -> memref<1x32x256xf32, #tpu.memory_space<vmem>>
    %dma_start3A_502 = tpu.memref_squeeze %dma_start3A_501 : memref<1x32x256xf32, #tpu.memory_space<vmem>> -> memref<32x256xf32, #tpu.memory_space<vmem>>
    %dma_start3A_503 = arith.constant 0 : i32
    %dma_start3A_504 = tpu.memref_slice %arg7[%dma_start3A, %dma_start3A_503] : memref<7x112xi32, #tpu.memory_space<vmem>> -> memref<1x32xi32, #tpu.memory_space<vmem>>
    %dma_start3A_505 = tpu.memref_squeeze %dma_start3A_504 : memref<1x32xi32, #tpu.memory_space<vmem>> -> memref<32xi32, #tpu.memory_space<vmem>>
    %dma_start3A_506 = arith.constant 0 : i32
    %dma_start3A_507 = arith.constant 0 : i32
    %dma_start3A_508 = tpu.memref_slice %arg2[%dma_start3A_506, %dma_start3A_507] : memref<57344x256xf32, #tpu.memory_space<hbm>> -> memref<57344x256xf32, #tpu.memory_space<hbm>>
    tpu.enqueue_indirect_dma source(%dma_start3A_508 : memref<57344x256xf32, #tpu.memory_space<hbm>>) target(%dma_start3A_502 : memref<32x256xf32, #tpu.memory_space<vmem>>) offsets(%dma_start3A_505 : memref<32xi32, #tpu.memory_space<vmem>>) semaphore(%arg13 : memref<!tpu.dma_semaphore, #tpu.memory_space<semaphore_mem>>)
    %dma_start3A_509 = arith.constant 0 : i32
    %dma_start3A_510 = arith.constant 1 : i32
    %dma_start3A_511 = arith.constant 0 : i32
    %dma_start3A_512 = arith.constant 0 : i32
    %dma_start3A_513 = tpu.memref_slice %arg11[%dma_start3A_510, %dma_start3A_511, %dma_start3A_512] : memref<6x32x256xf32, #tpu.memory_space<vmem>> -> memref<1x32x256xf32, #tpu.memory_space<vmem>>
    %dma_start3A_514 = tpu.memref_squeeze %dma_start3A_513 : memref<1x32x256xf32, #tpu.memory_space<vmem>> -> memref<32x256xf32, #tpu.memory_space<vmem>>
    %dma_start3A_515 = arith.constant 32 : i32
    %dma_start3A_516 = tpu.memref_slice %arg7[%dma_start3A_509, %dma_start3A_515] : memref<7x112xi32, #tpu.memory_space<vmem>> -> memref<1x32xi32, #tpu.memory_space<vmem>>
    %dma_start3A_517 = tpu.memref_squeeze %dma_start3A_516 : memref<1x32xi32, #tpu.memory_space<vmem>> -> memref<32xi32, #tpu.memory_space<vmem>>
    %dma_start3A_518 = arith.constant 0 : i32
    %dma_start3A_519 = arith.constant 0 : i32
    %dma_start3A_520 = tpu.memref_slice %arg2[%dma_start3A_518, %dma_start3A_519] : memref<57344x256xf32, #tpu.memory_space<hbm>> -> memref<57344x256xf32, #tpu.memory_space<hbm>>
    tpu.enqueue_indirect_dma source(%dma_start3A_520 : memref<57344x256xf32, #tpu.memory_space<hbm>>) target(%dma_start3A_514 : memref<32x256xf32, #tpu.memory_space<vmem>>) offsets(%dma_start3A_517 : memref<32xi32, #tpu.memory_space<vmem>>) semaphore(%arg14 : memref<!tpu.dma_semaphore, #tpu.memory_space<semaphore_mem>>)
    %dma_start3A_521 = arith.constant 0 : i32
    %dma_start3A_522 = arith.constant 2 : i32
    %dma_start3A_523 = arith.constant 0 : i32
    %dma_start3A_524 = arith.constant 0 : i32
    %dma_start3A_525 = tpu.memref_slice %arg11[%dma_start3A_522, %dma_start3A_523, %dma_start3A_524] : memref<6x32x256xf32, #tpu.memory_space<vmem>> -> memref<1x32x256xf32, #tpu.memory_space<vmem>>
    %dma_start3A_526 = tpu.memref_squeeze %dma_start3A_525 : memref<1x32x256xf32, #tpu.memory_space<vmem>> -> memref<32x256xf32, #tpu.memory_space<vmem>>
    %dma_start3A_527 = arith.constant 64 : i32
    %dma_start3A_528 = tpu.memref_slice %arg7[%dma_start3A_521, %dma_start3A_527] : memref<7x112xi32, #tpu.memory_space<vmem>> -> memref<1x32xi32, #tpu.memory_space<vmem>>
    %dma_start3A_529 = tpu.memref_squeeze %dma_start3A_528 : memref<1x32xi32, #tpu.memory_space<vmem>> -> memref<32xi32, #tpu.memory_space<vmem>>
    %dma_start3A_530 = arith.constant 0 : i32
    %dma_start3A_531 = arith.constant 0 : i32
    %dma_start3A_532 = tpu.memref_slice %arg2[%dma_start3A_530, %dma_start3A_531] : memref<57344x256xf32, #tpu.memory_space<hbm>> -> memref<57344x256xf32, #tpu.memory_space<hbm>>
    tpu.enqueue_indirect_dma source(%dma_start3A_532 : memref<57344x256xf32, #tpu.memory_space<hbm>>) target(%dma_start3A_526 : memref<32x256xf32, #tpu.memory_space<vmem>>) offsets(%dma_start3A_529 : memref<32xi32, #tpu.memory_space<vmem>>) semaphore(%arg15 : memref<!tpu.dma_semaphore, #tpu.memory_space<semaphore_mem>>)
    %dma_start3A_533 = arith.constant 0 : i32
    %dma_start3A_534 = arith.constant 3 : i32
    %dma_start3A_535 = arith.constant 0 : i32
    %dma_start3A_536 = arith.constant 0 : i32
    %dma_start3A_537 = tpu.memref_slice %arg11[%dma_start3A_534, %dma_start3A_535, %dma_start3A_536] : memref<6x32x256xf32, #tpu.memory_space<vmem>> -> memref<1x8x256xf32, #tpu.memory_space<vmem>>
    %dma_start3A_538 = tpu.memref_squeeze %dma_start3A_537 : memref<1x8x256xf32, #tpu.memory_space<vmem>> -> memref<8x256xf32, #tpu.memory_space<vmem>>
    %dma_start3A_539 = arith.constant 96 : i32
    %dma_start3A_540 = tpu.memref_slice %arg7[%dma_start3A_533, %dma_start3A_539] : memref<7x112xi32, #tpu.memory_space<vmem>> -> memref<1x8xi32, #tpu.memory_space<vmem>>
    %dma_start3A_541 = tpu.memref_squeeze %dma_start3A_540 : memref<1x8xi32, #tpu.memory_space<vmem>> -> memref<8xi32, #tpu.memory_space<vmem>>
    %dma_start3A_542 = arith.constant 0 : i32
    %dma_start3A_543 = arith.constant 0 : i32
    %dma_start3A_544 = tpu.memref_slice %arg2[%dma_start3A_542, %dma_start3A_543] : memref<57344x256xf32, #tpu.memory_space<hbm>> -> memref<57344x256xf32, #tpu.memory_space<hbm>>
    tpu.enqueue_indirect_dma source(%dma_start3A_544 : memref<57344x256xf32, #tpu.memory_space<hbm>>) target(%dma_start3A_538 : memref<8x256xf32, #tpu.memory_space<vmem>>) offsets(%dma_start3A_541 : memref<8xi32, #tpu.memory_space<vmem>>) semaphore(%arg16 : memref<!tpu.dma_semaphore, #tpu.memory_space<semaphore_mem>>)
    %dma_start3A_545 = arith.constant 1 : i32
    %dma_start3A_546 = arith.constant 4 : i32
    %dma_start3A_547 = arith.constant 0 : i32
    %dma_start3A_548 = arith.constant 0 : i32
    %dma_start3A_549 = tpu.memref_slice %arg11[%dma_start3A_546, %dma_start3A_547, %dma_start3A_548] : memref<6x32x256xf32, #tpu.memory_space<vmem>> -> memref<1x32x256xf32, #tpu.memory_space<vmem>>
    %dma_start3A_550 = tpu.memref_squeeze %dma_start3A_549 : memref<1x32x256xf32, #tpu.memory_space<vmem>> -> memref<32x256xf32, #tpu.memory_space<vmem>>
    %dma_start3A_551 = arith.constant 0 : i32
    %dma_start3A_552 = tpu.memref_slice %arg7[%dma_start3A_545, %dma_start3A_551] : memref<7x112xi32, #tpu.memory_space<vmem>> -> memref<1x32xi32, #tpu.memory_space<vmem>>
    %dma_start3A_553 = tpu.memref_squeeze %dma_start3A_552 : memref<1x32xi32, #tpu.memory_space<vmem>> -> memref<32xi32, #tpu.memory_space<vmem>>
    %dma_start3A_554 = arith.constant 0 : i32
    %dma_start3A_555 = arith.constant 0 : i32
    %dma_start3A_556 = tpu.memref_slice %arg2[%dma_start3A_554, %dma_start3A_555] : memref<57344x256xf32, #tpu.memory_space<hbm>> -> memref<57344x256xf32, #tpu.memory_space<hbm>>
    tpu.enqueue_indirect_dma source(%dma_start3A_556 : memref<57344x256xf32, #tpu.memory_space<hbm>>) target(%dma_start3A_550 : memref<32x256xf32, #tpu.memory_space<vmem>>) offsets(%dma_start3A_553 : memref<32xi32, #tpu.memory_space<vmem>>) semaphore(%arg17 : memref<!tpu.dma_semaphore, #tpu.memory_space<semaphore_mem>>)
    %dma_start3A_557 = arith.constant 1 : i32
    %dma_start3A_558 = arith.constant 5 : i32
    %dma_start3A_559 = arith.constant 0 : i32
    %dma_start3A_560 = arith.constant 0 : i32
    %dma_start3A_561 = tpu.memref_slice %arg11[%dma_start3A_558, %dma_start3A_559, %dma_start3A_560] : memref<6x32x256xf32, #tpu.memory_space<vmem>> -> memref<1x32x256xf32, #tpu.memory_space<vmem>>
    %dma_start3A_562 = tpu.memref_squeeze %dma_start3A_561 : memref<1x32x256xf32, #tpu.memory_space<vmem>> -> memref<32x256xf32, #tpu.memory_space<vmem>>
    %dma_start3A_563 = arith.constant 32 : i32
    %dma_start3A_564 = tpu.memref_slice %arg7[%dma_start3A_557, %dma_start3A_563] : memref<7x112xi32, #tpu.memory_space<vmem>> -> memref<1x32xi32, #tpu.memory_space<vmem>>
    %dma_start3A_565 = tpu.memref_squeeze %dma_start3A_564 : memref<1x32xi32, #tpu.memory_space<vmem>> -> memref<32xi32, #tpu.memory_space<vmem>>
    %dma_start3A_566 = arith.constant 0 : i32
    %dma_start3A_567 = arith.constant 0 : i32
    %dma_start3A_568 = tpu.memref_slice %arg2[%dma_start3A_566, %dma_start3A_567] : memref<57344x256xf32, #tpu.memory_space<hbm>> -> memref<57344x256xf32, #tpu.memory_space<hbm>>
    tpu.enqueue_indirect_dma source(%dma_start3A_568 : memref<57344x256xf32, #tpu.memory_space<hbm>>) target(%dma_start3A_562 : memref<32x256xf32, #tpu.memory_space<vmem>>) offsets(%dma_start3A_565 : memref<32xi32, #tpu.memory_space<vmem>>) semaphore(%arg18 : memref<!tpu.dma_semaphore, #tpu.memory_space<semaphore_mem>>)
    %add3A_569 = arith.constant 0 : i32
    %add3A_570 = vector.broadcast %add3A_569 : i32 to vector<16xi32>
    %add3A_571 = arith.addi %iota3A, %add3A_570 : vector<16xi32>
    %get3A_572 = arith.constant 0 : index
    %get3A_573 = tpu.vector_load %arg9[%get3A_572] {strides = array<i32>} : memref<112xi32, #tpu.memory_space<vmem>>, vector<16xi32>,
    %lt3A = arith.constant 100 : i32
    %lt3A_574 = vector.broadcast %lt3A : i32 to vector<16xi32>
    %lt3A_575 = arith.cmpi slt, %add3A_571, %lt3A_574 : vector<16xi32>
    tpu.vector_store_idx %arg10[%get3A_573], %add3A_571 masked %lt3A_575 : memref<65536xi32, #tpu.memory_space<vmem>>[vector<16xi32>], vector<16xi32>, vector<16xi1>
    %add3A_576 = arith.constant 16 : i32
    %add3A_577 = vector.broadcast %add3A_576 : i32 to vector<16xi32>
    %add3A_578 = arith.addi %iota3A, %add3A_577 : vector<16xi32>
    %get3A_579 = arith.constant 16 : index
    %get3A_580 = tpu.vector_load %arg9[%get3A_579] {strides = array<i32>} : memref<112xi32, #tpu.memory_space<vmem>>, vector<16xi32>,
    %lt3A_581 = arith.constant 100 : i32
    %lt3A_582 = vector.broadcast %lt3A_581 : i32 to vector<16xi32>
    %lt3A_583 = arith.cmpi slt, %add3A_578, %lt3A_582 : vector<16xi32>
    tpu.vector_store_idx %arg10[%get3A_580], %add3A_578 masked %lt3A_583 : memref<65536xi32, #tpu.memory_space<vmem>>[vector<16xi32>], vector<16xi32>, vector<16xi1>
    %add3A_584 = arith.constant 32 : i32
    %add3A_585 = vector.broadcast %add3A_584 : i32 to vector<16xi32>
    %add3A_586 = arith.addi %iota3A, %add3A_585 : vector<16xi32>
    %get3A_587 = arith.constant 32 : index
    %get3A_588 = tpu.vector_load %arg9[%get3A_587] {strides = array<i32>} : memref<112xi32, #tpu.memory_space<vmem>>, vector<16xi32>,
    %lt3A_589 = arith.constant 100 : i32
    %lt3A_590 = vector.broadcast %lt3A_589 : i32 to vector<16xi32>
    %lt3A_591 = arith.cmpi slt, %add3A_586, %lt3A_590 : vector<16xi32>
    tpu.vector_store_idx %arg10[%get3A_588], %add3A_586 masked %lt3A_591 : memref<65536xi32, #tpu.memory_space<vmem>>[vector<16xi32>], vector<16xi32>, vector<16xi1>
    %add3A_592 = arith.constant 48 : i32
    %add3A_593 = vector.broadcast %add3A_592 : i32 to vector<16xi32>
    %add3A_594 = arith.addi %iota3A, %add3A_593 : vector<16xi32>
    %get3A_595 = arith.constant 48 : index
    %get3A_596 = tpu.vector_load %arg9[%get3A_595] {strides = array<i32>} : memref<112xi32, #tpu.memory_space<vmem>>, vector<16xi32>,
    %lt3A_597 = arith.constant 100 : i32
    %lt3A_598 = vector.broadcast %lt3A_597 : i32 to vector<16xi32>
    %lt3A_599 = arith.cmpi slt, %add3A_594, %lt3A_598 : vector<16xi32>
    tpu.vector_store_idx %arg10[%get3A_596], %add3A_594 masked %lt3A_599 : memref<65536xi32, #tpu.memory_space<vmem>>[vector<16xi32>], vector<16xi32>, vector<16xi1>
    %add3A_600 = arith.constant 64 : i32
    %add3A_601 = vector.broadcast %add3A_600 : i32 to vector<16xi32>
    %add3A_602 = arith.addi %iota3A, %add3A_601 : vector<16xi32>
    %get3A_603 = arith.constant 64 : index
    %get3A_604 = tpu.vector_load %arg9[%get3A_603] {strides = array<i32>} : memref<112xi32, #tpu.memory_space<vmem>>, vector<16xi32>,
    %lt3A_605 = arith.constant 100 : i32
    %lt3A_606 = vector.broadcast %lt3A_605 : i32 to vector<16xi32>
    %lt3A_607 = arith.cmpi slt, %add3A_602, %lt3A_606 : vector<16xi32>
    tpu.vector_store_idx %arg10[%get3A_604], %add3A_602 masked %lt3A_607 : memref<65536xi32, #tpu.memory_space<vmem>>[vector<16xi32>], vector<16xi32>, vector<16xi1>
    %add3A_608 = arith.constant 80 : i32
    %add3A_609 = vector.broadcast %add3A_608 : i32 to vector<16xi32>
    %add3A_610 = arith.addi %iota3A, %add3A_609 : vector<16xi32>
    %get3A_611 = arith.constant 80 : index
    %get3A_612 = tpu.vector_load %arg9[%get3A_611] {strides = array<i32>} : memref<112xi32, #tpu.memory_space<vmem>>, vector<16xi32>,
    %lt3A_613 = arith.constant 100 : i32
    %lt3A_614 = vector.broadcast %lt3A_613 : i32 to vector<16xi32>
    %lt3A_615 = arith.cmpi slt, %add3A_610, %lt3A_614 : vector<16xi32>
    tpu.vector_store_idx %arg10[%get3A_612], %add3A_610 masked %lt3A_615 : memref<65536xi32, #tpu.memory_space<vmem>>[vector<16xi32>], vector<16xi32>, vector<16xi1>
    %add3A_616 = arith.constant 96 : i32
    %add3A_617 = vector.broadcast %add3A_616 : i32 to vector<16xi32>
    %add3A_618 = arith.addi %iota3A, %add3A_617 : vector<16xi32>
    %get3A_619 = arith.constant 96 : index
    %get3A_620 = tpu.vector_load %arg9[%get3A_619] {strides = array<i32>} : memref<112xi32, #tpu.memory_space<vmem>>, vector<16xi32>,
    %lt3A_621 = arith.constant 100 : i32
    %lt3A_622 = vector.broadcast %lt3A_621 : i32 to vector<16xi32>
    %lt3A_623 = arith.cmpi slt, %add3A_618, %lt3A_622 : vector<16xi32>
    tpu.vector_store_idx %arg10[%get3A_620], %add3A_618 masked %lt3A_623 : memref<65536xi32, #tpu.memory_space<vmem>>[vector<16xi32>], vector<16xi32>, vector<16xi1>
    %add3A_624 = arith.constant 0 : i32
    %add3A_625 = vector.broadcast %add3A_624 : i32 to vector<16xi32>
    %add3A_626 = arith.addi %iota3A, %add3A_625 : vector<16xi32>
    %get3A_627 = arith.constant 0 : index
    %get3A_628 = tpu.vector_load %arg9[%get3A_627] {strides = array<i32>} : memref<112xi32, #tpu.memory_space<vmem>>, vector<16xi32>,
    %gather3A = tpu.vector_load_idx %arg10[%get3A_628] : memref<65536xi32, #tpu.memory_space<vmem>>[vector<16xi32>], vector<16xi32>,
    %eq3A = arith.cmpi eq, %gather3A, %add3A_626 : vector<16xi32>
    %lt3A_629 = arith.constant 100 : i32
    %lt3A_630 = vector.broadcast %lt3A_629 : i32 to vector<16xi32>
    %lt3A_631 = arith.cmpi slt, %add3A_626, %lt3A_630 : vector<16xi32>
    %and3A = arith.andi %eq3A, %lt3A_631 : vector<16xi1>
    %jit3A = arith.constant 1.000000e+00 : f32
    %jit3A_632 = arith.constant 0.000000e+00 : f32
    %broadcast_in_dim3A = vector.broadcast %jit3A : f32 to vector<16xf32>
    %broadcast_in_dim3A_633 = vector.broadcast %jit3A_632 : f32 to vector<16xf32>
    %select_n3A = arith.select %and3A, %broadcast_in_dim3A, %broadcast_in_dim3A_633 : vector<16xi1>, vector<16xf32>
    %swap3A_634 = arith.constant 7 : i32
    %swap3A_635 = arith.index_cast %swap3A_634 : i32 to index
    %swap3A_636 = arith.constant 0 : index
    %swap3A_637 = tpu.vector_load %arg12[%swap3A_635, %swap3A_636] {strides = array<i32>} : memref<8x112xf32, #tpu.memory_space<vmem>>, vector<16xf32>,
    tpu.vector_store %arg12[%swap3A_635, %swap3A_636], %select_n3A {strides = array<i32>} : memref<8x112xf32, #tpu.memory_space<vmem>>, vector<16xf32>,
    %add3A_638 = arith.constant 16 : i32
    %add3A_639 = vector.broadcast %add3A_638 : i32 to vector<16xi32>
    %add3A_640 = arith.addi %iota3A, %add3A_639 : vector<16xi32>
    %get3A_641 = arith.constant 16 : index
    %get3A_642 = tpu.vector_load %arg9[%get3A_641] {strides = array<i32>} : memref<112xi32, #tpu.memory_space<vmem>>, vector<16xi32>,
    %gather3A_643 = tpu.vector_load_idx %arg10[%get3A_642] : memref<65536xi32, #tpu.memory_space<vmem>>[vector<16xi32>], vector<16xi32>,
    %eq3A_644 = arith.cmpi eq, %gather3A_643, %add3A_640 : vector<16xi32>
    %lt3A_645 = arith.constant 100 : i32
    %lt3A_646 = vector.broadcast %lt3A_645 : i32 to vector<16xi32>
    %lt3A_647 = arith.cmpi slt, %add3A_640, %lt3A_646 : vector<16xi32>
    %and3A_648 = arith.andi %eq3A_644, %lt3A_647 : vector<16xi1>
    %jit3A_649 = arith.constant 1.000000e+00 : f32
    %jit3A_650 = arith.constant 0.000000e+00 : f32
    %broadcast_in_dim3A_651 = vector.broadcast %jit3A_649 : f32 to vector<16xf32>
    %broadcast_in_dim3A_652 = vector.broadcast %jit3A_650 : f32 to vector<16xf32>
    %select_n3A_653 = arith.select %and3A_648, %broadcast_in_dim3A_651, %broadcast_in_dim3A_652 : vector<16xi1>, vector<16xf32>
    %swap3A_654 = arith.constant 7 : i32
    %swap3A_655 = arith.index_cast %swap3A_654 : i32 to index
    %swap3A_656 = arith.constant 16 : index
    %swap3A_657 = tpu.vector_load %arg12[%swap3A_655, %swap3A_656] {strides = array<i32>} : memref<8x112xf32, #tpu.memory_space<vmem>>, vector<16xf32>,
    tpu.vector_store %arg12[%swap3A_655, %swap3A_656], %select_n3A_653 {strides = array<i32>} : memref<8x112xf32, #tpu.memory_space<vmem>>, vector<16xf32>,
    %add3A_658 = arith.constant 32 : i32
    %add3A_659 = vector.broadcast %add3A_658 : i32 to vector<16xi32>
    %add3A_660 = arith.addi %iota3A, %add3A_659 : vector<16xi32>
    %get3A_661 = arith.constant 32 : index
    %get3A_662 = tpu.vector_load %arg9[%get3A_661] {strides = array<i32>} : memref<112xi32, #tpu.memory_space<vmem>>, vector<16xi32>,
    %gather3A_663 = tpu.vector_load_idx %arg10[%get3A_662] : memref<65536xi32, #tpu.memory_space<vmem>>[vector<16xi32>], vector<16xi32>,
    %eq3A_664 = arith.cmpi eq, %gather3A_663, %add3A_660 : vector<16xi32>
    %lt3A_665 = arith.constant 100 : i32
    %lt3A_666 = vector.broadcast %lt3A_665 : i32 to vector<16xi32>
    %lt3A_667 = arith.cmpi slt, %add3A_660, %lt3A_666 : vector<16xi32>
    %and3A_668 = arith.andi %eq3A_664, %lt3A_667 : vector<16xi1>
    %jit3A_669 = arith.constant 1.000000e+00 : f32
    %jit3A_670 = arith.constant 0.000000e+00 : f32
    %broadcast_in_dim3A_671 = vector.broadcast %jit3A_669 : f32 to vector<16xf32>
    %broadcast_in_dim3A_672 = vector.broadcast %jit3A_670 : f32 to vector<16xf32>
    %select_n3A_673 = arith.select %and3A_668, %broadcast_in_dim3A_671, %broadcast_in_dim3A_672 : vector<16xi1>, vector<16xf32>
    %swap3A_674 = arith.constant 7 : i32
    %swap3A_675 = arith.index_cast %swap3A_674 : i32 to index
    %swap3A_676 = arith.constant 32 : index
    %swap3A_677 = tpu.vector_load %arg12[%swap3A_675, %swap3A_676] {strides = array<i32>} : memref<8x112xf32, #tpu.memory_space<vmem>>, vector<16xf32>,
    tpu.vector_store %arg12[%swap3A_675, %swap3A_676], %select_n3A_673 {strides = array<i32>} : memref<8x112xf32, #tpu.memory_space<vmem>>, vector<16xf32>,
    %add3A_678 = arith.constant 48 : i32
    %add3A_679 = vector.broadcast %add3A_678 : i32 to vector<16xi32>
    %add3A_680 = arith.addi %iota3A, %add3A_679 : vector<16xi32>
    %get3A_681 = arith.constant 48 : index
    %get3A_682 = tpu.vector_load %arg9[%get3A_681] {strides = array<i32>} : memref<112xi32, #tpu.memory_space<vmem>>, vector<16xi32>,
    %gather3A_683 = tpu.vector_load_idx %arg10[%get3A_682] : memref<65536xi32, #tpu.memory_space<vmem>>[vector<16xi32>], vector<16xi32>,
    %eq3A_684 = arith.cmpi eq, %gather3A_683, %add3A_680 : vector<16xi32>
    %lt3A_685 = arith.constant 100 : i32
    %lt3A_686 = vector.broadcast %lt3A_685 : i32 to vector<16xi32>
    %lt3A_687 = arith.cmpi slt, %add3A_680, %lt3A_686 : vector<16xi32>
    %and3A_688 = arith.andi %eq3A_684, %lt3A_687 : vector<16xi1>
    %jit3A_689 = arith.constant 1.000000e+00 : f32
    %jit3A_690 = arith.constant 0.000000e+00 : f32
    %broadcast_in_dim3A_691 = vector.broadcast %jit3A_689 : f32 to vector<16xf32>
    %broadcast_in_dim3A_692 = vector.broadcast %jit3A_690 : f32 to vector<16xf32>
    %select_n3A_693 = arith.select %and3A_688, %broadcast_in_dim3A_691, %broadcast_in_dim3A_692 : vector<16xi1>, vector<16xf32>
    %swap3A_694 = arith.constant 7 : i32
    %swap3A_695 = arith.index_cast %swap3A_694 : i32 to index
    %swap3A_696 = arith.constant 48 : index
    %swap3A_697 = tpu.vector_load %arg12[%swap3A_695, %swap3A_696] {strides = array<i32>} : memref<8x112xf32, #tpu.memory_space<vmem>>, vector<16xf32>,
    tpu.vector_store %arg12[%swap3A_695, %swap3A_696], %select_n3A_693 {strides = array<i32>} : memref<8x112xf32, #tpu.memory_space<vmem>>, vector<16xf32>,
    %add3A_698 = arith.constant 64 : i32
    %add3A_699 = vector.broadcast %add3A_698 : i32 to vector<16xi32>
    %add3A_700 = arith.addi %iota3A, %add3A_699 : vector<16xi32>
    %get3A_701 = arith.constant 64 : index
    %get3A_702 = tpu.vector_load %arg9[%get3A_701] {strides = array<i32>} : memref<112xi32, #tpu.memory_space<vmem>>, vector<16xi32>,
    %gather3A_703 = tpu.vector_load_idx %arg10[%get3A_702] : memref<65536xi32, #tpu.memory_space<vmem>>[vector<16xi32>], vector<16xi32>,
    %eq3A_704 = arith.cmpi eq, %gather3A_703, %add3A_700 : vector<16xi32>
    %lt3A_705 = arith.constant 100 : i32
    %lt3A_706 = vector.broadcast %lt3A_705 : i32 to vector<16xi32>
    %lt3A_707 = arith.cmpi slt, %add3A_700, %lt3A_706 : vector<16xi32>
    %and3A_708 = arith.andi %eq3A_704, %lt3A_707 : vector<16xi1>
    %jit3A_709 = arith.constant 1.000000e+00 : f32
    %jit3A_710 = arith.constant 0.000000e+00 : f32
    %broadcast_in_dim3A_711 = vector.broadcast %jit3A_709 : f32 to vector<16xf32>
    %broadcast_in_dim3A_712 = vector.broadcast %jit3A_710 : f32 to vector<16xf32>
    %select_n3A_713 = arith.select %and3A_708, %broadcast_in_dim3A_711, %broadcast_in_dim3A_712 : vector<16xi1>, vector<16xf32>
    %swap3A_714 = arith.constant 7 : i32
    %swap3A_715 = arith.index_cast %swap3A_714 : i32 to index
    %swap3A_716 = arith.constant 64 : index
    %swap3A_717 = tpu.vector_load %arg12[%swap3A_715, %swap3A_716] {strides = array<i32>} : memref<8x112xf32, #tpu.memory_space<vmem>>, vector<16xf32>,
    tpu.vector_store %arg12[%swap3A_715, %swap3A_716], %select_n3A_713 {strides = array<i32>} : memref<8x112xf32, #tpu.memory_space<vmem>>, vector<16xf32>,
    %add3A_718 = arith.constant 80 : i32
    %add3A_719 = vector.broadcast %add3A_718 : i32 to vector<16xi32>
    %add3A_720 = arith.addi %iota3A, %add3A_719 : vector<16xi32>
    %get3A_721 = arith.constant 80 : index
    %get3A_722 = tpu.vector_load %arg9[%get3A_721] {strides = array<i32>} : memref<112xi32, #tpu.memory_space<vmem>>, vector<16xi32>,
    %gather3A_723 = tpu.vector_load_idx %arg10[%get3A_722] : memref<65536xi32, #tpu.memory_space<vmem>>[vector<16xi32>], vector<16xi32>,
    %eq3A_724 = arith.cmpi eq, %gather3A_723, %add3A_720 : vector<16xi32>
    %lt3A_725 = arith.constant 100 : i32
    %lt3A_726 = vector.broadcast %lt3A_725 : i32 to vector<16xi32>
    %lt3A_727 = arith.cmpi slt, %add3A_720, %lt3A_726 : vector<16xi32>
    %and3A_728 = arith.andi %eq3A_724, %lt3A_727 : vector<16xi1>
    %jit3A_729 = arith.constant 1.000000e+00 : f32
    %jit3A_730 = arith.constant 0.000000e+00 : f32
    %broadcast_in_dim3A_731 = vector.broadcast %jit3A_729 : f32 to vector<16xf32>
    %broadcast_in_dim3A_732 = vector.broadcast %jit3A_730 : f32 to vector<16xf32>
    %select_n3A_733 = arith.select %and3A_728, %broadcast_in_dim3A_731, %broadcast_in_dim3A_732 : vector<16xi1>, vector<16xf32>
    %swap3A_734 = arith.constant 7 : i32
    %swap3A_735 = arith.index_cast %swap3A_734 : i32 to index
    %swap3A_736 = arith.constant 80 : index
    %swap3A_737 = tpu.vector_load %arg12[%swap3A_735, %swap3A_736] {strides = array<i32>} : memref<8x112xf32, #tpu.memory_space<vmem>>, vector<16xf32>,
    tpu.vector_store %arg12[%swap3A_735, %swap3A_736], %select_n3A_733 {strides = array<i32>} : memref<8x112xf32, #tpu.memory_space<vmem>>, vector<16xf32>,
    %add3A_738 = arith.constant 96 : i32
    %add3A_739 = vector.broadcast %add3A_738 : i32 to vector<16xi32>
    %add3A_740 = arith.addi %iota3A, %add3A_739 : vector<16xi32>
    %get3A_741 = arith.constant 96 : index
    %get3A_742 = tpu.vector_load %arg9[%get3A_741] {strides = array<i32>} : memref<112xi32, #tpu.memory_space<vmem>>, vector<16xi32>,
    %gather3A_743 = tpu.vector_load_idx %arg10[%get3A_742] : memref<65536xi32, #tpu.memory_space<vmem>>[vector<16xi32>], vector<16xi32>,
    %eq3A_744 = arith.cmpi eq, %gather3A_743, %add3A_740 : vector<16xi32>
    %lt3A_745 = arith.constant 100 : i32
    %lt3A_746 = vector.broadcast %lt3A_745 : i32 to vector<16xi32>
    %lt3A_747 = arith.cmpi slt, %add3A_740, %lt3A_746 : vector<16xi32>
    %and3A_748 = arith.andi %eq3A_744, %lt3A_747 : vector<16xi1>
    %jit3A_749 = arith.constant 1.000000e+00 : f32
    %jit3A_750 = arith.constant 0.000000e+00 : f32
    %broadcast_in_dim3A_751 = vector.broadcast %jit3A_749 : f32 to vector<16xf32>
    %broadcast_in_dim3A_752 = vector.broadcast %jit3A_750 : f32 to vector<16xf32>
    %select_n3A_753 = arith.select %and3A_748, %broadcast_in_dim3A_751, %broadcast_in_dim3A_752 : vector<16xi1>, vector<16xf32>
    %swap3A_754 = arith.constant 7 : i32
    %swap3A_755 = arith.index_cast %swap3A_754 : i32 to index
    %swap3A_756 = arith.constant 96 : index
    %swap3A_757 = tpu.vector_load %arg12[%swap3A_755, %swap3A_756] {strides = array<i32>} : memref<8x112xf32, #tpu.memory_space<vmem>>, vector<16xf32>,
    tpu.vector_store %arg12[%swap3A_755, %swap3A_756], %select_n3A_753 {strides = array<i32>} : memref<8x112xf32, #tpu.memory_space<vmem>>, vector<16xf32>,
    %dma_wait3A = arith.constant 0 : i32
    %dma_wait3A_758 = arith.constant 0 : i32
    %dma_wait3A_759 = arith.constant 0 : i32
    %dma_wait3A_760 = arith.constant 0 : i32
    %dma_wait3A_761 = tpu.memref_slice %arg11[%dma_wait3A_758, %dma_wait3A_759, %dma_wait3A_760] : memref<6x32x256xf32, #tpu.memory_space<vmem>> -> memref<1x32x256xf32, #tpu.memory_space<vmem>>
    %dma_wait3A_762 = tpu.memref_squeeze %dma_wait3A_761 : memref<1x32x256xf32, #tpu.memory_space<vmem>> -> memref<32x256xf32, #tpu.memory_space<vmem>>
    %dma_wait3A_763 = arith.constant 0 : i32
    %dma_wait3A_764 = tpu.memref_slice %arg7[%dma_wait3A, %dma_wait3A_763] : memref<7x112xi32, #tpu.memory_space<vmem>> -> memref<1x32xi32, #tpu.memory_space<vmem>>
    %dma_wait3A_765 = tpu.memref_squeeze %dma_wait3A_764 : memref<1x32xi32, #tpu.memory_space<vmem>> -> memref<32xi32, #tpu.memory_space<vmem>>
    %dma_wait3A_766 = arith.constant 0 : i32
    %dma_wait3A_767 = arith.constant 0 : i32
    %dma_wait3A_768 = tpu.memref_slice %arg2[%dma_wait3A_766, %dma_wait3A_767] : memref<57344x256xf32, #tpu.memory_space<hbm>> -> memref<57344x256xf32, #tpu.memory_space<hbm>>
    tpu.wait_indirect_dma semaphore(%arg13 : memref<!tpu.dma_semaphore, #tpu.memory_space<semaphore_mem>>) src(%dma_wait3A_768 : memref<57344x256xf32, #tpu.memory_space<hbm>>) dst(%dma_wait3A_762 : memref<32x256xf32, #tpu.memory_space<vmem>>)
    %add3A_769 = arith.constant 0 : i32
    %add3A_770 = vector.broadcast %add3A_769 : i32 to vector<16xi32>
    %add3A_771 = arith.addi %iota3A, %add3A_770 : vector<16xi32>
    %min3A = arith.constant 31 : i32
    %min3A_772 = vector.broadcast %min3A : i32 to vector<16xi32>
    %min3A_773 = arith.minsi %add3A_771, %min3A_772 : vector<16xi32>
    %get3A_774 = arith.constant 0 : index
    %get3A_775 = tpu.vector_load %arg8[%get3A_774] {strides = array<i32>} : memref<112xi32, #tpu.memory_space<vmem>>, vector<16xi32>,
    %gather3A_776 = arith.constant 0 : i32
    %gather3A_777 = arith.constant 0 : i32
    %gather3A_778 = arith.constant 0 : i32
    %gather3A_779 = tpu.memref_slice %arg11[%gather3A_776, %gather3A_777, %gather3A_778] : memref<6x32x256xf32, #tpu.memory_space<vmem>> -> memref<1x32x256xf32, #tpu.memory_space<vmem>>
    %gather3A_780 = tpu.memref_squeeze %gather3A_779 : memref<1x32x256xf32, #tpu.memory_space<vmem>> -> memref<32x256xf32, #tpu.memory_space<vmem>>
    %gather3A_781 = tpu.vector_load_idx %gather3A_780[%min3A_773, %get3A_775] : memref<32x256xf32, #tpu.memory_space<vmem>>[vector<16xi32>, vector<16xi32>], vector<16xf32>,
    %swap3A_782 = arith.constant 0 : i32
    %swap3A_783 = arith.index_cast %swap3A_782 : i32 to index
    %swap3A_784 = arith.constant 0 : index
    %swap3A_785 = tpu.vector_load %arg12[%swap3A_783, %swap3A_784] {strides = array<i32>} : memref<8x112xf32, #tpu.memory_space<vmem>>, vector<16xf32>,
    tpu.vector_store %arg12[%swap3A_783, %swap3A_784], %gather3A_781 {strides = array<i32>} : memref<8x112xf32, #tpu.memory_space<vmem>>, vector<16xf32>,
    %add3A_786 = arith.constant 16 : i32
    %add3A_787 = vector.broadcast %add3A_786 : i32 to vector<16xi32>
    %add3A_788 = arith.addi %iota3A, %add3A_787 : vector<16xi32>
    %min3A_789 = arith.constant 31 : i32
    %min3A_790 = vector.broadcast %min3A_789 : i32 to vector<16xi32>
    %min3A_791 = arith.minsi %add3A_788, %min3A_790 : vector<16xi32>
    %get3A_792 = arith.constant 16 : index
    %get3A_793 = tpu.vector_load %arg8[%get3A_792] {strides = array<i32>} : memref<112xi32, #tpu.memory_space<vmem>>, vector<16xi32>,
    %gather3A_794 = arith.constant 0 : i32
    %gather3A_795 = arith.constant 0 : i32
    %gather3A_796 = arith.constant 0 : i32
    %gather3A_797 = tpu.memref_slice %arg11[%gather3A_794, %gather3A_795, %gather3A_796] : memref<6x32x256xf32, #tpu.memory_space<vmem>> -> memref<1x32x256xf32, #tpu.memory_space<vmem>>
    %gather3A_798 = tpu.memref_squeeze %gather3A_797 : memref<1x32x256xf32, #tpu.memory_space<vmem>> -> memref<32x256xf32, #tpu.memory_space<vmem>>
    %gather3A_799 = tpu.vector_load_idx %gather3A_798[%min3A_791, %get3A_793] : memref<32x256xf32, #tpu.memory_space<vmem>>[vector<16xi32>, vector<16xi32>], vector<16xf32>,
    %swap3A_800 = arith.constant 0 : i32
    %swap3A_801 = arith.index_cast %swap3A_800 : i32 to index
    %swap3A_802 = arith.constant 16 : index
    %swap3A_803 = tpu.vector_load %arg12[%swap3A_801, %swap3A_802] {strides = array<i32>} : memref<8x112xf32, #tpu.memory_space<vmem>>, vector<16xf32>,
    tpu.vector_store %arg12[%swap3A_801, %swap3A_802], %gather3A_799 {strides = array<i32>} : memref<8x112xf32, #tpu.memory_space<vmem>>, vector<16xf32>,
    %dma_start3A_804 = arith.constant 1 : i32
    %dma_start3A_805 = arith.constant 0 : i32
    %dma_start3A_806 = arith.constant 0 : i32
    %dma_start3A_807 = arith.constant 0 : i32
    %dma_start3A_808 = tpu.memref_slice %arg11[%dma_start3A_805, %dma_start3A_806, %dma_start3A_807] : memref<6x32x256xf32, #tpu.memory_space<vmem>> -> memref<1x32x256xf32, #tpu.memory_space<vmem>>
    %dma_start3A_809 = tpu.memref_squeeze %dma_start3A_808 : memref<1x32x256xf32, #tpu.memory_space<vmem>> -> memref<32x256xf32, #tpu.memory_space<vmem>>
    %dma_start3A_810 = arith.constant 64 : i32
    %dma_start3A_811 = tpu.memref_slice %arg7[%dma_start3A_804, %dma_start3A_810] : memref<7x112xi32, #tpu.memory_space<vmem>> -> memref<1x32xi32, #tpu.memory_space<vmem>>
    %dma_start3A_812 = tpu.memref_squeeze %dma_start3A_811 : memref<1x32xi32, #tpu.memory_space<vmem>> -> memref<32xi32, #tpu.memory_space<vmem>>
    %dma_start3A_813 = arith.constant 0 : i32
    %dma_start3A_814 = arith.constant 0 : i32
    %dma_start3A_815 = tpu.memref_slice %arg2[%dma_start3A_813, %dma_start3A_814] : memref<57344x256xf32, #tpu.memory_space<hbm>> -> memref<57344x256xf32, #tpu.memory_space<hbm>>
    tpu.enqueue_indirect_dma source(%dma_start3A_815 : memref<57344x256xf32, #tpu.memory_space<hbm>>) target(%dma_start3A_809 : memref<32x256xf32, #tpu.memory_space<vmem>>) offsets(%dma_start3A_812 : memref<32xi32, #tpu.memory_space<vmem>>) semaphore(%arg13 : memref<!tpu.dma_semaphore, #tpu.memory_space<semaphore_mem>>)
    %dma_wait3A_816 = arith.constant 0 : i32
    %dma_wait3A_817 = arith.constant 1 : i32
    %dma_wait3A_818 = arith.constant 0 : i32
    %dma_wait3A_819 = arith.constant 0 : i32
    %dma_wait3A_820 = tpu.memref_slice %arg11[%dma_wait3A_817, %dma_wait3A_818, %dma_wait3A_819] : memref<6x32x256xf32, #tpu.memory_space<vmem>> -> memref<1x32x256xf32, #tpu.memory_space<vmem>>
    %dma_wait3A_821 = tpu.memref_squeeze %dma_wait3A_820 : memref<1x32x256xf32, #tpu.memory_space<vmem>> -> memref<32x256xf32, #tpu.memory_space<vmem>>
    %dma_wait3A_822 = arith.constant 32 : i32
    %dma_wait3A_823 = tpu.memref_slice %arg7[%dma_wait3A_816, %dma_wait3A_822] : memref<7x112xi32, #tpu.memory_space<vmem>> -> memref<1x32xi32, #tpu.memory_space<vmem>>
    %dma_wait3A_824 = tpu.memref_squeeze %dma_wait3A_823 : memref<1x32xi32, #tpu.memory_space<vmem>> -> memref<32xi32, #tpu.memory_space<vmem>>
    %dma_wait3A_825 = arith.constant 0 : i32
    %dma_wait3A_826 = arith.constant 0 : i32
    %dma_wait3A_827 = tpu.memref_slice %arg2[%dma_wait3A_825, %dma_wait3A_826] : memref<57344x256xf32, #tpu.memory_space<hbm>> -> memref<57344x256xf32, #tpu.memory_space<hbm>>
    tpu.wait_indirect_dma semaphore(%arg14 : memref<!tpu.dma_semaphore, #tpu.memory_space<semaphore_mem>>) src(%dma_wait3A_827 : memref<57344x256xf32, #tpu.memory_space<hbm>>) dst(%dma_wait3A_821 : memref<32x256xf32, #tpu.memory_space<vmem>>)
    %add3A_828 = arith.constant 0 : i32
    %add3A_829 = vector.broadcast %add3A_828 : i32 to vector<16xi32>
    %add3A_830 = arith.addi %iota3A, %add3A_829 : vector<16xi32>
    %min3A_831 = arith.constant 31 : i32
    %min3A_832 = vector.broadcast %min3A_831 : i32 to vector<16xi32>
    %min3A_833 = arith.minsi %add3A_830, %min3A_832 : vector<16xi32>
    %get3A_834 = arith.constant 32 : index
    %get3A_835 = tpu.vector_load %arg8[%get3A_834] {strides = array<i32>} : memref<112xi32, #tpu.memory_space<vmem>>, vector<16xi32>,
    %gather3A_836 = arith.constant 1 : i32
    %gather3A_837 = arith.constant 0 : i32
    %gather3A_838 = arith.constant 0 : i32
    %gather3A_839 = tpu.memref_slice %arg11[%gather3A_836, %gather3A_837, %gather3A_838] : memref<6x32x256xf32, #tpu.memory_space<vmem>> -> memref<1x32x256xf32, #tpu.memory_space<vmem>>
    %gather3A_840 = tpu.memref_squeeze %gather3A_839 : memref<1x32x256xf32, #tpu.memory_space<vmem>> -> memref<32x256xf32, #tpu.memory_space<vmem>>
    %gather3A_841 = tpu.vector_load_idx %gather3A_840[%min3A_833, %get3A_835] : memref<32x256xf32, #tpu.memory_space<vmem>>[vector<16xi32>, vector<16xi32>], vector<16xf32>,
    %swap3A_842 = arith.constant 0 : i32
    %swap3A_843 = arith.index_cast %swap3A_842 : i32 to index
    %swap3A_844 = arith.constant 32 : index
    %swap3A_845 = tpu.vector_load %arg12[%swap3A_843, %swap3A_844] {strides = array<i32>} : memref<8x112xf32, #tpu.memory_space<vmem>>, vector<16xf32>,
    tpu.vector_store %arg12[%swap3A_843, %swap3A_844], %gather3A_841 {strides = array<i32>} : memref<8x112xf32, #tpu.memory_space<vmem>>, vector<16xf32>,
    %add3A_846 = arith.constant 16 : i32
    %add3A_847 = vector.broadcast %add3A_846 : i32 to vector<16xi32>
    %add3A_848 = arith.addi %iota3A, %add3A_847 : vector<16xi32>
    %min3A_849 = arith.constant 31 : i32
    %min3A_850 = vector.broadcast %min3A_849 : i32 to vector<16xi32>
    %min3A_851 = arith.minsi %add3A_848, %min3A_850 : vector<16xi32>
    %get3A_852 = arith.constant 48 : index
    %get3A_853 = tpu.vector_load %arg8[%get3A_852] {strides = array<i32>} : memref<112xi32, #tpu.memory_space<vmem>>, vector<16xi32>,
    %gather3A_854 = arith.constant 1 : i32
    %gather3A_855 = arith.constant 0 : i32
    %gather3A_856 = arith.constant 0 : i32
    %gather3A_857 = tpu.memref_slice %arg11[%gather3A_854, %gather3A_855, %gather3A_856] : memref<6x32x256xf32, #tpu.memory_space<vmem>> -> memref<1x32x256xf32, #tpu.memory_space<vmem>>
    %gather3A_858 = tpu.memref_squeeze %gather3A_857 : memref<1x32x256xf32, #tpu.memory_space<vmem>> -> memref<32x256xf32, #tpu.memory_space<vmem>>
    %gather3A_859 = tpu.vector_load_idx %gather3A_858[%min3A_851, %get3A_853] : memref<32x256xf32, #tpu.memory_space<vmem>>[vector<16xi32>, vector<16xi32>], vector<16xf32>,
    %swap3A_860 = arith.constant 0 : i32
    %swap3A_861 = arith.index_cast %swap3A_860 : i32 to index
    %swap3A_862 = arith.constant 48 : index
    %swap3A_863 = tpu.vector_load %arg12[%swap3A_861, %swap3A_862] {strides = array<i32>} : memref<8x112xf32, #tpu.memory_space<vmem>>, vector<16xf32>,
    tpu.vector_store %arg12[%swap3A_861, %swap3A_862], %gather3A_859 {strides = array<i32>} : memref<8x112xf32, #tpu.memory_space<vmem>>, vector<16xf32>,
    %dma_start3A_864 = arith.constant 1 : i32
    %dma_start3A_865 = arith.constant 1 : i32
    %dma_start3A_866 = arith.constant 0 : i32
    %dma_start3A_867 = arith.constant 0 : i32
    %dma_start3A_868 = tpu.memref_slice %arg11[%dma_start3A_865, %dma_start3A_866, %dma_start3A_867] : memref<6x32x256xf32, #tpu.memory_space<vmem>> -> memref<1x8x256xf32, #tpu.memory_space<vmem>>
    %dma_start3A_869 = tpu.memref_squeeze %dma_start3A_868 : memref<1x8x256xf32, #tpu.memory_space<vmem>> -> memref<8x256xf32, #tpu.memory_space<vmem>>
    %dma_start3A_870 = arith.constant 96 : i32
    %dma_start3A_871 = tpu.memref_slice %arg7[%dma_start3A_864, %dma_start3A_870] : memref<7x112xi32, #tpu.memory_space<vmem>> -> memref<1x8xi32, #tpu.memory_space<vmem>>
    %dma_start3A_872 = tpu.memref_squeeze %dma_start3A_871 : memref<1x8xi32, #tpu.memory_space<vmem>> -> memref<8xi32, #tpu.memory_space<vmem>>
    %dma_start3A_873 = arith.constant 0 : i32
    %dma_start3A_874 = arith.constant 0 : i32
    %dma_start3A_875 = tpu.memref_slice %arg2[%dma_start3A_873, %dma_start3A_874] : memref<57344x256xf32, #tpu.memory_space<hbm>> -> memref<57344x256xf32, #tpu.memory_space<hbm>>
    tpu.enqueue_indirect_dma source(%dma_start3A_875 : memref<57344x256xf32, #tpu.memory_space<hbm>>) target(%dma_start3A_869 : memref<8x256xf32, #tpu.memory_space<vmem>>) offsets(%dma_start3A_872 : memref<8xi32, #tpu.memory_space<vmem>>) semaphore(%arg14 : memref<!tpu.dma_semaphore, #tpu.memory_space<semaphore_mem>>)
    %dma_wait3A_876 = arith.constant 0 : i32
    %dma_wait3A_877 = arith.constant 2 : i32
    %dma_wait3A_878 = arith.constant 0 : i32
    %dma_wait3A_879 = arith.constant 0 : i32
    %dma_wait3A_880 = tpu.memref_slice %arg11[%dma_wait3A_877, %dma_wait3A_878, %dma_wait3A_879] : memref<6x32x256xf32, #tpu.memory_space<vmem>> -> memref<1x32x256xf32, #tpu.memory_space<vmem>>
    %dma_wait3A_881 = tpu.memref_squeeze %dma_wait3A_880 : memref<1x32x256xf32, #tpu.memory_space<vmem>> -> memref<32x256xf32, #tpu.memory_space<vmem>>
    %dma_wait3A_882 = arith.constant 64 : i32
    %dma_wait3A_883 = tpu.memref_slice %arg7[%dma_wait3A_876, %dma_wait3A_882] : memref<7x112xi32, #tpu.memory_space<vmem>> -> memref<1x32xi32, #tpu.memory_space<vmem>>
    %dma_wait3A_884 = tpu.memref_squeeze %dma_wait3A_883 : memref<1x32xi32, #tpu.memory_space<vmem>> -> memref<32xi32, #tpu.memory_space<vmem>>
    %dma_wait3A_885 = arith.constant 0 : i32
    %dma_wait3A_886 = arith.constant 0 : i32
    %dma_wait3A_887 = tpu.memref_slice %arg2[%dma_wait3A_885, %dma_wait3A_886] : memref<57344x256xf32, #tpu.memory_space<hbm>> -> memref<57344x256xf32, #tpu.memory_space<hbm>>
    tpu.wait_indirect_dma semaphore(%arg15 : memref<!tpu.dma_semaphore, #tpu.memory_space<semaphore_mem>>) src(%dma_wait3A_887 : memref<57344x256xf32, #tpu.memory_space<hbm>>) dst(%dma_wait3A_881 : memref<32x256xf32, #tpu.memory_space<vmem>>)
    %add3A_888 = arith.constant 0 : i32
    %add3A_889 = vector.broadcast %add3A_888 : i32 to vector<16xi32>
    %add3A_890 = arith.addi %iota3A, %add3A_889 : vector<16xi32>
    %min3A_891 = arith.constant 31 : i32
    %min3A_892 = vector.broadcast %min3A_891 : i32 to vector<16xi32>
    %min3A_893 = arith.minsi %add3A_890, %min3A_892 : vector<16xi32>
    %get3A_894 = arith.constant 64 : index
    %get3A_895 = tpu.vector_load %arg8[%get3A_894] {strides = array<i32>} : memref<112xi32, #tpu.memory_space<vmem>>, vector<16xi32>,
    %gather3A_896 = arith.constant 2 : i32
    %gather3A_897 = arith.constant 0 : i32
    %gather3A_898 = arith.constant 0 : i32
    %gather3A_899 = tpu.memref_slice %arg11[%gather3A_896, %gather3A_897, %gather3A_898] : memref<6x32x256xf32, #tpu.memory_space<vmem>> -> memref<1x32x256xf32, #tpu.memory_space<vmem>>
    %gather3A_900 = tpu.memref_squeeze %gather3A_899 : memref<1x32x256xf32, #tpu.memory_space<vmem>> -> memref<32x256xf32, #tpu.memory_space<vmem>>
    %gather3A_901 = tpu.vector_load_idx %gather3A_900[%min3A_893, %get3A_895] : memref<32x256xf32, #tpu.memory_space<vmem>>[vector<16xi32>, vector<16xi32>], vector<16xf32>,
    %swap3A_902 = arith.constant 0 : i32
    %swap3A_903 = arith.index_cast %swap3A_902 : i32 to index
    %swap3A_904 = arith.constant 64 : index
    %swap3A_905 = tpu.vector_load %arg12[%swap3A_903, %swap3A_904] {strides = array<i32>} : memref<8x112xf32, #tpu.memory_space<vmem>>, vector<16xf32>,
    tpu.vector_store %arg12[%swap3A_903, %swap3A_904], %gather3A_901 {strides = array<i32>} : memref<8x112xf32, #tpu.memory_space<vmem>>, vector<16xf32>,
    %add3A_906 = arith.constant 16 : i32
    %add3A_907 = vector.broadcast %add3A_906 : i32 to vector<16xi32>
    %add3A_908 = arith.addi %iota3A, %add3A_907 : vector<16xi32>
    %min3A_909 = arith.constant 31 : i32
    %min3A_910 = vector.broadcast %min3A_909 : i32 to vector<16xi32>
    %min3A_911 = arith.minsi %add3A_908, %min3A_910 : vector<16xi32>
    %get3A_912 = arith.constant 80 : index
    %get3A_913 = tpu.vector_load %arg8[%get3A_912] {strides = array<i32>} : memref<112xi32, #tpu.memory_space<vmem>>, vector<16xi32>,
    %gather3A_914 = arith.constant 2 : i32
    %gather3A_915 = arith.constant 0 : i32
    %gather3A_916 = arith.constant 0 : i32
    %gather3A_917 = tpu.memref_slice %arg11[%gather3A_914, %gather3A_915, %gather3A_916] : memref<6x32x256xf32, #tpu.memory_space<vmem>> -> memref<1x32x256xf32, #tpu.memory_space<vmem>>
    %gather3A_918 = tpu.memref_squeeze %gather3A_917 : memref<1x32x256xf32, #tpu.memory_space<vmem>> -> memref<32x256xf32, #tpu.memory_space<vmem>>
    %gather3A_919 = tpu.vector_load_idx %gather3A_918[%min3A_911, %get3A_913] : memref<32x256xf32, #tpu.memory_space<vmem>>[vector<16xi32>, vector<16xi32>], vector<16xf32>,
    %swap3A_920 = arith.constant 0 : i32
    %swap3A_921 = arith.index_cast %swap3A_920 : i32 to index
    %swap3A_922 = arith.constant 80 : index
    %swap3A_923 = tpu.vector_load %arg12[%swap3A_921, %swap3A_922] {strides = array<i32>} : memref<8x112xf32, #tpu.memory_space<vmem>>, vector<16xf32>,
    tpu.vector_store %arg12[%swap3A_921, %swap3A_922], %gather3A_919 {strides = array<i32>} : memref<8x112xf32, #tpu.memory_space<vmem>>, vector<16xf32>,
    %dma_start3A_924 = arith.constant 2 : i32
    %dma_start3A_925 = arith.constant 2 : i32
    %dma_start3A_926 = arith.constant 0 : i32
    %dma_start3A_927 = arith.constant 0 : i32
    %dma_start3A_928 = tpu.memref_slice %arg11[%dma_start3A_925, %dma_start3A_926, %dma_start3A_927] : memref<6x32x256xf32, #tpu.memory_space<vmem>> -> memref<1x32x256xf32, #tpu.memory_space<vmem>>
    %dma_start3A_929 = tpu.memref_squeeze %dma_start3A_928 : memref<1x32x256xf32, #tpu.memory_space<vmem>> -> memref<32x256xf32, #tpu.memory_space<vmem>>
    %dma_start3A_930 = arith.constant 0 : i32
    %dma_start3A_931 = tpu.memref_slice %arg7[%dma_start3A_924, %dma_start3A_930] : memref<7x112xi32, #tpu.memory_space<vmem>> -> memref<1x32xi32, #tpu.memory_space<vmem>>
    %dma_start3A_932 = tpu.memref_squeeze %dma_start3A_931 : memref<1x32xi32, #tpu.memory_space<vmem>> -> memref<32xi32, #tpu.memory_space<vmem>>
    %dma_start3A_933 = arith.constant 0 : i32
    %dma_start3A_934 = arith.constant 0 : i32
    %dma_start3A_935 = tpu.memref_slice %arg2[%dma_start3A_933, %dma_start3A_934] : memref<57344x256xf32, #tpu.memory_space<hbm>> -> memref<57344x256xf32, #tpu.memory_space<hbm>>
    tpu.enqueue_indirect_dma source(%dma_start3A_935 : memref<57344x256xf32, #tpu.memory_space<hbm>>) target(%dma_start3A_929 : memref<32x256xf32, #tpu.memory_space<vmem>>) offsets(%dma_start3A_932 : memref<32xi32, #tpu.memory_space<vmem>>) semaphore(%arg15 : memref<!tpu.dma_semaphore, #tpu.memory_space<semaphore_mem>>)
    %dma_wait3A_936 = arith.constant 0 : i32
    %dma_wait3A_937 = arith.constant 3 : i32
    %dma_wait3A_938 = arith.constant 0 : i32
    %dma_wait3A_939 = arith.constant 0 : i32
    %dma_wait3A_940 = tpu.memref_slice %arg11[%dma_wait3A_937, %dma_wait3A_938, %dma_wait3A_939] : memref<6x32x256xf32, #tpu.memory_space<vmem>> -> memref<1x8x256xf32, #tpu.memory_space<vmem>>
    %dma_wait3A_941 = tpu.memref_squeeze %dma_wait3A_940 : memref<1x8x256xf32, #tpu.memory_space<vmem>> -> memref<8x256xf32, #tpu.memory_space<vmem>>
    %dma_wait3A_942 = arith.constant 96 : i32
    %dma_wait3A_943 = tpu.memref_slice %arg7[%dma_wait3A_936, %dma_wait3A_942] : memref<7x112xi32, #tpu.memory_space<vmem>> -> memref<1x8xi32, #tpu.memory_space<vmem>>
    %dma_wait3A_944 = tpu.memref_squeeze %dma_wait3A_943 : memref<1x8xi32, #tpu.memory_space<vmem>> -> memref<8xi32, #tpu.memory_space<vmem>>
    %dma_wait3A_945 = arith.constant 0 : i32
    %dma_wait3A_946 = arith.constant 0 : i32
    %dma_wait3A_947 = tpu.memref_slice %arg2[%dma_wait3A_945, %dma_wait3A_946] : memref<57344x256xf32, #tpu.memory_space<hbm>> -> memref<57344x256xf32, #tpu.memory_space<hbm>>
    tpu.wait_indirect_dma semaphore(%arg16 : memref<!tpu.dma_semaphore, #tpu.memory_space<semaphore_mem>>) src(%dma_wait3A_947 : memref<57344x256xf32, #tpu.memory_space<hbm>>) dst(%dma_wait3A_941 : memref<8x256xf32, #tpu.memory_space<vmem>>)
    %add3A_948 = arith.constant 0 : i32
    %add3A_949 = vector.broadcast %add3A_948 : i32 to vector<16xi32>
    %add3A_950 = arith.addi %iota3A, %add3A_949 : vector<16xi32>
    %min3A_951 = arith.constant 7 : i32
    %min3A_952 = vector.broadcast %min3A_951 : i32 to vector<16xi32>
    %min3A_953 = arith.minsi %add3A_950, %min3A_952 : vector<16xi32>
    %get3A_954 = arith.constant 96 : index
    %get3A_955 = tpu.vector_load %arg8[%get3A_954] {strides = array<i32>} : memref<112xi32, #tpu.memory_space<vmem>>, vector<16xi32>,
    %gather3A_956 = arith.constant 3 : i32
    %gather3A_957 = arith.constant 0 : i32
    %gather3A_958 = arith.constant 0 : i32
    %gather3A_959 = tpu.memref_slice %arg11[%gather3A_956, %gather3A_957, %gather3A_958] : memref<6x32x256xf32, #tpu.memory_space<vmem>> -> memref<1x32x256xf32, #tpu.memory_space<vmem>>
    %gather3A_960 = tpu.memref_squeeze %gather3A_959 : memref<1x32x256xf32, #tpu.memory_space<vmem>> -> memref<32x256xf32, #tpu.memory_space<vmem>>
    %gather3A_961 = tpu.vector_load_idx %gather3A_960[%min3A_953, %get3A_955] : memref<32x256xf32, #tpu.memory_space<vmem>>[vector<16xi32>, vector<16xi32>], vector<16xf32>,
    %swap3A_962 = arith.constant 0 : i32
    %swap3A_963 = arith.index_cast %swap3A_962 : i32 to index
    %swap3A_964 = arith.constant 96 : index
    %swap3A_965 = tpu.vector_load %arg12[%swap3A_963, %swap3A_964] {strides = array<i32>} : memref<8x112xf32, #tpu.memory_space<vmem>>, vector<16xf32>,
    tpu.vector_store %arg12[%swap3A_963, %swap3A_964], %gather3A_961 {strides = array<i32>} : memref<8x112xf32, #tpu.memory_space<vmem>>, vector<16xf32>,
    %dma_start3A_966 = arith.constant 2 : i32
    %dma_start3A_967 = arith.constant 3 : i32
    %dma_start3A_968 = arith.constant 0 : i32
    %dma_start3A_969 = arith.constant 0 : i32
    %dma_start3A_970 = tpu.memref_slice %arg11[%dma_start3A_967, %dma_start3A_968, %dma_start3A_969] : memref<6x32x256xf32, #tpu.memory_space<vmem>> -> memref<1x32x256xf32, #tpu.memory_space<vmem>>
    %dma_start3A_971 = tpu.memref_squeeze %dma_start3A_970 : memref<1x32x256xf32, #tpu.memory_space<vmem>> -> memref<32x256xf32, #tpu.memory_space<vmem>>
    %dma_start3A_972 = arith.constant 32 : i32
    %dma_start3A_973 = tpu.memref_slice %arg7[%dma_start3A_966, %dma_start3A_972] : memref<7x112xi32, #tpu.memory_space<vmem>> -> memref<1x32xi32, #tpu.memory_space<vmem>>
    %dma_start3A_974 = tpu.memref_squeeze %dma_start3A_973 : memref<1x32xi32, #tpu.memory_space<vmem>> -> memref<32xi32, #tpu.memory_space<vmem>>
    %dma_start3A_975 = arith.constant 0 : i32
    %dma_start3A_976 = arith.constant 0 : i32
    %dma_start3A_977 = tpu.memref_slice %arg2[%dma_start3A_975, %dma_start3A_976] : memref<57344x256xf32, #tpu.memory_space<hbm>> -> memref<57344x256xf32, #tpu.memory_space<hbm>>
    tpu.enqueue_indirect_dma source(%dma_start3A_977 : memref<57344x256xf32, #tpu.memory_space<hbm>>) target(%dma_start3A_971 : memref<32x256xf32, #tpu.memory_space<vmem>>) offsets(%dma_start3A_974 : memref<32xi32, #tpu.memory_space<vmem>>) semaphore(%arg16 : memref<!tpu.dma_semaphore, #tpu.memory_space<semaphore_mem>>)
    %dma_wait3A_978 = arith.constant 1 : i32
    %dma_wait3A_979 = arith.constant 4 : i32
    %dma_wait3A_980 = arith.constant 0 : i32
    %dma_wait3A_981 = arith.constant 0 : i32
    %dma_wait3A_982 = tpu.memref_slice %arg11[%dma_wait3A_979, %dma_wait3A_980, %dma_wait3A_981] : memref<6x32x256xf32, #tpu.memory_space<vmem>> -> memref<1x32x256xf32, #tpu.memory_space<vmem>>
    %dma_wait3A_983 = tpu.memref_squeeze %dma_wait3A_982 : memref<1x32x256xf32, #tpu.memory_space<vmem>> -> memref<32x256xf32, #tpu.memory_space<vmem>>
    %dma_wait3A_984 = arith.constant 0 : i32
    %dma_wait3A_985 = tpu.memref_slice %arg7[%dma_wait3A_978, %dma_wait3A_984] : memref<7x112xi32, #tpu.memory_space<vmem>> -> memref<1x32xi32, #tpu.memory_space<vmem>>
    %dma_wait3A_986 = tpu.memref_squeeze %dma_wait3A_985 : memref<1x32xi32, #tpu.memory_space<vmem>> -> memref<32xi32, #tpu.memory_space<vmem>>
    %dma_wait3A_987 = arith.constant 0 : i32
    %dma_wait3A_988 = arith.constant 0 : i32
    %dma_wait3A_989 = tpu.memref_slice %arg2[%dma_wait3A_987, %dma_wait3A_988] : memref<57344x256xf32, #tpu.memory_space<hbm>> -> memref<57344x256xf32, #tpu.memory_space<hbm>>
    tpu.wait_indirect_dma semaphore(%arg17 : memref<!tpu.dma_semaphore, #tpu.memory_space<semaphore_mem>>) src(%dma_wait3A_989 : memref<57344x256xf32, #tpu.memory_space<hbm>>) dst(%dma_wait3A_983 : memref<32x256xf32, #tpu.memory_space<vmem>>)
    %add3A_990 = arith.constant 0 : i32
    %add3A_991 = vector.broadcast %add3A_990 : i32 to vector<16xi32>
    %add3A_992 = arith.addi %iota3A, %add3A_991 : vector<16xi32>
    %min3A_993 = arith.constant 31 : i32
    %min3A_994 = vector.broadcast %min3A_993 : i32 to vector<16xi32>
    %min3A_995 = arith.minsi %add3A_992, %min3A_994 : vector<16xi32>
    %get3A_996 = arith.constant 0 : index
    %get3A_997 = tpu.vector_load %arg8[%get3A_996] {strides = array<i32>} : memref<112xi32, #tpu.memory_space<vmem>>, vector<16xi32>,
    %gather3A_998 = arith.constant 4 : i32
    %gather3A_999 = arith.constant 0 : i32
    %gather3A_1000 = arith.constant 0 : i32
    %gather3A_1001 = tpu.memref_slice %arg11[%gather3A_998, %gather3A_999, %gather3A_1000] : memref<6x32x256xf32, #tpu.memory_space<vmem>> -> memref<1x32x256xf32, #tpu.memory_space<vmem>>
    %gather3A_1002 = tpu.memref_squeeze %gather3A_1001 : memref<1x32x256xf32, #tpu.memory_space<vmem>> -> memref<32x256xf32, #tpu.memory_space<vmem>>
    %gather3A_1003 = tpu.vector_load_idx %gather3A_1002[%min3A_995, %get3A_997] : memref<32x256xf32, #tpu.memory_space<vmem>>[vector<16xi32>, vector<16xi32>], vector<16xf32>,
    %swap3A_1004 = arith.constant 1 : i32
    %swap3A_1005 = arith.index_cast %swap3A_1004 : i32 to index
    %swap3A_1006 = arith.constant 0 : index
    %swap3A_1007 = tpu.vector_load %arg12[%swap3A_1005, %swap3A_1006] {strides = array<i32>} : memref<8x112xf32, #tpu.memory_space<vmem>>, vector<16xf32>,
    tpu.vector_store %arg12[%swap3A_1005, %swap3A_1006], %gather3A_1003 {strides = array<i32>} : memref<8x112xf32, #tpu.memory_space<vmem>>, vector<16xf32>,
    %add3A_1008 = arith.constant 16 : i32
    %add3A_1009 = vector.broadcast %add3A_1008 : i32 to vector<16xi32>
    %add3A_1010 = arith.addi %iota3A, %add3A_1009 : vector<16xi32>
    %min3A_1011 = arith.constant 31 : i32
    %min3A_1012 = vector.broadcast %min3A_1011 : i32 to vector<16xi32>
    %min3A_1013 = arith.minsi %add3A_1010, %min3A_1012 : vector<16xi32>
    %get3A_1014 = arith.constant 16 : index
    %get3A_1015 = tpu.vector_load %arg8[%get3A_1014] {strides = array<i32>} : memref<112xi32, #tpu.memory_space<vmem>>, vector<16xi32>,
    %gather3A_1016 = arith.constant 4 : i32
    %gather3A_1017 = arith.constant 0 : i32
    %gather3A_1018 = arith.constant 0 : i32
    %gather3A_1019 = tpu.memref_slice %arg11[%gather3A_1016, %gather3A_1017, %gather3A_1018] : memref<6x32x256xf32, #tpu.memory_space<vmem>> -> memref<1x32x256xf32, #tpu.memory_space<vmem>>
    %gather3A_1020 = tpu.memref_squeeze %gather3A_1019 : memref<1x32x256xf32, #tpu.memory_space<vmem>> -> memref<32x256xf32, #tpu.memory_space<vmem>>
    %gather3A_1021 = tpu.vector_load_idx %gather3A_1020[%min3A_1013, %get3A_1015] : memref<32x256xf32, #tpu.memory_space<vmem>>[vector<16xi32>, vector<16xi32>], vector<16xf32>,
    %swap3A_1022 = arith.constant 1 : i32
    %swap3A_1023 = arith.index_cast %swap3A_1022 : i32 to index
    %swap3A_1024 = arith.constant 16 : index
    %swap3A_1025 = tpu.vector_load %arg12[%swap3A_1023, %swap3A_1024] {strides = array<i32>} : memref<8x112xf32, #tpu.memory_space<vmem>>, vector<16xf32>,
    tpu.vector_store %arg12[%swap3A_1023, %swap3A_1024], %gather3A_1021 {strides = array<i32>} : memref<8x112xf32, #tpu.memory_space<vmem>>, vector<16xf32>,
    %dma_start3A_1026 = arith.constant 2 : i32
    %dma_start3A_1027 = arith.constant 4 : i32
    %dma_start3A_1028 = arith.constant 0 : i32
    %dma_start3A_1029 = arith.constant 0 : i32
    %dma_start3A_1030 = tpu.memref_slice %arg11[%dma_start3A_1027, %dma_start3A_1028, %dma_start3A_1029] : memref<6x32x256xf32, #tpu.memory_space<vmem>> -> memref<1x32x256xf32, #tpu.memory_space<vmem>>
    %dma_start3A_1031 = tpu.memref_squeeze %dma_start3A_1030 : memref<1x32x256xf32, #tpu.memory_space<vmem>> -> memref<32x256xf32, #tpu.memory_space<vmem>>
    %dma_start3A_1032 = arith.constant 64 : i32
    %dma_start3A_1033 = tpu.memref_slice %arg7[%dma_start3A_1026, %dma_start3A_1032] : memref<7x112xi32, #tpu.memory_space<vmem>> -> memref<1x32xi32, #tpu.memory_space<vmem>>
    %dma_start3A_1034 = tpu.memref_squeeze %dma_start3A_1033 : memref<1x32xi32, #tpu.memory_space<vmem>> -> memref<32xi32, #tpu.memory_space<vmem>>
    %dma_start3A_1035 = arith.constant 0 : i32
    %dma_start3A_1036 = arith.constant 0 : i32
    %dma_start3A_1037 = tpu.memref_slice %arg2[%dma_start3A_1035, %dma_start3A_1036] : memref<57344x256xf32, #tpu.memory_space<hbm>> -> memref<57344x256xf32, #tpu.memory_space<hbm>>
    tpu.enqueue_indirect_dma source(%dma_start3A_1037 : memref<57344x256xf32, #tpu.memory_space<hbm>>) target(%dma_start3A_1031 : memref<32x256xf32, #tpu.memory_space<vmem>>) offsets(%dma_start3A_1034 : memref<32xi32, #tpu.memory_space<vmem>>) semaphore(%arg17 : memref<!tpu.dma_semaphore, #tpu.memory_space<semaphore_mem>>)
    %dma_wait3A_1038 = arith.constant 1 : i32
    %dma_wait3A_1039 = arith.constant 5 : i32
    %dma_wait3A_1040 = arith.constant 0 : i32
    %dma_wait3A_1041 = arith.constant 0 : i32
    %dma_wait3A_1042 = tpu.memref_slice %arg11[%dma_wait3A_1039, %dma_wait3A_1040, %dma_wait3A_1041] : memref<6x32x256xf32, #tpu.memory_space<vmem>> -> memref<1x32x256xf32, #tpu.memory_space<vmem>>
    %dma_wait3A_1043 = tpu.memref_squeeze %dma_wait3A_1042 : memref<1x32x256xf32, #tpu.memory_space<vmem>> -> memref<32x256xf32, #tpu.memory_space<vmem>>
    %dma_wait3A_1044 = arith.constant 32 : i32
    %dma_wait3A_1045 = tpu.memref_slice %arg7[%dma_wait3A_1038, %dma_wait3A_1044] : memref<7x112xi32, #tpu.memory_space<vmem>> -> memref<1x32xi32, #tpu.memory_space<vmem>>
    %dma_wait3A_1046 = tpu.memref_squeeze %dma_wait3A_1045 : memref<1x32xi32, #tpu.memory_space<vmem>> -> memref<32xi32, #tpu.memory_space<vmem>>
    %dma_wait3A_1047 = arith.constant 0 : i32
    %dma_wait3A_1048 = arith.constant 0 : i32
    %dma_wait3A_1049 = tpu.memref_slice %arg2[%dma_wait3A_1047, %dma_wait3A_1048] : memref<57344x256xf32, #tpu.memory_space<hbm>> -> memref<57344x256xf32, #tpu.memory_space<hbm>>
    tpu.wait_indirect_dma semaphore(%arg18 : memref<!tpu.dma_semaphore, #tpu.memory_space<semaphore_mem>>) src(%dma_wait3A_1049 : memref<57344x256xf32, #tpu.memory_space<hbm>>) dst(%dma_wait3A_1043 : memref<32x256xf32, #tpu.memory_space<vmem>>)
    %add3A_1050 = arith.constant 0 : i32
    %add3A_1051 = vector.broadcast %add3A_1050 : i32 to vector<16xi32>
    %add3A_1052 = arith.addi %iota3A, %add3A_1051 : vector<16xi32>
    %min3A_1053 = arith.constant 31 : i32
    %min3A_1054 = vector.broadcast %min3A_1053 : i32 to vector<16xi32>
    %min3A_1055 = arith.minsi %add3A_1052, %min3A_1054 : vector<16xi32>
    %get3A_1056 = arith.constant 32 : index
    %get3A_1057 = tpu.vector_load %arg8[%get3A_1056] {strides = array<i32>} : memref<112xi32, #tpu.memory_space<vmem>>, vector<16xi32>,
    %gather3A_1058 = arith.constant 5 : i32
    %gather3A_1059 = arith.constant 0 : i32
    %gather3A_1060 = arith.constant 0 : i32
    %gather3A_1061 = tpu.memref_slice %arg11[%gather3A_1058, %gather3A_1059, %gather3A_1060] : memref<6x32x256xf32, #tpu.memory_space<vmem>> -> memref<1x32x256xf32, #tpu.memory_space<vmem>>
    %gather3A_1062 = tpu.memref_squeeze %gather3A_1061 : memref<1x32x256xf32, #tpu.memory_space<vmem>> -> memref<32x256xf32, #tpu.memory_space<vmem>>
    %gather3A_1063 = tpu.vector_load_idx %gather3A_1062[%min3A_1055, %get3A_1057] : memref<32x256xf32, #tpu.memory_space<vmem>>[vector<16xi32>, vector<16xi32>], vector<16xf32>,
    %swap3A_1064 = arith.constant 1 : i32
    %swap3A_1065 = arith.index_cast %swap3A_1064 : i32 to index
    %swap3A_1066 = arith.constant 32 : index
    %swap3A_1067 = tpu.vector_load %arg12[%swap3A_1065, %swap3A_1066] {strides = array<i32>} : memref<8x112xf32, #tpu.memory_space<vmem>>, vector<16xf32>,
    tpu.vector_store %arg12[%swap3A_1065, %swap3A_1066], %gather3A_1063 {strides = array<i32>} : memref<8x112xf32, #tpu.memory_space<vmem>>, vector<16xf32>,
    %add3A_1068 = arith.constant 16 : i32
    %add3A_1069 = vector.broadcast %add3A_1068 : i32 to vector<16xi32>
    %add3A_1070 = arith.addi %iota3A, %add3A_1069 : vector<16xi32>
    %min3A_1071 = arith.constant 31 : i32
    %min3A_1072 = vector.broadcast %min3A_1071 : i32 to vector<16xi32>
    %min3A_1073 = arith.minsi %add3A_1070, %min3A_1072 : vector<16xi32>
    %get3A_1074 = arith.constant 48 : index
    %get3A_1075 = tpu.vector_load %arg8[%get3A_1074] {strides = array<i32>} : memref<112xi32, #tpu.memory_space<vmem>>, vector<16xi32>,
    %gather3A_1076 = arith.constant 5 : i32
    %gather3A_1077 = arith.constant 0 : i32
    %gather3A_1078 = arith.constant 0 : i32
    %gather3A_1079 = tpu.memref_slice %arg11[%gather3A_1076, %gather3A_1077, %gather3A_1078] : memref<6x32x256xf32, #tpu.memory_space<vmem>> -> memref<1x32x256xf32, #tpu.memory_space<vmem>>
    %gather3A_1080 = tpu.memref_squeeze %gather3A_1079 : memref<1x32x256xf32, #tpu.memory_space<vmem>> -> memref<32x256xf32, #tpu.memory_space<vmem>>
    %gather3A_1081 = tpu.vector_load_idx %gather3A_1080[%min3A_1073, %get3A_1075] : memref<32x256xf32, #tpu.memory_space<vmem>>[vector<16xi32>, vector<16xi32>], vector<16xf32>,
    %swap3A_1082 = arith.constant 1 : i32
    %swap3A_1083 = arith.index_cast %swap3A_1082 : i32 to index
    %swap3A_1084 = arith.constant 48 : index
    %swap3A_1085 = tpu.vector_load %arg12[%swap3A_1083, %swap3A_1084] {strides = array<i32>} : memref<8x112xf32, #tpu.memory_space<vmem>>, vector<16xf32>,
    tpu.vector_store %arg12[%swap3A_1083, %swap3A_1084], %gather3A_1081 {strides = array<i32>} : memref<8x112xf32, #tpu.memory_space<vmem>>, vector<16xf32>,
    %dma_start3A_1086 = arith.constant 2 : i32
    %dma_start3A_1087 = arith.constant 5 : i32
    %dma_start3A_1088 = arith.constant 0 : i32
    %dma_start3A_1089 = arith.constant 0 : i32
    %dma_start3A_1090 = tpu.memref_slice %arg11[%dma_start3A_1087, %dma_start3A_1088, %dma_start3A_1089] : memref<6x32x256xf32, #tpu.memory_space<vmem>> -> memref<1x8x256xf32, #tpu.memory_space<vmem>>
    %dma_start3A_1091 = tpu.memref_squeeze %dma_start3A_1090 : memref<1x8x256xf32, #tpu.memory_space<vmem>> -> memref<8x256xf32, #tpu.memory_space<vmem>>
    %dma_start3A_1092 = arith.constant 96 : i32
    %dma_start3A_1093 = tpu.memref_slice %arg7[%dma_start3A_1086, %dma_start3A_1092] : memref<7x112xi32, #tpu.memory_space<vmem>> -> memref<1x8xi32, #tpu.memory_space<vmem>>
    %dma_start3A_1094 = tpu.memref_squeeze %dma_start3A_1093 : memref<1x8xi32, #tpu.memory_space<vmem>> -> memref<8xi32, #tpu.memory_space<vmem>>
    %dma_start3A_1095 = arith.constant 0 : i32
    %dma_start3A_1096 = arith.constant 0 : i32
    %dma_start3A_1097 = tpu.memref_slice %arg2[%dma_start3A_1095, %dma_start3A_1096] : memref<57344x256xf32, #tpu.memory_space<hbm>> -> memref<57344x256xf32, #tpu.memory_space<hbm>>
    tpu.enqueue_indirect_dma source(%dma_start3A_1097 : memref<57344x256xf32, #tpu.memory_space<hbm>>) target(%dma_start3A_1091 : memref<8x256xf32, #tpu.memory_space<vmem>>) offsets(%dma_start3A_1094 : memref<8xi32, #tpu.memory_space<vmem>>) semaphore(%arg18 : memref<!tpu.dma_semaphore, #tpu.memory_space<semaphore_mem>>)
    %dma_wait3A_1098 = arith.constant 1 : i32
    %dma_wait3A_1099 = arith.constant 0 : i32
    %dma_wait3A_1100 = arith.constant 0 : i32
    %dma_wait3A_1101 = arith.constant 0 : i32
    %dma_wait3A_1102 = tpu.memref_slice %arg11[%dma_wait3A_1099, %dma_wait3A_1100, %dma_wait3A_1101] : memref<6x32x256xf32, #tpu.memory_space<vmem>> -> memref<1x32x256xf32, #tpu.memory_space<vmem>>
    %dma_wait3A_1103 = tpu.memref_squeeze %dma_wait3A_1102 : memref<1x32x256xf32, #tpu.memory_space<vmem>> -> memref<32x256xf32, #tpu.memory_space<vmem>>
    %dma_wait3A_1104 = arith.constant 64 : i32
    %dma_wait3A_1105 = tpu.memref_slice %arg7[%dma_wait3A_1098, %dma_wait3A_1104] : memref<7x112xi32, #tpu.memory_space<vmem>> -> memref<1x32xi32, #tpu.memory_space<vmem>>
    %dma_wait3A_1106 = tpu.memref_squeeze %dma_wait3A_1105 : memref<1x32xi32, #tpu.memory_space<vmem>> -> memref<32xi32, #tpu.memory_space<vmem>>
    %dma_wait3A_1107 = arith.constant 0 : i32
    %dma_wait3A_1108 = arith.constant 0 : i32
    %dma_wait3A_1109 = tpu.memref_slice %arg2[%dma_wait3A_1107, %dma_wait3A_1108] : memref<57344x256xf32, #tpu.memory_space<hbm>> -> memref<57344x256xf32, #tpu.memory_space<hbm>>
    tpu.wait_indirect_dma semaphore(%arg13 : memref<!tpu.dma_semaphore, #tpu.memory_space<semaphore_mem>>) src(%dma_wait3A_1109 : memref<57344x256xf32, #tpu.memory_space<hbm>>) dst(%dma_wait3A_1103 : memref<32x256xf32, #tpu.memory_space<vmem>>)
    %add3A_1110 = arith.constant 0 : i32
    %add3A_1111 = vector.broadcast %add3A_1110 : i32 to vector<16xi32>
    %add3A_1112 = arith.addi %iota3A, %add3A_1111 : vector<16xi32>
    %min3A_1113 = arith.constant 31 : i32
    %min3A_1114 = vector.broadcast %min3A_1113 : i32 to vector<16xi32>
    %min3A_1115 = arith.minsi %add3A_1112, %min3A_1114 : vector<16xi32>
    %get3A_1116 = arith.constant 64 : index
    %get3A_1117 = tpu.vector_load %arg8[%get3A_1116] {strides = array<i32>} : memref<112xi32, #tpu.memory_space<vmem>>, vector<16xi32>,
    %gather3A_1118 = arith.constant 0 : i32
    %gather3A_1119 = arith.constant 0 : i32
    %gather3A_1120 = arith.constant 0 : i32
    %gather3A_1121 = tpu.memref_slice %arg11[%gather3A_1118, %gather3A_1119, %gather3A_1120] : memref<6x32x256xf32, #tpu.memory_space<vmem>> -> memref<1x32x256xf32, #tpu.memory_space<vmem>>
    %gather3A_1122 = tpu.memref_squeeze %gather3A_1121 : memref<1x32x256xf32, #tpu.memory_space<vmem>> -> memref<32x256xf32, #tpu.memory_space<vmem>>
    %gather3A_1123 = tpu.vector_load_idx %gather3A_1122[%min3A_1115, %get3A_1117] : memref<32x256xf32, #tpu.memory_space<vmem>>[vector<16xi32>, vector<16xi32>], vector<16xf32>,
    %swap3A_1124 = arith.constant 1 : i32
    %swap3A_1125 = arith.index_cast %swap3A_1124 : i32 to index
    %swap3A_1126 = arith.constant 64 : index
    %swap3A_1127 = tpu.vector_load %arg12[%swap3A_1125, %swap3A_1126] {strides = array<i32>} : memref<8x112xf32, #tpu.memory_space<vmem>>, vector<16xf32>,
    tpu.vector_store %arg12[%swap3A_1125, %swap3A_1126], %gather3A_1123 {strides = array<i32>} : memref<8x112xf32, #tpu.memory_space<vmem>>, vector<16xf32>,
    %add3A_1128 = arith.constant 16 : i32
    %add3A_1129 = vector.broadcast %add3A_1128 : i32 to vector<16xi32>
    %add3A_1130 = arith.addi %iota3A, %add3A_1129 : vector<16xi32>
    %min3A_1131 = arith.constant 31 : i32
    %min3A_1132 = vector.broadcast %min3A_1131 : i32 to vector<16xi32>
    %min3A_1133 = arith.minsi %add3A_1130, %min3A_1132 : vector<16xi32>
    %get3A_1134 = arith.constant 80 : index
    %get3A_1135 = tpu.vector_load %arg8[%get3A_1134] {strides = array<i32>} : memref<112xi32, #tpu.memory_space<vmem>>, vector<16xi32>,
    %gather3A_1136 = arith.constant 0 : i32
    %gather3A_1137 = arith.constant 0 : i32
    %gather3A_1138 = arith.constant 0 : i32
    %gather3A_1139 = tpu.memref_slice %arg11[%gather3A_1136, %gather3A_1137, %gather3A_1138] : memref<6x32x256xf32, #tpu.memory_space<vmem>> -> memref<1x32x256xf32, #tpu.memory_space<vmem>>
    %gather3A_1140 = tpu.memref_squeeze %gather3A_1139 : memref<1x32x256xf32, #tpu.memory_space<vmem>> -> memref<32x256xf32, #tpu.memory_space<vmem>>
    %gather3A_1141 = tpu.vector_load_idx %gather3A_1140[%min3A_1133, %get3A_1135] : memref<32x256xf32, #tpu.memory_space<vmem>>[vector<16xi32>, vector<16xi32>], vector<16xf32>,
    %swap3A_1142 = arith.constant 1 : i32
    %swap3A_1143 = arith.index_cast %swap3A_1142 : i32 to index
    %swap3A_1144 = arith.constant 80 : index
    %swap3A_1145 = tpu.vector_load %arg12[%swap3A_1143, %swap3A_1144] {strides = array<i32>} : memref<8x112xf32, #tpu.memory_space<vmem>>, vector<16xf32>,
    tpu.vector_store %arg12[%swap3A_1143, %swap3A_1144], %gather3A_1141 {strides = array<i32>} : memref<8x112xf32, #tpu.memory_space<vmem>>, vector<16xf32>,
    %dma_start3A_1146 = arith.constant 3 : i32
    %dma_start3A_1147 = arith.constant 0 : i32
    %dma_start3A_1148 = arith.constant 0 : i32
    %dma_start3A_1149 = arith.constant 0 : i32
    %dma_start3A_1150 = tpu.memref_slice %arg11[%dma_start3A_1147, %dma_start3A_1148, %dma_start3A_1149] : memref<6x32x256xf32, #tpu.memory_space<vmem>> -> memref<1x32x256xf32, #tpu.memory_space<vmem>>
    %dma_start3A_1151 = tpu.memref_squeeze %dma_start3A_1150 : memref<1x32x256xf32, #tpu.memory_space<vmem>> -> memref<32x256xf32, #tpu.memory_space<vmem>>
    %dma_start3A_1152 = arith.constant 0 : i32
    %dma_start3A_1153 = tpu.memref_slice %arg7[%dma_start3A_1146, %dma_start3A_1152] : memref<7x112xi32, #tpu.memory_space<vmem>> -> memref<1x32xi32, #tpu.memory_space<vmem>>
    %dma_start3A_1154 = tpu.memref_squeeze %dma_start3A_1153 : memref<1x32xi32, #tpu.memory_space<vmem>> -> memref<32xi32, #tpu.memory_space<vmem>>
    %dma_start3A_1155 = arith.constant 0 : i32
    %dma_start3A_1156 = arith.constant 0 : i32
    %dma_start3A_1157 = tpu.memref_slice %arg2[%dma_start3A_1155, %dma_start3A_1156] : memref<57344x256xf32, #tpu.memory_space<hbm>> -> memref<57344x256xf32, #tpu.memory_space<hbm>>
    tpu.enqueue_indirect_dma source(%dma_start3A_1157 : memref<57344x256xf32, #tpu.memory_space<hbm>>) target(%dma_start3A_1151 : memref<32x256xf32, #tpu.memory_space<vmem>>) offsets(%dma_start3A_1154 : memref<32xi32, #tpu.memory_space<vmem>>) semaphore(%arg13 : memref<!tpu.dma_semaphore, #tpu.memory_space<semaphore_mem>>)
    %dma_wait3A_1158 = arith.constant 1 : i32
    %dma_wait3A_1159 = arith.constant 1 : i32
    %dma_wait3A_1160 = arith.constant 0 : i32
    %dma_wait3A_1161 = arith.constant 0 : i32
    %dma_wait3A_1162 = tpu.memref_slice %arg11[%dma_wait3A_1159, %dma_wait3A_1160, %dma_wait3A_1161] : memref<6x32x256xf32, #tpu.memory_space<vmem>> -> memref<1x8x256xf32, #tpu.memory_space<vmem>>
    %dma_wait3A_1163 = tpu.memref_squeeze %dma_wait3A_1162 : memref<1x8x256xf32, #tpu.memory_space<vmem>> -> memref<8x256xf32, #tpu.memory_space<vmem>>
    %dma_wait3A_1164 = arith.constant 96 : i32
    %dma_wait3A_1165 = tpu.memref_slice %arg7[%dma_wait3A_1158, %dma_wait3A_1164] : memref<7x112xi32, #tpu.memory_space<vmem>> -> memref<1x8xi32, #tpu.memory_space<vmem>>
    %dma_wait3A_1166 = tpu.memref_squeeze %dma_wait3A_1165 : memref<1x8xi32, #tpu.memory_space<vmem>> -> memref<8xi32, #tpu.memory_space<vmem>>
    %dma_wait3A_1167 = arith.constant 0 : i32
    %dma_wait3A_1168 = arith.constant 0 : i32
    %dma_wait3A_1169 = tpu.memref_slice %arg2[%dma_wait3A_1167, %dma_wait3A_1168] : memref<57344x256xf32, #tpu.memory_space<hbm>> -> memref<57344x256xf32, #tpu.memory_space<hbm>>
    tpu.wait_indirect_dma semaphore(%arg14 : memref<!tpu.dma_semaphore, #tpu.memory_space<semaphore_mem>>) src(%dma_wait3A_1169 : memref<57344x256xf32, #tpu.memory_space<hbm>>) dst(%dma_wait3A_1163 : memref<8x256xf32, #tpu.memory_space<vmem>>)
    %add3A_1170 = arith.constant 0 : i32
    %add3A_1171 = vector.broadcast %add3A_1170 : i32 to vector<16xi32>
    %add3A_1172 = arith.addi %iota3A, %add3A_1171 : vector<16xi32>
    %min3A_1173 = arith.constant 7 : i32
    %min3A_1174 = vector.broadcast %min3A_1173 : i32 to vector<16xi32>
    %min3A_1175 = arith.minsi %add3A_1172, %min3A_1174 : vector<16xi32>
    %get3A_1176 = arith.constant 96 : index
    %get3A_1177 = tpu.vector_load %arg8[%get3A_1176] {strides = array<i32>} : memref<112xi32, #tpu.memory_space<vmem>>, vector<16xi32>,
    %gather3A_1178 = arith.constant 1 : i32
    %gather3A_1179 = arith.constant 0 : i32
    %gather3A_1180 = arith.constant 0 : i32
    %gather3A_1181 = tpu.memref_slice %arg11[%gather3A_1178, %gather3A_1179, %gather3A_1180] : memref<6x32x256xf32, #tpu.memory_space<vmem>> -> memref<1x32x256xf32, #tpu.memory_space<vmem>>
    %gather3A_1182 = tpu.memref_squeeze %gather3A_1181 : memref<1x32x256xf32, #tpu.memory_space<vmem>> -> memref<32x256xf32, #tpu.memory_space<vmem>>
    %gather3A_1183 = tpu.vector_load_idx %gather3A_1182[%min3A_1175, %get3A_1177] : memref<32x256xf32, #tpu.memory_space<vmem>>[vector<16xi32>, vector<16xi32>], vector<16xf32>,
    %swap3A_1184 = arith.constant 1 : i32
    %swap3A_1185 = arith.index_cast %swap3A_1184 : i32 to index
    %swap3A_1186 = arith.constant 96 : index
    %swap3A_1187 = tpu.vector_load %arg12[%swap3A_1185, %swap3A_1186] {strides = array<i32>} : memref<8x112xf32, #tpu.memory_space<vmem>>, vector<16xf32>,
    tpu.vector_store %arg12[%swap3A_1185, %swap3A_1186], %gather3A_1183 {strides = array<i32>} : memref<8x112xf32, #tpu.memory_space<vmem>>, vector<16xf32>,
    %dma_start3A_1188 = arith.constant 3 : i32
    %dma_start3A_1189 = arith.constant 1 : i32
    %dma_start3A_1190 = arith.constant 0 : i32
    %dma_start3A_1191 = arith.constant 0 : i32
    %dma_start3A_1192 = tpu.memref_slice %arg11[%dma_start3A_1189, %dma_start3A_1190, %dma_start3A_1191] : memref<6x32x256xf32, #tpu.memory_space<vmem>> -> memref<1x32x256xf32, #tpu.memory_space<vmem>>
    %dma_start3A_1193 = tpu.memref_squeeze %dma_start3A_1192 : memref<1x32x256xf32, #tpu.memory_space<vmem>> -> memref<32x256xf32, #tpu.memory_space<vmem>>
    %dma_start3A_1194 = arith.constant 32 : i32
    %dma_start3A_1195 = tpu.memref_slice %arg7[%dma_start3A_1188, %dma_start3A_1194] : memref<7x112xi32, #tpu.memory_space<vmem>> -> memref<1x32xi32, #tpu.memory_space<vmem>>
    %dma_start3A_1196 = tpu.memref_squeeze %dma_start3A_1195 : memref<1x32xi32, #tpu.memory_space<vmem>> -> memref<32xi32, #tpu.memory_space<vmem>>
    %dma_start3A_1197 = arith.constant 0 : i32
    %dma_start3A_1198 = arith.constant 0 : i32
    %dma_start3A_1199 = tpu.memref_slice %arg2[%dma_start3A_1197, %dma_start3A_1198] : memref<57344x256xf32, #tpu.memory_space<hbm>> -> memref<57344x256xf32, #tpu.memory_space<hbm>>
    tpu.enqueue_indirect_dma source(%dma_start3A_1199 : memref<57344x256xf32, #tpu.memory_space<hbm>>) target(%dma_start3A_1193 : memref<32x256xf32, #tpu.memory_space<vmem>>) offsets(%dma_start3A_1196 : memref<32xi32, #tpu.memory_space<vmem>>) semaphore(%arg14 : memref<!tpu.dma_semaphore, #tpu.memory_space<semaphore_mem>>)
    %dma_wait3A_1200 = arith.constant 2 : i32
    %dma_wait3A_1201 = arith.constant 2 : i32
    %dma_wait3A_1202 = arith.constant 0 : i32
    %dma_wait3A_1203 = arith.constant 0 : i32
    %dma_wait3A_1204 = tpu.memref_slice %arg11[%dma_wait3A_1201, %dma_wait3A_1202, %dma_wait3A_1203] : memref<6x32x256xf32, #tpu.memory_space<vmem>> -> memref<1x32x256xf32, #tpu.memory_space<vmem>>
    %dma_wait3A_1205 = tpu.memref_squeeze %dma_wait3A_1204 : memref<1x32x256xf32, #tpu.memory_space<vmem>> -> memref<32x256xf32, #tpu.memory_space<vmem>>
    %dma_wait3A_1206 = arith.constant 0 : i32
    %dma_wait3A_1207 = tpu.memref_slice %arg7[%dma_wait3A_1200, %dma_wait3A_1206] : memref<7x112xi32, #tpu.memory_space<vmem>> -> memref<1x32xi32, #tpu.memory_space<vmem>>
    %dma_wait3A_1208 = tpu.memref_squeeze %dma_wait3A_1207 : memref<1x32xi32, #tpu.memory_space<vmem>> -> memref<32xi32, #tpu.memory_space<vmem>>
    %dma_wait3A_1209 = arith.constant 0 : i32
    %dma_wait3A_1210 = arith.constant 0 : i32
    %dma_wait3A_1211 = tpu.memref_slice %arg2[%dma_wait3A_1209, %dma_wait3A_1210] : memref<57344x256xf32, #tpu.memory_space<hbm>> -> memref<57344x256xf32, #tpu.memory_space<hbm>>
    tpu.wait_indirect_dma semaphore(%arg15 : memref<!tpu.dma_semaphore, #tpu.memory_space<semaphore_mem>>) src(%dma_wait3A_1211 : memref<57344x256xf32, #tpu.memory_space<hbm>>) dst(%dma_wait3A_1205 : memref<32x256xf32, #tpu.memory_space<vmem>>)
    %add3A_1212 = arith.constant 0 : i32
    %add3A_1213 = vector.broadcast %add3A_1212 : i32 to vector<16xi32>
    %add3A_1214 = arith.addi %iota3A, %add3A_1213 : vector<16xi32>
    %min3A_1215 = arith.constant 31 : i32
    %min3A_1216 = vector.broadcast %min3A_1215 : i32 to vector<16xi32>
    %min3A_1217 = arith.minsi %add3A_1214, %min3A_1216 : vector<16xi32>
    %get3A_1218 = arith.constant 0 : index
    %get3A_1219 = tpu.vector_load %arg8[%get3A_1218] {strides = array<i32>} : memref<112xi32, #tpu.memory_space<vmem>>, vector<16xi32>,
    %gather3A_1220 = arith.constant 2 : i32
    %gather3A_1221 = arith.constant 0 : i32
    %gather3A_1222 = arith.constant 0 : i32
    %gather3A_1223 = tpu.memref_slice %arg11[%gather3A_1220, %gather3A_1221, %gather3A_1222] : memref<6x32x256xf32, #tpu.memory_space<vmem>> -> memref<1x32x256xf32, #tpu.memory_space<vmem>>
    %gather3A_1224 = tpu.memref_squeeze %gather3A_1223 : memref<1x32x256xf32, #tpu.memory_space<vmem>> -> memref<32x256xf32, #tpu.memory_space<vmem>>
    %gather3A_1225 = tpu.vector_load_idx %gather3A_1224[%min3A_1217, %get3A_1219] : memref<32x256xf32, #tpu.memory_space<vmem>>[vector<16xi32>, vector<16xi32>], vector<16xf32>,
    %swap3A_1226 = arith.constant 2 : i32
    %swap3A_1227 = arith.index_cast %swap3A_1226 : i32 to index
    %swap3A_1228 = arith.constant 0 : index
    %swap3A_1229 = tpu.vector_load %arg12[%swap3A_1227, %swap3A_1228] {strides = array<i32>} : memref<8x112xf32, #tpu.memory_space<vmem>>, vector<16xf32>,
    tpu.vector_store %arg12[%swap3A_1227, %swap3A_1228], %gather3A_1225 {strides = array<i32>} : memref<8x112xf32, #tpu.memory_space<vmem>>, vector<16xf32>,
    %add3A_1230 = arith.constant 16 : i32
    %add3A_1231 = vector.broadcast %add3A_1230 : i32 to vector<16xi32>
    %add3A_1232 = arith.addi %iota3A, %add3A_1231 : vector<16xi32>
    %min3A_1233 = arith.constant 31 : i32
    %min3A_1234 = vector.broadcast %min3A_1233 : i32 to vector<16xi32>
    %min3A_1235 = arith.minsi %add3A_1232, %min3A_1234 : vector<16xi32>
    %get3A_1236 = arith.constant 16 : index
    %get3A_1237 = tpu.vector_load %arg8[%get3A_1236] {strides = array<i32>} : memref<112xi32, #tpu.memory_space<vmem>>, vector<16xi32>,
    %gather3A_1238 = arith.constant 2 : i32
    %gather3A_1239 = arith.constant 0 : i32
    %gather3A_1240 = arith.constant 0 : i32
    %gather3A_1241 = tpu.memref_slice %arg11[%gather3A_1238, %gather3A_1239, %gather3A_1240] : memref<6x32x256xf32, #tpu.memory_space<vmem>> -> memref<1x32x256xf32, #tpu.memory_space<vmem>>
    %gather3A_1242 = tpu.memref_squeeze %gather3A_1241 : memref<1x32x256xf32, #tpu.memory_space<vmem>> -> memref<32x256xf32, #tpu.memory_space<vmem>>
    %gather3A_1243 = tpu.vector_load_idx %gather3A_1242[%min3A_1235, %get3A_1237] : memref<32x256xf32, #tpu.memory_space<vmem>>[vector<16xi32>, vector<16xi32>], vector<16xf32>,
    %swap3A_1244 = arith.constant 2 : i32
    %swap3A_1245 = arith.index_cast %swap3A_1244 : i32 to index
    %swap3A_1246 = arith.constant 16 : index
    %swap3A_1247 = tpu.vector_load %arg12[%swap3A_1245, %swap3A_1246] {strides = array<i32>} : memref<8x112xf32, #tpu.memory_space<vmem>>, vector<16xf32>,
    tpu.vector_store %arg12[%swap3A_1245, %swap3A_1246], %gather3A_1243 {strides = array<i32>} : memref<8x112xf32, #tpu.memory_space<vmem>>, vector<16xf32>,
    %dma_start3A_1248 = arith.constant 3 : i32
    %dma_start3A_1249 = arith.constant 2 : i32
    %dma_start3A_1250 = arith.constant 0 : i32
    %dma_start3A_1251 = arith.constant 0 : i32
    %dma_start3A_1252 = tpu.memref_slice %arg11[%dma_start3A_1249, %dma_start3A_1250, %dma_start3A_1251] : memref<6x32x256xf32, #tpu.memory_space<vmem>> -> memref<1x32x256xf32, #tpu.memory_space<vmem>>
    %dma_start3A_1253 = tpu.memref_squeeze %dma_start3A_1252 : memref<1x32x256xf32, #tpu.memory_space<vmem>> -> memref<32x256xf32, #tpu.memory_space<vmem>>
    %dma_start3A_1254 = arith.constant 64 : i32
    %dma_start3A_1255 = tpu.memref_slice %arg7[%dma_start3A_1248, %dma_start3A_1254] : memref<7x112xi32, #tpu.memory_space<vmem>> -> memref<1x32xi32, #tpu.memory_space<vmem>>
    %dma_start3A_1256 = tpu.memref_squeeze %dma_start3A_1255 : memref<1x32xi32, #tpu.memory_space<vmem>> -> memref<32xi32, #tpu.memory_space<vmem>>
    %dma_start3A_1257 = arith.constant 0 : i32
    %dma_start3A_1258 = arith.constant 0 : i32
    %dma_start3A_1259 = tpu.memref_slice %arg2[%dma_start3A_1257, %dma_start3A_1258] : memref<57344x256xf32, #tpu.memory_space<hbm>> -> memref<57344x256xf32, #tpu.memory_space<hbm>>
    tpu.enqueue_indirect_dma source(%dma_start3A_1259 : memref<57344x256xf32, #tpu.memory_space<hbm>>) target(%dma_start3A_1253 : memref<32x256xf32, #tpu.memory_space<vmem>>) offsets(%dma_start3A_1256 : memref<32xi32, #tpu.memory_space<vmem>>) semaphore(%arg15 : memref<!tpu.dma_semaphore, #tpu.memory_space<semaphore_mem>>)
    %dma_wait3A_1260 = arith.constant 2 : i32
    %dma_wait3A_1261 = arith.constant 3 : i32
    %dma_wait3A_1262 = arith.constant 0 : i32
    %dma_wait3A_1263 = arith.constant 0 : i32
    %dma_wait3A_1264 = tpu.memref_slice %arg11[%dma_wait3A_1261, %dma_wait3A_1262, %dma_wait3A_1263] : memref<6x32x256xf32, #tpu.memory_space<vmem>> -> memref<1x32x256xf32, #tpu.memory_space<vmem>>
    %dma_wait3A_1265 = tpu.memref_squeeze %dma_wait3A_1264 : memref<1x32x256xf32, #tpu.memory_space<vmem>> -> memref<32x256xf32, #tpu.memory_space<vmem>>
    %dma_wait3A_1266 = arith.constant 32 : i32
    %dma_wait3A_1267 = tpu.memref_slice %arg7[%dma_wait3A_1260, %dma_wait3A_1266] : memref<7x112xi32, #tpu.memory_space<vmem>> -> memref<1x32xi32, #tpu.memory_space<vmem>>
    %dma_wait3A_1268 = tpu.memref_squeeze %dma_wait3A_1267 : memref<1x32xi32, #tpu.memory_space<vmem>> -> memref<32xi32, #tpu.memory_space<vmem>>
    %dma_wait3A_1269 = arith.constant 0 : i32
    %dma_wait3A_1270 = arith.constant 0 : i32
    %dma_wait3A_1271 = tpu.memref_slice %arg2[%dma_wait3A_1269, %dma_wait3A_1270] : memref<57344x256xf32, #tpu.memory_space<hbm>> -> memref<57344x256xf32, #tpu.memory_space<hbm>>
    tpu.wait_indirect_dma semaphore(%arg16 : memref<!tpu.dma_semaphore, #tpu.memory_space<semaphore_mem>>) src(%dma_wait3A_1271 : memref<57344x256xf32, #tpu.memory_space<hbm>>) dst(%dma_wait3A_1265 : memref<32x256xf32, #tpu.memory_space<vmem>>)
    %add3A_1272 = arith.constant 0 : i32
    %add3A_1273 = vector.broadcast %add3A_1272 : i32 to vector<16xi32>
    %add3A_1274 = arith.addi %iota3A, %add3A_1273 : vector<16xi32>
    %min3A_1275 = arith.constant 31 : i32
    %min3A_1276 = vector.broadcast %min3A_1275 : i32 to vector<16xi32>
    %min3A_1277 = arith.minsi %add3A_1274, %min3A_1276 : vector<16xi32>
    %get3A_1278 = arith.constant 32 : index
    %get3A_1279 = tpu.vector_load %arg8[%get3A_1278] {strides = array<i32>} : memref<112xi32, #tpu.memory_space<vmem>>, vector<16xi32>,
    %gather3A_1280 = arith.constant 3 : i32
    %gather3A_1281 = arith.constant 0 : i32
    %gather3A_1282 = arith.constant 0 : i32
    %gather3A_1283 = tpu.memref_slice %arg11[%gather3A_1280, %gather3A_1281, %gather3A_1282] : memref<6x32x256xf32, #tpu.memory_space<vmem>> -> memref<1x32x256xf32, #tpu.memory_space<vmem>>
    %gather3A_1284 = tpu.memref_squeeze %gather3A_1283 : memref<1x32x256xf32, #tpu.memory_space<vmem>> -> memref<32x256xf32, #tpu.memory_space<vmem>>
    %gather3A_1285 = tpu.vector_load_idx %gather3A_1284[%min3A_1277, %get3A_1279] : memref<32x256xf32, #tpu.memory_space<vmem>>[vector<16xi32>, vector<16xi32>], vector<16xf32>,
    %swap3A_1286 = arith.constant 2 : i32
    %swap3A_1287 = arith.index_cast %swap3A_1286 : i32 to index
    %swap3A_1288 = arith.constant 32 : index
    %swap3A_1289 = tpu.vector_load %arg12[%swap3A_1287, %swap3A_1288] {strides = array<i32>} : memref<8x112xf32, #tpu.memory_space<vmem>>, vector<16xf32>,
    tpu.vector_store %arg12[%swap3A_1287, %swap3A_1288], %gather3A_1285 {strides = array<i32>} : memref<8x112xf32, #tpu.memory_space<vmem>>, vector<16xf32>,
    %add3A_1290 = arith.constant 16 : i32
    %add3A_1291 = vector.broadcast %add3A_1290 : i32 to vector<16xi32>
    %add3A_1292 = arith.addi %iota3A, %add3A_1291 : vector<16xi32>
    %min3A_1293 = arith.constant 31 : i32
    %min3A_1294 = vector.broadcast %min3A_1293 : i32 to vector<16xi32>
    %min3A_1295 = arith.minsi %add3A_1292, %min3A_1294 : vector<16xi32>
    %get3A_1296 = arith.constant 48 : index
    %get3A_1297 = tpu.vector_load %arg8[%get3A_1296] {strides = array<i32>} : memref<112xi32, #tpu.memory_space<vmem>>, vector<16xi32>,
    %gather3A_1298 = arith.constant 3 : i32
    %gather3A_1299 = arith.constant 0 : i32
    %gather3A_1300 = arith.constant 0 : i32
    %gather3A_1301 = tpu.memref_slice %arg11[%gather3A_1298, %gather3A_1299, %gather3A_1300] : memref<6x32x256xf32, #tpu.memory_space<vmem>> -> memref<1x32x256xf32, #tpu.memory_space<vmem>>
    %gather3A_1302 = tpu.memref_squeeze %gather3A_1301 : memref<1x32x256xf32, #tpu.memory_space<vmem>> -> memref<32x256xf32, #tpu.memory_space<vmem>>
    %gather3A_1303 = tpu.vector_load_idx %gather3A_1302[%min3A_1295, %get3A_1297] : memref<32x256xf32, #tpu.memory_space<vmem>>[vector<16xi32>, vector<16xi32>], vector<16xf32>,
    %swap3A_1304 = arith.constant 2 : i32
    %swap3A_1305 = arith.index_cast %swap3A_1304 : i32 to index
    %swap3A_1306 = arith.constant 48 : index
    %swap3A_1307 = tpu.vector_load %arg12[%swap3A_1305, %swap3A_1306] {strides = array<i32>} : memref<8x112xf32, #tpu.memory_space<vmem>>, vector<16xf32>,
    tpu.vector_store %arg12[%swap3A_1305, %swap3A_1306], %gather3A_1303 {strides = array<i32>} : memref<8x112xf32, #tpu.memory_space<vmem>>, vector<16xf32>,
    %dma_start3A_1308 = arith.constant 3 : i32
    %dma_start3A_1309 = arith.constant 3 : i32
    %dma_start3A_1310 = arith.constant 0 : i32
    %dma_start3A_1311 = arith.constant 0 : i32
    %dma_start3A_1312 = tpu.memref_slice %arg11[%dma_start3A_1309, %dma_start3A_1310, %dma_start3A_1311] : memref<6x32x256xf32, #tpu.memory_space<vmem>> -> memref<1x8x256xf32, #tpu.memory_space<vmem>>
    %dma_start3A_1313 = tpu.memref_squeeze %dma_start3A_1312 : memref<1x8x256xf32, #tpu.memory_space<vmem>> -> memref<8x256xf32, #tpu.memory_space<vmem>>
    %dma_start3A_1314 = arith.constant 96 : i32
    %dma_start3A_1315 = tpu.memref_slice %arg7[%dma_start3A_1308, %dma_start3A_1314] : memref<7x112xi32, #tpu.memory_space<vmem>> -> memref<1x8xi32, #tpu.memory_space<vmem>>
    %dma_start3A_1316 = tpu.memref_squeeze %dma_start3A_1315 : memref<1x8xi32, #tpu.memory_space<vmem>> -> memref<8xi32, #tpu.memory_space<vmem>>
    %dma_start3A_1317 = arith.constant 0 : i32
    %dma_start3A_1318 = arith.constant 0 : i32
    %dma_start3A_1319 = tpu.memref_slice %arg2[%dma_start3A_1317, %dma_start3A_1318] : memref<57344x256xf32, #tpu.memory_space<hbm>> -> memref<57344x256xf32, #tpu.memory_space<hbm>>
    tpu.enqueue_indirect_dma source(%dma_start3A_1319 : memref<57344x256xf32, #tpu.memory_space<hbm>>) target(%dma_start3A_1313 : memref<8x256xf32, #tpu.memory_space<vmem>>) offsets(%dma_start3A_1316 : memref<8xi32, #tpu.memory_space<vmem>>) semaphore(%arg16 : memref<!tpu.dma_semaphore, #tpu.memory_space<semaphore_mem>>)
    %dma_wait3A_1320 = arith.constant 2 : i32
    %dma_wait3A_1321 = arith.constant 4 : i32
    %dma_wait3A_1322 = arith.constant 0 : i32
    %dma_wait3A_1323 = arith.constant 0 : i32
    %dma_wait3A_1324 = tpu.memref_slice %arg11[%dma_wait3A_1321, %dma_wait3A_1322, %dma_wait3A_1323] : memref<6x32x256xf32, #tpu.memory_space<vmem>> -> memref<1x32x256xf32, #tpu.memory_space<vmem>>
    %dma_wait3A_1325 = tpu.memref_squeeze %dma_wait3A_1324 : memref<1x32x256xf32, #tpu.memory_space<vmem>> -> memref<32x256xf32, #tpu.memory_space<vmem>>
    %dma_wait3A_1326 = arith.constant 64 : i32
    %dma_wait3A_1327 = tpu.memref_slice %arg7[%dma_wait3A_1320, %dma_wait3A_1326] : memref<7x112xi32, #tpu.memory_space<vmem>> -> memref<1x32xi32, #tpu.memory_space<vmem>>
    %dma_wait3A_1328 = tpu.memref_squeeze %dma_wait3A_1327 : memref<1x32xi32, #tpu.memory_space<vmem>> -> memref<32xi32, #tpu.memory_space<vmem>>
    %dma_wait3A_1329 = arith.constant 0 : i32
    %dma_wait3A_1330 = arith.constant 0 : i32
    %dma_wait3A_1331 = tpu.memref_slice %arg2[%dma_wait3A_1329, %dma_wait3A_1330] : memref<57344x256xf32, #tpu.memory_space<hbm>> -> memref<57344x256xf32, #tpu.memory_space<hbm>>
    tpu.wait_indirect_dma semaphore(%arg17 : memref<!tpu.dma_semaphore, #tpu.memory_space<semaphore_mem>>) src(%dma_wait3A_1331 : memref<57344x256xf32, #tpu.memory_space<hbm>>) dst(%dma_wait3A_1325 : memref<32x256xf32, #tpu.memory_space<vmem>>)
    %add3A_1332 = arith.constant 0 : i32
    %add3A_1333 = vector.broadcast %add3A_1332 : i32 to vector<16xi32>
    %add3A_1334 = arith.addi %iota3A, %add3A_1333 : vector<16xi32>
    %min3A_1335 = arith.constant 31 : i32
    %min3A_1336 = vector.broadcast %min3A_1335 : i32 to vector<16xi32>
    %min3A_1337 = arith.minsi %add3A_1334, %min3A_1336 : vector<16xi32>
    %get3A_1338 = arith.constant 64 : index
    %get3A_1339 = tpu.vector_load %arg8[%get3A_1338] {strides = array<i32>} : memref<112xi32, #tpu.memory_space<vmem>>, vector<16xi32>,
    %gather3A_1340 = arith.constant 4 : i32
    %gather3A_1341 = arith.constant 0 : i32
    %gather3A_1342 = arith.constant 0 : i32
    %gather3A_1343 = tpu.memref_slice %arg11[%gather3A_1340, %gather3A_1341, %gather3A_1342] : memref<6x32x256xf32, #tpu.memory_space<vmem>> -> memref<1x32x256xf32, #tpu.memory_space<vmem>>
    %gather3A_1344 = tpu.memref_squeeze %gather3A_1343 : memref<1x32x256xf32, #tpu.memory_space<vmem>> -> memref<32x256xf32, #tpu.memory_space<vmem>>
    %gather3A_1345 = tpu.vector_load_idx %gather3A_1344[%min3A_1337, %get3A_1339] : memref<32x256xf32, #tpu.memory_space<vmem>>[vector<16xi32>, vector<16xi32>], vector<16xf32>,
    %swap3A_1346 = arith.constant 2 : i32
    %swap3A_1347 = arith.index_cast %swap3A_1346 : i32 to index
    %swap3A_1348 = arith.constant 64 : index
    %swap3A_1349 = tpu.vector_load %arg12[%swap3A_1347, %swap3A_1348] {strides = array<i32>} : memref<8x112xf32, #tpu.memory_space<vmem>>, vector<16xf32>,
    tpu.vector_store %arg12[%swap3A_1347, %swap3A_1348], %gather3A_1345 {strides = array<i32>} : memref<8x112xf32, #tpu.memory_space<vmem>>, vector<16xf32>,
    %add3A_1350 = arith.constant 16 : i32
    %add3A_1351 = vector.broadcast %add3A_1350 : i32 to vector<16xi32>
    %add3A_1352 = arith.addi %iota3A, %add3A_1351 : vector<16xi32>
    %min3A_1353 = arith.constant 31 : i32
    %min3A_1354 = vector.broadcast %min3A_1353 : i32 to vector<16xi32>
    %min3A_1355 = arith.minsi %add3A_1352, %min3A_1354 : vector<16xi32>
    %get3A_1356 = arith.constant 80 : index
    %get3A_1357 = tpu.vector_load %arg8[%get3A_1356] {strides = array<i32>} : memref<112xi32, #tpu.memory_space<vmem>>, vector<16xi32>,
    %gather3A_1358 = arith.constant 4 : i32
    %gather3A_1359 = arith.constant 0 : i32
    %gather3A_1360 = arith.constant 0 : i32
    %gather3A_1361 = tpu.memref_slice %arg11[%gather3A_1358, %gather3A_1359, %gather3A_1360] : memref<6x32x256xf32, #tpu.memory_space<vmem>> -> memref<1x32x256xf32, #tpu.memory_space<vmem>>
    %gather3A_1362 = tpu.memref_squeeze %gather3A_1361 : memref<1x32x256xf32, #tpu.memory_space<vmem>> -> memref<32x256xf32, #tpu.memory_space<vmem>>
    %gather3A_1363 = tpu.vector_load_idx %gather3A_1362[%min3A_1355, %get3A_1357] : memref<32x256xf32, #tpu.memory_space<vmem>>[vector<16xi32>, vector<16xi32>], vector<16xf32>,
    %swap3A_1364 = arith.constant 2 : i32
    %swap3A_1365 = arith.index_cast %swap3A_1364 : i32 to index
    %swap3A_1366 = arith.constant 80 : index
    %swap3A_1367 = tpu.vector_load %arg12[%swap3A_1365, %swap3A_1366] {strides = array<i32>} : memref<8x112xf32, #tpu.memory_space<vmem>>, vector<16xf32>,
    tpu.vector_store %arg12[%swap3A_1365, %swap3A_1366], %gather3A_1363 {strides = array<i32>} : memref<8x112xf32, #tpu.memory_space<vmem>>, vector<16xf32>,
    %dma_start3A_1368 = arith.constant 4 : i32
    %dma_start3A_1369 = arith.constant 4 : i32
    %dma_start3A_1370 = arith.constant 0 : i32
    %dma_start3A_1371 = arith.constant 0 : i32
    %dma_start3A_1372 = tpu.memref_slice %arg11[%dma_start3A_1369, %dma_start3A_1370, %dma_start3A_1371] : memref<6x32x256xf32, #tpu.memory_space<vmem>> -> memref<1x32x256xf32, #tpu.memory_space<vmem>>
    %dma_start3A_1373 = tpu.memref_squeeze %dma_start3A_1372 : memref<1x32x256xf32, #tpu.memory_space<vmem>> -> memref<32x256xf32, #tpu.memory_space<vmem>>
    %dma_start3A_1374 = arith.constant 0 : i32
    %dma_start3A_1375 = tpu.memref_slice %arg7[%dma_start3A_1368, %dma_start3A_1374] : memref<7x112xi32, #tpu.memory_space<vmem>> -> memref<1x32xi32, #tpu.memory_space<vmem>>
    %dma_start3A_1376 = tpu.memref_squeeze %dma_start3A_1375 : memref<1x32xi32, #tpu.memory_space<vmem>> -> memref<32xi32, #tpu.memory_space<vmem>>
    %dma_start3A_1377 = arith.constant 0 : i32
    %dma_start3A_1378 = arith.constant 0 : i32
    %dma_start3A_1379 = tpu.memref_slice %arg2[%dma_start3A_1377, %dma_start3A_1378] : memref<57344x256xf32, #tpu.memory_space<hbm>> -> memref<57344x256xf32, #tpu.memory_space<hbm>>
    tpu.enqueue_indirect_dma source(%dma_start3A_1379 : memref<57344x256xf32, #tpu.memory_space<hbm>>) target(%dma_start3A_1373 : memref<32x256xf32, #tpu.memory_space<vmem>>) offsets(%dma_start3A_1376 : memref<32xi32, #tpu.memory_space<vmem>>) semaphore(%arg17 : memref<!tpu.dma_semaphore, #tpu.memory_space<semaphore_mem>>)
    %dma_wait3A_1380 = arith.constant 2 : i32
    %dma_wait3A_1381 = arith.constant 5 : i32
    %dma_wait3A_1382 = arith.constant 0 : i32
    %dma_wait3A_1383 = arith.constant 0 : i32
    %dma_wait3A_1384 = tpu.memref_slice %arg11[%dma_wait3A_1381, %dma_wait3A_1382, %dma_wait3A_1383] : memref<6x32x256xf32, #tpu.memory_space<vmem>> -> memref<1x8x256xf32, #tpu.memory_space<vmem>>
    %dma_wait3A_1385 = tpu.memref_squeeze %dma_wait3A_1384 : memref<1x8x256xf32, #tpu.memory_space<vmem>> -> memref<8x256xf32, #tpu.memory_space<vmem>>
    %dma_wait3A_1386 = arith.constant 96 : i32
    %dma_wait3A_1387 = tpu.memref_slice %arg7[%dma_wait3A_1380, %dma_wait3A_1386] : memref<7x112xi32, #tpu.memory_space<vmem>> -> memref<1x8xi32, #tpu.memory_space<vmem>>
    %dma_wait3A_1388 = tpu.memref_squeeze %dma_wait3A_1387 : memref<1x8xi32, #tpu.memory_space<vmem>> -> memref<8xi32, #tpu.memory_space<vmem>>
    %dma_wait3A_1389 = arith.constant 0 : i32
    %dma_wait3A_1390 = arith.constant 0 : i32
    %dma_wait3A_1391 = tpu.memref_slice %arg2[%dma_wait3A_1389, %dma_wait3A_1390] : memref<57344x256xf32, #tpu.memory_space<hbm>> -> memref<57344x256xf32, #tpu.memory_space<hbm>>
    tpu.wait_indirect_dma semaphore(%arg18 : memref<!tpu.dma_semaphore, #tpu.memory_space<semaphore_mem>>) src(%dma_wait3A_1391 : memref<57344x256xf32, #tpu.memory_space<hbm>>) dst(%dma_wait3A_1385 : memref<8x256xf32, #tpu.memory_space<vmem>>)
    %add3A_1392 = arith.constant 0 : i32
    %add3A_1393 = vector.broadcast %add3A_1392 : i32 to vector<16xi32>
    %add3A_1394 = arith.addi %iota3A, %add3A_1393 : vector<16xi32>
    %min3A_1395 = arith.constant 7 : i32
    %min3A_1396 = vector.broadcast %min3A_1395 : i32 to vector<16xi32>
    %min3A_1397 = arith.minsi %add3A_1394, %min3A_1396 : vector<16xi32>
    %get3A_1398 = arith.constant 96 : index
    %get3A_1399 = tpu.vector_load %arg8[%get3A_1398] {strides = array<i32>} : memref<112xi32, #tpu.memory_space<vmem>>, vector<16xi32>,
    %gather3A_1400 = arith.constant 5 : i32
    %gather3A_1401 = arith.constant 0 : i32
    %gather3A_1402 = arith.constant 0 : i32
    %gather3A_1403 = tpu.memref_slice %arg11[%gather3A_1400, %gather3A_1401, %gather3A_1402] : memref<6x32x256xf32, #tpu.memory_space<vmem>> -> memref<1x32x256xf32, #tpu.memory_space<vmem>>
    %gather3A_1404 = tpu.memref_squeeze %gather3A_1403 : memref<1x32x256xf32, #tpu.memory_space<vmem>> -> memref<32x256xf32, #tpu.memory_space<vmem>>
    %gather3A_1405 = tpu.vector_load_idx %gather3A_1404[%min3A_1397, %get3A_1399] : memref<32x256xf32, #tpu.memory_space<vmem>>[vector<16xi32>, vector<16xi32>], vector<16xf32>,
    %swap3A_1406 = arith.constant 2 : i32
    %swap3A_1407 = arith.index_cast %swap3A_1406 : i32 to index
    %swap3A_1408 = arith.constant 96 : index
    %swap3A_1409 = tpu.vector_load %arg12[%swap3A_1407, %swap3A_1408] {strides = array<i32>} : memref<8x112xf32, #tpu.memory_space<vmem>>, vector<16xf32>,
    tpu.vector_store %arg12[%swap3A_1407, %swap3A_1408], %gather3A_1405 {strides = array<i32>} : memref<8x112xf32, #tpu.memory_space<vmem>>, vector<16xf32>,
    %dma_start3A_1410 = arith.constant 4 : i32
    %dma_start3A_1411 = arith.constant 5 : i32
    %dma_start3A_1412 = arith.constant 0 : i32
    %dma_start3A_1413 = arith.constant 0 : i32
    %dma_start3A_1414 = tpu.memref_slice %arg11[%dma_start3A_1411, %dma_start3A_1412, %dma_start3A_1413] : memref<6x32x256xf32, #tpu.memory_space<vmem>> -> memref<1x32x256xf32, #tpu.memory_space<vmem>>
    %dma_start3A_1415 = tpu.memref_squeeze %dma_start3A_1414 : memref<1x32x256xf32, #tpu.memory_space<vmem>> -> memref<32x256xf32, #tpu.memory_space<vmem>>
    %dma_start3A_1416 = arith.constant 32 : i32
    %dma_start3A_1417 = tpu.memref_slice %arg7[%dma_start3A_1410, %dma_start3A_1416] : memref<7x112xi32, #tpu.memory_space<vmem>> -> memref<1x32xi32, #tpu.memory_space<vmem>>
    %dma_start3A_1418 = tpu.memref_squeeze %dma_start3A_1417 : memref<1x32xi32, #tpu.memory_space<vmem>> -> memref<32xi32, #tpu.memory_space<vmem>>
    %dma_start3A_1419 = arith.constant 0 : i32
    %dma_start3A_1420 = arith.constant 0 : i32
    %dma_start3A_1421 = tpu.memref_slice %arg2[%dma_start3A_1419, %dma_start3A_1420] : memref<57344x256xf32, #tpu.memory_space<hbm>> -> memref<57344x256xf32, #tpu.memory_space<hbm>>
    tpu.enqueue_indirect_dma source(%dma_start3A_1421 : memref<57344x256xf32, #tpu.memory_space<hbm>>) target(%dma_start3A_1415 : memref<32x256xf32, #tpu.memory_space<vmem>>) offsets(%dma_start3A_1418 : memref<32xi32, #tpu.memory_space<vmem>>) semaphore(%arg18 : memref<!tpu.dma_semaphore, #tpu.memory_space<semaphore_mem>>)
    %dma_wait3A_1422 = arith.constant 3 : i32
    %dma_wait3A_1423 = arith.constant 0 : i32
    %dma_wait3A_1424 = arith.constant 0 : i32
    %dma_wait3A_1425 = arith.constant 0 : i32
    %dma_wait3A_1426 = tpu.memref_slice %arg11[%dma_wait3A_1423, %dma_wait3A_1424, %dma_wait3A_1425] : memref<6x32x256xf32, #tpu.memory_space<vmem>> -> memref<1x32x256xf32, #tpu.memory_space<vmem>>
    %dma_wait3A_1427 = tpu.memref_squeeze %dma_wait3A_1426 : memref<1x32x256xf32, #tpu.memory_space<vmem>> -> memref<32x256xf32, #tpu.memory_space<vmem>>
    %dma_wait3A_1428 = arith.constant 0 : i32
    %dma_wait3A_1429 = tpu.memref_slice %arg7[%dma_wait3A_1422, %dma_wait3A_1428] : memref<7x112xi32, #tpu.memory_space<vmem>> -> memref<1x32xi32, #tpu.memory_space<vmem>>
    %dma_wait3A_1430 = tpu.memref_squeeze %dma_wait3A_1429 : memref<1x32xi32, #tpu.memory_space<vmem>> -> memref<32xi32, #tpu.memory_space<vmem>>
    %dma_wait3A_1431 = arith.constant 0 : i32
    %dma_wait3A_1432 = arith.constant 0 : i32
    %dma_wait3A_1433 = tpu.memref_slice %arg2[%dma_wait3A_1431, %dma_wait3A_1432] : memref<57344x256xf32, #tpu.memory_space<hbm>> -> memref<57344x256xf32, #tpu.memory_space<hbm>>
    tpu.wait_indirect_dma semaphore(%arg13 : memref<!tpu.dma_semaphore, #tpu.memory_space<semaphore_mem>>) src(%dma_wait3A_1433 : memref<57344x256xf32, #tpu.memory_space<hbm>>) dst(%dma_wait3A_1427 : memref<32x256xf32, #tpu.memory_space<vmem>>)
    %add3A_1434 = arith.constant 0 : i32
    %add3A_1435 = vector.broadcast %add3A_1434 : i32 to vector<16xi32>
    %add3A_1436 = arith.addi %iota3A, %add3A_1435 : vector<16xi32>
    %min3A_1437 = arith.constant 31 : i32
    %min3A_1438 = vector.broadcast %min3A_1437 : i32 to vector<16xi32>
    %min3A_1439 = arith.minsi %add3A_1436, %min3A_1438 : vector<16xi32>
    %get3A_1440 = arith.constant 0 : index
    %get3A_1441 = tpu.vector_load %arg8[%get3A_1440] {strides = array<i32>} : memref<112xi32, #tpu.memory_space<vmem>>, vector<16xi32>,
    %gather3A_1442 = arith.constant 0 : i32
    %gather3A_1443 = arith.constant 0 : i32
    %gather3A_1444 = arith.constant 0 : i32
    %gather3A_1445 = tpu.memref_slice %arg11[%gather3A_1442, %gather3A_1443, %gather3A_1444] : memref<6x32x256xf32, #tpu.memory_space<vmem>> -> memref<1x32x256xf32, #tpu.memory_space<vmem>>
    %gather3A_1446 = tpu.memref_squeeze %gather3A_1445 : memref<1x32x256xf32, #tpu.memory_space<vmem>> -> memref<32x256xf32, #tpu.memory_space<vmem>>
    %gather3A_1447 = tpu.vector_load_idx %gather3A_1446[%min3A_1439, %get3A_1441] : memref<32x256xf32, #tpu.memory_space<vmem>>[vector<16xi32>, vector<16xi32>], vector<16xf32>,
    %swap3A_1448 = arith.constant 3 : i32
    %swap3A_1449 = arith.index_cast %swap3A_1448 : i32 to index
    %swap3A_1450 = arith.constant 0 : index
    %swap3A_1451 = tpu.vector_load %arg12[%swap3A_1449, %swap3A_1450] {strides = array<i32>} : memref<8x112xf32, #tpu.memory_space<vmem>>, vector<16xf32>,
    tpu.vector_store %arg12[%swap3A_1449, %swap3A_1450], %gather3A_1447 {strides = array<i32>} : memref<8x112xf32, #tpu.memory_space<vmem>>, vector<16xf32>,
    %add3A_1452 = arith.constant 16 : i32
    %add3A_1453 = vector.broadcast %add3A_1452 : i32 to vector<16xi32>
    %add3A_1454 = arith.addi %iota3A, %add3A_1453 : vector<16xi32>
    %min3A_1455 = arith.constant 31 : i32
    %min3A_1456 = vector.broadcast %min3A_1455 : i32 to vector<16xi32>
    %min3A_1457 = arith.minsi %add3A_1454, %min3A_1456 : vector<16xi32>
    %get3A_1458 = arith.constant 16 : index
    %get3A_1459 = tpu.vector_load %arg8[%get3A_1458] {strides = array<i32>} : memref<112xi32, #tpu.memory_space<vmem>>, vector<16xi32>,
    %gather3A_1460 = arith.constant 0 : i32
    %gather3A_1461 = arith.constant 0 : i32
    %gather3A_1462 = arith.constant 0 : i32
    %gather3A_1463 = tpu.memref_slice %arg11[%gather3A_1460, %gather3A_1461, %gather3A_1462] : memref<6x32x256xf32, #tpu.memory_space<vmem>> -> memref<1x32x256xf32, #tpu.memory_space<vmem>>
    %gather3A_1464 = tpu.memref_squeeze %gather3A_1463 : memref<1x32x256xf32, #tpu.memory_space<vmem>> -> memref<32x256xf32, #tpu.memory_space<vmem>>
    %gather3A_1465 = tpu.vector_load_idx %gather3A_1464[%min3A_1457, %get3A_1459] : memref<32x256xf32, #tpu.memory_space<vmem>>[vector<16xi32>, vector<16xi32>], vector<16xf32>,
    %swap3A_1466 = arith.constant 3 : i32
    %swap3A_1467 = arith.index_cast %swap3A_1466 : i32 to index
    %swap3A_1468 = arith.constant 16 : index
    %swap3A_1469 = tpu.vector_load %arg12[%swap3A_1467, %swap3A_1468] {strides = array<i32>} : memref<8x112xf32, #tpu.memory_space<vmem>>, vector<16xf32>,
    tpu.vector_store %arg12[%swap3A_1467, %swap3A_1468], %gather3A_1465 {strides = array<i32>} : memref<8x112xf32, #tpu.memory_space<vmem>>, vector<16xf32>,
    %dma_start3A_1470 = arith.constant 4 : i32
    %dma_start3A_1471 = arith.constant 0 : i32
    %dma_start3A_1472 = arith.constant 0 : i32
    %dma_start3A_1473 = arith.constant 0 : i32
    %dma_start3A_1474 = tpu.memref_slice %arg11[%dma_start3A_1471, %dma_start3A_1472, %dma_start3A_1473] : memref<6x32x256xf32, #tpu.memory_space<vmem>> -> memref<1x32x256xf32, #tpu.memory_space<vmem>>
    %dma_start3A_1475 = tpu.memref_squeeze %dma_start3A_1474 : memref<1x32x256xf32, #tpu.memory_space<vmem>> -> memref<32x256xf32, #tpu.memory_space<vmem>>
    %dma_start3A_1476 = arith.constant 64 : i32
    %dma_start3A_1477 = tpu.memref_slice %arg7[%dma_start3A_1470, %dma_start3A_1476] : memref<7x112xi32, #tpu.memory_space<vmem>> -> memref<1x32xi32, #tpu.memory_space<vmem>>
    %dma_start3A_1478 = tpu.memref_squeeze %dma_start3A_1477 : memref<1x32xi32, #tpu.memory_space<vmem>> -> memref<32xi32, #tpu.memory_space<vmem>>
    %dma_start3A_1479 = arith.constant 0 : i32
    %dma_start3A_1480 = arith.constant 0 : i32
    %dma_start3A_1481 = tpu.memref_slice %arg2[%dma_start3A_1479, %dma_start3A_1480] : memref<57344x256xf32, #tpu.memory_space<hbm>> -> memref<57344x256xf32, #tpu.memory_space<hbm>>
    tpu.enqueue_indirect_dma source(%dma_start3A_1481 : memref<57344x256xf32, #tpu.memory_space<hbm>>) target(%dma_start3A_1475 : memref<32x256xf32, #tpu.memory_space<vmem>>) offsets(%dma_start3A_1478 : memref<32xi32, #tpu.memory_space<vmem>>) semaphore(%arg13 : memref<!tpu.dma_semaphore, #tpu.memory_space<semaphore_mem>>)
    %dma_wait3A_1482 = arith.constant 3 : i32
    %dma_wait3A_1483 = arith.constant 1 : i32
    %dma_wait3A_1484 = arith.constant 0 : i32
    %dma_wait3A_1485 = arith.constant 0 : i32
    %dma_wait3A_1486 = tpu.memref_slice %arg11[%dma_wait3A_1483, %dma_wait3A_1484, %dma_wait3A_1485] : memref<6x32x256xf32, #tpu.memory_space<vmem>> -> memref<1x32x256xf32, #tpu.memory_space<vmem>>
    %dma_wait3A_1487 = tpu.memref_squeeze %dma_wait3A_1486 : memref<1x32x256xf32, #tpu.memory_space<vmem>> -> memref<32x256xf32, #tpu.memory_space<vmem>>
    %dma_wait3A_1488 = arith.constant 32 : i32
    %dma_wait3A_1489 = tpu.memref_slice %arg7[%dma_wait3A_1482, %dma_wait3A_1488] : memref<7x112xi32, #tpu.memory_space<vmem>> -> memref<1x32xi32, #tpu.memory_space<vmem>>
    %dma_wait3A_1490 = tpu.memref_squeeze %dma_wait3A_1489 : memref<1x32xi32, #tpu.memory_space<vmem>> -> memref<32xi32, #tpu.memory_space<vmem>>
    %dma_wait3A_1491 = arith.constant 0 : i32
    %dma_wait3A_1492 = arith.constant 0 : i32
    %dma_wait3A_1493 = tpu.memref_slice %arg2[%dma_wait3A_1491, %dma_wait3A_1492] : memref<57344x256xf32, #tpu.memory_space<hbm>> -> memref<57344x256xf32, #tpu.memory_space<hbm>>
    tpu.wait_indirect_dma semaphore(%arg14 : memref<!tpu.dma_semaphore, #tpu.memory_space<semaphore_mem>>) src(%dma_wait3A_1493 : memref<57344x256xf32, #tpu.memory_space<hbm>>) dst(%dma_wait3A_1487 : memref<32x256xf32, #tpu.memory_space<vmem>>)
    %add3A_1494 = arith.constant 0 : i32
    %add3A_1495 = vector.broadcast %add3A_1494 : i32 to vector<16xi32>
    %add3A_1496 = arith.addi %iota3A, %add3A_1495 : vector<16xi32>
    %min3A_1497 = arith.constant 31 : i32
    %min3A_1498 = vector.broadcast %min3A_1497 : i32 to vector<16xi32>
    %min3A_1499 = arith.minsi %add3A_1496, %min3A_1498 : vector<16xi32>
    %get3A_1500 = arith.constant 32 : index
    %get3A_1501 = tpu.vector_load %arg8[%get3A_1500] {strides = array<i32>} : memref<112xi32, #tpu.memory_space<vmem>>, vector<16xi32>,
    %gather3A_1502 = arith.constant 1 : i32
    %gather3A_1503 = arith.constant 0 : i32
    %gather3A_1504 = arith.constant 0 : i32
    %gather3A_1505 = tpu.memref_slice %arg11[%gather3A_1502, %gather3A_1503, %gather3A_1504] : memref<6x32x256xf32, #tpu.memory_space<vmem>> -> memref<1x32x256xf32, #tpu.memory_space<vmem>>
    %gather3A_1506 = tpu.memref_squeeze %gather3A_1505 : memref<1x32x256xf32, #tpu.memory_space<vmem>> -> memref<32x256xf32, #tpu.memory_space<vmem>>
    %gather3A_1507 = tpu.vector_load_idx %gather3A_1506[%min3A_1499, %get3A_1501] : memref<32x256xf32, #tpu.memory_space<vmem>>[vector<16xi32>, vector<16xi32>], vector<16xf32>,
    %swap3A_1508 = arith.constant 3 : i32
    %swap3A_1509 = arith.index_cast %swap3A_1508 : i32 to index
    %swap3A_1510 = arith.constant 32 : index
    %swap3A_1511 = tpu.vector_load %arg12[%swap3A_1509, %swap3A_1510] {strides = array<i32>} : memref<8x112xf32, #tpu.memory_space<vmem>>, vector<16xf32>,
    tpu.vector_store %arg12[%swap3A_1509, %swap3A_1510], %gather3A_1507 {strides = array<i32>} : memref<8x112xf32, #tpu.memory_space<vmem>>, vector<16xf32>,
    %add3A_1512 = arith.constant 16 : i32
    %add3A_1513 = vector.broadcast %add3A_1512 : i32 to vector<16xi32>
    %add3A_1514 = arith.addi %iota3A, %add3A_1513 : vector<16xi32>
    %min3A_1515 = arith.constant 31 : i32
    %min3A_1516 = vector.broadcast %min3A_1515 : i32 to vector<16xi32>
    %min3A_1517 = arith.minsi %add3A_1514, %min3A_1516 : vector<16xi32>
    %get3A_1518 = arith.constant 48 : index
    %get3A_1519 = tpu.vector_load %arg8[%get3A_1518] {strides = array<i32>} : memref<112xi32, #tpu.memory_space<vmem>>, vector<16xi32>,
    %gather3A_1520 = arith.constant 1 : i32
    %gather3A_1521 = arith.constant 0 : i32
    %gather3A_1522 = arith.constant 0 : i32
    %gather3A_1523 = tpu.memref_slice %arg11[%gather3A_1520, %gather3A_1521, %gather3A_1522] : memref<6x32x256xf32, #tpu.memory_space<vmem>> -> memref<1x32x256xf32, #tpu.memory_space<vmem>>
    %gather3A_1524 = tpu.memref_squeeze %gather3A_1523 : memref<1x32x256xf32, #tpu.memory_space<vmem>> -> memref<32x256xf32, #tpu.memory_space<vmem>>
    %gather3A_1525 = tpu.vector_load_idx %gather3A_1524[%min3A_1517, %get3A_1519] : memref<32x256xf32, #tpu.memory_space<vmem>>[vector<16xi32>, vector<16xi32>], vector<16xf32>,
    %swap3A_1526 = arith.constant 3 : i32
    %swap3A_1527 = arith.index_cast %swap3A_1526 : i32 to index
    %swap3A_1528 = arith.constant 48 : index
    %swap3A_1529 = tpu.vector_load %arg12[%swap3A_1527, %swap3A_1528] {strides = array<i32>} : memref<8x112xf32, #tpu.memory_space<vmem>>, vector<16xf32>,
    tpu.vector_store %arg12[%swap3A_1527, %swap3A_1528], %gather3A_1525 {strides = array<i32>} : memref<8x112xf32, #tpu.memory_space<vmem>>, vector<16xf32>,
    %dma_start3A_1530 = arith.constant 4 : i32
    %dma_start3A_1531 = arith.constant 1 : i32
    %dma_start3A_1532 = arith.constant 0 : i32
    %dma_start3A_1533 = arith.constant 0 : i32
    %dma_start3A_1534 = tpu.memref_slice %arg11[%dma_start3A_1531, %dma_start3A_1532, %dma_start3A_1533] : memref<6x32x256xf32, #tpu.memory_space<vmem>> -> memref<1x8x256xf32, #tpu.memory_space<vmem>>
    %dma_start3A_1535 = tpu.memref_squeeze %dma_start3A_1534 : memref<1x8x256xf32, #tpu.memory_space<vmem>> -> memref<8x256xf32, #tpu.memory_space<vmem>>
    %dma_start3A_1536 = arith.constant 96 : i32
    %dma_start3A_1537 = tpu.memref_slice %arg7[%dma_start3A_1530, %dma_start3A_1536] : memref<7x112xi32, #tpu.memory_space<vmem>> -> memref<1x8xi32, #tpu.memory_space<vmem>>
    %dma_start3A_1538 = tpu.memref_squeeze %dma_start3A_1537 : memref<1x8xi32, #tpu.memory_space<vmem>> -> memref<8xi32, #tpu.memory_space<vmem>>
    %dma_start3A_1539 = arith.constant 0 : i32
    %dma_start3A_1540 = arith.constant 0 : i32
    %dma_start3A_1541 = tpu.memref_slice %arg2[%dma_start3A_1539, %dma_start3A_1540] : memref<57344x256xf32, #tpu.memory_space<hbm>> -> memref<57344x256xf32, #tpu.memory_space<hbm>>
    tpu.enqueue_indirect_dma source(%dma_start3A_1541 : memref<57344x256xf32, #tpu.memory_space<hbm>>) target(%dma_start3A_1535 : memref<8x256xf32, #tpu.memory_space<vmem>>) offsets(%dma_start3A_1538 : memref<8xi32, #tpu.memory_space<vmem>>) semaphore(%arg14 : memref<!tpu.dma_semaphore, #tpu.memory_space<semaphore_mem>>)
    %dma_wait3A_1542 = arith.constant 3 : i32
    %dma_wait3A_1543 = arith.constant 2 : i32
    %dma_wait3A_1544 = arith.constant 0 : i32
    %dma_wait3A_1545 = arith.constant 0 : i32
    %dma_wait3A_1546 = tpu.memref_slice %arg11[%dma_wait3A_1543, %dma_wait3A_1544, %dma_wait3A_1545] : memref<6x32x256xf32, #tpu.memory_space<vmem>> -> memref<1x32x256xf32, #tpu.memory_space<vmem>>
    %dma_wait3A_1547 = tpu.memref_squeeze %dma_wait3A_1546 : memref<1x32x256xf32, #tpu.memory_space<vmem>> -> memref<32x256xf32, #tpu.memory_space<vmem>>
    %dma_wait3A_1548 = arith.constant 64 : i32
    %dma_wait3A_1549 = tpu.memref_slice %arg7[%dma_wait3A_1542, %dma_wait3A_1548] : memref<7x112xi32, #tpu.memory_space<vmem>> -> memref<1x32xi32, #tpu.memory_space<vmem>>
    %dma_wait3A_1550 = tpu.memref_squeeze %dma_wait3A_1549 : memref<1x32xi32, #tpu.memory_space<vmem>> -> memref<32xi32, #tpu.memory_space<vmem>>
    %dma_wait3A_1551 = arith.constant 0 : i32
    %dma_wait3A_1552 = arith.constant 0 : i32
    %dma_wait3A_1553 = tpu.memref_slice %arg2[%dma_wait3A_1551, %dma_wait3A_1552] : memref<57344x256xf32, #tpu.memory_space<hbm>> -> memref<57344x256xf32, #tpu.memory_space<hbm>>
    tpu.wait_indirect_dma semaphore(%arg15 : memref<!tpu.dma_semaphore, #tpu.memory_space<semaphore_mem>>) src(%dma_wait3A_1553 : memref<57344x256xf32, #tpu.memory_space<hbm>>) dst(%dma_wait3A_1547 : memref<32x256xf32, #tpu.memory_space<vmem>>)
    %add3A_1554 = arith.constant 0 : i32
    %add3A_1555 = vector.broadcast %add3A_1554 : i32 to vector<16xi32>
    %add3A_1556 = arith.addi %iota3A, %add3A_1555 : vector<16xi32>
    %min3A_1557 = arith.constant 31 : i32
    %min3A_1558 = vector.broadcast %min3A_1557 : i32 to vector<16xi32>
    %min3A_1559 = arith.minsi %add3A_1556, %min3A_1558 : vector<16xi32>
    %get3A_1560 = arith.constant 64 : index
    %get3A_1561 = tpu.vector_load %arg8[%get3A_1560] {strides = array<i32>} : memref<112xi32, #tpu.memory_space<vmem>>, vector<16xi32>,
    %gather3A_1562 = arith.constant 2 : i32
    %gather3A_1563 = arith.constant 0 : i32
    %gather3A_1564 = arith.constant 0 : i32
    %gather3A_1565 = tpu.memref_slice %arg11[%gather3A_1562, %gather3A_1563, %gather3A_1564] : memref<6x32x256xf32, #tpu.memory_space<vmem>> -> memref<1x32x256xf32, #tpu.memory_space<vmem>>
    %gather3A_1566 = tpu.memref_squeeze %gather3A_1565 : memref<1x32x256xf32, #tpu.memory_space<vmem>> -> memref<32x256xf32, #tpu.memory_space<vmem>>
    %gather3A_1567 = tpu.vector_load_idx %gather3A_1566[%min3A_1559, %get3A_1561] : memref<32x256xf32, #tpu.memory_space<vmem>>[vector<16xi32>, vector<16xi32>], vector<16xf32>,
    %swap3A_1568 = arith.constant 3 : i32
    %swap3A_1569 = arith.index_cast %swap3A_1568 : i32 to index
    %swap3A_1570 = arith.constant 64 : index
    %swap3A_1571 = tpu.vector_load %arg12[%swap3A_1569, %swap3A_1570] {strides = array<i32>} : memref<8x112xf32, #tpu.memory_space<vmem>>, vector<16xf32>,
    tpu.vector_store %arg12[%swap3A_1569, %swap3A_1570], %gather3A_1567 {strides = array<i32>} : memref<8x112xf32, #tpu.memory_space<vmem>>, vector<16xf32>,
    %add3A_1572 = arith.constant 16 : i32
    %add3A_1573 = vector.broadcast %add3A_1572 : i32 to vector<16xi32>
    %add3A_1574 = arith.addi %iota3A, %add3A_1573 : vector<16xi32>
    %min3A_1575 = arith.constant 31 : i32
    %min3A_1576 = vector.broadcast %min3A_1575 : i32 to vector<16xi32>
    %min3A_1577 = arith.minsi %add3A_1574, %min3A_1576 : vector<16xi32>
    %get3A_1578 = arith.constant 80 : index
    %get3A_1579 = tpu.vector_load %arg8[%get3A_1578] {strides = array<i32>} : memref<112xi32, #tpu.memory_space<vmem>>, vector<16xi32>,
    %gather3A_1580 = arith.constant 2 : i32
    %gather3A_1581 = arith.constant 0 : i32
    %gather3A_1582 = arith.constant 0 : i32
    %gather3A_1583 = tpu.memref_slice %arg11[%gather3A_1580, %gather3A_1581, %gather3A_1582] : memref<6x32x256xf32, #tpu.memory_space<vmem>> -> memref<1x32x256xf32, #tpu.memory_space<vmem>>
    %gather3A_1584 = tpu.memref_squeeze %gather3A_1583 : memref<1x32x256xf32, #tpu.memory_space<vmem>> -> memref<32x256xf32, #tpu.memory_space<vmem>>
    %gather3A_1585 = tpu.vector_load_idx %gather3A_1584[%min3A_1577, %get3A_1579] : memref<32x256xf32, #tpu.memory_space<vmem>>[vector<16xi32>, vector<16xi32>], vector<16xf32>,
    %swap3A_1586 = arith.constant 3 : i32
    %swap3A_1587 = arith.index_cast %swap3A_1586 : i32 to index
    %swap3A_1588 = arith.constant 80 : index
    %swap3A_1589 = tpu.vector_load %arg12[%swap3A_1587, %swap3A_1588] {strides = array<i32>} : memref<8x112xf32, #tpu.memory_space<vmem>>, vector<16xf32>,
    tpu.vector_store %arg12[%swap3A_1587, %swap3A_1588], %gather3A_1585 {strides = array<i32>} : memref<8x112xf32, #tpu.memory_space<vmem>>, vector<16xf32>,
    %dma_start3A_1590 = arith.constant 5 : i32
    %dma_start3A_1591 = arith.constant 2 : i32
    %dma_start3A_1592 = arith.constant 0 : i32
    %dma_start3A_1593 = arith.constant 0 : i32
    %dma_start3A_1594 = tpu.memref_slice %arg11[%dma_start3A_1591, %dma_start3A_1592, %dma_start3A_1593] : memref<6x32x256xf32, #tpu.memory_space<vmem>> -> memref<1x32x256xf32, #tpu.memory_space<vmem>>
    %dma_start3A_1595 = tpu.memref_squeeze %dma_start3A_1594 : memref<1x32x256xf32, #tpu.memory_space<vmem>> -> memref<32x256xf32, #tpu.memory_space<vmem>>
    %dma_start3A_1596 = arith.constant 0 : i32
    %dma_start3A_1597 = tpu.memref_slice %arg7[%dma_start3A_1590, %dma_start3A_1596] : memref<7x112xi32, #tpu.memory_space<vmem>> -> memref<1x32xi32, #tpu.memory_space<vmem>>
    %dma_start3A_1598 = tpu.memref_squeeze %dma_start3A_1597 : memref<1x32xi32, #tpu.memory_space<vmem>> -> memref<32xi32, #tpu.memory_space<vmem>>
    %dma_start3A_1599 = arith.constant 0 : i32
    %dma_start3A_1600 = arith.constant 0 : i32
    %dma_start3A_1601 = tpu.memref_slice %arg2[%dma_start3A_1599, %dma_start3A_1600] : memref<57344x256xf32, #tpu.memory_space<hbm>> -> memref<57344x256xf32, #tpu.memory_space<hbm>>
    tpu.enqueue_indirect_dma source(%dma_start3A_1601 : memref<57344x256xf32, #tpu.memory_space<hbm>>) target(%dma_start3A_1595 : memref<32x256xf32, #tpu.memory_space<vmem>>) offsets(%dma_start3A_1598 : memref<32xi32, #tpu.memory_space<vmem>>) semaphore(%arg15 : memref<!tpu.dma_semaphore, #tpu.memory_space<semaphore_mem>>)
    %dma_wait3A_1602 = arith.constant 3 : i32
    %dma_wait3A_1603 = arith.constant 3 : i32
    %dma_wait3A_1604 = arith.constant 0 : i32
    %dma_wait3A_1605 = arith.constant 0 : i32
    %dma_wait3A_1606 = tpu.memref_slice %arg11[%dma_wait3A_1603, %dma_wait3A_1604, %dma_wait3A_1605] : memref<6x32x256xf32, #tpu.memory_space<vmem>> -> memref<1x8x256xf32, #tpu.memory_space<vmem>>
    %dma_wait3A_1607 = tpu.memref_squeeze %dma_wait3A_1606 : memref<1x8x256xf32, #tpu.memory_space<vmem>> -> memref<8x256xf32, #tpu.memory_space<vmem>>
    %dma_wait3A_1608 = arith.constant 96 : i32
    %dma_wait3A_1609 = tpu.memref_slice %arg7[%dma_wait3A_1602, %dma_wait3A_1608] : memref<7x112xi32, #tpu.memory_space<vmem>> -> memref<1x8xi32, #tpu.memory_space<vmem>>
    %dma_wait3A_1610 = tpu.memref_squeeze %dma_wait3A_1609 : memref<1x8xi32, #tpu.memory_space<vmem>> -> memref<8xi32, #tpu.memory_space<vmem>>
    %dma_wait3A_1611 = arith.constant 0 : i32
    %dma_wait3A_1612 = arith.constant 0 : i32
    %dma_wait3A_1613 = tpu.memref_slice %arg2[%dma_wait3A_1611, %dma_wait3A_1612] : memref<57344x256xf32, #tpu.memory_space<hbm>> -> memref<57344x256xf32, #tpu.memory_space<hbm>>
    tpu.wait_indirect_dma semaphore(%arg16 : memref<!tpu.dma_semaphore, #tpu.memory_space<semaphore_mem>>) src(%dma_wait3A_1613 : memref<57344x256xf32, #tpu.memory_space<hbm>>) dst(%dma_wait3A_1607 : memref<8x256xf32, #tpu.memory_space<vmem>>)
    %add3A_1614 = arith.constant 0 : i32
    %add3A_1615 = vector.broadcast %add3A_1614 : i32 to vector<16xi32>
    %add3A_1616 = arith.addi %iota3A, %add3A_1615 : vector<16xi32>
    %min3A_1617 = arith.constant 7 : i32
    %min3A_1618 = vector.broadcast %min3A_1617 : i32 to vector<16xi32>
    %min3A_1619 = arith.minsi %add3A_1616, %min3A_1618 : vector<16xi32>
    %get3A_1620 = arith.constant 96 : index
    %get3A_1621 = tpu.vector_load %arg8[%get3A_1620] {strides = array<i32>} : memref<112xi32, #tpu.memory_space<vmem>>, vector<16xi32>,
    %gather3A_1622 = arith.constant 3 : i32
    %gather3A_1623 = arith.constant 0 : i32
    %gather3A_1624 = arith.constant 0 : i32
    %gather3A_1625 = tpu.memref_slice %arg11[%gather3A_1622, %gather3A_1623, %gather3A_1624] : memref<6x32x256xf32, #tpu.memory_space<vmem>> -> memref<1x32x256xf32, #tpu.memory_space<vmem>>
    %gather3A_1626 = tpu.memref_squeeze %gather3A_1625 : memref<1x32x256xf32, #tpu.memory_space<vmem>> -> memref<32x256xf32, #tpu.memory_space<vmem>>
    %gather3A_1627 = tpu.vector_load_idx %gather3A_1626[%min3A_1619, %get3A_1621] : memref<32x256xf32, #tpu.memory_space<vmem>>[vector<16xi32>, vector<16xi32>], vector<16xf32>,
    %swap3A_1628 = arith.constant 3 : i32
    %swap3A_1629 = arith.index_cast %swap3A_1628 : i32 to index
    %swap3A_1630 = arith.constant 96 : index
    %swap3A_1631 = tpu.vector_load %arg12[%swap3A_1629, %swap3A_1630] {strides = array<i32>} : memref<8x112xf32, #tpu.memory_space<vmem>>, vector<16xf32>,
    tpu.vector_store %arg12[%swap3A_1629, %swap3A_1630], %gather3A_1627 {strides = array<i32>} : memref<8x112xf32, #tpu.memory_space<vmem>>, vector<16xf32>,
    %dma_start3A_1632 = arith.constant 5 : i32
    %dma_start3A_1633 = arith.constant 3 : i32
    %dma_start3A_1634 = arith.constant 0 : i32
    %dma_start3A_1635 = arith.constant 0 : i32
    %dma_start3A_1636 = tpu.memref_slice %arg11[%dma_start3A_1633, %dma_start3A_1634, %dma_start3A_1635] : memref<6x32x256xf32, #tpu.memory_space<vmem>> -> memref<1x32x256xf32, #tpu.memory_space<vmem>>
    %dma_start3A_1637 = tpu.memref_squeeze %dma_start3A_1636 : memref<1x32x256xf32, #tpu.memory_space<vmem>> -> memref<32x256xf32, #tpu.memory_space<vmem>>
    %dma_start3A_1638 = arith.constant 32 : i32
    %dma_start3A_1639 = tpu.memref_slice %arg7[%dma_start3A_1632, %dma_start3A_1638] : memref<7x112xi32, #tpu.memory_space<vmem>> -> memref<1x32xi32, #tpu.memory_space<vmem>>
    %dma_start3A_1640 = tpu.memref_squeeze %dma_start3A_1639 : memref<1x32xi32, #tpu.memory_space<vmem>> -> memref<32xi32, #tpu.memory_space<vmem>>
    %dma_start3A_1641 = arith.constant 0 : i32
    %dma_start3A_1642 = arith.constant 0 : i32
    %dma_start3A_1643 = tpu.memref_slice %arg2[%dma_start3A_1641, %dma_start3A_1642] : memref<57344x256xf32, #tpu.memory_space<hbm>> -> memref<57344x256xf32, #tpu.memory_space<hbm>>
    tpu.enqueue_indirect_dma source(%dma_start3A_1643 : memref<57344x256xf32, #tpu.memory_space<hbm>>) target(%dma_start3A_1637 : memref<32x256xf32, #tpu.memory_space<vmem>>) offsets(%dma_start3A_1640 : memref<32xi32, #tpu.memory_space<vmem>>) semaphore(%arg16 : memref<!tpu.dma_semaphore, #tpu.memory_space<semaphore_mem>>)
    %dma_wait3A_1644 = arith.constant 4 : i32
    %dma_wait3A_1645 = arith.constant 4 : i32
    %dma_wait3A_1646 = arith.constant 0 : i32
    %dma_wait3A_1647 = arith.constant 0 : i32
    %dma_wait3A_1648 = tpu.memref_slice %arg11[%dma_wait3A_1645, %dma_wait3A_1646, %dma_wait3A_1647] : memref<6x32x256xf32, #tpu.memory_space<vmem>> -> memref<1x32x256xf32, #tpu.memory_space<vmem>>
    %dma_wait3A_1649 = tpu.memref_squeeze %dma_wait3A_1648 : memref<1x32x256xf32, #tpu.memory_space<vmem>> -> memref<32x256xf32, #tpu.memory_space<vmem>>
    %dma_wait3A_1650 = arith.constant 0 : i32
    %dma_wait3A_1651 = tpu.memref_slice %arg7[%dma_wait3A_1644, %dma_wait3A_1650] : memref<7x112xi32, #tpu.memory_space<vmem>> -> memref<1x32xi32, #tpu.memory_space<vmem>>
    %dma_wait3A_1652 = tpu.memref_squeeze %dma_wait3A_1651 : memref<1x32xi32, #tpu.memory_space<vmem>> -> memref<32xi32, #tpu.memory_space<vmem>>
    %dma_wait3A_1653 = arith.constant 0 : i32
    %dma_wait3A_1654 = arith.constant 0 : i32
    %dma_wait3A_1655 = tpu.memref_slice %arg2[%dma_wait3A_1653, %dma_wait3A_1654] : memref<57344x256xf32, #tpu.memory_space<hbm>> -> memref<57344x256xf32, #tpu.memory_space<hbm>>
    tpu.wait_indirect_dma semaphore(%arg17 : memref<!tpu.dma_semaphore, #tpu.memory_space<semaphore_mem>>) src(%dma_wait3A_1655 : memref<57344x256xf32, #tpu.memory_space<hbm>>) dst(%dma_wait3A_1649 : memref<32x256xf32, #tpu.memory_space<vmem>>)
    %add3A_1656 = arith.constant 0 : i32
    %add3A_1657 = vector.broadcast %add3A_1656 : i32 to vector<16xi32>
    %add3A_1658 = arith.addi %iota3A, %add3A_1657 : vector<16xi32>
    %min3A_1659 = arith.constant 31 : i32
    %min3A_1660 = vector.broadcast %min3A_1659 : i32 to vector<16xi32>
    %min3A_1661 = arith.minsi %add3A_1658, %min3A_1660 : vector<16xi32>
    %get3A_1662 = arith.constant 0 : index
    %get3A_1663 = tpu.vector_load %arg8[%get3A_1662] {strides = array<i32>} : memref<112xi32, #tpu.memory_space<vmem>>, vector<16xi32>,
    %gather3A_1664 = arith.constant 4 : i32
    %gather3A_1665 = arith.constant 0 : i32
    %gather3A_1666 = arith.constant 0 : i32
    %gather3A_1667 = tpu.memref_slice %arg11[%gather3A_1664, %gather3A_1665, %gather3A_1666] : memref<6x32x256xf32, #tpu.memory_space<vmem>> -> memref<1x32x256xf32, #tpu.memory_space<vmem>>
    %gather3A_1668 = tpu.memref_squeeze %gather3A_1667 : memref<1x32x256xf32, #tpu.memory_space<vmem>> -> memref<32x256xf32, #tpu.memory_space<vmem>>
    %gather3A_1669 = tpu.vector_load_idx %gather3A_1668[%min3A_1661, %get3A_1663] : memref<32x256xf32, #tpu.memory_space<vmem>>[vector<16xi32>, vector<16xi32>], vector<16xf32>,
    %swap3A_1670 = arith.constant 4 : i32
    %swap3A_1671 = arith.index_cast %swap3A_1670 : i32 to index
    %swap3A_1672 = arith.constant 0 : index
    %swap3A_1673 = tpu.vector_load %arg12[%swap3A_1671, %swap3A_1672] {strides = array<i32>} : memref<8x112xf32, #tpu.memory_space<vmem>>, vector<16xf32>,
    tpu.vector_store %arg12[%swap3A_1671, %swap3A_1672], %gather3A_1669 {strides = array<i32>} : memref<8x112xf32, #tpu.memory_space<vmem>>, vector<16xf32>,
    %add3A_1674 = arith.constant 16 : i32
    %add3A_1675 = vector.broadcast %add3A_1674 : i32 to vector<16xi32>
    %add3A_1676 = arith.addi %iota3A, %add3A_1675 : vector<16xi32>
    %min3A_1677 = arith.constant 31 : i32
    %min3A_1678 = vector.broadcast %min3A_1677 : i32 to vector<16xi32>
    %min3A_1679 = arith.minsi %add3A_1676, %min3A_1678 : vector<16xi32>
    %get3A_1680 = arith.constant 16 : index
    %get3A_1681 = tpu.vector_load %arg8[%get3A_1680] {strides = array<i32>} : memref<112xi32, #tpu.memory_space<vmem>>, vector<16xi32>,
    %gather3A_1682 = arith.constant 4 : i32
    %gather3A_1683 = arith.constant 0 : i32
    %gather3A_1684 = arith.constant 0 : i32
    %gather3A_1685 = tpu.memref_slice %arg11[%gather3A_1682, %gather3A_1683, %gather3A_1684] : memref<6x32x256xf32, #tpu.memory_space<vmem>> -> memref<1x32x256xf32, #tpu.memory_space<vmem>>
    %gather3A_1686 = tpu.memref_squeeze %gather3A_1685 : memref<1x32x256xf32, #tpu.memory_space<vmem>> -> memref<32x256xf32, #tpu.memory_space<vmem>>
    %gather3A_1687 = tpu.vector_load_idx %gather3A_1686[%min3A_1679, %get3A_1681] : memref<32x256xf32, #tpu.memory_space<vmem>>[vector<16xi32>, vector<16xi32>], vector<16xf32>,
    %swap3A_1688 = arith.constant 4 : i32
    %swap3A_1689 = arith.index_cast %swap3A_1688 : i32 to index
    %swap3A_1690 = arith.constant 16 : index
    %swap3A_1691 = tpu.vector_load %arg12[%swap3A_1689, %swap3A_1690] {strides = array<i32>} : memref<8x112xf32, #tpu.memory_space<vmem>>, vector<16xf32>,
    tpu.vector_store %arg12[%swap3A_1689, %swap3A_1690], %gather3A_1687 {strides = array<i32>} : memref<8x112xf32, #tpu.memory_space<vmem>>, vector<16xf32>,
    %dma_start3A_1692 = arith.constant 5 : i32
    %dma_start3A_1693 = arith.constant 4 : i32
    %dma_start3A_1694 = arith.constant 0 : i32
    %dma_start3A_1695 = arith.constant 0 : i32
    %dma_start3A_1696 = tpu.memref_slice %arg11[%dma_start3A_1693, %dma_start3A_1694, %dma_start3A_1695] : memref<6x32x256xf32, #tpu.memory_space<vmem>> -> memref<1x32x256xf32, #tpu.memory_space<vmem>>
    %dma_start3A_1697 = tpu.memref_squeeze %dma_start3A_1696 : memref<1x32x256xf32, #tpu.memory_space<vmem>> -> memref<32x256xf32, #tpu.memory_space<vmem>>
    %dma_start3A_1698 = arith.constant 64 : i32
    %dma_start3A_1699 = tpu.memref_slice %arg7[%dma_start3A_1692, %dma_start3A_1698] : memref<7x112xi32, #tpu.memory_space<vmem>> -> memref<1x32xi32, #tpu.memory_space<vmem>>
    %dma_start3A_1700 = tpu.memref_squeeze %dma_start3A_1699 : memref<1x32xi32, #tpu.memory_space<vmem>> -> memref<32xi32, #tpu.memory_space<vmem>>
    %dma_start3A_1701 = arith.constant 0 : i32
    %dma_start3A_1702 = arith.constant 0 : i32
    %dma_start3A_1703 = tpu.memref_slice %arg2[%dma_start3A_1701, %dma_start3A_1702] : memref<57344x256xf32, #tpu.memory_space<hbm>> -> memref<57344x256xf32, #tpu.memory_space<hbm>>
    tpu.enqueue_indirect_dma source(%dma_start3A_1703 : memref<57344x256xf32, #tpu.memory_space<hbm>>) target(%dma_start3A_1697 : memref<32x256xf32, #tpu.memory_space<vmem>>) offsets(%dma_start3A_1700 : memref<32xi32, #tpu.memory_space<vmem>>) semaphore(%arg17 : memref<!tpu.dma_semaphore, #tpu.memory_space<semaphore_mem>>)
    %dma_wait3A_1704 = arith.constant 4 : i32
    %dma_wait3A_1705 = arith.constant 5 : i32
    %dma_wait3A_1706 = arith.constant 0 : i32
    %dma_wait3A_1707 = arith.constant 0 : i32
    %dma_wait3A_1708 = tpu.memref_slice %arg11[%dma_wait3A_1705, %dma_wait3A_1706, %dma_wait3A_1707] : memref<6x32x256xf32, #tpu.memory_space<vmem>> -> memref<1x32x256xf32, #tpu.memory_space<vmem>>
    %dma_wait3A_1709 = tpu.memref_squeeze %dma_wait3A_1708 : memref<1x32x256xf32, #tpu.memory_space<vmem>> -> memref<32x256xf32, #tpu.memory_space<vmem>>
    %dma_wait3A_1710 = arith.constant 32 : i32
    %dma_wait3A_1711 = tpu.memref_slice %arg7[%dma_wait3A_1704, %dma_wait3A_1710] : memref<7x112xi32, #tpu.memory_space<vmem>> -> memref<1x32xi32, #tpu.memory_space<vmem>>
    %dma_wait3A_1712 = tpu.memref_squeeze %dma_wait3A_1711 : memref<1x32xi32, #tpu.memory_space<vmem>> -> memref<32xi32, #tpu.memory_space<vmem>>
    %dma_wait3A_1713 = arith.constant 0 : i32
    %dma_wait3A_1714 = arith.constant 0 : i32
    %dma_wait3A_1715 = tpu.memref_slice %arg2[%dma_wait3A_1713, %dma_wait3A_1714] : memref<57344x256xf32, #tpu.memory_space<hbm>> -> memref<57344x256xf32, #tpu.memory_space<hbm>>
    tpu.wait_indirect_dma semaphore(%arg18 : memref<!tpu.dma_semaphore, #tpu.memory_space<semaphore_mem>>) src(%dma_wait3A_1715 : memref<57344x256xf32, #tpu.memory_space<hbm>>) dst(%dma_wait3A_1709 : memref<32x256xf32, #tpu.memory_space<vmem>>)
    %add3A_1716 = arith.constant 0 : i32
    %add3A_1717 = vector.broadcast %add3A_1716 : i32 to vector<16xi32>
    %add3A_1718 = arith.addi %iota3A, %add3A_1717 : vector<16xi32>
    %min3A_1719 = arith.constant 31 : i32
    %min3A_1720 = vector.broadcast %min3A_1719 : i32 to vector<16xi32>
    %min3A_1721 = arith.minsi %add3A_1718, %min3A_1720 : vector<16xi32>
    %get3A_1722 = arith.constant 32 : index
    %get3A_1723 = tpu.vector_load %arg8[%get3A_1722] {strides = array<i32>} : memref<112xi32, #tpu.memory_space<vmem>>, vector<16xi32>,
    %gather3A_1724 = arith.constant 5 : i32
    %gather3A_1725 = arith.constant 0 : i32
    %gather3A_1726 = arith.constant 0 : i32
    %gather3A_1727 = tpu.memref_slice %arg11[%gather3A_1724, %gather3A_1725, %gather3A_1726] : memref<6x32x256xf32, #tpu.memory_space<vmem>> -> memref<1x32x256xf32, #tpu.memory_space<vmem>>
    %gather3A_1728 = tpu.memref_squeeze %gather3A_1727 : memref<1x32x256xf32, #tpu.memory_space<vmem>> -> memref<32x256xf32, #tpu.memory_space<vmem>>
    %gather3A_1729 = tpu.vector_load_idx %gather3A_1728[%min3A_1721, %get3A_1723] : memref<32x256xf32, #tpu.memory_space<vmem>>[vector<16xi32>, vector<16xi32>], vector<16xf32>,
    %swap3A_1730 = arith.constant 4 : i32
    %swap3A_1731 = arith.index_cast %swap3A_1730 : i32 to index
    %swap3A_1732 = arith.constant 32 : index
    %swap3A_1733 = tpu.vector_load %arg12[%swap3A_1731, %swap3A_1732] {strides = array<i32>} : memref<8x112xf32, #tpu.memory_space<vmem>>, vector<16xf32>,
    tpu.vector_store %arg12[%swap3A_1731, %swap3A_1732], %gather3A_1729 {strides = array<i32>} : memref<8x112xf32, #tpu.memory_space<vmem>>, vector<16xf32>,
    %add3A_1734 = arith.constant 16 : i32
    %add3A_1735 = vector.broadcast %add3A_1734 : i32 to vector<16xi32>
    %add3A_1736 = arith.addi %iota3A, %add3A_1735 : vector<16xi32>
    %min3A_1737 = arith.constant 31 : i32
    %min3A_1738 = vector.broadcast %min3A_1737 : i32 to vector<16xi32>
    %min3A_1739 = arith.minsi %add3A_1736, %min3A_1738 : vector<16xi32>
    %get3A_1740 = arith.constant 48 : index
    %get3A_1741 = tpu.vector_load %arg8[%get3A_1740] {strides = array<i32>} : memref<112xi32, #tpu.memory_space<vmem>>, vector<16xi32>,
    %gather3A_1742 = arith.constant 5 : i32
    %gather3A_1743 = arith.constant 0 : i32
    %gather3A_1744 = arith.constant 0 : i32
    %gather3A_1745 = tpu.memref_slice %arg11[%gather3A_1742, %gather3A_1743, %gather3A_1744] : memref<6x32x256xf32, #tpu.memory_space<vmem>> -> memref<1x32x256xf32, #tpu.memory_space<vmem>>
    %gather3A_1746 = tpu.memref_squeeze %gather3A_1745 : memref<1x32x256xf32, #tpu.memory_space<vmem>> -> memref<32x256xf32, #tpu.memory_space<vmem>>
    %gather3A_1747 = tpu.vector_load_idx %gather3A_1746[%min3A_1739, %get3A_1741] : memref<32x256xf32, #tpu.memory_space<vmem>>[vector<16xi32>, vector<16xi32>], vector<16xf32>,
    %swap3A_1748 = arith.constant 4 : i32
    %swap3A_1749 = arith.index_cast %swap3A_1748 : i32 to index
    %swap3A_1750 = arith.constant 48 : index
    %swap3A_1751 = tpu.vector_load %arg12[%swap3A_1749, %swap3A_1750] {strides = array<i32>} : memref<8x112xf32, #tpu.memory_space<vmem>>, vector<16xf32>,
    tpu.vector_store %arg12[%swap3A_1749, %swap3A_1750], %gather3A_1747 {strides = array<i32>} : memref<8x112xf32, #tpu.memory_space<vmem>>, vector<16xf32>,
    %dma_start3A_1752 = arith.constant 5 : i32
    %dma_start3A_1753 = arith.constant 5 : i32
    %dma_start3A_1754 = arith.constant 0 : i32
    %dma_start3A_1755 = arith.constant 0 : i32
    %dma_start3A_1756 = tpu.memref_slice %arg11[%dma_start3A_1753, %dma_start3A_1754, %dma_start3A_1755] : memref<6x32x256xf32, #tpu.memory_space<vmem>> -> memref<1x8x256xf32, #tpu.memory_space<vmem>>
    %dma_start3A_1757 = tpu.memref_squeeze %dma_start3A_1756 : memref<1x8x256xf32, #tpu.memory_space<vmem>> -> memref<8x256xf32, #tpu.memory_space<vmem>>
    %dma_start3A_1758 = arith.constant 96 : i32
    %dma_start3A_1759 = tpu.memref_slice %arg7[%dma_start3A_1752, %dma_start3A_1758] : memref<7x112xi32, #tpu.memory_space<vmem>> -> memref<1x8xi32, #tpu.memory_space<vmem>>
    %dma_start3A_1760 = tpu.memref_squeeze %dma_start3A_1759 : memref<1x8xi32, #tpu.memory_space<vmem>> -> memref<8xi32, #tpu.memory_space<vmem>>
    %dma_start3A_1761 = arith.constant 0 : i32
    %dma_start3A_1762 = arith.constant 0 : i32
    %dma_start3A_1763 = tpu.memref_slice %arg2[%dma_start3A_1761, %dma_start3A_1762] : memref<57344x256xf32, #tpu.memory_space<hbm>> -> memref<57344x256xf32, #tpu.memory_space<hbm>>
    tpu.enqueue_indirect_dma source(%dma_start3A_1763 : memref<57344x256xf32, #tpu.memory_space<hbm>>) target(%dma_start3A_1757 : memref<8x256xf32, #tpu.memory_space<vmem>>) offsets(%dma_start3A_1760 : memref<8xi32, #tpu.memory_space<vmem>>) semaphore(%arg18 : memref<!tpu.dma_semaphore, #tpu.memory_space<semaphore_mem>>)
    %dma_wait3A_1764 = arith.constant 4 : i32
    %dma_wait3A_1765 = arith.constant 0 : i32
    %dma_wait3A_1766 = arith.constant 0 : i32
    %dma_wait3A_1767 = arith.constant 0 : i32
    %dma_wait3A_1768 = tpu.memref_slice %arg11[%dma_wait3A_1765, %dma_wait3A_1766, %dma_wait3A_1767] : memref<6x32x256xf32, #tpu.memory_space<vmem>> -> memref<1x32x256xf32, #tpu.memory_space<vmem>>
    %dma_wait3A_1769 = tpu.memref_squeeze %dma_wait3A_1768 : memref<1x32x256xf32, #tpu.memory_space<vmem>> -> memref<32x256xf32, #tpu.memory_space<vmem>>
    %dma_wait3A_1770 = arith.constant 64 : i32
    %dma_wait3A_1771 = tpu.memref_slice %arg7[%dma_wait3A_1764, %dma_wait3A_1770] : memref<7x112xi32, #tpu.memory_space<vmem>> -> memref<1x32xi32, #tpu.memory_space<vmem>>
    %dma_wait3A_1772 = tpu.memref_squeeze %dma_wait3A_1771 : memref<1x32xi32, #tpu.memory_space<vmem>> -> memref<32xi32, #tpu.memory_space<vmem>>
    %dma_wait3A_1773 = arith.constant 0 : i32
    %dma_wait3A_1774 = arith.constant 0 : i32
    %dma_wait3A_1775 = tpu.memref_slice %arg2[%dma_wait3A_1773, %dma_wait3A_1774] : memref<57344x256xf32, #tpu.memory_space<hbm>> -> memref<57344x256xf32, #tpu.memory_space<hbm>>
    tpu.wait_indirect_dma semaphore(%arg13 : memref<!tpu.dma_semaphore, #tpu.memory_space<semaphore_mem>>) src(%dma_wait3A_1775 : memref<57344x256xf32, #tpu.memory_space<hbm>>) dst(%dma_wait3A_1769 : memref<32x256xf32, #tpu.memory_space<vmem>>)
    %add3A_1776 = arith.constant 0 : i32
    %add3A_1777 = vector.broadcast %add3A_1776 : i32 to vector<16xi32>
    %add3A_1778 = arith.addi %iota3A, %add3A_1777 : vector<16xi32>
    %min3A_1779 = arith.constant 31 : i32
    %min3A_1780 = vector.broadcast %min3A_1779 : i32 to vector<16xi32>
    %min3A_1781 = arith.minsi %add3A_1778, %min3A_1780 : vector<16xi32>
    %get3A_1782 = arith.constant 64 : index
    %get3A_1783 = tpu.vector_load %arg8[%get3A_1782] {strides = array<i32>} : memref<112xi32, #tpu.memory_space<vmem>>, vector<16xi32>,
    %gather3A_1784 = arith.constant 0 : i32
    %gather3A_1785 = arith.constant 0 : i32
    %gather3A_1786 = arith.constant 0 : i32
    %gather3A_1787 = tpu.memref_slice %arg11[%gather3A_1784, %gather3A_1785, %gather3A_1786] : memref<6x32x256xf32, #tpu.memory_space<vmem>> -> memref<1x32x256xf32, #tpu.memory_space<vmem>>
    %gather3A_1788 = tpu.memref_squeeze %gather3A_1787 : memref<1x32x256xf32, #tpu.memory_space<vmem>> -> memref<32x256xf32, #tpu.memory_space<vmem>>
    %gather3A_1789 = tpu.vector_load_idx %gather3A_1788[%min3A_1781, %get3A_1783] : memref<32x256xf32, #tpu.memory_space<vmem>>[vector<16xi32>, vector<16xi32>], vector<16xf32>,
    %swap3A_1790 = arith.constant 4 : i32
    %swap3A_1791 = arith.index_cast %swap3A_1790 : i32 to index
    %swap3A_1792 = arith.constant 64 : index
    %swap3A_1793 = tpu.vector_load %arg12[%swap3A_1791, %swap3A_1792] {strides = array<i32>} : memref<8x112xf32, #tpu.memory_space<vmem>>, vector<16xf32>,
    tpu.vector_store %arg12[%swap3A_1791, %swap3A_1792], %gather3A_1789 {strides = array<i32>} : memref<8x112xf32, #tpu.memory_space<vmem>>, vector<16xf32>,
    %add3A_1794 = arith.constant 16 : i32
    %add3A_1795 = vector.broadcast %add3A_1794 : i32 to vector<16xi32>
    %add3A_1796 = arith.addi %iota3A, %add3A_1795 : vector<16xi32>
    %min3A_1797 = arith.constant 31 : i32
    %min3A_1798 = vector.broadcast %min3A_1797 : i32 to vector<16xi32>
    %min3A_1799 = arith.minsi %add3A_1796, %min3A_1798 : vector<16xi32>
    %get3A_1800 = arith.constant 80 : index
    %get3A_1801 = tpu.vector_load %arg8[%get3A_1800] {strides = array<i32>} : memref<112xi32, #tpu.memory_space<vmem>>, vector<16xi32>,
    %gather3A_1802 = arith.constant 0 : i32
    %gather3A_1803 = arith.constant 0 : i32
    %gather3A_1804 = arith.constant 0 : i32
    %gather3A_1805 = tpu.memref_slice %arg11[%gather3A_1802, %gather3A_1803, %gather3A_1804] : memref<6x32x256xf32, #tpu.memory_space<vmem>> -> memref<1x32x256xf32, #tpu.memory_space<vmem>>
    %gather3A_1806 = tpu.memref_squeeze %gather3A_1805 : memref<1x32x256xf32, #tpu.memory_space<vmem>> -> memref<32x256xf32, #tpu.memory_space<vmem>>
    %gather3A_1807 = tpu.vector_load_idx %gather3A_1806[%min3A_1799, %get3A_1801] : memref<32x256xf32, #tpu.memory_space<vmem>>[vector<16xi32>, vector<16xi32>], vector<16xf32>,
    %swap3A_1808 = arith.constant 4 : i32
    %swap3A_1809 = arith.index_cast %swap3A_1808 : i32 to index
    %swap3A_1810 = arith.constant 80 : index
    %swap3A_1811 = tpu.vector_load %arg12[%swap3A_1809, %swap3A_1810] {strides = array<i32>} : memref<8x112xf32, #tpu.memory_space<vmem>>, vector<16xf32>,
    tpu.vector_store %arg12[%swap3A_1809, %swap3A_1810], %gather3A_1807 {strides = array<i32>} : memref<8x112xf32, #tpu.memory_space<vmem>>, vector<16xf32>,
    %dma_start3A_1812 = arith.constant 6 : i32
    %dma_start3A_1813 = arith.constant 0 : i32
    %dma_start3A_1814 = arith.constant 0 : i32
    %dma_start3A_1815 = arith.constant 0 : i32
    %dma_start3A_1816 = tpu.memref_slice %arg11[%dma_start3A_1813, %dma_start3A_1814, %dma_start3A_1815] : memref<6x32x256xf32, #tpu.memory_space<vmem>> -> memref<1x32x256xf32, #tpu.memory_space<vmem>>
    %dma_start3A_1817 = tpu.memref_squeeze %dma_start3A_1816 : memref<1x32x256xf32, #tpu.memory_space<vmem>> -> memref<32x256xf32, #tpu.memory_space<vmem>>
    %dma_start3A_1818 = arith.constant 0 : i32
    %dma_start3A_1819 = tpu.memref_slice %arg7[%dma_start3A_1812, %dma_start3A_1818] : memref<7x112xi32, #tpu.memory_space<vmem>> -> memref<1x32xi32, #tpu.memory_space<vmem>>
    %dma_start3A_1820 = tpu.memref_squeeze %dma_start3A_1819 : memref<1x32xi32, #tpu.memory_space<vmem>> -> memref<32xi32, #tpu.memory_space<vmem>>
    %dma_start3A_1821 = arith.constant 0 : i32
    %dma_start3A_1822 = arith.constant 0 : i32
    %dma_start3A_1823 = tpu.memref_slice %arg2[%dma_start3A_1821, %dma_start3A_1822] : memref<57344x256xf32, #tpu.memory_space<hbm>> -> memref<57344x256xf32, #tpu.memory_space<hbm>>
    tpu.enqueue_indirect_dma source(%dma_start3A_1823 : memref<57344x256xf32, #tpu.memory_space<hbm>>) target(%dma_start3A_1817 : memref<32x256xf32, #tpu.memory_space<vmem>>) offsets(%dma_start3A_1820 : memref<32xi32, #tpu.memory_space<vmem>>) semaphore(%arg13 : memref<!tpu.dma_semaphore, #tpu.memory_space<semaphore_mem>>)
    %dma_wait3A_1824 = arith.constant 4 : i32
    %dma_wait3A_1825 = arith.constant 1 : i32
    %dma_wait3A_1826 = arith.constant 0 : i32
    %dma_wait3A_1827 = arith.constant 0 : i32
    %dma_wait3A_1828 = tpu.memref_slice %arg11[%dma_wait3A_1825, %dma_wait3A_1826, %dma_wait3A_1827] : memref<6x32x256xf32, #tpu.memory_space<vmem>> -> memref<1x8x256xf32, #tpu.memory_space<vmem>>
    %dma_wait3A_1829 = tpu.memref_squeeze %dma_wait3A_1828 : memref<1x8x256xf32, #tpu.memory_space<vmem>> -> memref<8x256xf32, #tpu.memory_space<vmem>>
    %dma_wait3A_1830 = arith.constant 96 : i32
    %dma_wait3A_1831 = tpu.memref_slice %arg7[%dma_wait3A_1824, %dma_wait3A_1830] : memref<7x112xi32, #tpu.memory_space<vmem>> -> memref<1x8xi32, #tpu.memory_space<vmem>>
    %dma_wait3A_1832 = tpu.memref_squeeze %dma_wait3A_1831 : memref<1x8xi32, #tpu.memory_space<vmem>> -> memref<8xi32, #tpu.memory_space<vmem>>
    %dma_wait3A_1833 = arith.constant 0 : i32
    %dma_wait3A_1834 = arith.constant 0 : i32
    %dma_wait3A_1835 = tpu.memref_slice %arg2[%dma_wait3A_1833, %dma_wait3A_1834] : memref<57344x256xf32, #tpu.memory_space<hbm>> -> memref<57344x256xf32, #tpu.memory_space<hbm>>
    tpu.wait_indirect_dma semaphore(%arg14 : memref<!tpu.dma_semaphore, #tpu.memory_space<semaphore_mem>>) src(%dma_wait3A_1835 : memref<57344x256xf32, #tpu.memory_space<hbm>>) dst(%dma_wait3A_1829 : memref<8x256xf32, #tpu.memory_space<vmem>>)
    %add3A_1836 = arith.constant 0 : i32
    %add3A_1837 = vector.broadcast %add3A_1836 : i32 to vector<16xi32>
    %add3A_1838 = arith.addi %iota3A, %add3A_1837 : vector<16xi32>
    %min3A_1839 = arith.constant 7 : i32
    %min3A_1840 = vector.broadcast %min3A_1839 : i32 to vector<16xi32>
    %min3A_1841 = arith.minsi %add3A_1838, %min3A_1840 : vector<16xi32>
    %get3A_1842 = arith.constant 96 : index
    %get3A_1843 = tpu.vector_load %arg8[%get3A_1842] {strides = array<i32>} : memref<112xi32, #tpu.memory_space<vmem>>, vector<16xi32>,
    %gather3A_1844 = arith.constant 1 : i32
    %gather3A_1845 = arith.constant 0 : i32
    %gather3A_1846 = arith.constant 0 : i32
    %gather3A_1847 = tpu.memref_slice %arg11[%gather3A_1844, %gather3A_1845, %gather3A_1846] : memref<6x32x256xf32, #tpu.memory_space<vmem>> -> memref<1x32x256xf32, #tpu.memory_space<vmem>>
    %gather3A_1848 = tpu.memref_squeeze %gather3A_1847 : memref<1x32x256xf32, #tpu.memory_space<vmem>> -> memref<32x256xf32, #tpu.memory_space<vmem>>
    %gather3A_1849 = tpu.vector_load_idx %gather3A_1848[%min3A_1841, %get3A_1843] : memref<32x256xf32, #tpu.memory_space<vmem>>[vector<16xi32>, vector<16xi32>], vector<16xf32>,
    %swap3A_1850 = arith.constant 4 : i32
    %swap3A_1851 = arith.index_cast %swap3A_1850 : i32 to index
    %swap3A_1852 = arith.constant 96 : index
    %swap3A_1853 = tpu.vector_load %arg12[%swap3A_1851, %swap3A_1852] {strides = array<i32>} : memref<8x112xf32, #tpu.memory_space<vmem>>, vector<16xf32>,
    tpu.vector_store %arg12[%swap3A_1851, %swap3A_1852], %gather3A_1849 {strides = array<i32>} : memref<8x112xf32, #tpu.memory_space<vmem>>, vector<16xf32>,
    %dma_start3A_1854 = arith.constant 6 : i32
    %dma_start3A_1855 = arith.constant 1 : i32
    %dma_start3A_1856 = arith.constant 0 : i32
    %dma_start3A_1857 = arith.constant 0 : i32
    %dma_start3A_1858 = tpu.memref_slice %arg11[%dma_start3A_1855, %dma_start3A_1856, %dma_start3A_1857] : memref<6x32x256xf32, #tpu.memory_space<vmem>> -> memref<1x32x256xf32, #tpu.memory_space<vmem>>
    %dma_start3A_1859 = tpu.memref_squeeze %dma_start3A_1858 : memref<1x32x256xf32, #tpu.memory_space<vmem>> -> memref<32x256xf32, #tpu.memory_space<vmem>>
    %dma_start3A_1860 = arith.constant 32 : i32
    %dma_start3A_1861 = tpu.memref_slice %arg7[%dma_start3A_1854, %dma_start3A_1860] : memref<7x112xi32, #tpu.memory_space<vmem>> -> memref<1x32xi32, #tpu.memory_space<vmem>>
    %dma_start3A_1862 = tpu.memref_squeeze %dma_start3A_1861 : memref<1x32xi32, #tpu.memory_space<vmem>> -> memref<32xi32, #tpu.memory_space<vmem>>
    %dma_start3A_1863 = arith.constant 0 : i32
    %dma_start3A_1864 = arith.constant 0 : i32
    %dma_start3A_1865 = tpu.memref_slice %arg2[%dma_start3A_1863, %dma_start3A_1864] : memref<57344x256xf32, #tpu.memory_space<hbm>> -> memref<57344x256xf32, #tpu.memory_space<hbm>>
    tpu.enqueue_indirect_dma source(%dma_start3A_1865 : memref<57344x256xf32, #tpu.memory_space<hbm>>) target(%dma_start3A_1859 : memref<32x256xf32, #tpu.memory_space<vmem>>) offsets(%dma_start3A_1862 : memref<32xi32, #tpu.memory_space<vmem>>) semaphore(%arg14 : memref<!tpu.dma_semaphore, #tpu.memory_space<semaphore_mem>>)
    %dma_wait3A_1866 = arith.constant 5 : i32
    %dma_wait3A_1867 = arith.constant 2 : i32
    %dma_wait3A_1868 = arith.constant 0 : i32
    %dma_wait3A_1869 = arith.constant 0 : i32
    %dma_wait3A_1870 = tpu.memref_slice %arg11[%dma_wait3A_1867, %dma_wait3A_1868, %dma_wait3A_1869] : memref<6x32x256xf32, #tpu.memory_space<vmem>> -> memref<1x32x256xf32, #tpu.memory_space<vmem>>
    %dma_wait3A_1871 = tpu.memref_squeeze %dma_wait3A_1870 : memref<1x32x256xf32, #tpu.memory_space<vmem>> -> memref<32x256xf32, #tpu.memory_space<vmem>>
    %dma_wait3A_1872 = arith.constant 0 : i32
    %dma_wait3A_1873 = tpu.memref_slice %arg7[%dma_wait3A_1866, %dma_wait3A_1872] : memref<7x112xi32, #tpu.memory_space<vmem>> -> memref<1x32xi32, #tpu.memory_space<vmem>>
    %dma_wait3A_1874 = tpu.memref_squeeze %dma_wait3A_1873 : memref<1x32xi32, #tpu.memory_space<vmem>> -> memref<32xi32, #tpu.memory_space<vmem>>
    %dma_wait3A_1875 = arith.constant 0 : i32
    %dma_wait3A_1876 = arith.constant 0 : i32
    %dma_wait3A_1877 = tpu.memref_slice %arg2[%dma_wait3A_1875, %dma_wait3A_1876] : memref<57344x256xf32, #tpu.memory_space<hbm>> -> memref<57344x256xf32, #tpu.memory_space<hbm>>
    tpu.wait_indirect_dma semaphore(%arg15 : memref<!tpu.dma_semaphore, #tpu.memory_space<semaphore_mem>>) src(%dma_wait3A_1877 : memref<57344x256xf32, #tpu.memory_space<hbm>>) dst(%dma_wait3A_1871 : memref<32x256xf32, #tpu.memory_space<vmem>>)
    %add3A_1878 = arith.constant 0 : i32
    %add3A_1879 = vector.broadcast %add3A_1878 : i32 to vector<16xi32>
    %add3A_1880 = arith.addi %iota3A, %add3A_1879 : vector<16xi32>
    %min3A_1881 = arith.constant 31 : i32
    %min3A_1882 = vector.broadcast %min3A_1881 : i32 to vector<16xi32>
    %min3A_1883 = arith.minsi %add3A_1880, %min3A_1882 : vector<16xi32>
    %get3A_1884 = arith.constant 0 : index
    %get3A_1885 = tpu.vector_load %arg8[%get3A_1884] {strides = array<i32>} : memref<112xi32, #tpu.memory_space<vmem>>, vector<16xi32>,
    %gather3A_1886 = arith.constant 2 : i32
    %gather3A_1887 = arith.constant 0 : i32
    %gather3A_1888 = arith.constant 0 : i32
    %gather3A_1889 = tpu.memref_slice %arg11[%gather3A_1886, %gather3A_1887, %gather3A_1888] : memref<6x32x256xf32, #tpu.memory_space<vmem>> -> memref<1x32x256xf32, #tpu.memory_space<vmem>>
    %gather3A_1890 = tpu.memref_squeeze %gather3A_1889 : memref<1x32x256xf32, #tpu.memory_space<vmem>> -> memref<32x256xf32, #tpu.memory_space<vmem>>
    %gather3A_1891 = tpu.vector_load_idx %gather3A_1890[%min3A_1883, %get3A_1885] : memref<32x256xf32, #tpu.memory_space<vmem>>[vector<16xi32>, vector<16xi32>], vector<16xf32>,
    %swap3A_1892 = arith.constant 5 : i32
    %swap3A_1893 = arith.index_cast %swap3A_1892 : i32 to index
    %swap3A_1894 = arith.constant 0 : index
    %swap3A_1895 = tpu.vector_load %arg12[%swap3A_1893, %swap3A_1894] {strides = array<i32>} : memref<8x112xf32, #tpu.memory_space<vmem>>, vector<16xf32>,
    tpu.vector_store %arg12[%swap3A_1893, %swap3A_1894], %gather3A_1891 {strides = array<i32>} : memref<8x112xf32, #tpu.memory_space<vmem>>, vector<16xf32>,
    %add3A_1896 = arith.constant 16 : i32
    %add3A_1897 = vector.broadcast %add3A_1896 : i32 to vector<16xi32>
    %add3A_1898 = arith.addi %iota3A, %add3A_1897 : vector<16xi32>
    %min3A_1899 = arith.constant 31 : i32
    %min3A_1900 = vector.broadcast %min3A_1899 : i32 to vector<16xi32>
    %min3A_1901 = arith.minsi %add3A_1898, %min3A_1900 : vector<16xi32>
    %get3A_1902 = arith.constant 16 : index
    %get3A_1903 = tpu.vector_load %arg8[%get3A_1902] {strides = array<i32>} : memref<112xi32, #tpu.memory_space<vmem>>, vector<16xi32>,
    %gather3A_1904 = arith.constant 2 : i32
    %gather3A_1905 = arith.constant 0 : i32
    %gather3A_1906 = arith.constant 0 : i32
    %gather3A_1907 = tpu.memref_slice %arg11[%gather3A_1904, %gather3A_1905, %gather3A_1906] : memref<6x32x256xf32, #tpu.memory_space<vmem>> -> memref<1x32x256xf32, #tpu.memory_space<vmem>>
    %gather3A_1908 = tpu.memref_squeeze %gather3A_1907 : memref<1x32x256xf32, #tpu.memory_space<vmem>> -> memref<32x256xf32, #tpu.memory_space<vmem>>
    %gather3A_1909 = tpu.vector_load_idx %gather3A_1908[%min3A_1901, %get3A_1903] : memref<32x256xf32, #tpu.memory_space<vmem>>[vector<16xi32>, vector<16xi32>], vector<16xf32>,
    %swap3A_1910 = arith.constant 5 : i32
    %swap3A_1911 = arith.index_cast %swap3A_1910 : i32 to index
    %swap3A_1912 = arith.constant 16 : index
    %swap3A_1913 = tpu.vector_load %arg12[%swap3A_1911, %swap3A_1912] {strides = array<i32>} : memref<8x112xf32, #tpu.memory_space<vmem>>, vector<16xf32>,
    tpu.vector_store %arg12[%swap3A_1911, %swap3A_1912], %gather3A_1909 {strides = array<i32>} : memref<8x112xf32, #tpu.memory_space<vmem>>, vector<16xf32>,
    %dma_start3A_1914 = arith.constant 6 : i32
    %dma_start3A_1915 = arith.constant 2 : i32
    %dma_start3A_1916 = arith.constant 0 : i32
    %dma_start3A_1917 = arith.constant 0 : i32
    %dma_start3A_1918 = tpu.memref_slice %arg11[%dma_start3A_1915, %dma_start3A_1916, %dma_start3A_1917] : memref<6x32x256xf32, #tpu.memory_space<vmem>> -> memref<1x32x256xf32, #tpu.memory_space<vmem>>
    %dma_start3A_1919 = tpu.memref_squeeze %dma_start3A_1918 : memref<1x32x256xf32, #tpu.memory_space<vmem>> -> memref<32x256xf32, #tpu.memory_space<vmem>>
    %dma_start3A_1920 = arith.constant 64 : i32
    %dma_start3A_1921 = tpu.memref_slice %arg7[%dma_start3A_1914, %dma_start3A_1920] : memref<7x112xi32, #tpu.memory_space<vmem>> -> memref<1x32xi32, #tpu.memory_space<vmem>>
    %dma_start3A_1922 = tpu.memref_squeeze %dma_start3A_1921 : memref<1x32xi32, #tpu.memory_space<vmem>> -> memref<32xi32, #tpu.memory_space<vmem>>
    %dma_start3A_1923 = arith.constant 0 : i32
    %dma_start3A_1924 = arith.constant 0 : i32
    %dma_start3A_1925 = tpu.memref_slice %arg2[%dma_start3A_1923, %dma_start3A_1924] : memref<57344x256xf32, #tpu.memory_space<hbm>> -> memref<57344x256xf32, #tpu.memory_space<hbm>>
    tpu.enqueue_indirect_dma source(%dma_start3A_1925 : memref<57344x256xf32, #tpu.memory_space<hbm>>) target(%dma_start3A_1919 : memref<32x256xf32, #tpu.memory_space<vmem>>) offsets(%dma_start3A_1922 : memref<32xi32, #tpu.memory_space<vmem>>) semaphore(%arg15 : memref<!tpu.dma_semaphore, #tpu.memory_space<semaphore_mem>>)
    %dma_wait3A_1926 = arith.constant 5 : i32
    %dma_wait3A_1927 = arith.constant 3 : i32
    %dma_wait3A_1928 = arith.constant 0 : i32
    %dma_wait3A_1929 = arith.constant 0 : i32
    %dma_wait3A_1930 = tpu.memref_slice %arg11[%dma_wait3A_1927, %dma_wait3A_1928, %dma_wait3A_1929] : memref<6x32x256xf32, #tpu.memory_space<vmem>> -> memref<1x32x256xf32, #tpu.memory_space<vmem>>
    %dma_wait3A_1931 = tpu.memref_squeeze %dma_wait3A_1930 : memref<1x32x256xf32, #tpu.memory_space<vmem>> -> memref<32x256xf32, #tpu.memory_space<vmem>>
    %dma_wait3A_1932 = arith.constant 32 : i32
    %dma_wait3A_1933 = tpu.memref_slice %arg7[%dma_wait3A_1926, %dma_wait3A_1932] : memref<7x112xi32, #tpu.memory_space<vmem>> -> memref<1x32xi32, #tpu.memory_space<vmem>>
    %dma_wait3A_1934 = tpu.memref_squeeze %dma_wait3A_1933 : memref<1x32xi32, #tpu.memory_space<vmem>> -> memref<32xi32, #tpu.memory_space<vmem>>
    %dma_wait3A_1935 = arith.constant 0 : i32
    %dma_wait3A_1936 = arith.constant 0 : i32
    %dma_wait3A_1937 = tpu.memref_slice %arg2[%dma_wait3A_1935, %dma_wait3A_1936] : memref<57344x256xf32, #tpu.memory_space<hbm>> -> memref<57344x256xf32, #tpu.memory_space<hbm>>
    tpu.wait_indirect_dma semaphore(%arg16 : memref<!tpu.dma_semaphore, #tpu.memory_space<semaphore_mem>>) src(%dma_wait3A_1937 : memref<57344x256xf32, #tpu.memory_space<hbm>>) dst(%dma_wait3A_1931 : memref<32x256xf32, #tpu.memory_space<vmem>>)
    %add3A_1938 = arith.constant 0 : i32
    %add3A_1939 = vector.broadcast %add3A_1938 : i32 to vector<16xi32>
    %add3A_1940 = arith.addi %iota3A, %add3A_1939 : vector<16xi32>
    %min3A_1941 = arith.constant 31 : i32
    %min3A_1942 = vector.broadcast %min3A_1941 : i32 to vector<16xi32>
    %min3A_1943 = arith.minsi %add3A_1940, %min3A_1942 : vector<16xi32>
    %get3A_1944 = arith.constant 32 : index
    %get3A_1945 = tpu.vector_load %arg8[%get3A_1944] {strides = array<i32>} : memref<112xi32, #tpu.memory_space<vmem>>, vector<16xi32>,
    %gather3A_1946 = arith.constant 3 : i32
    %gather3A_1947 = arith.constant 0 : i32
    %gather3A_1948 = arith.constant 0 : i32
    %gather3A_1949 = tpu.memref_slice %arg11[%gather3A_1946, %gather3A_1947, %gather3A_1948] : memref<6x32x256xf32, #tpu.memory_space<vmem>> -> memref<1x32x256xf32, #tpu.memory_space<vmem>>
    %gather3A_1950 = tpu.memref_squeeze %gather3A_1949 : memref<1x32x256xf32, #tpu.memory_space<vmem>> -> memref<32x256xf32, #tpu.memory_space<vmem>>
    %gather3A_1951 = tpu.vector_load_idx %gather3A_1950[%min3A_1943, %get3A_1945] : memref<32x256xf32, #tpu.memory_space<vmem>>[vector<16xi32>, vector<16xi32>], vector<16xf32>,
    %swap3A_1952 = arith.constant 5 : i32
    %swap3A_1953 = arith.index_cast %swap3A_1952 : i32 to index
    %swap3A_1954 = arith.constant 32 : index
    %swap3A_1955 = tpu.vector_load %arg12[%swap3A_1953, %swap3A_1954] {strides = array<i32>} : memref<8x112xf32, #tpu.memory_space<vmem>>, vector<16xf32>,
    tpu.vector_store %arg12[%swap3A_1953, %swap3A_1954], %gather3A_1951 {strides = array<i32>} : memref<8x112xf32, #tpu.memory_space<vmem>>, vector<16xf32>,
    %add3A_1956 = arith.constant 16 : i32
    %add3A_1957 = vector.broadcast %add3A_1956 : i32 to vector<16xi32>
    %add3A_1958 = arith.addi %iota3A, %add3A_1957 : vector<16xi32>
    %min3A_1959 = arith.constant 31 : i32
    %min3A_1960 = vector.broadcast %min3A_1959 : i32 to vector<16xi32>
    %min3A_1961 = arith.minsi %add3A_1958, %min3A_1960 : vector<16xi32>
    %get3A_1962 = arith.constant 48 : index
    %get3A_1963 = tpu.vector_load %arg8[%get3A_1962] {strides = array<i32>} : memref<112xi32, #tpu.memory_space<vmem>>, vector<16xi32>,
    %gather3A_1964 = arith.constant 3 : i32
    %gather3A_1965 = arith.constant 0 : i32
    %gather3A_1966 = arith.constant 0 : i32
    %gather3A_1967 = tpu.memref_slice %arg11[%gather3A_1964, %gather3A_1965, %gather3A_1966] : memref<6x32x256xf32, #tpu.memory_space<vmem>> -> memref<1x32x256xf32, #tpu.memory_space<vmem>>
    %gather3A_1968 = tpu.memref_squeeze %gather3A_1967 : memref<1x32x256xf32, #tpu.memory_space<vmem>> -> memref<32x256xf32, #tpu.memory_space<vmem>>
    %gather3A_1969 = tpu.vector_load_idx %gather3A_1968[%min3A_1961, %get3A_1963] : memref<32x256xf32, #tpu.memory_space<vmem>>[vector<16xi32>, vector<16xi32>], vector<16xf32>,
    %swap3A_1970 = arith.constant 5 : i32
    %swap3A_1971 = arith.index_cast %swap3A_1970 : i32 to index
    %swap3A_1972 = arith.constant 48 : index
    %swap3A_1973 = tpu.vector_load %arg12[%swap3A_1971, %swap3A_1972] {strides = array<i32>} : memref<8x112xf32, #tpu.memory_space<vmem>>, vector<16xf32>,
    tpu.vector_store %arg12[%swap3A_1971, %swap3A_1972], %gather3A_1969 {strides = array<i32>} : memref<8x112xf32, #tpu.memory_space<vmem>>, vector<16xf32>,
    %dma_start3A_1974 = arith.constant 6 : i32
    %dma_start3A_1975 = arith.constant 3 : i32
    %dma_start3A_1976 = arith.constant 0 : i32
    %dma_start3A_1977 = arith.constant 0 : i32
    %dma_start3A_1978 = tpu.memref_slice %arg11[%dma_start3A_1975, %dma_start3A_1976, %dma_start3A_1977] : memref<6x32x256xf32, #tpu.memory_space<vmem>> -> memref<1x8x256xf32, #tpu.memory_space<vmem>>
    %dma_start3A_1979 = tpu.memref_squeeze %dma_start3A_1978 : memref<1x8x256xf32, #tpu.memory_space<vmem>> -> memref<8x256xf32, #tpu.memory_space<vmem>>
    %dma_start3A_1980 = arith.constant 96 : i32
    %dma_start3A_1981 = tpu.memref_slice %arg7[%dma_start3A_1974, %dma_start3A_1980] : memref<7x112xi32, #tpu.memory_space<vmem>> -> memref<1x8xi32, #tpu.memory_space<vmem>>
    %dma_start3A_1982 = tpu.memref_squeeze %dma_start3A_1981 : memref<1x8xi32, #tpu.memory_space<vmem>> -> memref<8xi32, #tpu.memory_space<vmem>>
    %dma_start3A_1983 = arith.constant 0 : i32
    %dma_start3A_1984 = arith.constant 0 : i32
    %dma_start3A_1985 = tpu.memref_slice %arg2[%dma_start3A_1983, %dma_start3A_1984] : memref<57344x256xf32, #tpu.memory_space<hbm>> -> memref<57344x256xf32, #tpu.memory_space<hbm>>
    tpu.enqueue_indirect_dma source(%dma_start3A_1985 : memref<57344x256xf32, #tpu.memory_space<hbm>>) target(%dma_start3A_1979 : memref<8x256xf32, #tpu.memory_space<vmem>>) offsets(%dma_start3A_1982 : memref<8xi32, #tpu.memory_space<vmem>>) semaphore(%arg16 : memref<!tpu.dma_semaphore, #tpu.memory_space<semaphore_mem>>)
    %dma_wait3A_1986 = arith.constant 5 : i32
    %dma_wait3A_1987 = arith.constant 4 : i32
    %dma_wait3A_1988 = arith.constant 0 : i32
    %dma_wait3A_1989 = arith.constant 0 : i32
    %dma_wait3A_1990 = tpu.memref_slice %arg11[%dma_wait3A_1987, %dma_wait3A_1988, %dma_wait3A_1989] : memref<6x32x256xf32, #tpu.memory_space<vmem>> -> memref<1x32x256xf32, #tpu.memory_space<vmem>>
    %dma_wait3A_1991 = tpu.memref_squeeze %dma_wait3A_1990 : memref<1x32x256xf32, #tpu.memory_space<vmem>> -> memref<32x256xf32, #tpu.memory_space<vmem>>
    %dma_wait3A_1992 = arith.constant 64 : i32
    %dma_wait3A_1993 = tpu.memref_slice %arg7[%dma_wait3A_1986, %dma_wait3A_1992] : memref<7x112xi32, #tpu.memory_space<vmem>> -> memref<1x32xi32, #tpu.memory_space<vmem>>
    %dma_wait3A_1994 = tpu.memref_squeeze %dma_wait3A_1993 : memref<1x32xi32, #tpu.memory_space<vmem>> -> memref<32xi32, #tpu.memory_space<vmem>>
    %dma_wait3A_1995 = arith.constant 0 : i32
    %dma_wait3A_1996 = arith.constant 0 : i32
    %dma_wait3A_1997 = tpu.memref_slice %arg2[%dma_wait3A_1995, %dma_wait3A_1996] : memref<57344x256xf32, #tpu.memory_space<hbm>> -> memref<57344x256xf32, #tpu.memory_space<hbm>>
    tpu.wait_indirect_dma semaphore(%arg17 : memref<!tpu.dma_semaphore, #tpu.memory_space<semaphore_mem>>) src(%dma_wait3A_1997 : memref<57344x256xf32, #tpu.memory_space<hbm>>) dst(%dma_wait3A_1991 : memref<32x256xf32, #tpu.memory_space<vmem>>)
    %add3A_1998 = arith.constant 0 : i32
    %add3A_1999 = vector.broadcast %add3A_1998 : i32 to vector<16xi32>
    %add3A_2000 = arith.addi %iota3A, %add3A_1999 : vector<16xi32>
    %min3A_2001 = arith.constant 31 : i32
    %min3A_2002 = vector.broadcast %min3A_2001 : i32 to vector<16xi32>
    %min3A_2003 = arith.minsi %add3A_2000, %min3A_2002 : vector<16xi32>
    %get3A_2004 = arith.constant 64 : index
    %get3A_2005 = tpu.vector_load %arg8[%get3A_2004] {strides = array<i32>} : memref<112xi32, #tpu.memory_space<vmem>>, vector<16xi32>,
    %gather3A_2006 = arith.constant 4 : i32
    %gather3A_2007 = arith.constant 0 : i32
    %gather3A_2008 = arith.constant 0 : i32
    %gather3A_2009 = tpu.memref_slice %arg11[%gather3A_2006, %gather3A_2007, %gather3A_2008] : memref<6x32x256xf32, #tpu.memory_space<vmem>> -> memref<1x32x256xf32, #tpu.memory_space<vmem>>
    %gather3A_2010 = tpu.memref_squeeze %gather3A_2009 : memref<1x32x256xf32, #tpu.memory_space<vmem>> -> memref<32x256xf32, #tpu.memory_space<vmem>>
    %gather3A_2011 = tpu.vector_load_idx %gather3A_2010[%min3A_2003, %get3A_2005] : memref<32x256xf32, #tpu.memory_space<vmem>>[vector<16xi32>, vector<16xi32>], vector<16xf32>,
    %swap3A_2012 = arith.constant 5 : i32
    %swap3A_2013 = arith.index_cast %swap3A_2012 : i32 to index
    %swap3A_2014 = arith.constant 64 : index
    %swap3A_2015 = tpu.vector_load %arg12[%swap3A_2013, %swap3A_2014] {strides = array<i32>} : memref<8x112xf32, #tpu.memory_space<vmem>>, vector<16xf32>,
    tpu.vector_store %arg12[%swap3A_2013, %swap3A_2014], %gather3A_2011 {strides = array<i32>} : memref<8x112xf32, #tpu.memory_space<vmem>>, vector<16xf32>,
    %add3A_2016 = arith.constant 16 : i32
    %add3A_2017 = vector.broadcast %add3A_2016 : i32 to vector<16xi32>
    %add3A_2018 = arith.addi %iota3A, %add3A_2017 : vector<16xi32>
    %min3A_2019 = arith.constant 31 : i32
    %min3A_2020 = vector.broadcast %min3A_2019 : i32 to vector<16xi32>
    %min3A_2021 = arith.minsi %add3A_2018, %min3A_2020 : vector<16xi32>
    %get3A_2022 = arith.constant 80 : index
    %get3A_2023 = tpu.vector_load %arg8[%get3A_2022] {strides = array<i32>} : memref<112xi32, #tpu.memory_space<vmem>>, vector<16xi32>,
    %gather3A_2024 = arith.constant 4 : i32
    %gather3A_2025 = arith.constant 0 : i32
    %gather3A_2026 = arith.constant 0 : i32
    %gather3A_2027 = tpu.memref_slice %arg11[%gather3A_2024, %gather3A_2025, %gather3A_2026] : memref<6x32x256xf32, #tpu.memory_space<vmem>> -> memref<1x32x256xf32, #tpu.memory_space<vmem>>
    %gather3A_2028 = tpu.memref_squeeze %gather3A_2027 : memref<1x32x256xf32, #tpu.memory_space<vmem>> -> memref<32x256xf32, #tpu.memory_space<vmem>>
    %gather3A_2029 = tpu.vector_load_idx %gather3A_2028[%min3A_2021, %get3A_2023] : memref<32x256xf32, #tpu.memory_space<vmem>>[vector<16xi32>, vector<16xi32>], vector<16xf32>,
    %swap3A_2030 = arith.constant 5 : i32
    %swap3A_2031 = arith.index_cast %swap3A_2030 : i32 to index
    %swap3A_2032 = arith.constant 80 : index
    %swap3A_2033 = tpu.vector_load %arg12[%swap3A_2031, %swap3A_2032] {strides = array<i32>} : memref<8x112xf32, #tpu.memory_space<vmem>>, vector<16xf32>,
    tpu.vector_store %arg12[%swap3A_2031, %swap3A_2032], %gather3A_2029 {strides = array<i32>} : memref<8x112xf32, #tpu.memory_space<vmem>>, vector<16xf32>,
    %dma_wait3A_2034 = arith.constant 5 : i32
    %dma_wait3A_2035 = arith.constant 5 : i32
    %dma_wait3A_2036 = arith.constant 0 : i32
    %dma_wait3A_2037 = arith.constant 0 : i32
    %dma_wait3A_2038 = tpu.memref_slice %arg11[%dma_wait3A_2035, %dma_wait3A_2036, %dma_wait3A_2037] : memref<6x32x256xf32, #tpu.memory_space<vmem>> -> memref<1x8x256xf32, #tpu.memory_space<vmem>>
    %dma_wait3A_2039 = tpu.memref_squeeze %dma_wait3A_2038 : memref<1x8x256xf32, #tpu.memory_space<vmem>> -> memref<8x256xf32, #tpu.memory_space<vmem>>
    %dma_wait3A_2040 = arith.constant 96 : i32
    %dma_wait3A_2041 = tpu.memref_slice %arg7[%dma_wait3A_2034, %dma_wait3A_2040] : memref<7x112xi32, #tpu.memory_space<vmem>> -> memref<1x8xi32, #tpu.memory_space<vmem>>
    %dma_wait3A_2042 = tpu.memref_squeeze %dma_wait3A_2041 : memref<1x8xi32, #tpu.memory_space<vmem>> -> memref<8xi32, #tpu.memory_space<vmem>>
    %dma_wait3A_2043 = arith.constant 0 : i32
    %dma_wait3A_2044 = arith.constant 0 : i32
    %dma_wait3A_2045 = tpu.memref_slice %arg2[%dma_wait3A_2043, %dma_wait3A_2044] : memref<57344x256xf32, #tpu.memory_space<hbm>> -> memref<57344x256xf32, #tpu.memory_space<hbm>>
    tpu.wait_indirect_dma semaphore(%arg18 : memref<!tpu.dma_semaphore, #tpu.memory_space<semaphore_mem>>) src(%dma_wait3A_2045 : memref<57344x256xf32, #tpu.memory_space<hbm>>) dst(%dma_wait3A_2039 : memref<8x256xf32, #tpu.memory_space<vmem>>)
    %add3A_2046 = arith.constant 0 : i32
    %add3A_2047 = vector.broadcast %add3A_2046 : i32 to vector<16xi32>
    %add3A_2048 = arith.addi %iota3A, %add3A_2047 : vector<16xi32>
    %min3A_2049 = arith.constant 7 : i32
    %min3A_2050 = vector.broadcast %min3A_2049 : i32 to vector<16xi32>
    %min3A_2051 = arith.minsi %add3A_2048, %min3A_2050 : vector<16xi32>
    %get3A_2052 = arith.constant 96 : index
    %get3A_2053 = tpu.vector_load %arg8[%get3A_2052] {strides = array<i32>} : memref<112xi32, #tpu.memory_space<vmem>>, vector<16xi32>,
    %gather3A_2054 = arith.constant 5 : i32
    %gather3A_2055 = arith.constant 0 : i32
    %gather3A_2056 = arith.constant 0 : i32
    %gather3A_2057 = tpu.memref_slice %arg11[%gather3A_2054, %gather3A_2055, %gather3A_2056] : memref<6x32x256xf32, #tpu.memory_space<vmem>> -> memref<1x32x256xf32, #tpu.memory_space<vmem>>
    %gather3A_2058 = tpu.memref_squeeze %gather3A_2057 : memref<1x32x256xf32, #tpu.memory_space<vmem>> -> memref<32x256xf32, #tpu.memory_space<vmem>>
    %gather3A_2059 = tpu.vector_load_idx %gather3A_2058[%min3A_2051, %get3A_2053] : memref<32x256xf32, #tpu.memory_space<vmem>>[vector<16xi32>, vector<16xi32>], vector<16xf32>,
    %swap3A_2060 = arith.constant 5 : i32
    %swap3A_2061 = arith.index_cast %swap3A_2060 : i32 to index
    %swap3A_2062 = arith.constant 96 : index
    %swap3A_2063 = tpu.vector_load %arg12[%swap3A_2061, %swap3A_2062] {strides = array<i32>} : memref<8x112xf32, #tpu.memory_space<vmem>>, vector<16xf32>,
    tpu.vector_store %arg12[%swap3A_2061, %swap3A_2062], %gather3A_2059 {strides = array<i32>} : memref<8x112xf32, #tpu.memory_space<vmem>>, vector<16xf32>,
    %dma_wait3A_2064 = arith.constant 6 : i32
    %dma_wait3A_2065 = arith.constant 0 : i32
    %dma_wait3A_2066 = arith.constant 0 : i32
    %dma_wait3A_2067 = arith.constant 0 : i32
    %dma_wait3A_2068 = tpu.memref_slice %arg11[%dma_wait3A_2065, %dma_wait3A_2066, %dma_wait3A_2067] : memref<6x32x256xf32, #tpu.memory_space<vmem>> -> memref<1x32x256xf32, #tpu.memory_space<vmem>>
    %dma_wait3A_2069 = tpu.memref_squeeze %dma_wait3A_2068 : memref<1x32x256xf32, #tpu.memory_space<vmem>> -> memref<32x256xf32, #tpu.memory_space<vmem>>
    %dma_wait3A_2070 = arith.constant 0 : i32
    %dma_wait3A_2071 = tpu.memref_slice %arg7[%dma_wait3A_2064, %dma_wait3A_2070] : memref<7x112xi32, #tpu.memory_space<vmem>> -> memref<1x32xi32, #tpu.memory_space<vmem>>
    %dma_wait3A_2072 = tpu.memref_squeeze %dma_wait3A_2071 : memref<1x32xi32, #tpu.memory_space<vmem>> -> memref<32xi32, #tpu.memory_space<vmem>>
    %dma_wait3A_2073 = arith.constant 0 : i32
    %dma_wait3A_2074 = arith.constant 0 : i32
    %dma_wait3A_2075 = tpu.memref_slice %arg2[%dma_wait3A_2073, %dma_wait3A_2074] : memref<57344x256xf32, #tpu.memory_space<hbm>> -> memref<57344x256xf32, #tpu.memory_space<hbm>>
    tpu.wait_indirect_dma semaphore(%arg13 : memref<!tpu.dma_semaphore, #tpu.memory_space<semaphore_mem>>) src(%dma_wait3A_2075 : memref<57344x256xf32, #tpu.memory_space<hbm>>) dst(%dma_wait3A_2069 : memref<32x256xf32, #tpu.memory_space<vmem>>)
    %add3A_2076 = arith.constant 0 : i32
    %add3A_2077 = vector.broadcast %add3A_2076 : i32 to vector<16xi32>
    %add3A_2078 = arith.addi %iota3A, %add3A_2077 : vector<16xi32>
    %min3A_2079 = arith.constant 31 : i32
    %min3A_2080 = vector.broadcast %min3A_2079 : i32 to vector<16xi32>
    %min3A_2081 = arith.minsi %add3A_2078, %min3A_2080 : vector<16xi32>
    %get3A_2082 = arith.constant 0 : index
    %get3A_2083 = tpu.vector_load %arg8[%get3A_2082] {strides = array<i32>} : memref<112xi32, #tpu.memory_space<vmem>>, vector<16xi32>,
    %gather3A_2084 = arith.constant 0 : i32
    %gather3A_2085 = arith.constant 0 : i32
    %gather3A_2086 = arith.constant 0 : i32
    %gather3A_2087 = tpu.memref_slice %arg11[%gather3A_2084, %gather3A_2085, %gather3A_2086] : memref<6x32x256xf32, #tpu.memory_space<vmem>> -> memref<1x32x256xf32, #tpu.memory_space<vmem>>
    %gather3A_2088 = tpu.memref_squeeze %gather3A_2087 : memref<1x32x256xf32, #tpu.memory_space<vmem>> -> memref<32x256xf32, #tpu.memory_space<vmem>>
    %gather3A_2089 = tpu.vector_load_idx %gather3A_2088[%min3A_2081, %get3A_2083] : memref<32x256xf32, #tpu.memory_space<vmem>>[vector<16xi32>, vector<16xi32>], vector<16xf32>,
    %swap3A_2090 = arith.constant 6 : i32
    %swap3A_2091 = arith.index_cast %swap3A_2090 : i32 to index
    %swap3A_2092 = arith.constant 0 : index
    %swap3A_2093 = tpu.vector_load %arg12[%swap3A_2091, %swap3A_2092] {strides = array<i32>} : memref<8x112xf32, #tpu.memory_space<vmem>>, vector<16xf32>,
    tpu.vector_store %arg12[%swap3A_2091, %swap3A_2092], %gather3A_2089 {strides = array<i32>} : memref<8x112xf32, #tpu.memory_space<vmem>>, vector<16xf32>,
    %add3A_2094 = arith.constant 16 : i32
    %add3A_2095 = vector.broadcast %add3A_2094 : i32 to vector<16xi32>
    %add3A_2096 = arith.addi %iota3A, %add3A_2095 : vector<16xi32>
    %min3A_2097 = arith.constant 31 : i32
    %min3A_2098 = vector.broadcast %min3A_2097 : i32 to vector<16xi32>
    %min3A_2099 = arith.minsi %add3A_2096, %min3A_2098 : vector<16xi32>
    %get3A_2100 = arith.constant 16 : index
    %get3A_2101 = tpu.vector_load %arg8[%get3A_2100] {strides = array<i32>} : memref<112xi32, #tpu.memory_space<vmem>>, vector<16xi32>,
    %gather3A_2102 = arith.constant 0 : i32
    %gather3A_2103 = arith.constant 0 : i32
    %gather3A_2104 = arith.constant 0 : i32
    %gather3A_2105 = tpu.memref_slice %arg11[%gather3A_2102, %gather3A_2103, %gather3A_2104] : memref<6x32x256xf32, #tpu.memory_space<vmem>> -> memref<1x32x256xf32, #tpu.memory_space<vmem>>
    %gather3A_2106 = tpu.memref_squeeze %gather3A_2105 : memref<1x32x256xf32, #tpu.memory_space<vmem>> -> memref<32x256xf32, #tpu.memory_space<vmem>>
    %gather3A_2107 = tpu.vector_load_idx %gather3A_2106[%min3A_2099, %get3A_2101] : memref<32x256xf32, #tpu.memory_space<vmem>>[vector<16xi32>, vector<16xi32>], vector<16xf32>,
    %swap3A_2108 = arith.constant 6 : i32
    %swap3A_2109 = arith.index_cast %swap3A_2108 : i32 to index
    %swap3A_2110 = arith.constant 16 : index
    %swap3A_2111 = tpu.vector_load %arg12[%swap3A_2109, %swap3A_2110] {strides = array<i32>} : memref<8x112xf32, #tpu.memory_space<vmem>>, vector<16xf32>,
    tpu.vector_store %arg12[%swap3A_2109, %swap3A_2110], %gather3A_2107 {strides = array<i32>} : memref<8x112xf32, #tpu.memory_space<vmem>>, vector<16xf32>,
    %dma_wait3A_2112 = arith.constant 6 : i32
    %dma_wait3A_2113 = arith.constant 1 : i32
    %dma_wait3A_2114 = arith.constant 0 : i32
    %dma_wait3A_2115 = arith.constant 0 : i32
    %dma_wait3A_2116 = tpu.memref_slice %arg11[%dma_wait3A_2113, %dma_wait3A_2114, %dma_wait3A_2115] : memref<6x32x256xf32, #tpu.memory_space<vmem>> -> memref<1x32x256xf32, #tpu.memory_space<vmem>>
    %dma_wait3A_2117 = tpu.memref_squeeze %dma_wait3A_2116 : memref<1x32x256xf32, #tpu.memory_space<vmem>> -> memref<32x256xf32, #tpu.memory_space<vmem>>
    %dma_wait3A_2118 = arith.constant 32 : i32
    %dma_wait3A_2119 = tpu.memref_slice %arg7[%dma_wait3A_2112, %dma_wait3A_2118] : memref<7x112xi32, #tpu.memory_space<vmem>> -> memref<1x32xi32, #tpu.memory_space<vmem>>
    %dma_wait3A_2120 = tpu.memref_squeeze %dma_wait3A_2119 : memref<1x32xi32, #tpu.memory_space<vmem>> -> memref<32xi32, #tpu.memory_space<vmem>>
    %dma_wait3A_2121 = arith.constant 0 : i32
    %dma_wait3A_2122 = arith.constant 0 : i32
    %dma_wait3A_2123 = tpu.memref_slice %arg2[%dma_wait3A_2121, %dma_wait3A_2122] : memref<57344x256xf32, #tpu.memory_space<hbm>> -> memref<57344x256xf32, #tpu.memory_space<hbm>>
    tpu.wait_indirect_dma semaphore(%arg14 : memref<!tpu.dma_semaphore, #tpu.memory_space<semaphore_mem>>) src(%dma_wait3A_2123 : memref<57344x256xf32, #tpu.memory_space<hbm>>) dst(%dma_wait3A_2117 : memref<32x256xf32, #tpu.memory_space<vmem>>)
    %add3A_2124 = arith.constant 0 : i32
    %add3A_2125 = vector.broadcast %add3A_2124 : i32 to vector<16xi32>
    %add3A_2126 = arith.addi %iota3A, %add3A_2125 : vector<16xi32>
    %min3A_2127 = arith.constant 31 : i32
    %min3A_2128 = vector.broadcast %min3A_2127 : i32 to vector<16xi32>
    %min3A_2129 = arith.minsi %add3A_2126, %min3A_2128 : vector<16xi32>
    %get3A_2130 = arith.constant 32 : index
    %get3A_2131 = tpu.vector_load %arg8[%get3A_2130] {strides = array<i32>} : memref<112xi32, #tpu.memory_space<vmem>>, vector<16xi32>,
    %gather3A_2132 = arith.constant 1 : i32
    %gather3A_2133 = arith.constant 0 : i32
    %gather3A_2134 = arith.constant 0 : i32
    %gather3A_2135 = tpu.memref_slice %arg11[%gather3A_2132, %gather3A_2133, %gather3A_2134] : memref<6x32x256xf32, #tpu.memory_space<vmem>> -> memref<1x32x256xf32, #tpu.memory_space<vmem>>
    %gather3A_2136 = tpu.memref_squeeze %gather3A_2135 : memref<1x32x256xf32, #tpu.memory_space<vmem>> -> memref<32x256xf32, #tpu.memory_space<vmem>>
    %gather3A_2137 = tpu.vector_load_idx %gather3A_2136[%min3A_2129, %get3A_2131] : memref<32x256xf32, #tpu.memory_space<vmem>>[vector<16xi32>, vector<16xi32>], vector<16xf32>,
    %swap3A_2138 = arith.constant 6 : i32
    %swap3A_2139 = arith.index_cast %swap3A_2138 : i32 to index
    %swap3A_2140 = arith.constant 32 : index
    %swap3A_2141 = tpu.vector_load %arg12[%swap3A_2139, %swap3A_2140] {strides = array<i32>} : memref<8x112xf32, #tpu.memory_space<vmem>>, vector<16xf32>,
    tpu.vector_store %arg12[%swap3A_2139, %swap3A_2140], %gather3A_2137 {strides = array<i32>} : memref<8x112xf32, #tpu.memory_space<vmem>>, vector<16xf32>,
    %add3A_2142 = arith.constant 16 : i32
    %add3A_2143 = vector.broadcast %add3A_2142 : i32 to vector<16xi32>
    %add3A_2144 = arith.addi %iota3A, %add3A_2143 : vector<16xi32>
    %min3A_2145 = arith.constant 31 : i32
    %min3A_2146 = vector.broadcast %min3A_2145 : i32 to vector<16xi32>
    %min3A_2147 = arith.minsi %add3A_2144, %min3A_2146 : vector<16xi32>
    %get3A_2148 = arith.constant 48 : index
    %get3A_2149 = tpu.vector_load %arg8[%get3A_2148] {strides = array<i32>} : memref<112xi32, #tpu.memory_space<vmem>>, vector<16xi32>,
    %gather3A_2150 = arith.constant 1 : i32
    %gather3A_2151 = arith.constant 0 : i32
    %gather3A_2152 = arith.constant 0 : i32
    %gather3A_2153 = tpu.memref_slice %arg11[%gather3A_2150, %gather3A_2151, %gather3A_2152] : memref<6x32x256xf32, #tpu.memory_space<vmem>> -> memref<1x32x256xf32, #tpu.memory_space<vmem>>
    %gather3A_2154 = tpu.memref_squeeze %gather3A_2153 : memref<1x32x256xf32, #tpu.memory_space<vmem>> -> memref<32x256xf32, #tpu.memory_space<vmem>>
    %gather3A_2155 = tpu.vector_load_idx %gather3A_2154[%min3A_2147, %get3A_2149] : memref<32x256xf32, #tpu.memory_space<vmem>>[vector<16xi32>, vector<16xi32>], vector<16xf32>,
    %swap3A_2156 = arith.constant 6 : i32
    %swap3A_2157 = arith.index_cast %swap3A_2156 : i32 to index
    %swap3A_2158 = arith.constant 48 : index
    %swap3A_2159 = tpu.vector_load %arg12[%swap3A_2157, %swap3A_2158] {strides = array<i32>} : memref<8x112xf32, #tpu.memory_space<vmem>>, vector<16xf32>,
    tpu.vector_store %arg12[%swap3A_2157, %swap3A_2158], %gather3A_2155 {strides = array<i32>} : memref<8x112xf32, #tpu.memory_space<vmem>>, vector<16xf32>,
    %dma_wait3A_2160 = arith.constant 6 : i32
    %dma_wait3A_2161 = arith.constant 2 : i32
    %dma_wait3A_2162 = arith.constant 0 : i32
    %dma_wait3A_2163 = arith.constant 0 : i32
    %dma_wait3A_2164 = tpu.memref_slice %arg11[%dma_wait3A_2161, %dma_wait3A_2162, %dma_wait3A_2163] : memref<6x32x256xf32, #tpu.memory_space<vmem>> -> memref<1x32x256xf32, #tpu.memory_space<vmem>>
    %dma_wait3A_2165 = tpu.memref_squeeze %dma_wait3A_2164 : memref<1x32x256xf32, #tpu.memory_space<vmem>> -> memref<32x256xf32, #tpu.memory_space<vmem>>
    %dma_wait3A_2166 = arith.constant 64 : i32
    %dma_wait3A_2167 = tpu.memref_slice %arg7[%dma_wait3A_2160, %dma_wait3A_2166] : memref<7x112xi32, #tpu.memory_space<vmem>> -> memref<1x32xi32, #tpu.memory_space<vmem>>
    %dma_wait3A_2168 = tpu.memref_squeeze %dma_wait3A_2167 : memref<1x32xi32, #tpu.memory_space<vmem>> -> memref<32xi32, #tpu.memory_space<vmem>>
    %dma_wait3A_2169 = arith.constant 0 : i32
    %dma_wait3A_2170 = arith.constant 0 : i32
    %dma_wait3A_2171 = tpu.memref_slice %arg2[%dma_wait3A_2169, %dma_wait3A_2170] : memref<57344x256xf32, #tpu.memory_space<hbm>> -> memref<57344x256xf32, #tpu.memory_space<hbm>>
    tpu.wait_indirect_dma semaphore(%arg15 : memref<!tpu.dma_semaphore, #tpu.memory_space<semaphore_mem>>) src(%dma_wait3A_2171 : memref<57344x256xf32, #tpu.memory_space<hbm>>) dst(%dma_wait3A_2165 : memref<32x256xf32, #tpu.memory_space<vmem>>)
    %add3A_2172 = arith.constant 0 : i32
    %add3A_2173 = vector.broadcast %add3A_2172 : i32 to vector<16xi32>
    %add3A_2174 = arith.addi %iota3A, %add3A_2173 : vector<16xi32>
    %min3A_2175 = arith.constant 31 : i32
    %min3A_2176 = vector.broadcast %min3A_2175 : i32 to vector<16xi32>
    %min3A_2177 = arith.minsi %add3A_2174, %min3A_2176 : vector<16xi32>
    %get3A_2178 = arith.constant 64 : index
    %get3A_2179 = tpu.vector_load %arg8[%get3A_2178] {strides = array<i32>} : memref<112xi32, #tpu.memory_space<vmem>>, vector<16xi32>,
    %gather3A_2180 = arith.constant 2 : i32
    %gather3A_2181 = arith.constant 0 : i32
    %gather3A_2182 = arith.constant 0 : i32
    %gather3A_2183 = tpu.memref_slice %arg11[%gather3A_2180, %gather3A_2181, %gather3A_2182] : memref<6x32x256xf32, #tpu.memory_space<vmem>> -> memref<1x32x256xf32, #tpu.memory_space<vmem>>
    %gather3A_2184 = tpu.memref_squeeze %gather3A_2183 : memref<1x32x256xf32, #tpu.memory_space<vmem>> -> memref<32x256xf32, #tpu.memory_space<vmem>>
    %gather3A_2185 = tpu.vector_load_idx %gather3A_2184[%min3A_2177, %get3A_2179] : memref<32x256xf32, #tpu.memory_space<vmem>>[vector<16xi32>, vector<16xi32>], vector<16xf32>,
    %swap3A_2186 = arith.constant 6 : i32
    %swap3A_2187 = arith.index_cast %swap3A_2186 : i32 to index
    %swap3A_2188 = arith.constant 64 : index
    %swap3A_2189 = tpu.vector_load %arg12[%swap3A_2187, %swap3A_2188] {strides = array<i32>} : memref<8x112xf32, #tpu.memory_space<vmem>>, vector<16xf32>,
    tpu.vector_store %arg12[%swap3A_2187, %swap3A_2188], %gather3A_2185 {strides = array<i32>} : memref<8x112xf32, #tpu.memory_space<vmem>>, vector<16xf32>,
    %add3A_2190 = arith.constant 16 : i32
    %add3A_2191 = vector.broadcast %add3A_2190 : i32 to vector<16xi32>
    %add3A_2192 = arith.addi %iota3A, %add3A_2191 : vector<16xi32>
    %min3A_2193 = arith.constant 31 : i32
    %min3A_2194 = vector.broadcast %min3A_2193 : i32 to vector<16xi32>
    %min3A_2195 = arith.minsi %add3A_2192, %min3A_2194 : vector<16xi32>
    %get3A_2196 = arith.constant 80 : index
    %get3A_2197 = tpu.vector_load %arg8[%get3A_2196] {strides = array<i32>} : memref<112xi32, #tpu.memory_space<vmem>>, vector<16xi32>,
    %gather3A_2198 = arith.constant 2 : i32
    %gather3A_2199 = arith.constant 0 : i32
    %gather3A_2200 = arith.constant 0 : i32
    %gather3A_2201 = tpu.memref_slice %arg11[%gather3A_2198, %gather3A_2199, %gather3A_2200] : memref<6x32x256xf32, #tpu.memory_space<vmem>> -> memref<1x32x256xf32, #tpu.memory_space<vmem>>
    %gather3A_2202 = tpu.memref_squeeze %gather3A_2201 : memref<1x32x256xf32, #tpu.memory_space<vmem>> -> memref<32x256xf32, #tpu.memory_space<vmem>>
    %gather3A_2203 = tpu.vector_load_idx %gather3A_2202[%min3A_2195, %get3A_2197] : memref<32x256xf32, #tpu.memory_space<vmem>>[vector<16xi32>, vector<16xi32>], vector<16xf32>,
    %swap3A_2204 = arith.constant 6 : i32
    %swap3A_2205 = arith.index_cast %swap3A_2204 : i32 to index
    %swap3A_2206 = arith.constant 80 : index
    %swap3A_2207 = tpu.vector_load %arg12[%swap3A_2205, %swap3A_2206] {strides = array<i32>} : memref<8x112xf32, #tpu.memory_space<vmem>>, vector<16xf32>,
    tpu.vector_store %arg12[%swap3A_2205, %swap3A_2206], %gather3A_2203 {strides = array<i32>} : memref<8x112xf32, #tpu.memory_space<vmem>>, vector<16xf32>,
    %dma_wait3A_2208 = arith.constant 6 : i32
    %dma_wait3A_2209 = arith.constant 3 : i32
    %dma_wait3A_2210 = arith.constant 0 : i32
    %dma_wait3A_2211 = arith.constant 0 : i32
    %dma_wait3A_2212 = tpu.memref_slice %arg11[%dma_wait3A_2209, %dma_wait3A_2210, %dma_wait3A_2211] : memref<6x32x256xf32, #tpu.memory_space<vmem>> -> memref<1x8x256xf32, #tpu.memory_space<vmem>>
    %dma_wait3A_2213 = tpu.memref_squeeze %dma_wait3A_2212 : memref<1x8x256xf32, #tpu.memory_space<vmem>> -> memref<8x256xf32, #tpu.memory_space<vmem>>
    %dma_wait3A_2214 = arith.constant 96 : i32
    %dma_wait3A_2215 = tpu.memref_slice %arg7[%dma_wait3A_2208, %dma_wait3A_2214] : memref<7x112xi32, #tpu.memory_space<vmem>> -> memref<1x8xi32, #tpu.memory_space<vmem>>
    %dma_wait3A_2216 = tpu.memref_squeeze %dma_wait3A_2215 : memref<1x8xi32, #tpu.memory_space<vmem>> -> memref<8xi32, #tpu.memory_space<vmem>>
    %dma_wait3A_2217 = arith.constant 0 : i32
    %dma_wait3A_2218 = arith.constant 0 : i32
    %dma_wait3A_2219 = tpu.memref_slice %arg2[%dma_wait3A_2217, %dma_wait3A_2218] : memref<57344x256xf32, #tpu.memory_space<hbm>> -> memref<57344x256xf32, #tpu.memory_space<hbm>>
    tpu.wait_indirect_dma semaphore(%arg16 : memref<!tpu.dma_semaphore, #tpu.memory_space<semaphore_mem>>) src(%dma_wait3A_2219 : memref<57344x256xf32, #tpu.memory_space<hbm>>) dst(%dma_wait3A_2213 : memref<8x256xf32, #tpu.memory_space<vmem>>)
    %add3A_2220 = arith.constant 0 : i32
    %add3A_2221 = vector.broadcast %add3A_2220 : i32 to vector<16xi32>
    %add3A_2222 = arith.addi %iota3A, %add3A_2221 : vector<16xi32>
    %min3A_2223 = arith.constant 7 : i32
    %min3A_2224 = vector.broadcast %min3A_2223 : i32 to vector<16xi32>
    %min3A_2225 = arith.minsi %add3A_2222, %min3A_2224 : vector<16xi32>
    %get3A_2226 = arith.constant 96 : index
    %get3A_2227 = tpu.vector_load %arg8[%get3A_2226] {strides = array<i32>} : memref<112xi32, #tpu.memory_space<vmem>>, vector<16xi32>,
    %gather3A_2228 = arith.constant 3 : i32
    %gather3A_2229 = arith.constant 0 : i32
    %gather3A_2230 = arith.constant 0 : i32
    %gather3A_2231 = tpu.memref_slice %arg11[%gather3A_2228, %gather3A_2229, %gather3A_2230] : memref<6x32x256xf32, #tpu.memory_space<vmem>> -> memref<1x32x256xf32, #tpu.memory_space<vmem>>
    %gather3A_2232 = tpu.memref_squeeze %gather3A_2231 : memref<1x32x256xf32, #tpu.memory_space<vmem>> -> memref<32x256xf32, #tpu.memory_space<vmem>>
    %gather3A_2233 = tpu.vector_load_idx %gather3A_2232[%min3A_2225, %get3A_2227] : memref<32x256xf32, #tpu.memory_space<vmem>>[vector<16xi32>, vector<16xi32>], vector<16xf32>,
    %swap3A_2234 = arith.constant 6 : i32
    %swap3A_2235 = arith.index_cast %swap3A_2234 : i32 to index
    %swap3A_2236 = arith.constant 96 : index
    %swap3A_2237 = tpu.vector_load %arg12[%swap3A_2235, %swap3A_2236] {strides = array<i32>} : memref<8x112xf32, #tpu.memory_space<vmem>>, vector<16xf32>,
    tpu.vector_store %arg12[%swap3A_2235, %swap3A_2236], %gather3A_2233 {strides = array<i32>} : memref<8x112xf32, #tpu.memory_space<vmem>>, vector<16xf32>,
    "tpu.region"() ({
      %run_scoped3A_2238 = tpu.sem_alloc : memref<!tpu.dma_semaphore, #tpu.memory_space<semaphore_mem>>
      %dma_start3A_2239 = arith.constant 0 : i32
      %dma_start3A_2240 = arith.constant 0 : i32
      %dma_start3A_2241 = tpu.memref_slice %arg4[%dma_start3A_2239, %add3A, %dma_start3A_2240] : memref<8x32x112xf32, #tpu.memory_space<hbm>> -> memref<8x1x112xf32, #tpu.memory_space<hbm>>
      %dma_start3A_2242 = tpu.memref_squeeze %dma_start3A_2241 : memref<8x1x112xf32, #tpu.memory_space<hbm>> -> memref<8x112xf32, #tpu.memory_space<hbm>>
      %dma_start3A_2243 = arith.constant 0 : i32
      %dma_start3A_2244 = arith.constant 0 : i32
      %dma_start3A_2245 = tpu.memref_slice %arg4[%dma_start3A_2243, %add3A, %dma_start3A_2244] : memref<8x32x112xf32, #tpu.memory_space<hbm>> -> memref<8x1x112xf32, #tpu.memory_space<hbm>>
      %dma_start3A_2246 = tpu.memref_squeeze %dma_start3A_2245 : memref<8x1x112xf32, #tpu.memory_space<hbm>> -> memref<8x112xf32, #tpu.memory_space<hbm>>
      tpu.enqueue_dma source(%arg12 : memref<8x112xf32, #tpu.memory_space<vmem>>) target(%dma_start3A_2246 : memref<8x112xf32, #tpu.memory_space<hbm>>) target_semaphore(%run_scoped3A_2238 : memref<!tpu.dma_semaphore, #tpu.memory_space<semaphore_mem>>)
      %dma_wait3A_2247 = arith.constant 0 : i32
      %dma_wait3A_2248 = arith.constant 0 : i32
      %dma_wait3A_2249 = tpu.memref_slice %arg4[%dma_wait3A_2247, %add3A, %dma_wait3A_2248] : memref<8x32x112xf32, #tpu.memory_space<hbm>> -> memref<8x1x112xf32, #tpu.memory_space<hbm>>
      %dma_wait3A_2250 = tpu.memref_squeeze %dma_wait3A_2249 : memref<8x1x112xf32, #tpu.memory_space<hbm>> -> memref<8x112xf32, #tpu.memory_space<hbm>>
      %dma_wait3A_2251 = arith.constant 0 : i32
      %dma_wait3A_2252 = arith.constant 0 : i32
      %dma_wait3A_2253 = tpu.memref_slice %arg4[%dma_wait3A_2251, %add3A, %dma_wait3A_2252] : memref<8x32x112xf32, #tpu.memory_space<hbm>> -> memref<8x1x112xf32, #tpu.memory_space<hbm>>
      %dma_wait3A_2254 = tpu.memref_squeeze %dma_wait3A_2253 : memref<8x1x112xf32, #tpu.memory_space<hbm>> -> memref<8x112xf32, #tpu.memory_space<hbm>>
      tpu.wait_dma2 semaphore(%run_scoped3A_2238 : memref<!tpu.dma_semaphore, #tpu.memory_space<semaphore_mem>>) src(%arg12 : memref<8x112xf32, #tpu.memory_space<vmem>>) dst(%dma_wait3A_2254 : memref<8x112xf32, #tpu.memory_space<hbm>>)
      tpu.yield
    }) : () -> ()
    return
  }
}

module attributes {stable_mosaic.version = 14 : i64} {
  func.func @_tc_dense_body(%arg0: i32, %arg1: memref<4x1x256x256xf32, #tpu.memory_space<vmem>>, %arg2: memref<1x1xf32, #tpu.memory_space<smem>>) attributes {dimension_semantics = [#tpu.dimension_semantics<arbitrary>], iteration_bounds = array<i64: 8>, scalar_prefetch = 0 : i64, scratch_operands = 0 : i64, tpu.core_type = #tpu.core_type<tc>, window_params = [{transform_indices = @transform_0, window_bounds = array<i64: 4, 1, 256, 256>}, {transform_indices = @transform_1, window_bounds = array<i64: 1, 1>}]} {
    %eq3A = arith.constant 0 : i32
    %eq3A_0 = arith.cmpi eq, %arg0, %eq3A : i32
    %convert_element_type3A = arith.extui %eq3A_0 : i1 to i32
    %cond3A = arith.constant 0 : i32
    %cond3A_1 = arith.cmpi ne, %convert_element_type3A, %cond3A : i32
    scf.if %cond3A_1 {
      %swap3A_24 = arith.constant 0.000000e+00 : f32
      %swap3A_25 = arith.constant 0 : index
      %swap3A_26 = arith.constant 0 : index
      %swap3A_27 = memref.load %arg2[%swap3A_25, %swap3A_26] : memref<1x1xf32, #tpu.memory_space<smem>>
      memref.store %swap3A_24, %arg2[%swap3A_25, %swap3A_26] : memref<1x1xf32, #tpu.memory_space<smem>>
    } else {
    }
    %get3A = arith.constant 0 : index
    %get3A_2 = arith.constant 0 : index
    %get3A_3 = arith.constant 0 : index
    %get3A_4 = arith.constant 0 : index
    %get3A_5 = vector.load %arg1[%get3A, %get3A_2, %get3A_3, %get3A_4] : memref<4x1x256x256xf32, #tpu.memory_space<vmem>>, vector<4x1x256x256xf32>
    %get3A_6 = vector.shape_cast %get3A_5 : vector<4x1x256x256xf32> to vector<4x256x256xf32>
    %get3A_7 = arith.constant 0 : index
    %get3A_8 = arith.constant 0 : index
    %get3A_9 = memref.load %arg2[%get3A_7, %get3A_8] : memref<1x1xf32, #tpu.memory_space<smem>>
    %max3A = arith.constant 0.000000e+00 : f32
    %max3A_10 = vector.broadcast %max3A : f32 to vector<4x256x256xf32>
    %max3A_11 = arith.maximumf %get3A_6, %max3A_10 : vector<4x256x256xf32>
    %abs3A = math.absf %get3A_6 : vector<4x256x256xf32>
    %neg3A = arith.constant 0.000000e+00 : f32
    %neg3A_12 = vector.broadcast %neg3A : f32 to vector<4x256x256xf32>
    %neg3A_13 = arith.subf %neg3A_12, %abs3A : vector<4x256x256xf32>
    %exp3A = math.exp %neg3A_13 : vector<4x256x256xf32>
    %add3A = arith.constant 1.000000e+00 : f32
    %add3A_14 = vector.broadcast %add3A : f32 to vector<4x256x256xf32>
    %add3A_15 = arith.addf %add3A_14, %exp3A : vector<4x256x256xf32>
    %log3A = math.log %add3A_15 : vector<4x256x256xf32>
    %add3A_16 = arith.addf %max3A_11, %log3A : vector<4x256x256xf32>
    %reduce_sum3A = vector.shape_cast %add3A_16 : vector<4x256x256xf32> to vector<1x4x256x256xf32>
    %reduce_sum3A_17 = arith.constant dense<0.000000e+00> : vector<1xf32>
    %reduce_sum3A_18 = vector.multi_reduction <add>, %reduce_sum3A, %reduce_sum3A_17 [1, 2, 3] : vector<1x4x256x256xf32> to vector<1xf32>
    %reduce_sum3A_19 = vector.shape_cast %reduce_sum3A_18 : vector<1xf32> to vector<1x1x1x1xf32>
    %reduce_sum3A_20 = vector.extract %reduce_sum3A_19[0, 0, 0, 0] : f32 from vector<1x1x1x1xf32>
    %add3A_21 = arith.addf %get3A_9, %reduce_sum3A_20 : f32
    %swap3A = arith.constant 0 : index
    %swap3A_22 = arith.constant 0 : index
    %swap3A_23 = memref.load %arg2[%swap3A, %swap3A_22] : memref<1x1xf32, #tpu.memory_space<smem>>
    memref.store %add3A_21, %arg2[%swap3A, %swap3A_22] : memref<1x1xf32, #tpu.memory_space<smem>>
    return
  }
  func.func @transform_0(%arg0: i32) -> (i32, i32, i32, i32) {
    %c4_i32 = arith.constant 4 : i32
    %c0_i32 = arith.constant 0 : i32
    %c0_i32_0 = arith.constant 0 : i32
    %c0_i32_1 = arith.constant 0 : i32
    return %arg0, %c4_i32, %c0_i32, %c0_i32_0 : i32, i32, i32, i32
  }
  func.func @transform_1(%arg0: i32) -> (i32, i32) {
    %c0_i32 = arith.constant 0 : i32
    %c0_i32_0 = arith.constant 0 : i32
    %c0_i32_1 = arith.constant 0 : i32
    return %c0_i32, %c0_i32_0 : i32, i32
  }
}

module attributes {stable_mosaic.version = 14 : i64} {
  func.func @_tc_sparse_body(%arg0: memref<8x32x112xf32, #tpu.memory_space<vmem>>, %arg1: memref<4x32x112xf32, #tpu.memory_space<vmem>>, %arg2: memref<32x112xf32, #tpu.memory_space<vmem>>, %arg3: memref<1x1xf32, #tpu.memory_space<smem>>, %arg4: memref<1x1xf32, #tpu.memory_space<smem>>) attributes {dimension_semantics = [], scalar_prefetch = 0 : i64, scratch_operands = 0 : i64, tpu.core_type = #tpu.core_type<tc>} {
    %get3A = arith.constant 7 : index
    %get3A_0 = arith.constant 0 : index
    %get3A_1 = arith.constant 0 : index
    %get3A_2 = vector.load %arg0[%get3A, %get3A_0, %get3A_1] : memref<8x32x112xf32, #tpu.memory_space<vmem>>, vector<1x32x112xf32>
    %get3A_3 = vector.shape_cast %get3A_2 : vector<1x32x112xf32> to vector<32x112xf32>
    %get3A_4 = arith.constant 0 : index
    %get3A_5 = arith.constant 0 : index
    %get3A_6 = arith.constant 0 : index
    %get3A_7 = vector.load %arg0[%get3A_4, %get3A_5, %get3A_6] : memref<8x32x112xf32, #tpu.memory_space<vmem>>, vector<1x32x112xf32>
    %get3A_8 = vector.shape_cast %get3A_7 : vector<1x32x112xf32> to vector<32x112xf32>
    %get3A_9 = arith.constant 0 : index
    %get3A_10 = arith.constant 0 : index
    %get3A_11 = arith.constant 0 : index
    %get3A_12 = vector.load %arg1[%get3A_9, %get3A_10, %get3A_11] : memref<4x32x112xf32, #tpu.memory_space<vmem>>, vector<1x32x112xf32>
    %get3A_13 = vector.shape_cast %get3A_12 : vector<1x32x112xf32> to vector<32x112xf32>
    %sub3A = arith.subf %get3A_8, %get3A_13 : vector<32x112xf32>
    %abs3A = math.absf %sub3A : vector<32x112xf32>
    %mul3A = arith.mulf %abs3A, %get3A_3 : vector<32x112xf32>
    %reduce_sum3A = vector.shape_cast %mul3A : vector<32x112xf32> to vector<1x32x112xf32>
    %reduce_sum3A_14 = arith.constant dense<0.000000e+00> : vector<1xf32>
    %reduce_sum3A_15 = vector.multi_reduction <add>, %reduce_sum3A, %reduce_sum3A_14 [1, 2] : vector<1x32x112xf32> to vector<1xf32>
    %reduce_sum3A_16 = vector.shape_cast %reduce_sum3A_15 : vector<1xf32> to vector<1x1x1xf32>
    %reduce_sum3A_17 = vector.extract %reduce_sum3A_16[0, 0, 0] : f32 from vector<1x1x1xf32>
    %add3A = arith.constant 0.000000e+00 : f32
    %add3A_18 = arith.addf %add3A, %reduce_sum3A_17 : f32
    %get3A_19 = arith.constant 1 : index
    %get3A_20 = arith.constant 0 : index
    %get3A_21 = arith.constant 0 : index
    %get3A_22 = vector.load %arg0[%get3A_19, %get3A_20, %get3A_21] : memref<8x32x112xf32, #tpu.memory_space<vmem>>, vector<1x32x112xf32>
    %get3A_23 = vector.shape_cast %get3A_22 : vector<1x32x112xf32> to vector<32x112xf32>
    %get3A_24 = arith.constant 1 : index
    %get3A_25 = arith.constant 0 : index
    %get3A_26 = arith.constant 0 : index
    %get3A_27 = vector.load %arg1[%get3A_24, %get3A_25, %get3A_26] : memref<4x32x112xf32, #tpu.memory_space<vmem>>, vector<1x32x112xf32>
    %get3A_28 = vector.shape_cast %get3A_27 : vector<1x32x112xf32> to vector<32x112xf32>
    %sub3A_29 = arith.subf %get3A_23, %get3A_28 : vector<32x112xf32>
    %abs3A_30 = math.absf %sub3A_29 : vector<32x112xf32>
    %mul3A_31 = arith.mulf %abs3A_30, %get3A_3 : vector<32x112xf32>
    %reduce_sum3A_32 = vector.shape_cast %mul3A_31 : vector<32x112xf32> to vector<1x32x112xf32>
    %reduce_sum3A_33 = arith.constant dense<0.000000e+00> : vector<1xf32>
    %reduce_sum3A_34 = vector.multi_reduction <add>, %reduce_sum3A_32, %reduce_sum3A_33 [1, 2] : vector<1x32x112xf32> to vector<1xf32>
    %reduce_sum3A_35 = vector.shape_cast %reduce_sum3A_34 : vector<1xf32> to vector<1x1x1xf32>
    %reduce_sum3A_36 = vector.extract %reduce_sum3A_35[0, 0, 0] : f32 from vector<1x1x1xf32>
    %add3A_37 = arith.addf %add3A_18, %reduce_sum3A_36 : f32
    %get3A_38 = arith.constant 2 : index
    %get3A_39 = arith.constant 0 : index
    %get3A_40 = arith.constant 0 : index
    %get3A_41 = vector.load %arg0[%get3A_38, %get3A_39, %get3A_40] : memref<8x32x112xf32, #tpu.memory_space<vmem>>, vector<1x32x112xf32>
    %get3A_42 = vector.shape_cast %get3A_41 : vector<1x32x112xf32> to vector<32x112xf32>
    %get3A_43 = arith.constant 2 : index
    %get3A_44 = arith.constant 0 : index
    %get3A_45 = arith.constant 0 : index
    %get3A_46 = vector.load %arg1[%get3A_43, %get3A_44, %get3A_45] : memref<4x32x112xf32, #tpu.memory_space<vmem>>, vector<1x32x112xf32>
    %get3A_47 = vector.shape_cast %get3A_46 : vector<1x32x112xf32> to vector<32x112xf32>
    %sub3A_48 = arith.subf %get3A_42, %get3A_47 : vector<32x112xf32>
    %abs3A_49 = math.absf %sub3A_48 : vector<32x112xf32>
    %mul3A_50 = arith.mulf %abs3A_49, %get3A_3 : vector<32x112xf32>
    %reduce_sum3A_51 = vector.shape_cast %mul3A_50 : vector<32x112xf32> to vector<1x32x112xf32>
    %reduce_sum3A_52 = arith.constant dense<0.000000e+00> : vector<1xf32>
    %reduce_sum3A_53 = vector.multi_reduction <add>, %reduce_sum3A_51, %reduce_sum3A_52 [1, 2] : vector<1x32x112xf32> to vector<1xf32>
    %reduce_sum3A_54 = vector.shape_cast %reduce_sum3A_53 : vector<1xf32> to vector<1x1x1xf32>
    %reduce_sum3A_55 = vector.extract %reduce_sum3A_54[0, 0, 0] : f32 from vector<1x1x1xf32>
    %add3A_56 = arith.addf %add3A_37, %reduce_sum3A_55 : f32
    %get3A_57 = arith.constant 3 : index
    %get3A_58 = arith.constant 0 : index
    %get3A_59 = arith.constant 0 : index
    %get3A_60 = vector.load %arg0[%get3A_57, %get3A_58, %get3A_59] : memref<8x32x112xf32, #tpu.memory_space<vmem>>, vector<1x32x112xf32>
    %get3A_61 = vector.shape_cast %get3A_60 : vector<1x32x112xf32> to vector<32x112xf32>
    %get3A_62 = arith.constant 3 : index
    %get3A_63 = arith.constant 0 : index
    %get3A_64 = arith.constant 0 : index
    %get3A_65 = vector.load %arg1[%get3A_62, %get3A_63, %get3A_64] : memref<4x32x112xf32, #tpu.memory_space<vmem>>, vector<1x32x112xf32>
    %get3A_66 = vector.shape_cast %get3A_65 : vector<1x32x112xf32> to vector<32x112xf32>
    %sub3A_67 = arith.subf %get3A_61, %get3A_66 : vector<32x112xf32>
    %abs3A_68 = math.absf %sub3A_67 : vector<32x112xf32>
    %mul3A_69 = arith.mulf %abs3A_68, %get3A_3 : vector<32x112xf32>
    %reduce_sum3A_70 = vector.shape_cast %mul3A_69 : vector<32x112xf32> to vector<1x32x112xf32>
    %reduce_sum3A_71 = arith.constant dense<0.000000e+00> : vector<1xf32>
    %reduce_sum3A_72 = vector.multi_reduction <add>, %reduce_sum3A_70, %reduce_sum3A_71 [1, 2] : vector<1x32x112xf32> to vector<1xf32>
    %reduce_sum3A_73 = vector.shape_cast %reduce_sum3A_72 : vector<1xf32> to vector<1x1x1xf32>
    %reduce_sum3A_74 = vector.extract %reduce_sum3A_73[0, 0, 0] : f32 from vector<1x1x1xf32>
    %add3A_75 = arith.addf %add3A_56, %reduce_sum3A_74 : f32
    %get3A_76 = arith.constant 4 : index
    %get3A_77 = arith.constant 0 : index
    %get3A_78 = arith.constant 0 : index
    %get3A_79 = vector.load %arg0[%get3A_76, %get3A_77, %get3A_78] : memref<8x32x112xf32, #tpu.memory_space<vmem>>, vector<1x32x112xf32>
    %get3A_80 = vector.shape_cast %get3A_79 : vector<1x32x112xf32> to vector<32x112xf32>
    %mul3A_81 = arith.mulf %get3A_80, %get3A_3 : vector<32x112xf32>
    %reduce_sum3A_82 = vector.shape_cast %mul3A_81 : vector<32x112xf32> to vector<1x32x112xf32>
    %reduce_sum3A_83 = arith.constant dense<0.000000e+00> : vector<1xf32>
    %reduce_sum3A_84 = vector.multi_reduction <add>, %reduce_sum3A_82, %reduce_sum3A_83 [1, 2] : vector<1x32x112xf32> to vector<1xf32>
    %reduce_sum3A_85 = vector.shape_cast %reduce_sum3A_84 : vector<1xf32> to vector<1x1x1xf32>
    %reduce_sum3A_86 = vector.extract %reduce_sum3A_85[0, 0, 0] : f32 from vector<1x1x1xf32>
    %get3A_87 = arith.constant 5 : index
    %get3A_88 = arith.constant 0 : index
    %get3A_89 = arith.constant 0 : index
    %get3A_90 = vector.load %arg0[%get3A_87, %get3A_88, %get3A_89] : memref<8x32x112xf32, #tpu.memory_space<vmem>>, vector<1x32x112xf32>
    %get3A_91 = vector.shape_cast %get3A_90 : vector<1x32x112xf32> to vector<32x112xf32>
    %get3A_92 = arith.constant 6 : index
    %get3A_93 = arith.constant 0 : index
    %get3A_94 = arith.constant 0 : index
    %get3A_95 = vector.load %arg0[%get3A_92, %get3A_93, %get3A_94] : memref<8x32x112xf32, #tpu.memory_space<vmem>>, vector<1x32x112xf32>
    %get3A_96 = vector.shape_cast %get3A_95 : vector<1x32x112xf32> to vector<32x112xf32>
    %get3A_97 = arith.constant 0 : index
    %get3A_98 = arith.constant 0 : index
    %get3A_99 = vector.load %arg2[%get3A_97, %get3A_98] : memref<32x112xf32, #tpu.memory_space<vmem>>, vector<32x112xf32>
    %sub3A_100 = arith.constant 1.000000e+00 : f32
    %sub3A_101 = vector.broadcast %sub3A_100 : f32 to vector<32x112xf32>
    %sub3A_102 = arith.subf %sub3A_101, %get3A_99 : vector<32x112xf32>
    %mul3A_103 = arith.mulf %get3A_91, %sub3A_102 : vector<32x112xf32>
    %mul3A_104 = arith.mulf %get3A_96, %get3A_99 : vector<32x112xf32>
    %add3A_105 = arith.addf %mul3A_103, %mul3A_104 : vector<32x112xf32>
    %max3A = arith.constant 0.000000e+00 : f32
    %max3A_106 = vector.broadcast %max3A : f32 to vector<32x112xf32>
    %max3A_107 = arith.maximumf %get3A_91, %max3A_106 : vector<32x112xf32>
    %abs3A_108 = math.absf %get3A_91 : vector<32x112xf32>
    %neg3A = arith.constant 0.000000e+00 : f32
    %neg3A_109 = vector.broadcast %neg3A : f32 to vector<32x112xf32>
    %neg3A_110 = arith.subf %neg3A_109, %abs3A_108 : vector<32x112xf32>
    %exp3A = math.exp %neg3A_110 : vector<32x112xf32>
    %add3A_111 = arith.constant 1.000000e+00 : f32
    %add3A_112 = vector.broadcast %add3A_111 : f32 to vector<32x112xf32>
    %add3A_113 = arith.addf %add3A_112, %exp3A : vector<32x112xf32>
    %log3A = math.log %add3A_113 : vector<32x112xf32>
    %add3A_114 = arith.addf %max3A_107, %log3A : vector<32x112xf32>
    %max3A_115 = arith.constant 0.000000e+00 : f32
    %max3A_116 = vector.broadcast %max3A_115 : f32 to vector<32x112xf32>
    %max3A_117 = arith.maximumf %get3A_96, %max3A_116 : vector<32x112xf32>
    %abs3A_118 = math.absf %get3A_96 : vector<32x112xf32>
    %neg3A_119 = arith.constant 0.000000e+00 : f32
    %neg3A_120 = vector.broadcast %neg3A_119 : f32 to vector<32x112xf32>
    %neg3A_121 = arith.subf %neg3A_120, %abs3A_118 : vector<32x112xf32>
    %exp3A_122 = math.exp %neg3A_121 : vector<32x112xf32>
    %add3A_123 = arith.constant 1.000000e+00 : f32
    %add3A_124 = vector.broadcast %add3A_123 : f32 to vector<32x112xf32>
    %add3A_125 = arith.addf %add3A_124, %exp3A_122 : vector<32x112xf32>
    %log3A_126 = math.log %add3A_125 : vector<32x112xf32>
    %add3A_127 = arith.addf %max3A_117, %log3A_126 : vector<32x112xf32>
    %add3A_128 = arith.addf %add3A_114, %add3A_127 : vector<32x112xf32>
    %sub3A_129 = arith.subf %add3A_128, %add3A_105 : vector<32x112xf32>
    %mul3A_130 = arith.mulf %sub3A_129, %get3A_3 : vector<32x112xf32>
    %reduce_sum3A_131 = vector.shape_cast %mul3A_130 : vector<32x112xf32> to vector<1x32x112xf32>
    %reduce_sum3A_132 = arith.constant dense<0.000000e+00> : vector<1xf32>
    %reduce_sum3A_133 = vector.multi_reduction <add>, %reduce_sum3A_131, %reduce_sum3A_132 [1, 2] : vector<1x32x112xf32> to vector<1xf32>
    %reduce_sum3A_134 = vector.shape_cast %reduce_sum3A_133 : vector<1xf32> to vector<1x1x1xf32>
    %reduce_sum3A_135 = vector.extract %reduce_sum3A_134[0, 0, 0] : f32 from vector<1x1x1xf32>
    %get3A_136 = arith.constant 0 : index
    %get3A_137 = arith.constant 0 : index
    %get3A_138 = memref.load %arg3[%get3A_136, %get3A_137] : memref<1x1xf32, #tpu.memory_space<smem>>
    %mul3A_139 = arith.constant 5.000000e+00 : f32
    %mul3A_140 = arith.mulf %mul3A_139, %add3A_75 : f32
    %add3A_141 = arith.addf %get3A_138, %mul3A_140 : f32
    %sub3A_142 = arith.subf %add3A_141, %reduce_sum3A_86 : f32
    %add3A_143 = arith.addf %sub3A_142, %reduce_sum3A_135 : f32
    %mul3A_144 = arith.constant 3.125000e-02 : f32
    %mul3A_145 = arith.mulf %add3A_143, %mul3A_144 : f32
    %swap3A = arith.constant 0 : index
    %swap3A_146 = arith.constant 0 : index
    %swap3A_147 = memref.load %arg4[%swap3A, %swap3A_146] : memref<1x1xf32, #tpu.memory_space<smem>>
    memref.store %mul3A_145, %arg4[%swap3A, %swap3A_146] : memref<1x1xf32, #tpu.memory_space<smem>>
    return
  }
}

</mosaic_0001>

<sc_bundles>
// kernel: kernel.5.cloned.1.call-start
scs
__scs_entry_jumppad:
0x0: {  	(pc) =	sbr.rel $0x88, $3  }
0x1: {  	(tag) =	ssettag $0x0;
	lr =	simm.s32 $0x1  }
0x2: {  	[smem:$0x3F9E] =	sst lr;
	_ =	strace $0xD0000000  }
0x3: {  	_ = 	snop  }
0x4: {  	_ = 	snop  }
0x5: {  	_ = 	snop  }
0x6: {  	_ = 	snop  }
0x7: {  	_ = 	snop  }
__scs_overlays_trampoline_lowered:
0x8: {  	[smem:$0x3FAD] =	sst s0  }
0x9: {  	[smem:$0x3FAE] =	sst s1  }
0xa: {  	[smem:$0x3FAF] =	sst s2  }
0xb: {  	[smem:$0x3FB0] =	sst s3  }
0xc: {  	[smem:$0x3FB1] =	sst s4  }
0xd: {  	[smem:$0x3FB2] =	sst s5  }
0xe: {  	[smem:$0x3FB3] =	sst s6  }
0xf: {  	[smem:$0x3FB4] =	sst s7  }
0x10: {  	[smem:$0x3FB5] =	sst s8  }
0x11: {  	[smem:$0x3FB6] =	sst s9;
	s0 =	simm.s32 @!p0 $0x0  }
0x12: {  	s1 =	sld [smem:$0x3F9C];
	s0 =	simm.s32 @p0 $0x1  }
0x13: {  	[smem:$0x3FB7] =	sst s0;
	s0 =	simm.s32 @!p1 $0x0  }
0x14: {  	s2 =	sld [smem:$0x3F9B];
	s0 =	simm.s32 @p1 $0x1  }
0x15: {  	[smem:$0x3FB8] =	sst s0;
	s0 =	simm.s32 @!p2 $0x0  }
0x16: {  	s3 =	sld [smem:$0x3FDB];
	s0 =	simm.s32 @p2 $0x1  }
0x17: {  	s4 =	simm.s32 $0x1BF5;
	[smem:$0x3FBA] =	sst s0  }
0x18: {  	s0 =	sld [smem:$0x3F9D];
	_ =	swait.ge [sflag:s4], $0x0  }
0x19: {  	s7 =	sld [smem:$0x3F9E]  }
0x1a: {  	s8 =	sadd.s32 $0xFFFFE003, lr  }
0x1b: {  	s9 =	sadd.s32 $0xFFFFFEF7, lr;
	s5 =	simm.s32 $0xFFFFFFFF;
	p2 =	slt.u32 s8, $0xFFFFF086  }
0x1c: {  	p1 =	slt.u32 s9, $0xF7A;
	s5 =	simm.s32 @!p2 $0x0  }
0x1d: {  	s5 =	simm.s32 @p1 $0x1;
	p0 =	seq.s32 s7, s2  }
0x1e: {  	s7 =	smul.u32 @!p0 $0xF7A, s2;
	p2 =	seq.s32 @!p0 s5, $0x0  }
0x1f: {  	s9 =	smul.u32 $0xF7A, s1;
	s8 =	simm.s32 @!p0 $0x1BF5;
	p2 =	por !p2, p0  }
0x20: {  	[sflag:s8] =	ssyncset.s32 @!p0 $0xFFFFF086;
	s6 =	sadd.s32 @!p0 s3, s7;
	s7 =	simm.s32 @!p0 $0x108  }
0x21: {  	s3 =	sadd.s32 s3, s9;
	s6 =	sadd.s32 @!p0 $0x88, s6;
	s7 =	simm.s32 @p2 $0x1082  }
0x22: {  	[simem:s7], [sflag:s8] =	dma.local @!p0 [hbm:s6], $0xF7A  }
0x23: {  	s9 =	sor.u32 $0xD0000000, s2;
	s6 =	simm.s32 $0x108;
	_ =	swait.ge @!p0 [sflag:s8], $0x0  }
0x24: {  	s3 =	sadd.s32 $0x88, s3;
	s6 =	simm.s32 @!p1 $0x1082;
	[sflag:s4] =	ssyncset.s32 $0xFFFFF086  }
0x25: {  	[simem:s6], [sflag:s4] =	dma.local [hbm:s3], $0xF7A  }
0x26: {  	[smem:$0x3F9E] =	sst s1;
	(tag) =	ssettag s2;
	_ =	strace s9  }
0x27: {  	s1 =	sld [smem:$0x3FAE]  }
0x28: {  	s2 =	sld [smem:$0x3FAF]  }
0x29: {  	s4 =	sld [smem:$0x3FB1]  }
0x2a: {  	p0 =	seq.s32 s5, $0x0;
	s5 =	sld [smem:$0x3FB2]  }
0x2b: {  	s6 =	sld [smem:$0x3FB3]  }
0x2c: {  	s7 =	sld [smem:$0x3FB4]  }
0x2d: {  	s3 =	simm.s32 $0x108;
	s8 =	sld [smem:$0x3FB5]  }
0x2e: {  	s3 =	simm.s32 @!p0 $0x1082;
	s9 =	sld [smem:$0x3FB6]  }
0x2f: {  	lr =	sadd.s32 s0, s3;
	s0 =	sld [smem:$0x3FAD]  }
0x30: {  	s3 =	sld [smem:$0x3FB0]  }
0x31: {  	[smem:$0x3FB9] =	sst s10  }
0x32: {  	s10 =	sld [smem:$0x3FB7];
	_ =	sdelay $0x3  }
0x33: {  	p0 =	seq.s32 s10, $0x1;
	s10 =	sld [smem:$0x3FB9];
	_ =	sdelay $0x3  }
0x34: {  	[smem:$0x3FB9] =	sst s10  }
0x35: {  	s10 =	sld [smem:$0x3FB8];
	_ =	sdelay $0x3  }
0x36: {  	p1 =	seq.s32 s10, $0x1;
	s10 =	sld [smem:$0x3FB9];
	_ =	sdelay $0x3  }
0x37: {  	[smem:$0x3FB9] =	sst s10  }
0x38: {  	s10 =	sld [smem:$0x3FBA]  }
0x39: {  	_ = 	snop;
	(pc) =	sbr.ind lr, $3  }
0x3a: {  	_ = 	snop  }
0x3b: {  	_ = 	snop  }
0x3c: {  	p2 =	seq.s32 s10, $0x1;
	s10 =	sld [smem:$0x3FB9]  }
0x3d: {  	_ =	shalt  }
0x3e: {  	_ =	shalt  }
0x3f: {  	_ =	shalt  }
0x40: {  	_ =	shalt  }
0x41: {  	_ =	shalt  }
0x42: {  	_ =	shalt  }
0x43: {  	_ =	shalt  }
0x44: {  	_ =	shalt  }
0x45: {  	_ =	shalt  }
0x46: {  	_ =	shalt  }
0x47: {  	_ =	shalt  }
0x48: {  	_ =	shalt  }
0x49: {  	_ =	shalt  }
0x4a: {  	_ =	shalt  }
0x4b: {  	_ =	shalt  }
0x4c: {  	_ =	shalt  }
0x4d: {  	_ =	shalt  }
0x4e: {  	_ =	shalt  }
0x4f: {  	_ =	shalt  }
0x50: {  	_ =	shalt  }
0x51: {  	_ =	shalt  }
0x52: {  	_ =	shalt  }
0x53: {  	_ =	shalt  }
0x54: {  	_ =	shalt  }
0x55: {  	_ =	shalt  }
0x56: {  	_ =	shalt  }
0x57: {  	_ =	shalt  }
0x58: {  	_ =	shalt  }
0x59: {  	_ =	shalt  }
0x5a: {  	_ =	shalt  }
0x5b: {  	_ =	shalt  }
0x5c: {  	_ =	shalt  }
0x5d: {  	_ =	shalt  }
0x5e: {  	_ =	shalt  }
0x5f: {  	_ =	shalt  }
0x60: {  	_ =	shalt  }
0x61: {  	_ =	shalt  }
0x62: {  	_ =	shalt  }
0x63: {  	_ =	shalt  }
0x64: {  	_ =	shalt  }
0x65: {  	_ =	shalt  }
0x66: {  	_ =	shalt  }
0x67: {  	_ =	shalt  }
0x68: {  	_ =	shalt  }
0x69: {  	_ =	shalt  }
0x6a: {  	_ =	shalt  }
0x6b: {  	_ =	shalt  }
0x6c: {  	_ =	shalt  }
0x6d: {  	_ =	shalt  }
0x6e: {  	_ =	shalt  }
0x6f: {  	_ =	shalt  }
0x70: {  	_ =	shalt  }
0x71: {  	_ =	shalt  }
0x72: {  	_ =	shalt  }
0x73: {  	_ =	shalt  }
0x74: {  	_ =	shalt  }
0x75: {  	_ =	shalt  }
0x76: {  	_ =	shalt  }
0x77: {  	_ =	shalt  }
0x78: {  	_ =	shalt  }
0x79: {  	_ =	shalt  }
0x7a: {  	_ =	shalt  }
0x7b: {  	_ =	shalt  }
0x7c: {  	_ =	shalt  }
0x7d: {  	_ =	shalt  }
0x7e: {  	_ =	shalt  }
0x7f: {  	_ =	shalt  }
0x80: {  	_ =	shalt  }
0x81: {  	_ =	shalt  }
0x82: {  	_ =	shalt  }
0x83: {  	_ =	shalt  }
0x84: {  	_ =	shalt  }
0x85: {  	_ =	shalt  }
0x86: {  	_ =	shalt  }
0x87: {  	_ =	shalt  }
.Lfunc_end0:
.L_simem_size_0:
called_computation_lowered:
.L_overlay_start_0:
0x88: {  	s2 =	sld [smem:$0x3FD9]  }
0x89: {  	s3 =	sld [smem:$0x3FFE];
	_ =	sdelay $0x1  }
0x8a: {  	s1 =	srdreg.scid  }
0x8b: {  	s0 =	sand.u32 $0x1, s1  }
0x8c: {  	s17 =	sshll.u32 s0, $0xA;
	s2 =	sadd.s32 s3, s2  }
0x8d: {  	s2 =	sadd.s32 s2, s17  }
0x8e: {  	[smem:$0x3FC5] =	sst s2  }
0x8f: {  	_ = 	snop  }
0x90: {  	s2 =	sld [smem:$0x3FC9];
	(tm) =	ssettm $0x1  }
0x91: {  	s18 =	sld [smem:$0x3FFB];
	_ =	sdelay $0x3  }
0x92: {  	_ =	strace s18  }
0x93: {  	s3 =	sld [smem:$0x3FFC];
	_ =	sdelay $0x3  }
0x94: {  	_ =	strace s3  }
0x95: {  	s3 =	sld [smem:$0x3FFD];
	_ =	sdelay $0x3  }
0x96: {  	_ =	strace s3  }
0x97: {  	_ =	strace $0x8FFFFFFF  }
0x98: {  	s19 =	sld [smem:$0x3FDB];
	_ =	sdelay $0x1  }
0x99: {  	s4 =	simm.s32 $_scs_section_size  }
0x9a: {  	s5 =	simm.s32 $_size__tile_overlayer_lowered;
	s6 =	simm.s32 $_tile_overlayer_lowered  }
0x9b: {  	s22 =	simm.s32 $0x1BFF;
	s21 =	sshll.u32 s6, $0x1;
	s3 =	sadd.s32 s4, s19  }
0x9c: {  	s7 =	simm.s32 $0x0;
	s20 =	sshll.u32 s5, $0x1;
	s5 =	sadd.s32 s21, s3  }
0x9d: {  	[timem:s7], [sflag:s22] =	dma.local [hbm:s5], s20  }
0x9e: {  	_ =	swait.ge [sflag:s22], s20  }
0x9f: {  	s4 =	ssub.s32 $0x0, s20;
	[sflag:s22] =	ssyncset.done $0x0  }
0xa0: {  	[sflag:s22] =	ssyncadd.s32 s4;
	_ =	sdelay $0x1  }
0xa1: {  	s23 =	simm.s32 $0x1B8B  }
0xa2: {  	_ =	swait.ge [sflag:s23], $0x1  }
0xa3: {  	[sflag:s23] =	ssyncset.done $0x0  }
0xa4: {  	s25 =	simm.s32 $0x1B8E;
	s24 =	sld [smem:$0x3FFE];
	[sflag:s23] =	ssyncadd.s32 $0xFFFFFFFF  }
0xa5: {  	s26 =	simm.s32 $execute0_lowered;
	[smem:$0x3FD2] =	sst s25  }
0xa6: {  	s5 =	sshll.u32 s26, $0x1;
	_ =	strace $0x80000046;
	[dreg:$0x1] =	wrdreg $0xFFFFFFFF  }
0xa7: {  	s28 =	simm.s32 $_size_execute0_lowered;
	s3 =	sadd.s32 s3, s5;
	[dreg:$0x0] =	wrdreg $0x0  }
0xa8: {  	s5 =	sshll.u32 s28, $0x1;
	[dreg:$0x2] =	wrdreg s3  }
0xa9: {  	[dreg:$0x3] =	wrdreg s5  }
0xaa: {  	[dreg:$0x4] =	wrdreg $0xC0  }
0xab: {  	_ =	task [dreg:s7], $0x5FFFF  }
0xac: {  	[dreg:$0x1] =	wrdreg $0xFFFFFFFF  }
0xad: {  	[dreg:$0x0] =	wrdreg $0x60  }
0xae: {  	[dreg:$0x2] =	wrdreg s2  }
0xaf: {  	[dreg:$0x3] =	wrdreg s24  }
0xb0: {  	[dreg:$0x4] =	wrdreg $0x9  }
0xb1: {  	_ =	task.clear_ibuf [dreg:s7], $0x5FFFF;
	_ =	strace $0x90000046  }
0xb2: {  	s29 =	simm.s32 $0x9;
	_ =	strace $0x80000048  }
0xb3: {  	_ =	swait.ge [sflag:s29], $0x1  }
0xb4: {  	[sflag:s29] =	ssyncadd.s32 $0xFFFFFFFF  }
0xb5: {  	_ =	strace $0x90000048  }
0xb6: {  	_ =	sfence  }
0xb7: {  	s30 =	sld [smem:$0x0];
	_ =	sdelay $0x2  }
0xb8: {  	s31 =	sshll.u32 s1, $0xD;
	s1 =	sshrl.u32 s1, $0x2  }
0xb9: {  	s3 =	sand.u32 $0x4000, s31;
	s1 =	sadd.s32 s1, s30  }
0xba: {  	s0 =	sor.u32 s3, s0;
	s1 =	sshll.u32 s1, $0x11  }
0xbb: {  	s0 =	sor.u32 s1, s0  }
0xbc: {  	s0 =	sadd.s32 $0x8F2B, s0  }
0xbd: {  	[sflag:s0] =	ssyncadd.remote.s32 $0x1  }
0xbe: {  	_ =	sfence.sel $0xFFFF  }
0xbf: {  	[dreg:$0x0] =	wrdreg $0xFFFFFFFF;
	(pc) =	sbr.abs _section_cstart, $3  }
0xc0: {  	[dreg:$0x1] =	wrdreg $0xFFFFFFFF  }
0xc1: {  	_ =	task.clear_ibuf [dreg:s7], $0x2FFFF;
	_ =	strace $0x9FFFFFFF  }
0xc2: {  	(tm) =	ssettm $0x7FFFFFFF  }
0xc3: {  	_ =	shalt  }
tec
execute0_lowered:
.L_overlay_start_1:
0x0: {  	(tag) =	ssettag $0x1  }
0x1: {  	v0 =	vlaneseq.u32;
	vm0 =	vmmov $0xffff  }
0x2: {  	v11 =	vimm.s32 $0xB80;
	vm7 =	vcmask $0x300;
	vm5 =	vcmask $0x704  }
0x3: {  	vm1 =	vcmask $0xB08;
	vm8 =	vcmask $0xF00;
	vm6 =	vcmask $0xF0C  }
0x4: {  	vm2 =	vcmask $0x1310;
	v13 =	vimm.s32 $0x1B80;
	vm3 =	vcmask $0x1714  }
0x5: {  	vm4 =	vcmask $0x1B18;
	vm9 =	vcmask $0x1F1C;
	vm10 =	vcmask $0x2320  }
0x6: {  	vm11 =	vcmask $0x2724;
	vm12 =	vcmask $0x2B28;
	vm14 =	vcmask $0x2F2C  }
0x7: {  	v15 =	vimm.s32 $0x380;
	vm15 =	vcmask $0x3330;
	v3 =	vshrl.u32 v0, $0x3  }
0x8: {  	s0 =	srdreg.scid;
	s1 =	stileid.u32;
	v2 =	vand.u32 $0x7, v0;
	v4 =	vor.u32 $0x8, v0;
	v5 =	vor.u32 $0x10, v0  }
0x9: {  	s4 =	rddreg [dreg:$0x1];
	s3 =	simm.s32 $0x0;
	s21 =	simm.s32 $0x7;
	v6 =	vor.u32 $0x20, v0;
	v7 =	vor.u32 $0x30, v0;
	v8 =	vor.u32 $0x40, v0  }
0xa: {  	s7 =	simm.s32 $0x10600;
	s11 =	simm.s32 $0x12600;
	s15 =	simm.s32 $0x14600;
	v9 =	vor.u32 $0x50, v0;
	v12 =	vsel vm7, $0x0, v11;
	v13 =	vsel vm7, $0x1000, v13  }
0xb: {  	s19 =	simm.s32 $0x16600;
	s20 =	simm.s32 $0x18600;
	s25 =	simm.s32 $0x1000;
	v10 =	vor.u32 $0x60, v0;
	v12 =	vsel vm5, $0x80, v12;
	v13 =	vsel vm5, $0x1080, v13  }
0xc: {  	s26 =	simm.s32 $0x1C600;
	s29 =	simm.s32 $0x600;
	s30 =	simm.s32 $0x1;
	v11 =	vimm.f32 $0.0e+00;
	v12 =	vsel vm1, $0x100, v12;
	v13 =	vsel vm1, $0x1100, v13  }
0xd: {  	s31 =	simm.s32 $0x2;
	s28 =	simm.s32 $0x5;
	s6 =	simm.s32 $0x6;
	v15 =	vsel vm7, $0x0, v15;
	v12 =	vsel vm6, $0x180, v12;
	v13 =	vsel vm6, $0x1180, v13  }
0xe: {  	s9 =	simm.s32 $0x10E00;
	s0 =	sand.u32 $0x1, s0;
	s1 =	sshll.u32 s1, $0x1;
	v3 =	vmul.u32 $0x8, v3;
	v12 =	vsel vm2, $0x200, v12;
	v13 =	vsel vm2, $0x1200, v13  }
0xf: {  	s10 =	simm.s32 $0x11600;
	s16 =	simm.s32 $0x11E00;
	s2 =	sor.u32 s0, s1;
	v15 =	vsel vm5, $0x80, v15;
	v12 =	vsel vm3, $0x280, v12;
	v13 =	vsel vm3, $0x1280, v13  }
0x10: {  	s17 =	simm.s32 $0x14E00;
	s18 =	simm.s32 $0x15600;
	s1 =	smul.u32 $0x700, s2;
	v15 =	vsel vm1, $0x100, v15;
	v12 =	vsel vm4, $0x300, v12;
	v13 =	vsel vm4, $0x1300, v13  }
0x11: {  	s22 =	simm.s32 $0x18E00;
	s23 =	simm.s32 $0x19600;
	[smem:$0x7FF] =	sst s3;
	vm1 =	vcmask $0x3734;
	v12 =	vsel vm9, $0x380, v12;
	v13 =	vsel vm9, $0x1380, v13  }
0x12: {  	s13 =	simm.s32 $0x17600;
	s2 =	sshll.u32 s2, $0x4;
	v1 =	vmov s1;
	s1 =	rddreg [dreg:$0x0];
	v12 =	vsel vm10, $0x800, v12;
	v13 =	vsel vm10, $0x1800, v13  }
0x13: {  	s2 =	sadd.s32 s2, s4;
	v15 =	vsel vm6, $0x180, v15;
	_ =	strace $0x80000047;
	[dreg:$0x6] =	wrdreg s25;
	v14 =	vsel vm11, $0x880, v12;
	v13 =	vsel vm11, $0x1880, v13  }
0x14: {  	s0 =	ssub.s32 $0x2, s0;
	s4 =	sadd.s32 $0xA00, s2;
	[dreg:$0x7] =	wrdreg s26;
	v15 =	vsel vm2, $0x200, v15;
	v14 =	vsel vm12, $0x900, v14;
	v13 =	vsel vm12, $0x1900, v13  }
0x15: {  	s5 =	sshrl.u32 s0, $0x1;
	s24 =	sadd.s32 $0xC00, s2;
	vm2 =	vcmask $0x3B38;
	[dreg:$0x3] =	wrdreg s4;
	v14 =	vsel vm14, $0x980, v14;
	v13 =	vsel vm14, $0x1980, v13  }
0x16: {  	s0 =	ssub.s32 s0, s5;
	s2 =	sadd.s32 $0x1200, s2;
	[dreg:$0x4] =	wrdreg s24;
	v15 =	vsel vm3, $0x280, v15;
	v14 =	vsel vm15, $0xA00, v14;
	v13 =	vsel vm15, $0x1A00, v13  }
0x17: {  	s14 =	simm.s32 $0x17E00;
	[dreg:$0x5] =	wrdreg s2;
	s4 =	smax.u32 s0, $0x1;
	v15 =	vsel vm4, $0x300, v15;
	v14 =	vsel vm1, $0xA80, v14;
	v16 =	vsel vm1, $0x1A80, v13  }
0x18: {  	s24 =	simm.s32 $0x1A600;
	s2 =	simm.s32 $0x3;
	s0 =	simm.s32 $0x4;
	v12 =	vsel vm8, $0x3F800000, v11;
	v13 =	vsel vm2, $0xB00, v14;
	v14 =	vsel vm2, $0x1B00, v16  }
.LBB2_1:
0x19: {  	s25 =	rddreg [dreg:$0x3]  }
0x1a: {  	[tilespmem:s3], [sflag:$0x7] =	stream.linear.gather [hbm4b:s25+s3], $0x80, $0x38;
	[tilespmem:$0x1CA00] =	vst v63  }
0x1b: {  	_ =	swait.ge [sflag:s21], $0x80  }
0x1c: {  	[sflag:s21] =	ssyncset.done $0x0  }
0x1d: {  	s5 =	simm.s32 $0x80;
	s12 =	rddreg [dreg:$0x4];
	[sflag:s21] =	ssyncadd.s32 $0xFFFFFF80  }
0x1e: {  	[tilespmem:s5], [sflag:$0x7] =	stream.linear.gather [hbm4b:s12+s3], $0x80, $0x38;
	[tilespmem:$0x1CA00] =	vst v63  }
0x1f: {  	_ =	swait.ge [sflag:s21], $0x80  }
0x20: {  	[sflag:s21] =	ssyncset.done $0x0  }
0x21: {  	[sflag:s21] =	ssyncadd.s32 $0xFFFFFF80  }
0x22: {  	v16 =	vld [tilespmem:$0x80]  }
0x23: {  	v17 =	vld [tilespmem:$0x0];
	_ =	sdelay $0x4  }
0x24: {  	v16 =	vmul.f32 $2.560000000e+02, v16;
	v17 =	vmul.f32 $2.560000000e+02, v17;
	_ =	sdelay $0x1  }
0x25: {  	v16 =	vtrunc.f32 v16;
	v17 =	vtrunc.f32 v17  }
0x26: {  	v18 =	vld [tilespmem:$0x90];
	v16 =	vcvt.f32.s32 v16;
	v17 =	vcvt.f32.s32 v17  }
0x27: {  	v20 =	vld [tilespmem:$0x10]  }
0x28: {  	v19 =	vshll.u32 v16, $0x8;
	[tilespmem:$0x500] =	vst v17;
	v16 =	vadd.s32 v16, v1  }
0x29: {  	v17 =	vadd.s32 v17, v19;
	[tilespmem:$0x100] =	vst v16  }
0x2a: {  	[tilespmem:$0x580] =	vst v17;
	v17 =	vadd.s32 $0x100, v16  }
0x2b: {  	v18 =	vmul.f32 $2.560000000e+02, v18;
	[tilespmem:$0x180] =	vst v17;
	v17 =	vadd.s32 $0x200, v16  }
0x2c: {  	v57 =	vmul.f32 $2.560000000e+02, v20;
	[tilespmem:$0x200] =	vst v17;
	v17 =	vadd.s32 $0x300, v16  }
0x2d: {  	v18 =	vtrunc.f32 v18;
	[tilespmem:$0x280] =	vst v17;
	v17 =	vadd.s32 $0x400, v16  }
0x2e: {  	v18 =	vcvt.f32.s32 v18;
	v19 =	vtrunc.f32 v57;
	[tilespmem:$0x300] =	vst v17;
	v17 =	vadd.s32 $0x500, v16  }
0x2f: {  	v58 =	vld [tilespmem:$0xA0];
	v16 =	vadd.s32 $0x600, v16;
	[tilespmem:$0x380] =	vst v17;
	v17 =	vcvt.f32.s32 v19  }
0x30: {  	v59 =	vld [tilespmem:$0x20];
	[tilespmem:$0x400] =	vst v16;
	v16 =	vshll.u32 v18, $0x8  }
0x31: {  	[tilespmem:$0x510] =	vst v17;
	v16 =	vadd.s32 v17, v16  }
0x32: {  	[tilespmem:$0x590] =	vst v16;
	v16 =	vadd.s32 v18, v1  }
0x33: {  	[tilespmem:$0x110] =	vst v16;
	v17 =	vadd.s32 $0x100, v16  }
0x34: {  	v60 =	vmul.f32 $2.560000000e+02, v58;
	[tilespmem:$0x190] =	vst v17;
	v17 =	vadd.s32 $0x200, v16  }
0x35: {  	v61 =	vmul.f32 $2.560000000e+02, v59;
	[tilespmem:$0x210] =	vst v17;
	v17 =	vadd.s32 $0x300, v16  }
0x36: {  	v18 =	vtrunc.f32 v60;
	[tilespmem:$0x290] =	vst v17;
	v17 =	vadd.s32 $0x400, v16  }
0x37: {  	v19 =	vtrunc.f32 v61;
	v18 =	vcvt.f32.s32 v18;
	[tilespmem:$0x310] =	vst v17;
	v17 =	vadd.s32 $0x500, v16  }
0x38: {  	v62 =	vld [tilespmem:$0xB0];
	v16 =	vadd.s32 $0x600, v16;
	[tilespmem:$0x390] =	vst v17;
	v17 =	vcvt.f32.s32 v19  }
0x39: {  	v63 =	vld [tilespmem:$0x30];
	[tilespmem:$0x410] =	vst v16;
	v16 =	vshll.u32 v18, $0x8  }
0x3a: {  	[tilespmem:$0x520] =	vst v17;
	v16 =	vadd.s32 v17, v16  }
0x3b: {  	[tilespmem:$0x5A0] =	vst v16;
	v16 =	vadd.s32 v18, v1  }
0x3c: {  	[tilespmem:$0x120] =	vst v16;
	v17 =	vadd.s32 $0x100, v16  }
0x3d: {  	v22 =	vmul.f32 $2.560000000e+02, v62;
	[tilespmem:$0x1A0] =	vst v17;
	v17 =	vadd.s32 $0x200, v16  }
0x3e: {  	v23 =	vmul.f32 $2.560000000e+02, v63;
	[tilespmem:$0x220] =	vst v17;
	v17 =	vadd.s32 $0x300, v16  }
0x3f: {  	v18 =	vtrunc.f32 v22;
	[tilespmem:$0x2A0] =	vst v17;
	v17 =	vadd.s32 $0x400, v16  }
0x40: {  	v19 =	vtrunc.f32 v23;
	v18 =	vcvt.f32.s32 v18;
	[tilespmem:$0x320] =	vst v17;
	v17 =	vadd.s32 $0x500, v16  }
0x41: {  	v24 =	vld [tilespmem:$0xC0];
	v16 =	vadd.s32 $0x600, v16;
	[tilespmem:$0x3A0] =	vst v17;
	v17 =	vcvt.f32.s32 v19  }
0x42: {  	v25 =	vld [tilespmem:$0x40];
	[tilespmem:$0x420] =	vst v16;
	v16 =	vshll.u32 v18, $0x8  }
0x43: {  	[tilespmem:$0x530] =	vst v17;
	v16 =	vadd.s32 v17, v16  }
0x44: {  	[tilespmem:$0x5B0] =	vst v16;
	v16 =	vadd.s32 v18, v1  }
0x45: {  	[tilespmem:$0x130] =	vst v16;
	v17 =	vadd.s32 $0x100, v16  }
0x46: {  	v26 =	vmul.f32 $2.560000000e+02, v24;
	[tilespmem:$0x1B0] =	vst v17;
	v17 =	vadd.s32 $0x200, v16  }
0x47: {  	v27 =	vmul.f32 $2.560000000e+02, v25;
	[tilespmem:$0x230] =	vst v17;
	v17 =	vadd.s32 $0x300, v16  }
0x48: {  	v18 =	vtrunc.f32 v26;
	[tilespmem:$0x2B0] =	vst v17;
	v17 =	vadd.s32 $0x400, v16  }
0x49: {  	v19 =	vtrunc.f32 v27;
	v18 =	vcvt.f32.s32 v18;
	[tilespmem:$0x330] =	vst v17;
	v17 =	vadd.s32 $0x500, v16  }
0x4a: {  	v28 =	vld [tilespmem:$0xD0];
	v16 =	vadd.s32 $0x600, v16;
	[tilespmem:$0x3B0] =	vst v17;
	v17 =	vcvt.f32.s32 v19  }
0x4b: {  	v29 =	vld [tilespmem:$0x50];
	[tilespmem:$0x430] =	vst v16;
	v16 =	vshll.u32 v18, $0x8  }
0x4c: {  	[tilespmem:$0x540] =	vst v17;
	v16 =	vadd.s32 v17, v16  }
0x4d: {  	[tilespmem:$0x5C0] =	vst v16;
	v16 =	vadd.s32 v18, v1  }
0x4e: {  	[tilespmem:$0x140] =	vst v16;
	v17 =	vadd.s32 $0x100, v16  }
0x4f: {  	v30 =	vmul.f32 $2.560000000e+02, v28;
	[tilespmem:$0x1C0] =	vst v17;
	v17 =	vadd.s32 $0x200, v16  }
0x50: {  	v31 =	vmul.f32 $2.560000000e+02, v29;
	[tilespmem:$0x240] =	vst v17;
	v17 =	vadd.s32 $0x300, v16  }
0x51: {  	v18 =	vtrunc.f32 v30;
	[tilespmem:$0x2C0] =	vst v17;
	v17 =	vadd.s32 $0x400, v16  }
0x52: {  	v19 =	vtrunc.f32 v31;
	v18 =	vcvt.f32.s32 v18;
	[tilespmem:$0x340] =	vst v17;
	v17 =	vadd.s32 $0x500, v16  }
0x53: {  	v32 =	vld [tilespmem:$0xE0];
	v16 =	vadd.s32 $0x600, v16;
	[tilespmem:$0x3C0] =	vst v17;
	v17 =	vcvt.f32.s32 v19  }
0x54: {  	v33 =	vld [tilespmem:$0x60];
	[tilespmem:$0x440] =	vst v16;
	v16 =	vshll.u32 v18, $0x8  }
0x55: {  	[tilespmem:$0x550] =	vst v17;
	v16 =	vadd.s32 v17, v16  }
0x56: {  	[tilespmem:$0x5D0] =	vst v16;
	v16 =	vadd.s32 v18, v1  }
0x57: {  	[tilespmem:$0x150] =	vst v16;
	v17 =	vadd.s32 $0x100, v16  }
0x58: {  	v34 =	vmul.f32 $2.560000000e+02, v32;
	v35 =	vld [tilespmem:$0x100];
	[tilespmem:$0x1D0] =	vst v17;
	v17 =	vadd.s32 $0x200, v16  }
0x59: {  	v20 =	vmul.f32 $2.560000000e+02, v33;
	[tilespmem:$0x250] =	vst v17;
	v17 =	vadd.s32 $0x300, v16  }
0x5a: {  	v18 =	vtrunc.f32 v34;
	[tilespmem:$0x2D0] =	vst v17;
	v17 =	vadd.s32 $0x400, v16  }
0x5b: {  	v20 =	vtrunc.f32 v20;
	v18 =	vcvt.f32.s32 v18;
	[tilespmem:$0x350] =	vst v17;
	v17 =	vadd.s32 $0x500, v16  }
0x5c: {  	v16 =	vadd.s32 $0x600, v16;
	[tilespmem:$0x3D0] =	vst v17;
	v17 =	vcvt.f32.s32 v20  }
0x5d: {  	v36 =	vshll.u32 v35, $0x1;
	[tilespmem:$0x450] =	vst v16;
	v16 =	vshll.u32 v18, $0x8  }
0x5e: {  	v37 =	vand.u32 $0xFFFFFFF0, v36;
	[tilespmem:$0x560] =	vst v17;
	v16 =	vadd.s32 v17, v16;
	v17 =	vand.u32 $0x7, v35  }
0x5f: {  	[tilespmem:$0x5E0] =	vst v16;
	v16 =	vadd.s32 v18, v1;
	v17 =	vor.u32 v17, v37  }
0x60: {  	[tilespmem:$0x160] =	vst v16;
	v18 =	vadd.s32 $0x100, v16;
	v19 =	vperm.xlane v17, v2  }
0x61: {  	v38 =	vadd.s32 $0x200, v16;
	[tilespmem:$0x1E0] =	vst v18  }
0x62: {  	v39 =	vadd.s32 $0x300, v16;
	v17 =	vperm.xlane v17, v4;
	[tilespmem:$0x260] =	vst v38;
	v19 =	vadd.s32 v3, v19  }
0x63: {  	v40 =	vadd.s32 $0x400, v16;
	[tilespmem:$0x2E0] =	vst v39  }
0x64: {  	v41 =	vadd.s32 $0x500, v16;
	[tilespmem:$0x360] =	vst v40;
	v17 =	vadd.s32 v3, v17  }
0x65: {  	v16 =	vadd.s32 $0x600, v16;
	[tilespmem:$0x3E0] =	vst v41  }
0x66: {  	[tilespmem:$0x460] =	vst v16  }
0x67: {  	[tilespmem:s7], [sflag:$0x1] =	stream.indirect_vreg.gather [hbm4b:s1+s3], $0x80, v19, vm0, $0xb8;
	[tilespmem:$0x1CA00] =	vst v63  }
0x68: {  	_ = 	snop  }
0x69: {  	[tilespmem:s9], [sflag:$0x1] =	stream.indirect_vreg.gather [hbm4b:s1+s3], $0x80, v17, vm0, $0xb8;
	[tilespmem:$0x1CA00] =	vst v63  }
0x6a: {  	v16 =	vld [tilespmem:$0x110];
	_ =	sdelay $0x4  }
0x6b: {  	v17 =	vshll.u32 v16, $0x1  }
0x6c: {  	v16 =	vand.u32 $0x7, v16;
	v17 =	vand.u32 $0xFFFFFFF0, v17  }
0x6d: {  	v16 =	vor.u32 v16, v17  }
0x6e: {  	v17 =	vperm.xlane v16, v2;
	_ =	sdelay $0x1  }
0x6f: {  	v16 =	vperm.xlane v16, v4;
	v17 =	vadd.s32 v3, v17;
	_ =	sdelay $0x1  }
0x70: {  	v16 =	vadd.s32 v3, v16;
	_ =	sdelay $0x2  }
0x71: {  	[tilespmem:s10], [sflag:$0x1] =	stream.indirect_vreg.gather [hbm4b:s1+s3], $0x80, v17, vm0, $0xb8;
	[tilespmem:$0x1CA00] =	vst v63  }
0x72: {  	_ = 	snop  }
0x73: {  	[tilespmem:s16], [sflag:$0x1] =	stream.indirect_vreg.gather [hbm4b:s1+s3], $0x80, v16, vm0, $0xb8;
	[tilespmem:$0x1CA00] =	vst v63  }
0x74: {  	v16 =	vld [tilespmem:$0x120];
	_ =	sdelay $0x4  }
0x75: {  	v17 =	vshll.u32 v16, $0x1  }
0x76: {  	v16 =	vand.u32 $0x7, v16;
	v17 =	vand.u32 $0xFFFFFFF0, v17  }
0x77: {  	v16 =	vor.u32 v16, v17  }
0x78: {  	v17 =	vperm.xlane v16, v2;
	_ =	sdelay $0x1  }
0x79: {  	v16 =	vperm.xlane v16, v4;
	v17 =	vadd.s32 v3, v17;
	_ =	sdelay $0x1  }
0x7a: {  	v16 =	vadd.s32 v3, v16;
	_ =	sdelay $0x2  }
0x7b: {  	[tilespmem:s11], [sflag:$0x2] =	stream.indirect_vreg.gather [hbm4b:s1+s3], $0x80, v17, vm0, $0xb8;
	[tilespmem:$0x1CA00] =	vst v63  }
0x7c: {  	s26 =	simm.s32 $0x12E00  }
0x7d: {  	[tilespmem:s26], [sflag:$0x2] =	stream.indirect_vreg.gather [hbm4b:s1+s3], $0x80, v16, vm0, $0xb8;
	[tilespmem:$0x1CA00] =	vst v63  }
0x7e: {  	v16 =	vld [tilespmem:$0x130];
	_ =	sdelay $0x4  }
0x7f: {  	v17 =	vshll.u32 v16, $0x1  }
0x80: {  	v16 =	vand.u32 $0x7, v16;
	v17 =	vand.u32 $0xFFFFFFF0, v17  }
0x81: {  	v16 =	vor.u32 v16, v17  }
0x82: {  	v17 =	vperm.xlane v16, v2;
	_ =	sdelay $0x1  }
0x83: {  	v16 =	vperm.xlane v16, v4;
	v17 =	vadd.s32 v3, v17;
	_ =	sdelay $0x1  }
0x84: {  	v16 =	vadd.s32 v3, v16;
	_ =	sdelay $0x1  }
0x85: {  	s8 =	simm.s32 $0x13600  }
0x86: {  	[tilespmem:s8], [sflag:$0x2] =	stream.indirect_vreg.gather [hbm4b:s1+s3], $0x80, v17, vm0, $0xb8;
	[tilespmem:$0x1CA00] =	vst v63  }
0x87: {  	s12 =	simm.s32 $0x13E00  }
0x88: {  	[tilespmem:s12], [sflag:$0x2] =	stream.indirect_vreg.gather [hbm4b:s1+s3], $0x80, v16, vm0, $0xb8;
	[tilespmem:$0x1CA00] =	vst v63  }
0x89: {  	v16 =	vld [tilespmem:$0x140];
	_ =	sdelay $0x4  }
0x8a: {  	v17 =	vshll.u32 v16, $0x1  }
0x8b: {  	v16 =	vand.u32 $0x7, v16;
	v17 =	vand.u32 $0xFFFFFFF0, v17  }
0x8c: {  	v16 =	vor.u32 v16, v17  }
0x8d: {  	v17 =	vperm.xlane v16, v2;
	_ =	sdelay $0x1  }
0x8e: {  	v16 =	vperm.xlane v16, v4;
	v17 =	vadd.s32 v3, v17;
	_ =	sdelay $0x1  }
0x8f: {  	v16 =	vadd.s32 v3, v16;
	_ =	sdelay $0x2  }
0x90: {  	[tilespmem:s15], [sflag:$0x3] =	stream.indirect_vreg.gather [hbm4b:s1+s3], $0x80, v17, vm0, $0xb8;
	[tilespmem:$0x1CA00] =	vst v63  }
0x91: {  	_ = 	snop  }
0x92: {  	[tilespmem:s17], [sflag:$0x3] =	stream.indirect_vreg.gather [hbm4b:s1+s3], $0x80, v16, vm0, $0xb8;
	[tilespmem:$0x1CA00] =	vst v63  }
0x93: {  	v16 =	vld [tilespmem:$0x150];
	_ =	sdelay $0x4  }
0x94: {  	v17 =	vshll.u32 v16, $0x1  }
0x95: {  	v16 =	vand.u32 $0x7, v16;
	v17 =	vand.u32 $0xFFFFFFF0, v17  }
0x96: {  	v16 =	vor.u32 v16, v17  }
0x97: {  	v17 =	vperm.xlane v16, v2;
	_ =	sdelay $0x1  }
0x98: {  	v16 =	vperm.xlane v16, v4;
	v17 =	vadd.s32 v3, v17;
	_ =	sdelay $0x1  }
0x99: {  	v16 =	vadd.s32 v3, v16;
	_ =	sdelay $0x2  }
0x9a: {  	[tilespmem:s18], [sflag:$0x3] =	stream.indirect_vreg.gather [hbm4b:s1+s3], $0x80, v17, vm0, $0xb8;
	[tilespmem:$0x1CA00] =	vst v63  }
0x9b: {  	s5 =	simm.s32 $0x15E00  }
0x9c: {  	[tilespmem:s5], [sflag:$0x3] =	stream.indirect_vreg.gather [hbm4b:s1+s3], $0x80, v16, vm0, $0xb8;
	[tilespmem:$0x1CA00] =	vst v63  }
0x9d: {  	v16 =	vld.msk [tilespmem:$0x160], $0xff;
	_ =	sdelay $0x4  }
0x9e: {  	v17 =	vshll.u32 v16, $0x1  }
0x9f: {  	v16 =	vand.u32 $0x7, v16;
	v17 =	vand.u32 $0xFFFFFFF0, v17  }
0xa0: {  	v16 =	vor.u32 v16, v17  }
0xa1: {  	v16 =	vperm.xlane v16, v2;
	_ =	sdelay $0x1  }
0xa2: {  	v16 =	vadd.s32 v3, v16;
	_ =	sdelay $0x4  }
0xa3: {  	[tilespmem:s19], [sflag:$0x4] =	stream.indirect_vreg.gather [hbm4b:s1+s3], $0x80, v16, vm0, $0xb8;
	[tilespmem:$0x1CA00] =	vst v63  }
0xa4: {  	v16 =	vld [tilespmem:$0x180];
	_ =	sdelay $0x4  }
0xa5: {  	v17 =	vshll.u32 v16, $0x1  }
0xa6: {  	v16 =	vand.u32 $0x7, v16;
	v17 =	vand.u32 $0xFFFFFFF0, v17  }
0xa7: {  	v16 =	vor.u32 v16, v17  }
0xa8: {  	v17 =	vperm.xlane v16, v2;
	_ =	sdelay $0x1  }
0xa9: {  	v16 =	vperm.xlane v16, v4;
	v17 =	vadd.s32 v3, v17;
	_ =	sdelay $0x1  }
0xaa: {  	v16 =	vadd.s32 v3, v16;
	_ =	sdelay $0x2  }
0xab: {  	[tilespmem:s20], [sflag:$0x5] =	stream.indirect_vreg.gather [hbm4b:s1+s3], $0x80, v17, vm0, $0xb8;
	[tilespmem:$0x1CA00] =	vst v63  }
0xac: {  	_ = 	snop  }
0xad: {  	[tilespmem:s22], [sflag:$0x5] =	stream.indirect_vreg.gather [hbm4b:s1+s3], $0x80, v16, vm0, $0xb8;
	[tilespmem:$0x1CA00] =	vst v63  }
0xae: {  	v16 =	vld [tilespmem:$0x190];
	_ =	sdelay $0x4  }
0xaf: {  	v17 =	vshll.u32 v16, $0x1  }
0xb0: {  	v16 =	vand.u32 $0x7, v16;
	v17 =	vand.u32 $0xFFFFFFF0, v17  }
0xb1: {  	v16 =	vor.u32 v16, v17  }
0xb2: {  	v17 =	vperm.xlane v16, v2;
	_ =	sdelay $0x1  }
0xb3: {  	v16 =	vperm.xlane v16, v4;
	v17 =	vadd.s32 v3, v17;
	_ =	sdelay $0x1  }
0xb4: {  	v16 =	vadd.s32 v3, v16;
	_ =	sdelay $0x2  }
0xb5: {  	[tilespmem:s23], [sflag:$0x5] =	stream.indirect_vreg.gather [hbm4b:s1+s3], $0x80, v17, vm0, $0xb8;
	[tilespmem:$0x1CA00] =	vst v63  }
0xb6: {  	s8 =	simm.s32 $0x19E00  }
0xb7: {  	[tilespmem:s8], [sflag:$0x5] =	stream.indirect_vreg.gather [hbm4b:s1+s3], $0x80, v16, vm0, $0xb8;
	[tilespmem:$0x1CA00] =	vst v63  }
0xb8: {  	v16 =	vld [tilespmem:$0x1A0];
	_ =	sdelay $0x4  }
0xb9: {  	v17 =	vshll.u32 v16, $0x1  }
0xba: {  	v16 =	vand.u32 $0x7, v16;
	v17 =	vand.u32 $0xFFFFFFF0, v17  }
0xbb: {  	v16 =	vor.u32 v16, v17  }
0xbc: {  	v17 =	vperm.xlane v16, v2;
	_ =	sdelay $0x1  }
0xbd: {  	v16 =	vperm.xlane v16, v4;
	v17 =	vadd.s32 v3, v17;
	_ =	sdelay $0x1  }
0xbe: {  	v16 =	vadd.s32 v3, v16;
	_ =	sdelay $0x2  }
0xbf: {  	[tilespmem:s24], [sflag:$0x6] =	stream.indirect_vreg.gather [hbm4b:s1+s3], $0x80, v17, vm0, $0xb8;
	[tilespmem:$0x1CA00] =	vst v63  }
0xc0: {  	s26 =	simm.s32 $0x1AE00  }
0xc1: {  	[tilespmem:s26], [sflag:$0x6] =	stream.indirect_vreg.gather [hbm4b:s1+s3], $0x80, v16, vm0, $0xb8;
	[tilespmem:$0x1CA00] =	vst v63  }
0xc2: {  	v16 =	vld [tilespmem:$0x1B0];
	_ =	sdelay $0x4  }
0xc3: {  	v17 =	vshll.u32 v16, $0x1  }
0xc4: {  	v16 =	vand.u32 $0x7, v16;
	v17 =	vand.u32 $0xFFFFFFF0, v17  }
0xc5: {  	v16 =	vor.u32 v16, v17  }
0xc6: {  	v17 =	vperm.xlane v16, v2;
	_ =	sdelay $0x1  }
0xc7: {  	v16 =	vperm.xlane v16, v4;
	v17 =	vadd.s32 v3, v17;
	_ =	sdelay $0x1  }
0xc8: {  	v16 =	vadd.s32 v3, v16;
	_ =	sdelay $0x1  }
0xc9: {  	s12 =	simm.s32 $0x1B600  }
0xca: {  	[tilespmem:s12], [sflag:$0x6] =	stream.indirect_vreg.gather [hbm4b:s1+s3], $0x80, v17, vm0, $0xb8;
	[tilespmem:$0x1CA00] =	vst v63  }
0xcb: {  	s12 =	simm.s32 $0x1BE00  }
0xcc: {  	[tilespmem:s12], [sflag:$0x6] =	stream.indirect_vreg.gather [hbm4b:s1+s3], $0x80, v16, vm0, $0xb8;
	[tilespmem:$0x1CA00] =	vst v63  }
0xcd: {  	v16 =	vld [tilespmem:$0x580];
	_ =	sdelay $0x7  }
0xce: {  	[tilespmem:v16+s29+$0x0] =	vst.idx.msk $0xffff, v0  }
0xcf: {  	v16 =	vld [tilespmem:$0x590];
	_ =	sdelay $0x7  }
0xd0: {  	[tilespmem:v16+s29+$0x0] =	vst.idx.msk $0xffff, v5  }
0xd1: {  	v16 =	vld [tilespmem:$0x5A0];
	_ =	sdelay $0x7  }
0xd2: {  	[tilespmem:v16+s29+$0x0] =	vst.idx.msk $0xffff, v6  }
0xd3: {  	v16 =	vld [tilespmem:$0x5B0];
	_ =	sdelay $0x7  }
0xd4: {  	[tilespmem:v16+s29+$0x0] =	vst.idx.msk $0xffff, v7  }
0xd5: {  	v16 =	vld [tilespmem:$0x5C0];
	_ =	sdelay $0x7  }
0xd6: {  	[tilespmem:v16+s29+$0x0] =	vst.idx.msk $0xffff, v8  }
0xd7: {  	v16 =	vld [tilespmem:$0x5D0];
	_ =	sdelay $0x7  }
0xd8: {  	[tilespmem:v16+s29+$0x0] =	vst.idx.msk $0xffff, v9  }
0xd9: {  	v16 =	vld [tilespmem:$0x5E0];
	_ =	sdelay $0x7  }
0xda: {  	[tilespmem:v16+s29+$0x0] =	vst.idx.msk $0xf, v10  }
0xdb: {  	v16 =	vld [tilespmem:$0x580];
	_ =	sdelay $0x6  }
0xdc: {  	v17 =	vld [tilespmem:$0x590]  }
0xdd: {  	v16 =	vld.idx.msk [tilespmem:v16+s29+$0x0], $0xffff;
	_ =	sdelay $0x4  }
0xde: {  	vm1 =	veq.s32 v16, v0  }
0xdf: {  	v16 =	vsel vm1, $0x3F800000, v11  }
0xe0: {  	[tilespmem:$0x1C980] =	vst v16  }
0xe1: {  	v16 =	vld.idx.msk [tilespmem:v17+s29+$0x0], $0xffff  }
0xe2: {  	v17 =	vld [tilespmem:$0x5A0];
	_ =	sdelay $0x4  }
0xe3: {  	vm1 =	veq.s32 v16, v5  }
0xe4: {  	v16 =	vsel vm1, $0x3F800000, v11  }
0xe5: {  	[tilespmem:$0x1C990] =	vst v16  }
0xe6: {  	v16 =	vld.idx.msk [tilespmem:v17+s29+$0x0], $0xffff  }
0xe7: {  	v17 =	vld [tilespmem:$0x5B0];
	_ =	sdelay $0x4  }
0xe8: {  	vm1 =	veq.s32 v16, v6  }
0xe9: {  	v16 =	vsel vm1, $0x3F800000, v11  }
0xea: {  	[tilespmem:$0x1C9A0] =	vst v16  }
0xeb: {  	v16 =	vld.idx.msk [tilespmem:v17+s29+$0x0], $0xffff  }
0xec: {  	v17 =	vld [tilespmem:$0x5C0];
	_ =	sdelay $0x4  }
0xed: {  	vm1 =	veq.s32 v16, v7  }
0xee: {  	v16 =	vsel vm1, $0x3F800000, v11  }
0xef: {  	[tilespmem:$0x1C9B0] =	vst v16  }
0xf0: {  	v16 =	vld.idx.msk [tilespmem:v17+s29+$0x0], $0xffff  }
0xf1: {  	v17 =	vld [tilespmem:$0x5D0];
	_ =	sdelay $0x4  }
0xf2: {  	vm1 =	veq.s32 v16, v8  }
0xf3: {  	v16 =	vsel vm1, $0x3F800000, v11  }
0xf4: {  	[tilespmem:$0x1C9C0] =	vst v16  }
0xf5: {  	v16 =	vld.idx.msk [tilespmem:v17+s29+$0x0], $0xffff  }
0xf6: {  	v17 =	vld [tilespmem:$0x5E0];
	_ =	sdelay $0x4  }
0xf7: {  	vm1 =	veq.s32 v16, v9  }
0xf8: {  	v16 =	vsel vm1, $0x3F800000, v11  }
0xf9: {  	[tilespmem:$0x1C9D0] =	vst v16  }
0xfa: {  	v16 =	vld.idx.msk [tilespmem:v17+s29+$0x0], $0xffff;
	_ =	sdelay $0x4  }
0xfb: {  	vm1 =	veq.s32 v16, v10  }
0xfc: {  	v16 =	vnsel vm1, $0x0, v12  }
0xfd: {  	[tilespmem:$0x1C9E0] =	vst v16  }
0xfe: {  	_ =	swait.ge [sflag:s30], $0x2000  }
0xff: {  	[sflag:s30] =	ssyncset.done $0x0  }
0x100: {  	[sflag:s30] =	ssyncadd.s32 $0xFFFFE000  }
0x101: {  	v16 =	vld [tilespmem:$0x500];
	_ =	sdelay $0x4  }
0x102: {  	v17 =	vshll.u32 v16, $0x3  }
0x103: {  	v42 =	vld [tilespmem:$0x510];
	v16 =	vand.u32 $0x7F, v16;
	v17 =	vand.u32 $0xFFFFFC00, v17  }
0x104: {  	v16 =	vor.u32 v16, v17  }
0x105: {  	v16 =	vadd.s32 v13, v16;
	_ =	sdelay $0x1  }
0x106: {  	v17 =	vld [tilespmem:$0x1C0]  }
0x107: {  	v43 =	vshll.u32 v42, $0x3  }
0x108: {  	v18 =	vand.u32 $0x7F, v42;
	v19 =	vand.u32 $0xFFFFFC00, v43  }
0x109: {  	v18 =	vor.u32 v18, v19;
	v16 =	vld.idx.msk [tilespmem:v16+s7+$0x0], $0xffff  }
0x10a: {  	v18 =	vadd.s32 v14, v18  }
0x10b: {  	v44 =	vshll.u32 v17, $0x1  }
0x10c: {  	v17 =	vand.u32 $0x7, v17;
	v19 =	vand.u32 $0xFFFFFFF0, v44  }
0x10d: {  	v17 =	vor.u32 v17, v19  }
0x10e: {  	[tilespmem:$0x1C600] =	vst v16;
	v16 =	vperm.xlane v17, v2  }
0x10f: {  	v18 =	vld.idx.msk [tilespmem:v18+s7+$0x0], $0xffff  }
0x110: {  	v17 =	vperm.xlane v17, v4;
	v16 =	vadd.s32 v3, v16;
	_ =	sdelay $0x1  }
0x111: {  	v17 =	vadd.s32 v3, v17;
	_ =	sdelay $0x1  }
0x112: {  	[tilespmem:$0x1C610] =	vst v18  }
0x113: {  	[tilespmem:s7], [sflag:$0x1] =	stream.indirect_vreg.gather [hbm4b:s1+s3], $0x80, v16, vm0, $0xb8;
	[tilespmem:$0x1CA00] =	vst v63  }
0x114: {  	_ = 	snop  }
0x115: {  	[tilespmem:s9], [sflag:$0x1] =	stream.indirect_vreg.gather [hbm4b:s1+s3], $0x80, v17, vm0, $0xb8;
	[tilespmem:$0x1CA00] =	vst v63  }
0x116: {  	v16 =	vld [tilespmem:$0x1D0];
	_ =	sdelay $0x4  }
0x117: {  	v17 =	vshll.u32 v16, $0x1  }
0x118: {  	v16 =	vand.u32 $0x7, v16;
	v17 =	vand.u32 $0xFFFFFFF0, v17  }
0x119: {  	v16 =	vor.u32 v16, v17  }
0x11a: {  	v17 =	vperm.xlane v16, v2;
	_ =	sdelay $0x1  }
0x11b: {  	v16 =	vperm.xlane v16, v4;
	v17 =	vadd.s32 v3, v17;
	_ =	sdelay $0x1  }
0x11c: {  	v16 =	vadd.s32 v3, v16;
	_ =	sdelay $0x2  }
0x11d: {  	[tilespmem:s10], [sflag:$0x1] =	stream.indirect_vreg.gather [hbm4b:s1+s3], $0x80, v17, vm0, $0xb8;
	[tilespmem:$0x1CA00] =	vst v63  }
0x11e: {  	_ = 	snop  }
0x11f: {  	[tilespmem:s16], [sflag:$0x1] =	stream.indirect_vreg.gather [hbm4b:s1+s3], $0x80, v16, vm0, $0xb8;
	[tilespmem:$0x1CA00] =	vst v63  }
0x120: {  	_ =	swait.ge [sflag:s31], $0x2000  }
0x121: {  	[sflag:s31] =	ssyncset.done $0x0  }
0x122: {  	[sflag:s31] =	ssyncadd.s32 $0xFFFFE000  }
0x123: {  	v16 =	vld [tilespmem:$0x520];
	_ =	sdelay $0x4  }
0x124: {  	v17 =	vshll.u32 v16, $0x3  }
0x125: {  	v45 =	vld [tilespmem:$0x530];
	v16 =	vand.u32 $0x7F, v16;
	v17 =	vand.u32 $0xFFFFFC00, v17  }
0x126: {  	v16 =	vor.u32 v16, v17  }
0x127: {  	v16 =	vadd.s32 v13, v16;
	_ =	sdelay $0x1  }
0x128: {  	v17 =	vld.msk [tilespmem:$0x1E0], $0xff  }
0x129: {  	v46 =	vshll.u32 v45, $0x3  }
0x12a: {  	v18 =	vand.u32 $0x7F, v45;
	v19 =	vand.u32 $0xFFFFFC00, v46  }
0x12b: {  	v18 =	vor.u32 v18, v19;
	v16 =	vld.idx.msk [tilespmem:v16+s11+$0x0], $0xffff  }
0x12c: {  	v18 =	vadd.s32 v14, v18  }
0x12d: {  	v47 =	vshll.u32 v17, $0x1  }
0x12e: {  	v17 =	vand.u32 $0x7, v17;
	v19 =	vand.u32 $0xFFFFFFF0, v47  }
0x12f: {  	v17 =	vor.u32 v17, v19  }
0x130: {  	[tilespmem:$0x1C620] =	vst v16;
	v16 =	vperm.xlane v17, v2  }
0x131: {  	v17 =	vld.idx.msk [tilespmem:v18+s11+$0x0], $0xffff  }
0x132: {  	v16 =	vadd.s32 v3, v16;
	_ =	sdelay $0x3  }
0x133: {  	[tilespmem:$0x1C630] =	vst v17  }
0x134: {  	[tilespmem:s11], [sflag:$0x2] =	stream.indirect_vreg.gather [hbm4b:s1+s3], $0x80, v16, vm0, $0xb8;
	[tilespmem:$0x1CA00] =	vst v63  }
0x135: {  	_ =	swait.ge [sflag:s2], $0x2000  }
0x136: {  	[sflag:s2] =	ssyncset.done $0x0  }
0x137: {  	[sflag:s2] =	ssyncadd.s32 $0xFFFFE000  }
0x138: {  	v16 =	vld [tilespmem:$0x540];
	_ =	sdelay $0x4  }
0x139: {  	v17 =	vshll.u32 v16, $0x3  }
0x13a: {  	v48 =	vld [tilespmem:$0x550];
	v16 =	vand.u32 $0x7F, v16;
	v17 =	vand.u32 $0xFFFFFC00, v17  }
0x13b: {  	v16 =	vor.u32 v16, v17  }
0x13c: {  	v16 =	vadd.s32 v13, v16;
	_ =	sdelay $0x1  }
0x13d: {  	v17 =	vld [tilespmem:$0x200]  }
0x13e: {  	v49 =	vshll.u32 v48, $0x3  }
0x13f: {  	v18 =	vand.u32 $0x7F, v48;
	v19 =	vand.u32 $0xFFFFFC00, v49  }
0x140: {  	v18 =	vor.u32 v18, v19;
	v16 =	vld.idx.msk [tilespmem:v16+s15+$0x0], $0xffff  }
0x141: {  	v18 =	vadd.s32 v14, v18  }
0x142: {  	v50 =	vshll.u32 v17, $0x1  }
0x143: {  	v17 =	vand.u32 $0x7, v17;
	v19 =	vand.u32 $0xFFFFFFF0, v50  }
0x144: {  	v17 =	vor.u32 v17, v19  }
0x145: {  	[tilespmem:$0x1C640] =	vst v16;
	v16 =	vperm.xlane v17, v2  }
0x146: {  	v18 =	vld.idx.msk [tilespmem:v18+s15+$0x0], $0xffff  }
0x147: {  	v17 =	vperm.xlane v17, v4;
	v16 =	vadd.s32 v3, v16;
	_ =	sdelay $0x1  }
0x148: {  	v17 =	vadd.s32 v3, v17;
	_ =	sdelay $0x1  }
0x149: {  	[tilespmem:$0x1C650] =	vst v18  }
0x14a: {  	[tilespmem:s15], [sflag:$0x3] =	stream.indirect_vreg.gather [hbm4b:s1+s3], $0x80, v16, vm0, $0xb8;
	[tilespmem:$0x1CA00] =	vst v63  }
0x14b: {  	_ = 	snop  }
0x14c: {  	[tilespmem:s17], [sflag:$0x3] =	stream.indirect_vreg.gather [hbm4b:s1+s3], $0x80, v17, vm0, $0xb8;
	[tilespmem:$0x1CA00] =	vst v63  }
0x14d: {  	v16 =	vld [tilespmem:$0x210];
	_ =	sdelay $0x4  }
0x14e: {  	v17 =	vshll.u32 v16, $0x1  }
0x14f: {  	v16 =	vand.u32 $0x7, v16;
	v17 =	vand.u32 $0xFFFFFFF0, v17  }
0x150: {  	v16 =	vor.u32 v16, v17  }
0x151: {  	v17 =	vperm.xlane v16, v2;
	_ =	sdelay $0x1  }
0x152: {  	v16 =	vperm.xlane v16, v4;
	v17 =	vadd.s32 v3, v17;
	_ =	sdelay $0x1  }
0x153: {  	v16 =	vadd.s32 v3, v16;
	_ =	sdelay $0x2  }
0x154: {  	[tilespmem:s18], [sflag:$0x3] =	stream.indirect_vreg.gather [hbm4b:s1+s3], $0x80, v17, vm0, $0xb8;
	[tilespmem:$0x1CA00] =	vst v63  }
0x155: {  	_ = 	snop  }
0x156: {  	[tilespmem:s5], [sflag:$0x3] =	stream.indirect_vreg.gather [hbm4b:s1+s3], $0x80, v16, vm0, $0xb8;
	[tilespmem:$0x1CA00] =	vst v63  }
0x157: {  	_ =	swait.ge [sflag:s0], $0x800  }
0x158: {  	[sflag:s0] =	ssyncset.done $0x0  }
0x159: {  	[sflag:s0] =	ssyncadd.s32 $0xFFFFF800  }
0x15a: {  	v16 =	vld [tilespmem:$0x560];
	_ =	sdelay $0x3  }
0x15b: {  	v17 =	vld [tilespmem:$0x220]  }
0x15c: {  	v51 =	vshll.u32 v16, $0x3  }
0x15d: {  	v16 =	vand.u32 $0x7F, v16;
	v18 =	vand.u32 $0xFFFFFC00, v51  }
0x15e: {  	v16 =	vor.u32 v18, v16  }
0x15f: {  	v16 =	vor.u32 v15, v16  }
0x160: {  	v52 =	vshll.u32 v17, $0x1  }
0x161: {  	v17 =	vand.u32 $0x7, v17;
	v18 =	vand.u32 $0xFFFFFFF0, v52  }
0x162: {  	v17 =	vor.u32 v17, v18  }
0x163: {  	v18 =	vperm.xlane v17, v2  }
0x164: {  	v16 =	vld.idx.msk [tilespmem:v16+s19+$0x0], $0xffff  }
0x165: {  	v17 =	vperm.xlane v17, v4;
	v18 =	vadd.s32 v3, v18;
	_ =	sdelay $0x1  }
0x166: {  	v17 =	vadd.s32 v3, v17;
	_ =	sdelay $0x1  }
0x167: {  	[tilespmem:$0x1C660] =	vst v16  }
0x168: {  	[tilespmem:s19], [sflag:$0x4] =	stream.indirect_vreg.gather [hbm4b:s1+s3], $0x80, v18, vm0, $0xb8;
	[tilespmem:$0x1CA00] =	vst v63  }
0x169: {  	s12 =	simm.s32 $0x16E00  }
0x16a: {  	[tilespmem:s12], [sflag:$0x4] =	stream.indirect_vreg.gather [hbm4b:s1+s3], $0x80, v17, vm0, $0xb8;
	[tilespmem:$0x1CA00] =	vst v63  }
0x16b: {  	v16 =	vld [tilespmem:$0x230];
	_ =	sdelay $0x4  }
0x16c: {  	v17 =	vshll.u32 v16, $0x1  }
0x16d: {  	v16 =	vand.u32 $0x7, v16;
	v17 =	vand.u32 $0xFFFFFFF0, v17  }
0x16e: {  	v16 =	vor.u32 v16, v17  }
0x16f: {  	v17 =	vperm.xlane v16, v2;
	_ =	sdelay $0x1  }
0x170: {  	v16 =	vperm.xlane v16, v4;
	v17 =	vadd.s32 v3, v17;
	_ =	sdelay $0x1  }
0x171: {  	v16 =	vadd.s32 v3, v16;
	_ =	sdelay $0x2  }
0x172: {  	[tilespmem:s13], [sflag:$0x4] =	stream.indirect_vreg.gather [hbm4b:s1+s3], $0x80, v17, vm0, $0xb8;
	[tilespmem:$0x1CA00] =	vst v63  }
0x173: {  	_ = 	snop  }
0x174: {  	[tilespmem:s14], [sflag:$0x4] =	stream.indirect_vreg.gather [hbm4b:s1+s3], $0x80, v16, vm0, $0xb8;
	[tilespmem:$0x1CA00] =	vst v63  }
0x175: {  	_ =	swait.ge [sflag:s28], $0x2000  }
0x176: {  	[sflag:s28] =	ssyncset.done $0x0  }
0x177: {  	[sflag:s28] =	ssyncadd.s32 $0xFFFFE000  }
0x178: {  	v16 =	vld [tilespmem:$0x500];
	_ =	sdelay $0x4  }
0x179: {  	v17 =	vshll.u32 v16, $0x3  }
0x17a: {  	v53 =	vld [tilespmem:$0x510];
	v16 =	vand.u32 $0x7F, v16;
	v17 =	vand.u32 $0xFFFFFC00, v17  }
0x17b: {  	v16 =	vor.u32 v16, v17  }
0x17c: {  	v16 =	vadd.s32 v13, v16;
	_ =	sdelay $0x1  }
0x17d: {  	v17 =	vld [tilespmem:$0x240]  }
0x17e: {  	v54 =	vshll.u32 v53, $0x3  }
0x17f: {  	v18 =	vand.u32 $0x7F, v53;
	v19 =	vand.u32 $0xFFFFFC00, v54  }
0x180: {  	v18 =	vor.u32 v18, v19;
	v16 =	vld.idx.msk [tilespmem:v16+s20+$0x0], $0xffff  }
0x181: {  	v18 =	vadd.s32 v14, v18  }
0x182: {  	v55 =	vshll.u32 v17, $0x1  }
0x183: {  	v17 =	vand.u32 $0x7, v17;
	v19 =	vand.u32 $0xFFFFFFF0, v55  }
0x184: {  	v17 =	vor.u32 v17, v19  }
0x185: {  	[tilespmem:$0x1C680] =	vst v16;
	v16 =	vperm.xlane v17, v2  }
0x186: {  	v18 =	vld.idx.msk [tilespmem:v18+s20+$0x0], $0xffff  }
0x187: {  	v17 =	vperm.xlane v17, v4;
	v16 =	vadd.s32 v3, v16;
	_ =	sdelay $0x1  }
0x188: {  	v17 =	vadd.s32 v3, v17;
	_ =	sdelay $0x1  }
0x189: {  	[tilespmem:$0x1C690] =	vst v18  }
0x18a: {  	[tilespmem:s20], [sflag:$0x5] =	stream.indirect_vreg.gather [hbm4b:s1+s3], $0x80, v16, vm0, $0xb8;
	[tilespmem:$0x1CA00] =	vst v63  }
0x18b: {  	_ = 	snop  }
0x18c: {  	[tilespmem:s22], [sflag:$0x5] =	stream.indirect_vreg.gather [hbm4b:s1+s3], $0x80, v17, vm0, $0xb8;
	[tilespmem:$0x1CA00] =	vst v63  }
0x18d: {  	v16 =	vld [tilespmem:$0x250];
	_ =	sdelay $0x4  }
0x18e: {  	v17 =	vshll.u32 v16, $0x1  }
0x18f: {  	v16 =	vand.u32 $0x7, v16;
	v17 =	vand.u32 $0xFFFFFFF0, v17  }
0x190: {  	v16 =	vor.u32 v16, v17  }
0x191: {  	v17 =	vperm.xlane v16, v2;
	_ =	sdelay $0x1  }
0x192: {  	v16 =	vperm.xlane v16, v4;
	v17 =	vadd.s32 v3, v17;
	_ =	sdelay $0x1  }
0x193: {  	v16 =	vadd.s32 v3, v16;
	_ =	sdelay $0x2  }
0x194: {  	[tilespmem:s23], [sflag:$0x5] =	stream.indirect_vreg.gather [hbm4b:s1+s3], $0x80, v17, vm0, $0xb8;
	[tilespmem:$0x1CA00] =	vst v63  }
0x195: {  	_ = 	snop  }
0x196: {  	[tilespmem:s8], [sflag:$0x5] =	stream.indirect_vreg.gather [hbm4b:s1+s3], $0x80, v16, vm0, $0xb8;
	[tilespmem:$0x1CA00] =	vst v63  }
0x197: {  	_ =	swait.ge [sflag:s6], $0x2000  }
0x198: {  	[sflag:s6] =	ssyncset.done $0x0  }
0x199: {  	[sflag:s6] =	ssyncadd.s32 $0xFFFFE000  }
0x19a: {  	v16 =	vld [tilespmem:$0x520];
	_ =	sdelay $0x4  }
0x19b: {  	v17 =	vshll.u32 v16, $0x3  }
0x19c: {  	v56 =	vld [tilespmem:$0x530];
	v16 =	vand.u32 $0x7F, v16;
	v17 =	vand.u32 $0xFFFFFC00, v17  }
0x19d: {  	v16 =	vor.u32 v16, v17  }
0x19e: {  	v16 =	vadd.s32 v13, v16;
	_ =	sdelay $0x1  }
0x19f: {  	v17 =	vld.msk [tilespmem:$0x260], $0xff  }
0x1a0: {  	v57 =	vshll.u32 v56, $0x3  }
0x1a1: {  	v18 =	vand.u32 $0x7F, v56;
	v19 =	vand.u32 $0xFFFFFC00, v57  }
0x1a2: {  	v18 =	vor.u32 v18, v19;
	v16 =	vld.idx.msk [tilespmem:v16+s24+$0x0], $0xffff  }
0x1a3: {  	v18 =	vadd.s32 v14, v18  }
0x1a4: {  	v58 =	vshll.u32 v17, $0x1  }
0x1a5: {  	v17 =	vand.u32 $0x7, v17;
	v19 =	vand.u32 $0xFFFFFFF0, v58  }
0x1a6: {  	v17 =	vor.u32 v17, v19  }
0x1a7: {  	[tilespmem:$0x1C6A0] =	vst v16;
	v16 =	vperm.xlane v17, v2  }
0x1a8: {  	v17 =	vld.idx.msk [tilespmem:v18+s24+$0x0], $0xffff  }
0x1a9: {  	v16 =	vadd.s32 v3, v16;
	_ =	sdelay $0x3  }
0x1aa: {  	[tilespmem:$0x1C6B0] =	vst v17  }
0x1ab: {  	[tilespmem:s24], [sflag:$0x6] =	stream.indirect_vreg.gather [hbm4b:s1+s3], $0x80, v16, vm0, $0xb8;
	[tilespmem:$0x1CA00] =	vst v63  }
0x1ac: {  	_ =	swait.ge [sflag:s30], $0x2000  }
0x1ad: {  	[sflag:s30] =	ssyncset.done $0x0  }
0x1ae: {  	[sflag:s30] =	ssyncadd.s32 $0xFFFFE000  }
0x1af: {  	v16 =	vld [tilespmem:$0x540];
	_ =	sdelay $0x4  }
0x1b0: {  	v17 =	vshll.u32 v16, $0x3  }
0x1b1: {  	v59 =	vld [tilespmem:$0x550];
	v16 =	vand.u32 $0x7F, v16;
	v17 =	vand.u32 $0xFFFFFC00, v17  }
0x1b2: {  	v16 =	vor.u32 v16, v17  }
0x1b3: {  	v16 =	vadd.s32 v13, v16;
	_ =	sdelay $0x1  }
0x1b4: {  	v17 =	vld [tilespmem:$0x280]  }
0x1b5: {  	v60 =	vshll.u32 v59, $0x3  }
0x1b6: {  	v18 =	vand.u32 $0x7F, v59;
	v19 =	vand.u32 $0xFFFFFC00, v60  }
0x1b7: {  	v18 =	vor.u32 v18, v19;
	v16 =	vld.idx.msk [tilespmem:v16+s7+$0x0], $0xffff  }
0x1b8: {  	v18 =	vadd.s32 v14, v18  }
0x1b9: {  	v61 =	vshll.u32 v17, $0x1  }
0x1ba: {  	v17 =	vand.u32 $0x7, v17;
	v19 =	vand.u32 $0xFFFFFFF0, v61  }
0x1bb: {  	v17 =	vor.u32 v17, v19  }
0x1bc: {  	[tilespmem:$0x1C6C0] =	vst v16;
	v16 =	vperm.xlane v17, v2  }
0x1bd: {  	v18 =	vld.idx.msk [tilespmem:v18+s7+$0x0], $0xffff  }
0x1be: {  	v17 =	vperm.xlane v17, v4;
	v16 =	vadd.s32 v3, v16;
	_ =	sdelay $0x1  }
0x1bf: {  	v17 =	vadd.s32 v3, v17;
	_ =	sdelay $0x1  }
0x1c0: {  	[tilespmem:$0x1C6D0] =	vst v18  }
0x1c1: {  	[tilespmem:s7], [sflag:$0x1] =	stream.indirect_vreg.gather [hbm4b:s1+s3], $0x80, v16, vm0, $0xb8;
	[tilespmem:$0x1CA00] =	vst v63  }
0x1c2: {  	_ = 	snop  }
0x1c3: {  	[tilespmem:s9], [sflag:$0x1] =	stream.indirect_vreg.gather [hbm4b:s1+s3], $0x80, v17, vm0, $0xb8;
	[tilespmem:$0x1CA00] =	vst v63  }
0x1c4: {  	v16 =	vld [tilespmem:$0x290];
	_ =	sdelay $0x4  }
0x1c5: {  	v17 =	vshll.u32 v16, $0x1  }
0x1c6: {  	v16 =	vand.u32 $0x7, v16;
	v17 =	vand.u32 $0xFFFFFFF0, v17  }
0x1c7: {  	v16 =	vor.u32 v16, v17  }
0x1c8: {  	v17 =	vperm.xlane v16, v2;
	_ =	sdelay $0x1  }
0x1c9: {  	v16 =	vperm.xlane v16, v4;
	v17 =	vadd.s32 v3, v17;
	_ =	sdelay $0x1  }
0x1ca: {  	v16 =	vadd.s32 v3, v16;
	_ =	sdelay $0x2  }
0x1cb: {  	[tilespmem:s10], [sflag:$0x1] =	stream.indirect_vreg.gather [hbm4b:s1+s3], $0x80, v17, vm0, $0xb8;
	[tilespmem:$0x1CA00] =	vst v63  }
0x1cc: {  	_ = 	snop  }
0x1cd: {  	[tilespmem:s16], [sflag:$0x1] =	stream.indirect_vreg.gather [hbm4b:s1+s3], $0x80, v16, vm0, $0xb8;
	[tilespmem:$0x1CA00] =	vst v63  }
0x1ce: {  	_ =	swait.ge [sflag:s31], $0x800  }
0x1cf: {  	[sflag:s31] =	ssyncset.done $0x0  }
0x1d0: {  	[sflag:s31] =	ssyncadd.s32 $0xFFFFF800  }
0x1d1: {  	v16 =	vld [tilespmem:$0x560];
	_ =	sdelay $0x3  }
0x1d2: {  	v17 =	vld [tilespmem:$0x2A0]  }
0x1d3: {  	v62 =	vshll.u32 v16, $0x3  }
0x1d4: {  	v16 =	vand.u32 $0x7F, v16;
	v18 =	vand.u32 $0xFFFFFC00, v62  }
0x1d5: {  	v16 =	vor.u32 v18, v16  }
0x1d6: {  	v16 =	vor.u32 v15, v16  }
0x1d7: {  	v63 =	vshll.u32 v17, $0x1  }
0x1d8: {  	v17 =	vand.u32 $0x7, v17;
	v18 =	vand.u32 $0xFFFFFFF0, v63  }
0x1d9: {  	v17 =	vor.u32 v17, v18  }
0x1da: {  	v18 =	vperm.xlane v17, v2  }
0x1db: {  	v16 =	vld.idx.msk [tilespmem:v16+s11+$0x0], $0xffff  }
0x1dc: {  	v17 =	vperm.xlane v17, v4;
	v18 =	vadd.s32 v3, v18;
	_ =	sdelay $0x1  }
0x1dd: {  	v17 =	vadd.s32 v3, v17;
	_ =	sdelay $0x1  }
0x1de: {  	[tilespmem:$0x1C6E0] =	vst v16  }
0x1df: {  	[tilespmem:s11], [sflag:$0x2] =	stream.indirect_vreg.gather [hbm4b:s1+s3], $0x80, v18, vm0, $0xb8;
	[tilespmem:$0x1CA00] =	vst v63  }
0x1e0: {  	s25 =	simm.s32 $0x12E00  }
0x1e1: {  	[tilespmem:s25], [sflag:$0x2] =	stream.indirect_vreg.gather [hbm4b:s1+s3], $0x80, v17, vm0, $0xb8;
	[tilespmem:$0x1CA00] =	vst v63  }
0x1e2: {  	v16 =	vld [tilespmem:$0x2B0];
	_ =	sdelay $0x4  }
0x1e3: {  	v17 =	vshll.u32 v16, $0x1  }
0x1e4: {  	v16 =	vand.u32 $0x7, v16;
	v17 =	vand.u32 $0xFFFFFFF0, v17  }
0x1e5: {  	v16 =	vor.u32 v16, v17  }
0x1e6: {  	v17 =	vperm.xlane v16, v2;
	_ =	sdelay $0x1  }
0x1e7: {  	v16 =	vperm.xlane v16, v4;
	v17 =	vadd.s32 v3, v17;
	_ =	sdelay $0x1  }
0x1e8: {  	v16 =	vadd.s32 v3, v16;
	_ =	sdelay $0x1  }
0x1e9: {  	s25 =	simm.s32 $0x13600  }
0x1ea: {  	[tilespmem:s25], [sflag:$0x2] =	stream.indirect_vreg.gather [hbm4b:s1+s3], $0x80, v17, vm0, $0xb8;
	[tilespmem:$0x1CA00] =	vst v63  }
0x1eb: {  	s25 =	simm.s32 $0x13E00  }
0x1ec: {  	[tilespmem:s25], [sflag:$0x2] =	stream.indirect_vreg.gather [hbm4b:s1+s3], $0x80, v16, vm0, $0xb8;
	[tilespmem:$0x1CA00] =	vst v63  }
0x1ed: {  	_ =	swait.ge [sflag:s2], $0x2000  }
0x1ee: {  	[sflag:s2] =	ssyncset.done $0x0  }
0x1ef: {  	[sflag:s2] =	ssyncadd.s32 $0xFFFFE000  }
0x1f0: {  	v16 =	vld [tilespmem:$0x500];
	_ =	sdelay $0x4  }
0x1f1: {  	v17 =	vshll.u32 v16, $0x3  }
0x1f2: {  	v21 =	vld [tilespmem:$0x510];
	v16 =	vand.u32 $0x7F, v16;
	v17 =	vand.u32 $0xFFFFFC00, v17  }
0x1f3: {  	v16 =	vor.u32 v16, v17  }
0x1f4: {  	v16 =	vadd.s32 v13, v16;
	_ =	sdelay $0x1  }
0x1f5: {  	v17 =	vld [tilespmem:$0x2C0]  }
0x1f6: {  	v22 =	vshll.u32 v21, $0x3  }
0x1f7: {  	v18 =	vand.u32 $0x7F, v21;
	v19 =	vand.u32 $0xFFFFFC00, v22  }
0x1f8: {  	v18 =	vor.u32 v18, v19;
	v16 =	vld.idx.msk [tilespmem:v16+s15+$0x0], $0xffff  }
0x1f9: {  	v18 =	vadd.s32 v14, v18  }
0x1fa: {  	v23 =	vshll.u32 v17, $0x1  }
0x1fb: {  	v17 =	vand.u32 $0x7, v17;
	v19 =	vand.u32 $0xFFFFFFF0, v23  }
0x1fc: {  	v17 =	vor.u32 v17, v19  }
0x1fd: {  	[tilespmem:$0x1C700] =	vst v16;
	v16 =	vperm.xlane v17, v2  }
0x1fe: {  	v18 =	vld.idx.msk [tilespmem:v18+s15+$0x0], $0xffff  }
0x1ff: {  	v17 =	vperm.xlane v17, v4;
	v16 =	vadd.s32 v3, v16;
	_ =	sdelay $0x1  }
0x200: {  	v17 =	vadd.s32 v3, v17;
	_ =	sdelay $0x1  }
0x201: {  	[tilespmem:$0x1C710] =	vst v18  }
0x202: {  	[tilespmem:s15], [sflag:$0x3] =	stream.indirect_vreg.gather [hbm4b:s1+s3], $0x80, v16, vm0, $0xb8;
	[tilespmem:$0x1CA00] =	vst v63  }
0x203: {  	_ = 	snop  }
0x204: {  	[tilespmem:s17], [sflag:$0x3] =	stream.indirect_vreg.gather [hbm4b:s1+s3], $0x80, v17, vm0, $0xb8;
	[tilespmem:$0x1CA00] =	vst v63  }
0x205: {  	v16 =	vld [tilespmem:$0x2D0];
	_ =	sdelay $0x4  }
0x206: {  	v17 =	vshll.u32 v16, $0x1  }
0x207: {  	v16 =	vand.u32 $0x7, v16;
	v17 =	vand.u32 $0xFFFFFFF0, v17  }
0x208: {  	v16 =	vor.u32 v16, v17  }
0x209: {  	v17 =	vperm.xlane v16, v2;
	_ =	sdelay $0x1  }
0x20a: {  	v16 =	vperm.xlane v16, v4;
	v17 =	vadd.s32 v3, v17;
	_ =	sdelay $0x1  }
0x20b: {  	v16 =	vadd.s32 v3, v16;
	_ =	sdelay $0x2  }
0x20c: {  	[tilespmem:s18], [sflag:$0x3] =	stream.indirect_vreg.gather [hbm4b:s1+s3], $0x80, v17, vm0, $0xb8;
	[tilespmem:$0x1CA00] =	vst v63  }
0x20d: {  	_ = 	snop  }
0x20e: {  	[tilespmem:s5], [sflag:$0x3] =	stream.indirect_vreg.gather [hbm4b:s1+s3], $0x80, v16, vm0, $0xb8;
	[tilespmem:$0x1CA00] =	vst v63  }
0x20f: {  	_ =	swait.ge [sflag:s0], $0x2000  }
0x210: {  	[sflag:s0] =	ssyncset.done $0x0  }
0x211: {  	[sflag:s0] =	ssyncadd.s32 $0xFFFFE000  }
0x212: {  	v16 =	vld [tilespmem:$0x520];
	_ =	sdelay $0x4  }
0x213: {  	v17 =	vshll.u32 v16, $0x3  }
0x214: {  	v24 =	vld [tilespmem:$0x530];
	v16 =	vand.u32 $0x7F, v16;
	v17 =	vand.u32 $0xFFFFFC00, v17  }
0x215: {  	v16 =	vor.u32 v16, v17  }
0x216: {  	v16 =	vadd.s32 v13, v16;
	_ =	sdelay $0x1  }
0x217: {  	v17 =	vld.msk [tilespmem:$0x2E0], $0xff  }
0x218: {  	v25 =	vshll.u32 v24, $0x3  }
0x219: {  	v18 =	vand.u32 $0x7F, v24;
	v19 =	vand.u32 $0xFFFFFC00, v25  }
0x21a: {  	v18 =	vor.u32 v18, v19;
	v16 =	vld.idx.msk [tilespmem:v16+s19+$0x0], $0xffff  }
0x21b: {  	v18 =	vadd.s32 v14, v18  }
0x21c: {  	v26 =	vshll.u32 v17, $0x1  }
0x21d: {  	v17 =	vand.u32 $0x7, v17;
	v19 =	vand.u32 $0xFFFFFFF0, v26  }
0x21e: {  	v17 =	vor.u32 v17, v19  }
0x21f: {  	[tilespmem:$0x1C720] =	vst v16;
	v16 =	vperm.xlane v17, v2  }
0x220: {  	v17 =	vld.idx.msk [tilespmem:v18+s19+$0x0], $0xffff  }
0x221: {  	v16 =	vadd.s32 v3, v16;
	_ =	sdelay $0x3  }
0x222: {  	[tilespmem:$0x1C730] =	vst v17  }
0x223: {  	[tilespmem:s19], [sflag:$0x4] =	stream.indirect_vreg.gather [hbm4b:s1+s3], $0x80, v16, vm0, $0xb8;
	[tilespmem:$0x1CA00] =	vst v63  }
0x224: {  	_ =	swait.ge [sflag:s28], $0x2000  }
0x225: {  	[sflag:s28] =	ssyncset.done $0x0  }
0x226: {  	[sflag:s28] =	ssyncadd.s32 $0xFFFFE000  }
0x227: {  	v16 =	vld [tilespmem:$0x540];
	_ =	sdelay $0x4  }
0x228: {  	v17 =	vshll.u32 v16, $0x3  }
0x229: {  	v27 =	vld [tilespmem:$0x550];
	v16 =	vand.u32 $0x7F, v16;
	v17 =	vand.u32 $0xFFFFFC00, v17  }
0x22a: {  	v16 =	vor.u32 v16, v17  }
0x22b: {  	v16 =	vadd.s32 v13, v16;
	_ =	sdelay $0x1  }
0x22c: {  	v17 =	vld [tilespmem:$0x300]  }
0x22d: {  	v28 =	vshll.u32 v27, $0x3  }
0x22e: {  	v18 =	vand.u32 $0x7F, v27;
	v19 =	vand.u32 $0xFFFFFC00, v28  }
0x22f: {  	v18 =	vor.u32 v18, v19;
	v16 =	vld.idx.msk [tilespmem:v16+s20+$0x0], $0xffff  }
0x230: {  	v18 =	vadd.s32 v14, v18  }
0x231: {  	v29 =	vshll.u32 v17, $0x1  }
0x232: {  	v17 =	vand.u32 $0x7, v17;
	v19 =	vand.u32 $0xFFFFFFF0, v29  }
0x233: {  	v17 =	vor.u32 v17, v19  }
0x234: {  	[tilespmem:$0x1C740] =	vst v16;
	v16 =	vperm.xlane v17, v2  }
0x235: {  	v18 =	vld.idx.msk [tilespmem:v18+s20+$0x0], $0xffff  }
0x236: {  	v17 =	vperm.xlane v17, v4;
	v16 =	vadd.s32 v3, v16;
	_ =	sdelay $0x1  }
0x237: {  	v17 =	vadd.s32 v3, v17;
	_ =	sdelay $0x1  }
0x238: {  	[tilespmem:$0x1C750] =	vst v18  }
0x239: {  	[tilespmem:s20], [sflag:$0x5] =	stream.indirect_vreg.gather [hbm4b:s1+s3], $0x80, v16, vm0, $0xb8;
	[tilespmem:$0x1CA00] =	vst v63  }
0x23a: {  	_ = 	snop  }
0x23b: {  	[tilespmem:s22], [sflag:$0x5] =	stream.indirect_vreg.gather [hbm4b:s1+s3], $0x80, v17, vm0, $0xb8;
	[tilespmem:$0x1CA00] =	vst v63  }
0x23c: {  	v16 =	vld [tilespmem:$0x310];
	_ =	sdelay $0x4  }
0x23d: {  	v17 =	vshll.u32 v16, $0x1  }
0x23e: {  	v16 =	vand.u32 $0x7, v16;
	v17 =	vand.u32 $0xFFFFFFF0, v17  }
0x23f: {  	v16 =	vor.u32 v16, v17  }
0x240: {  	v17 =	vperm.xlane v16, v2;
	_ =	sdelay $0x1  }
0x241: {  	v16 =	vperm.xlane v16, v4;
	v17 =	vadd.s32 v3, v17;
	_ =	sdelay $0x1  }
0x242: {  	v16 =	vadd.s32 v3, v16;
	_ =	sdelay $0x2  }
0x243: {  	[tilespmem:s23], [sflag:$0x5] =	stream.indirect_vreg.gather [hbm4b:s1+s3], $0x80, v17, vm0, $0xb8;
	[tilespmem:$0x1CA00] =	vst v63  }
0x244: {  	_ = 	snop  }
0x245: {  	[tilespmem:s8], [sflag:$0x5] =	stream.indirect_vreg.gather [hbm4b:s1+s3], $0x80, v16, vm0, $0xb8;
	[tilespmem:$0x1CA00] =	vst v63  }
0x246: {  	_ =	swait.ge [sflag:s6], $0x800  }
0x247: {  	[sflag:s6] =	ssyncset.done $0x0  }
0x248: {  	[sflag:s6] =	ssyncadd.s32 $0xFFFFF800  }
0x249: {  	v16 =	vld [tilespmem:$0x560];
	_ =	sdelay $0x3  }
0x24a: {  	v17 =	vld [tilespmem:$0x320]  }
0x24b: {  	v30 =	vshll.u32 v16, $0x3  }
0x24c: {  	v16 =	vand.u32 $0x7F, v16;
	v18 =	vand.u32 $0xFFFFFC00, v30  }
0x24d: {  	v16 =	vor.u32 v18, v16  }
0x24e: {  	v16 =	vor.u32 v15, v16  }
0x24f: {  	v31 =	vshll.u32 v17, $0x1  }
0x250: {  	v17 =	vand.u32 $0x7, v17;
	v18 =	vand.u32 $0xFFFFFFF0, v31  }
0x251: {  	v17 =	vor.u32 v17, v18  }
0x252: {  	v18 =	vperm.xlane v17, v2  }
0x253: {  	v16 =	vld.idx.msk [tilespmem:v16+s24+$0x0], $0xffff  }
0x254: {  	v17 =	vperm.xlane v17, v4;
	v18 =	vadd.s32 v3, v18;
	_ =	sdelay $0x1  }
0x255: {  	v17 =	vadd.s32 v3, v17;
	_ =	sdelay $0x1  }
0x256: {  	[tilespmem:$0x1C760] =	vst v16  }
0x257: {  	[tilespmem:s24], [sflag:$0x6] =	stream.indirect_vreg.gather [hbm4b:s1+s3], $0x80, v18, vm0, $0xb8;
	[tilespmem:$0x1CA00] =	vst v63  }
0x258: {  	_ = 	snop  }
0x259: {  	[tilespmem:s26], [sflag:$0x6] =	stream.indirect_vreg.gather [hbm4b:s1+s3], $0x80, v17, vm0, $0xb8;
	[tilespmem:$0x1CA00] =	vst v63  }
0x25a: {  	v16 =	vld [tilespmem:$0x330];
	_ =	sdelay $0x4  }
0x25b: {  	v17 =	vshll.u32 v16, $0x1  }
0x25c: {  	v16 =	vand.u32 $0x7, v16;
	v17 =	vand.u32 $0xFFFFFFF0, v17  }
0x25d: {  	v16 =	vor.u32 v16, v17  }
0x25e: {  	v17 =	vperm.xlane v16, v2;
	_ =	sdelay $0x1  }
0x25f: {  	v16 =	vperm.xlane v16, v4;
	v17 =	vadd.s32 v3, v17;
	_ =	sdelay $0x1  }
0x260: {  	v16 =	vadd.s32 v3, v16;
	_ =	sdelay $0x1  }
0x261: {  	s26 =	simm.s32 $0x1B600  }
0x262: {  	[tilespmem:s26], [sflag:$0x6] =	stream.indirect_vreg.gather [hbm4b:s1+s3], $0x80, v17, vm0, $0xb8;
	[tilespmem:$0x1CA00] =	vst v63  }
0x263: {  	s26 =	simm.s32 $0x1BE00  }
0x264: {  	[tilespmem:s26], [sflag:$0x6] =	stream.indirect_vreg.gather [hbm4b:s1+s3], $0x80, v16, vm0, $0xb8;
	[tilespmem:$0x1CA00] =	vst v63  }
0x265: {  	_ =	swait.ge [sflag:s30], $0x2000  }
0x266: {  	[sflag:s30] =	ssyncset.done $0x0  }
0x267: {  	[sflag:s30] =	ssyncadd.s32 $0xFFFFE000  }
0x268: {  	v16 =	vld [tilespmem:$0x500];
	_ =	sdelay $0x4  }
0x269: {  	v17 =	vshll.u32 v16, $0x3  }
0x26a: {  	v32 =	vld [tilespmem:$0x510];
	v16 =	vand.u32 $0x7F, v16;
	v17 =	vand.u32 $0xFFFFFC00, v17  }
0x26b: {  	v16 =	vor.u32 v16, v17  }
0x26c: {  	v16 =	vadd.s32 v13, v16;
	_ =	sdelay $0x1  }
0x26d: {  	v17 =	vld [tilespmem:$0x340]  }
0x26e: {  	v33 =	vshll.u32 v32, $0x3  }
0x26f: {  	v18 =	vand.u32 $0x7F, v32;
	v19 =	vand.u32 $0xFFFFFC00, v33  }
0x270: {  	v18 =	vor.u32 v18, v19;
	v16 =	vld.idx.msk [tilespmem:v16+s7+$0x0], $0xffff  }
0x271: {  	v18 =	vadd.s32 v14, v18  }
0x272: {  	v34 =	vshll.u32 v17, $0x1  }
0x273: {  	v17 =	vand.u32 $0x7, v17;
	v19 =	vand.u32 $0xFFFFFFF0, v34  }
0x274: {  	v17 =	vor.u32 v17, v19  }
0x275: {  	[tilespmem:$0x1C780] =	vst v16;
	v16 =	vperm.xlane v17, v2  }
0x276: {  	v18 =	vld.idx.msk [tilespmem:v18+s7+$0x0], $0xffff  }
0x277: {  	v17 =	vperm.xlane v17, v4;
	v16 =	vadd.s32 v3, v16;
	_ =	sdelay $0x1  }
0x278: {  	v17 =	vadd.s32 v3, v17;
	_ =	sdelay $0x1  }
0x279: {  	[tilespmem:$0x1C790] =	vst v18  }
0x27a: {  	[tilespmem:s7], [sflag:$0x1] =	stream.indirect_vreg.gather [hbm4b:s1+s3], $0x80, v16, vm0, $0xb8;
	[tilespmem:$0x1CA00] =	vst v63  }
0x27b: {  	_ = 	snop  }
0x27c: {  	[tilespmem:s9], [sflag:$0x1] =	stream.indirect_vreg.gather [hbm4b:s1+s3], $0x80, v17, vm0, $0xb8;
	[tilespmem:$0x1CA00] =	vst v63  }
0x27d: {  	v16 =	vld [tilespmem:$0x350];
	_ =	sdelay $0x4  }
0x27e: {  	v17 =	vshll.u32 v16, $0x1  }
0x27f: {  	v16 =	vand.u32 $0x7, v16;
	v17 =	vand.u32 $0xFFFFFFF0, v17  }
0x280: {  	v16 =	vor.u32 v16, v17  }
0x281: {  	v17 =	vperm.xlane v16, v2;
	_ =	sdelay $0x1  }
0x282: {  	v16 =	vperm.xlane v16, v4;
	v17 =	vadd.s32 v3, v17;
	_ =	sdelay $0x1  }
0x283: {  	v16 =	vadd.s32 v3, v16;
	_ =	sdelay $0x2  }
0x284: {  	[tilespmem:s10], [sflag:$0x1] =	stream.indirect_vreg.gather [hbm4b:s1+s3], $0x80, v17, vm0, $0xb8;
	[tilespmem:$0x1CA00] =	vst v63  }
0x285: {  	_ = 	snop  }
0x286: {  	[tilespmem:s16], [sflag:$0x1] =	stream.indirect_vreg.gather [hbm4b:s1+s3], $0x80, v16, vm0, $0xb8;
	[tilespmem:$0x1CA00] =	vst v63  }
0x287: {  	_ =	swait.ge [sflag:s31], $0x2000  }
0x288: {  	[sflag:s31] =	ssyncset.done $0x0  }
0x289: {  	[sflag:s31] =	ssyncadd.s32 $0xFFFFE000  }
0x28a: {  	v16 =	vld [tilespmem:$0x520];
	_ =	sdelay $0x4  }
0x28b: {  	v17 =	vshll.u32 v16, $0x3  }
0x28c: {  	v35 =	vld [tilespmem:$0x530];
	v16 =	vand.u32 $0x7F, v16;
	v17 =	vand.u32 $0xFFFFFC00, v17  }
0x28d: {  	v16 =	vor.u32 v16, v17  }
0x28e: {  	v16 =	vadd.s32 v13, v16;
	_ =	sdelay $0x1  }
0x28f: {  	v17 =	vld.msk [tilespmem:$0x360], $0xff  }
0x290: {  	v36 =	vshll.u32 v35, $0x3  }
0x291: {  	v18 =	vand.u32 $0x7F, v35;
	v19 =	vand.u32 $0xFFFFFC00, v36  }
0x292: {  	v18 =	vor.u32 v18, v19;
	v16 =	vld.idx.msk [tilespmem:v16+s11+$0x0], $0xffff  }
0x293: {  	v18 =	vadd.s32 v14, v18  }
0x294: {  	v37 =	vshll.u32 v17, $0x1  }
0x295: {  	v17 =	vand.u32 $0x7, v17;
	v19 =	vand.u32 $0xFFFFFFF0, v37  }
0x296: {  	v17 =	vor.u32 v17, v19  }
0x297: {  	[tilespmem:$0x1C7A0] =	vst v16;
	v16 =	vperm.xlane v17, v2  }
0x298: {  	v17 =	vld.idx.msk [tilespmem:v18+s11+$0x0], $0xffff  }
0x299: {  	v16 =	vadd.s32 v3, v16;
	_ =	sdelay $0x3  }
0x29a: {  	[tilespmem:$0x1C7B0] =	vst v17  }
0x29b: {  	[tilespmem:s11], [sflag:$0x2] =	stream.indirect_vreg.gather [hbm4b:s1+s3], $0x80, v16, vm0, $0xb8;
	[tilespmem:$0x1CA00] =	vst v63  }
0x29c: {  	_ =	swait.ge [sflag:s2], $0x2000  }
0x29d: {  	[sflag:s2] =	ssyncset.done $0x0  }
0x29e: {  	[sflag:s2] =	ssyncadd.s32 $0xFFFFE000  }
0x29f: {  	v16 =	vld [tilespmem:$0x540];
	_ =	sdelay $0x4  }
0x2a0: {  	v17 =	vshll.u32 v16, $0x3  }
0x2a1: {  	v38 =	vld [tilespmem:$0x550];
	v16 =	vand.u32 $0x7F, v16;
	v17 =	vand.u32 $0xFFFFFC00, v17  }
0x2a2: {  	v16 =	vor.u32 v16, v17  }
0x2a3: {  	v16 =	vadd.s32 v13, v16;
	_ =	sdelay $0x1  }
0x2a4: {  	v17 =	vld [tilespmem:$0x380]  }
0x2a5: {  	v39 =	vshll.u32 v38, $0x3  }
0x2a6: {  	v18 =	vand.u32 $0x7F, v38;
	v19 =	vand.u32 $0xFFFFFC00, v39  }
0x2a7: {  	v18 =	vor.u32 v18, v19;
	v16 =	vld.idx.msk [tilespmem:v16+s15+$0x0], $0xffff  }
0x2a8: {  	v18 =	vadd.s32 v14, v18  }
0x2a9: {  	v40 =	vshll.u32 v17, $0x1  }
0x2aa: {  	v17 =	vand.u32 $0x7, v17;
	v19 =	vand.u32 $0xFFFFFFF0, v40  }
0x2ab: {  	v17 =	vor.u32 v17, v19  }
0x2ac: {  	[tilespmem:$0x1C7C0] =	vst v16;
	v16 =	vperm.xlane v17, v2  }
0x2ad: {  	v18 =	vld.idx.msk [tilespmem:v18+s15+$0x0], $0xffff  }
0x2ae: {  	v17 =	vperm.xlane v17, v4;
	v16 =	vadd.s32 v3, v16;
	_ =	sdelay $0x1  }
0x2af: {  	v17 =	vadd.s32 v3, v17;
	_ =	sdelay $0x1  }
0x2b0: {  	[tilespmem:$0x1C7D0] =	vst v18  }
0x2b1: {  	[tilespmem:s15], [sflag:$0x3] =	stream.indirect_vreg.gather [hbm4b:s1+s3], $0x80, v16, vm0, $0xb8;
	[tilespmem:$0x1CA00] =	vst v63  }
0x2b2: {  	_ = 	snop  }
0x2b3: {  	[tilespmem:s17], [sflag:$0x3] =	stream.indirect_vreg.gather [hbm4b:s1+s3], $0x80, v17, vm0, $0xb8;
	[tilespmem:$0x1CA00] =	vst v63  }
0x2b4: {  	v16 =	vld [tilespmem:$0x390];
	_ =	sdelay $0x4  }
0x2b5: {  	v17 =	vshll.u32 v16, $0x1  }
0x2b6: {  	v16 =	vand.u32 $0x7, v16;
	v17 =	vand.u32 $0xFFFFFFF0, v17  }
0x2b7: {  	v16 =	vor.u32 v16, v17  }
0x2b8: {  	v17 =	vperm.xlane v16, v2;
	_ =	sdelay $0x1  }
0x2b9: {  	v16 =	vperm.xlane v16, v4;
	v17 =	vadd.s32 v3, v17;
	_ =	sdelay $0x1  }
0x2ba: {  	v16 =	vadd.s32 v3, v16;
	_ =	sdelay $0x2  }
0x2bb: {  	[tilespmem:s18], [sflag:$0x3] =	stream.indirect_vreg.gather [hbm4b:s1+s3], $0x80, v17, vm0, $0xb8;
	[tilespmem:$0x1CA00] =	vst v63  }
0x2bc: {  	_ = 	snop  }
0x2bd: {  	[tilespmem:s5], [sflag:$0x3] =	stream.indirect_vreg.gather [hbm4b:s1+s3], $0x80, v16, vm0, $0xb8;
	[tilespmem:$0x1CA00] =	vst v63  }
0x2be: {  	_ =	swait.ge [sflag:s0], $0x800  }
0x2bf: {  	[sflag:s0] =	ssyncset.done $0x0  }
0x2c0: {  	[sflag:s0] =	ssyncadd.s32 $0xFFFFF800  }
0x2c1: {  	v16 =	vld [tilespmem:$0x560];
	_ =	sdelay $0x3  }
0x2c2: {  	v17 =	vld [tilespmem:$0x3A0]  }
0x2c3: {  	v41 =	vshll.u32 v16, $0x3  }
0x2c4: {  	v16 =	vand.u32 $0x7F, v16;
	v18 =	vand.u32 $0xFFFFFC00, v41  }
0x2c5: {  	v16 =	vor.u32 v18, v16  }
0x2c6: {  	v16 =	vor.u32 v15, v16  }
0x2c7: {  	v42 =	vshll.u32 v17, $0x1  }
0x2c8: {  	v17 =	vand.u32 $0x7, v17;
	v18 =	vand.u32 $0xFFFFFFF0, v42  }
0x2c9: {  	v17 =	vor.u32 v17, v18  }
0x2ca: {  	v18 =	vperm.xlane v17, v2  }
0x2cb: {  	v16 =	vld.idx.msk [tilespmem:v16+s19+$0x0], $0xffff  }
0x2cc: {  	v17 =	vperm.xlane v17, v4;
	v18 =	vadd.s32 v3, v18;
	_ =	sdelay $0x1  }
0x2cd: {  	v17 =	vadd.s32 v3, v17;
	_ =	sdelay $0x1  }
0x2ce: {  	[tilespmem:$0x1C7E0] =	vst v16  }
0x2cf: {  	[tilespmem:s19], [sflag:$0x4] =	stream.indirect_vreg.gather [hbm4b:s1+s3], $0x80, v18, vm0, $0xb8;
	[tilespmem:$0x1CA00] =	vst v63  }
0x2d0: {  	_ = 	snop  }
0x2d1: {  	[tilespmem:s12], [sflag:$0x4] =	stream.indirect_vreg.gather [hbm4b:s1+s3], $0x80, v17, vm0, $0xb8;
	[tilespmem:$0x1CA00] =	vst v63  }
0x2d2: {  	v16 =	vld [tilespmem:$0x3B0];
	_ =	sdelay $0x4  }
0x2d3: {  	v17 =	vshll.u32 v16, $0x1  }
0x2d4: {  	v16 =	vand.u32 $0x7, v16;
	v17 =	vand.u32 $0xFFFFFFF0, v17  }
0x2d5: {  	v16 =	vor.u32 v16, v17  }
0x2d6: {  	v17 =	vperm.xlane v16, v2;
	_ =	sdelay $0x1  }
0x2d7: {  	v16 =	vperm.xlane v16, v4;
	v17 =	vadd.s32 v3, v17;
	_ =	sdelay $0x1  }
0x2d8: {  	v16 =	vadd.s32 v3, v16;
	_ =	sdelay $0x2  }
0x2d9: {  	[tilespmem:s13], [sflag:$0x4] =	stream.indirect_vreg.gather [hbm4b:s1+s3], $0x80, v17, vm0, $0xb8;
	[tilespmem:$0x1CA00] =	vst v63  }
0x2da: {  	_ = 	snop  }
0x2db: {  	[tilespmem:s14], [sflag:$0x4] =	stream.indirect_vreg.gather [hbm4b:s1+s3], $0x80, v16, vm0, $0xb8;
	[tilespmem:$0x1CA00] =	vst v63  }
0x2dc: {  	_ =	swait.ge [sflag:s28], $0x2000  }
0x2dd: {  	[sflag:s28] =	ssyncset.done $0x0  }
0x2de: {  	[sflag:s28] =	ssyncadd.s32 $0xFFFFE000  }
0x2df: {  	v16 =	vld [tilespmem:$0x500];
	_ =	sdelay $0x4  }
0x2e0: {  	v17 =	vshll.u32 v16, $0x3  }
0x2e1: {  	v43 =	vld [tilespmem:$0x510];
	v16 =	vand.u32 $0x7F, v16;
	v17 =	vand.u32 $0xFFFFFC00, v17  }
0x2e2: {  	v16 =	vor.u32 v16, v17  }
0x2e3: {  	v16 =	vadd.s32 v13, v16;
	_ =	sdelay $0x1  }
0x2e4: {  	v17 =	vld [tilespmem:$0x3C0]  }
0x2e5: {  	v44 =	vshll.u32 v43, $0x3  }
0x2e6: {  	v18 =	vand.u32 $0x7F, v43;
	v19 =	vand.u32 $0xFFFFFC00, v44  }
0x2e7: {  	v18 =	vor.u32 v18, v19;
	v16 =	vld.idx.msk [tilespmem:v16+s20+$0x0], $0xffff  }
0x2e8: {  	v18 =	vadd.s32 v14, v18  }
0x2e9: {  	v45 =	vshll.u32 v17, $0x1  }
0x2ea: {  	v17 =	vand.u32 $0x7, v17;
	v19 =	vand.u32 $0xFFFFFFF0, v45  }
0x2eb: {  	v17 =	vor.u32 v17, v19  }
0x2ec: {  	[tilespmem:$0x1C800] =	vst v16;
	v16 =	vperm.xlane v17, v2  }
0x2ed: {  	v18 =	vld.idx.msk [tilespmem:v18+s20+$0x0], $0xffff  }
0x2ee: {  	v17 =	vperm.xlane v17, v4;
	v16 =	vadd.s32 v3, v16;
	_ =	sdelay $0x1  }
0x2ef: {  	v17 =	vadd.s32 v3, v17;
	_ =	sdelay $0x1  }
0x2f0: {  	[tilespmem:$0x1C810] =	vst v18  }
0x2f1: {  	[tilespmem:s20], [sflag:$0x5] =	stream.indirect_vreg.gather [hbm4b:s1+s3], $0x80, v16, vm0, $0xb8;
	[tilespmem:$0x1CA00] =	vst v63  }
0x2f2: {  	_ = 	snop  }
0x2f3: {  	[tilespmem:s22], [sflag:$0x5] =	stream.indirect_vreg.gather [hbm4b:s1+s3], $0x80, v17, vm0, $0xb8;
	[tilespmem:$0x1CA00] =	vst v63  }
0x2f4: {  	v16 =	vld [tilespmem:$0x3D0];
	_ =	sdelay $0x4  }
0x2f5: {  	v17 =	vshll.u32 v16, $0x1  }
0x2f6: {  	v16 =	vand.u32 $0x7, v16;
	v17 =	vand.u32 $0xFFFFFFF0, v17  }
0x2f7: {  	v16 =	vor.u32 v16, v17  }
0x2f8: {  	v17 =	vperm.xlane v16, v2;
	_ =	sdelay $0x1  }
0x2f9: {  	v16 =	vperm.xlane v16, v4;
	v17 =	vadd.s32 v3, v17;
	_ =	sdelay $0x1  }
0x2fa: {  	v16 =	vadd.s32 v3, v16;
	_ =	sdelay $0x2  }
0x2fb: {  	[tilespmem:s23], [sflag:$0x5] =	stream.indirect_vreg.gather [hbm4b:s1+s3], $0x80, v17, vm0, $0xb8;
	[tilespmem:$0x1CA00] =	vst v63  }
0x2fc: {  	_ = 	snop  }
0x2fd: {  	[tilespmem:s8], [sflag:$0x5] =	stream.indirect_vreg.gather [hbm4b:s1+s3], $0x80, v16, vm0, $0xb8;
	[tilespmem:$0x1CA00] =	vst v63  }
0x2fe: {  	_ =	swait.ge [sflag:s6], $0x2000  }
0x2ff: {  	[sflag:s6] =	ssyncset.done $0x0  }
0x300: {  	[sflag:s6] =	ssyncadd.s32 $0xFFFFE000  }
0x301: {  	v16 =	vld [tilespmem:$0x520];
	_ =	sdelay $0x4  }
0x302: {  	v17 =	vshll.u32 v16, $0x3  }
0x303: {  	v46 =	vld [tilespmem:$0x530];
	v16 =	vand.u32 $0x7F, v16;
	v17 =	vand.u32 $0xFFFFFC00, v17  }
0x304: {  	v16 =	vor.u32 v16, v17  }
0x305: {  	v16 =	vadd.s32 v13, v16;
	_ =	sdelay $0x1  }
0x306: {  	v17 =	vld.msk [tilespmem:$0x3E0], $0xff  }
0x307: {  	v47 =	vshll.u32 v46, $0x3  }
0x308: {  	v18 =	vand.u32 $0x7F, v46;
	v19 =	vand.u32 $0xFFFFFC00, v47  }
0x309: {  	v18 =	vor.u32 v18, v19;
	v16 =	vld.idx.msk [tilespmem:v16+s24+$0x0], $0xffff  }
0x30a: {  	v18 =	vadd.s32 v14, v18  }
0x30b: {  	v48 =	vshll.u32 v17, $0x1  }
0x30c: {  	v17 =	vand.u32 $0x7, v17;
	v19 =	vand.u32 $0xFFFFFFF0, v48  }
0x30d: {  	v17 =	vor.u32 v17, v19  }
0x30e: {  	[tilespmem:$0x1C820] =	vst v16;
	v16 =	vperm.xlane v17, v2  }
0x30f: {  	v17 =	vld.idx.msk [tilespmem:v18+s24+$0x0], $0xffff  }
0x310: {  	v16 =	vadd.s32 v3, v16;
	_ =	sdelay $0x3  }
0x311: {  	[tilespmem:$0x1C830] =	vst v17  }
0x312: {  	[tilespmem:s24], [sflag:$0x6] =	stream.indirect_vreg.gather [hbm4b:s1+s3], $0x80, v16, vm0, $0xb8;
	[tilespmem:$0x1CA00] =	vst v63  }
0x313: {  	_ =	swait.ge [sflag:s30], $0x2000  }
0x314: {  	[sflag:s30] =	ssyncset.done $0x0  }
0x315: {  	[sflag:s30] =	ssyncadd.s32 $0xFFFFE000  }
0x316: {  	v16 =	vld [tilespmem:$0x540];
	_ =	sdelay $0x4  }
0x317: {  	v17 =	vshll.u32 v16, $0x3  }
0x318: {  	v49 =	vld [tilespmem:$0x550];
	v16 =	vand.u32 $0x7F, v16;
	v17 =	vand.u32 $0xFFFFFC00, v17  }
0x319: {  	v16 =	vor.u32 v16, v17  }
0x31a: {  	v16 =	vadd.s32 v13, v16;
	_ =	sdelay $0x1  }
0x31b: {  	v17 =	vld [tilespmem:$0x400]  }
0x31c: {  	v50 =	vshll.u32 v49, $0x3  }
0x31d: {  	v18 =	vand.u32 $0x7F, v49;
	v19 =	vand.u32 $0xFFFFFC00, v50  }
0x31e: {  	v18 =	vor.u32 v18, v19;
	v16 =	vld.idx.msk [tilespmem:v16+s7+$0x0], $0xffff  }
0x31f: {  	v18 =	vadd.s32 v14, v18  }
0x320: {  	v51 =	vshll.u32 v17, $0x1  }
0x321: {  	v17 =	vand.u32 $0x7, v17;
	v19 =	vand.u32 $0xFFFFFFF0, v51  }
0x322: {  	v17 =	vor.u32 v17, v19  }
0x323: {  	[tilespmem:$0x1C840] =	vst v16;
	v16 =	vperm.xlane v17, v2  }
0x324: {  	v18 =	vld.idx.msk [tilespmem:v18+s7+$0x0], $0xffff  }
0x325: {  	v17 =	vperm.xlane v17, v4;
	v16 =	vadd.s32 v3, v16;
	_ =	sdelay $0x1  }
0x326: {  	v17 =	vadd.s32 v3, v17;
	_ =	sdelay $0x1  }
0x327: {  	[tilespmem:$0x1C850] =	vst v18  }
0x328: {  	[tilespmem:s7], [sflag:$0x1] =	stream.indirect_vreg.gather [hbm4b:s1+s3], $0x80, v16, vm0, $0xb8;
	[tilespmem:$0x1CA00] =	vst v63  }
0x329: {  	_ = 	snop  }
0x32a: {  	[tilespmem:s9], [sflag:$0x1] =	stream.indirect_vreg.gather [hbm4b:s1+s3], $0x80, v17, vm0, $0xb8;
	[tilespmem:$0x1CA00] =	vst v63  }
0x32b: {  	v16 =	vld [tilespmem:$0x410];
	_ =	sdelay $0x4  }
0x32c: {  	v17 =	vshll.u32 v16, $0x1  }
0x32d: {  	v16 =	vand.u32 $0x7, v16;
	v17 =	vand.u32 $0xFFFFFFF0, v17  }
0x32e: {  	v16 =	vor.u32 v16, v17  }
0x32f: {  	v17 =	vperm.xlane v16, v2;
	_ =	sdelay $0x1  }
0x330: {  	v16 =	vperm.xlane v16, v4;
	v17 =	vadd.s32 v3, v17;
	_ =	sdelay $0x1  }
0x331: {  	v16 =	vadd.s32 v3, v16;
	_ =	sdelay $0x2  }
0x332: {  	[tilespmem:s10], [sflag:$0x1] =	stream.indirect_vreg.gather [hbm4b:s1+s3], $0x80, v17, vm0, $0xb8;
	[tilespmem:$0x1CA00] =	vst v63  }
0x333: {  	_ = 	snop  }
0x334: {  	[tilespmem:s16], [sflag:$0x1] =	stream.indirect_vreg.gather [hbm4b:s1+s3], $0x80, v16, vm0, $0xb8;
	[tilespmem:$0x1CA00] =	vst v63  }
0x335: {  	_ =	swait.ge [sflag:s31], $0x800  }
0x336: {  	[sflag:s31] =	ssyncset.done $0x0  }
0x337: {  	[sflag:s31] =	ssyncadd.s32 $0xFFFFF800  }
0x338: {  	v16 =	vld [tilespmem:$0x560];
	_ =	sdelay $0x3  }
0x339: {  	v17 =	vld [tilespmem:$0x420]  }
0x33a: {  	v52 =	vshll.u32 v16, $0x3  }
0x33b: {  	v16 =	vand.u32 $0x7F, v16;
	v18 =	vand.u32 $0xFFFFFC00, v52  }
0x33c: {  	v16 =	vor.u32 v18, v16  }
0x33d: {  	v16 =	vor.u32 v15, v16  }
0x33e: {  	v53 =	vshll.u32 v17, $0x1  }
0x33f: {  	v17 =	vand.u32 $0x7, v17;
	v18 =	vand.u32 $0xFFFFFFF0, v53  }
0x340: {  	v17 =	vor.u32 v17, v18  }
0x341: {  	v18 =	vperm.xlane v17, v2  }
0x342: {  	v16 =	vld.idx.msk [tilespmem:v16+s11+$0x0], $0xffff  }
0x343: {  	v17 =	vperm.xlane v17, v4;
	v18 =	vadd.s32 v3, v18;
	_ =	sdelay $0x1  }
0x344: {  	v17 =	vadd.s32 v3, v17;
	_ =	sdelay $0x1  }
0x345: {  	[tilespmem:$0x1C860] =	vst v16  }
0x346: {  	[tilespmem:s11], [sflag:$0x2] =	stream.indirect_vreg.gather [hbm4b:s1+s3], $0x80, v18, vm0, $0xb8;
	[tilespmem:$0x1CA00] =	vst v63  }
0x347: {  	s26 =	simm.s32 $0x12E00  }
0x348: {  	[tilespmem:s26], [sflag:$0x2] =	stream.indirect_vreg.gather [hbm4b:s1+s3], $0x80, v17, vm0, $0xb8;
	[tilespmem:$0x1CA00] =	vst v63  }
0x349: {  	v16 =	vld [tilespmem:$0x430];
	_ =	sdelay $0x4  }
0x34a: {  	v17 =	vshll.u32 v16, $0x1  }
0x34b: {  	v16 =	vand.u32 $0x7, v16;
	v17 =	vand.u32 $0xFFFFFFF0, v17  }
0x34c: {  	v16 =	vor.u32 v16, v17  }
0x34d: {  	v17 =	vperm.xlane v16, v2;
	_ =	sdelay $0x1  }
0x34e: {  	v16 =	vperm.xlane v16, v4;
	v17 =	vadd.s32 v3, v17;
	_ =	sdelay $0x1  }
0x34f: {  	v16 =	vadd.s32 v3, v16;
	_ =	sdelay $0x1  }
0x350: {  	s12 =	simm.s32 $0x13600  }
0x351: {  	[tilespmem:s12], [sflag:$0x2] =	stream.indirect_vreg.gather [hbm4b:s1+s3], $0x80, v17, vm0, $0xb8;
	[tilespmem:$0x1CA00] =	vst v63  }
0x352: {  	_ = 	snop  }
0x353: {  	[tilespmem:s25], [sflag:$0x2] =	stream.indirect_vreg.gather [hbm4b:s1+s3], $0x80, v16, vm0, $0xb8;
	[tilespmem:$0x1CA00] =	vst v63  }
0x354: {  	_ =	swait.ge [sflag:s2], $0x2000  }
0x355: {  	[sflag:s2] =	ssyncset.done $0x0  }
0x356: {  	[sflag:s2] =	ssyncadd.s32 $0xFFFFE000  }
0x357: {  	v16 =	vld [tilespmem:$0x500];
	_ =	sdelay $0x4  }
0x358: {  	v17 =	vshll.u32 v16, $0x3  }
0x359: {  	v54 =	vld [tilespmem:$0x510];
	v16 =	vand.u32 $0x7F, v16;
	v17 =	vand.u32 $0xFFFFFC00, v17  }
0x35a: {  	v16 =	vor.u32 v16, v17  }
0x35b: {  	v16 =	vadd.s32 v13, v16;
	_ =	sdelay $0x1  }
0x35c: {  	v17 =	vld [tilespmem:$0x440]  }
0x35d: {  	v55 =	vshll.u32 v54, $0x3  }
0x35e: {  	v18 =	vand.u32 $0x7F, v54;
	v19 =	vand.u32 $0xFFFFFC00, v55  }
0x35f: {  	v18 =	vor.u32 v18, v19;
	v16 =	vld.idx.msk [tilespmem:v16+s15+$0x0], $0xffff  }
0x360: {  	v18 =	vadd.s32 v14, v18  }
0x361: {  	v56 =	vshll.u32 v17, $0x1  }
0x362: {  	v17 =	vand.u32 $0x7, v17;
	v19 =	vand.u32 $0xFFFFFFF0, v56  }
0x363: {  	v17 =	vor.u32 v17, v19  }
0x364: {  	[tilespmem:$0x1C880] =	vst v16;
	v16 =	vperm.xlane v17, v2  }
0x365: {  	v18 =	vld.idx.msk [tilespmem:v18+s15+$0x0], $0xffff  }
0x366: {  	v17 =	vperm.xlane v17, v4;
	v16 =	vadd.s32 v3, v16;
	_ =	sdelay $0x1  }
0x367: {  	v17 =	vadd.s32 v3, v17;
	_ =	sdelay $0x1  }
0x368: {  	[tilespmem:$0x1C890] =	vst v18  }
0x369: {  	[tilespmem:s15], [sflag:$0x3] =	stream.indirect_vreg.gather [hbm4b:s1+s3], $0x80, v16, vm0, $0xb8;
	[tilespmem:$0x1CA00] =	vst v63  }
0x36a: {  	_ = 	snop  }
0x36b: {  	[tilespmem:s17], [sflag:$0x3] =	stream.indirect_vreg.gather [hbm4b:s1+s3], $0x80, v17, vm0, $0xb8;
	[tilespmem:$0x1CA00] =	vst v63  }
0x36c: {  	v16 =	vld [tilespmem:$0x450];
	_ =	sdelay $0x4  }
0x36d: {  	v17 =	vshll.u32 v16, $0x1  }
0x36e: {  	v16 =	vand.u32 $0x7, v16;
	v17 =	vand.u32 $0xFFFFFFF0, v17  }
0x36f: {  	v16 =	vor.u32 v16, v17  }
0x370: {  	v17 =	vperm.xlane v16, v2;
	_ =	sdelay $0x1  }
0x371: {  	v16 =	vperm.xlane v16, v4;
	v17 =	vadd.s32 v3, v17;
	_ =	sdelay $0x1  }
0x372: {  	v16 =	vadd.s32 v3, v16;
	_ =	sdelay $0x2  }
0x373: {  	[tilespmem:s18], [sflag:$0x3] =	stream.indirect_vreg.gather [hbm4b:s1+s3], $0x80, v17, vm0, $0xb8;
	[tilespmem:$0x1CA00] =	vst v63  }
0x374: {  	_ = 	snop  }
0x375: {  	[tilespmem:s5], [sflag:$0x3] =	stream.indirect_vreg.gather [hbm4b:s1+s3], $0x80, v16, vm0, $0xb8;
	[tilespmem:$0x1CA00] =	vst v63  }
0x376: {  	_ =	swait.ge [sflag:s0], $0x2000  }
0x377: {  	[sflag:s0] =	ssyncset.done $0x0  }
0x378: {  	[sflag:s0] =	ssyncadd.s32 $0xFFFFE000  }
0x379: {  	v16 =	vld [tilespmem:$0x520];
	_ =	sdelay $0x4  }
0x37a: {  	v17 =	vshll.u32 v16, $0x3  }
0x37b: {  	v57 =	vld [tilespmem:$0x530];
	v16 =	vand.u32 $0x7F, v16;
	v17 =	vand.u32 $0xFFFFFC00, v17  }
0x37c: {  	v16 =	vor.u32 v16, v17  }
0x37d: {  	v16 =	vadd.s32 v13, v16;
	_ =	sdelay $0x1  }
0x37e: {  	v17 =	vld.msk [tilespmem:$0x460], $0xff  }
0x37f: {  	v58 =	vshll.u32 v57, $0x3  }
0x380: {  	v18 =	vand.u32 $0x7F, v57;
	v19 =	vand.u32 $0xFFFFFC00, v58  }
0x381: {  	v18 =	vor.u32 v18, v19;
	v16 =	vld.idx.msk [tilespmem:v16+s19+$0x0], $0xffff  }
0x382: {  	v18 =	vadd.s32 v14, v18  }
0x383: {  	v59 =	vshll.u32 v17, $0x1  }
0x384: {  	v17 =	vand.u32 $0x7, v17;
	v19 =	vand.u32 $0xFFFFFFF0, v59  }
0x385: {  	v17 =	vor.u32 v17, v19  }
0x386: {  	[tilespmem:$0x1C8A0] =	vst v16;
	v16 =	vperm.xlane v17, v2  }
0x387: {  	v17 =	vld.idx.msk [tilespmem:v18+s19+$0x0], $0xffff  }
0x388: {  	v16 =	vadd.s32 v3, v16;
	_ =	sdelay $0x3  }
0x389: {  	[tilespmem:$0x1C8B0] =	vst v17  }
0x38a: {  	[tilespmem:s19], [sflag:$0x4] =	stream.indirect_vreg.gather [hbm4b:s1+s3], $0x80, v16, vm0, $0xb8;
	[tilespmem:$0x1CA00] =	vst v63  }
0x38b: {  	_ =	swait.ge [sflag:s28], $0x2000  }
0x38c: {  	[sflag:s28] =	ssyncset.done $0x0  }
0x38d: {  	[sflag:s28] =	ssyncadd.s32 $0xFFFFE000  }
0x38e: {  	v16 =	vld [tilespmem:$0x540];
	_ =	sdelay $0x4  }
0x38f: {  	v17 =	vshll.u32 v16, $0x3  }
0x390: {  	v60 =	vld [tilespmem:$0x550];
	v16 =	vand.u32 $0x7F, v16;
	v17 =	vand.u32 $0xFFFFFC00, v17  }
0x391: {  	v16 =	vor.u32 v16, v17  }
0x392: {  	v16 =	vadd.s32 v13, v16;
	_ =	sdelay $0x2  }
0x393: {  	v17 =	vshll.u32 v60, $0x3  }
0x394: {  	v18 =	vand.u32 $0x7F, v60;
	v17 =	vand.u32 $0xFFFFFC00, v17  }
0x395: {  	v17 =	vor.u32 v18, v17;
	v16 =	vld.idx.msk [tilespmem:v16+s20+$0x0], $0xffff  }
0x396: {  	v17 =	vadd.s32 v14, v17;
	_ =	sdelay $0x3  }
0x397: {  	[tilespmem:$0x1C8C0] =	vst v16  }
0x398: {  	v16 =	vld.idx.msk [tilespmem:v17+s20+$0x0], $0xffff;
	_ =	sdelay $0x4  }
0x399: {  	[tilespmem:$0x1C8D0] =	vst v16  }
0x39a: {  	_ =	swait.ge [sflag:s6], $0x800  }
0x39b: {  	[sflag:s6] =	ssyncset.done $0x0  }
0x39c: {  	[sflag:s6] =	ssyncadd.s32 $0xFFFFF800  }
0x39d: {  	v16 =	vld [tilespmem:$0x560];
	_ =	sdelay $0x4  }
0x39e: {  	v17 =	vshll.u32 v16, $0x3  }
0x39f: {  	v16 =	vand.u32 $0x7F, v16;
	v17 =	vand.u32 $0xFFFFFC00, v17  }
0x3a0: {  	v16 =	vor.u32 v17, v16  }
0x3a1: {  	v16 =	vor.u32 v15, v16;
	_ =	sdelay $0x4  }
0x3a2: {  	v16 =	vld.idx.msk [tilespmem:v16+s24+$0x0], $0xffff;
	_ =	sdelay $0x4  }
0x3a3: {  	[tilespmem:$0x1C8E0] =	vst v16  }
0x3a4: {  	_ =	swait.ge [sflag:s30], $0x2000  }
0x3a5: {  	[sflag:s30] =	ssyncset.done $0x0  }
0x3a6: {  	[sflag:s30] =	ssyncadd.s32 $0xFFFFE000  }
0x3a7: {  	v16 =	vld [tilespmem:$0x500];
	_ =	sdelay $0x4  }
0x3a8: {  	v17 =	vshll.u32 v16, $0x3  }
0x3a9: {  	v61 =	vld [tilespmem:$0x510];
	v16 =	vand.u32 $0x7F, v16;
	v17 =	vand.u32 $0xFFFFFC00, v17  }
0x3aa: {  	v16 =	vor.u32 v16, v17  }
0x3ab: {  	v16 =	vadd.s32 v13, v16;
	_ =	sdelay $0x2  }
0x3ac: {  	v17 =	vshll.u32 v61, $0x3  }
0x3ad: {  	v18 =	vand.u32 $0x7F, v61;
	v17 =	vand.u32 $0xFFFFFC00, v17  }
0x3ae: {  	v17 =	vor.u32 v18, v17;
	v16 =	vld.idx.msk [tilespmem:v16+s7+$0x0], $0xffff  }
0x3af: {  	v17 =	vadd.s32 v14, v17;
	_ =	sdelay $0x3  }
0x3b0: {  	[tilespmem:$0x1C900] =	vst v16  }
0x3b1: {  	v16 =	vld.idx.msk [tilespmem:v17+s7+$0x0], $0xffff;
	_ =	sdelay $0x4  }
0x3b2: {  	[tilespmem:$0x1C910] =	vst v16  }
0x3b3: {  	_ =	swait.ge [sflag:s31], $0x2000  }
0x3b4: {  	[sflag:s31] =	ssyncset.done $0x0  }
0x3b5: {  	[sflag:s31] =	ssyncadd.s32 $0xFFFFE000  }
0x3b6: {  	v16 =	vld [tilespmem:$0x520];
	_ =	sdelay $0x4  }
0x3b7: {  	v17 =	vshll.u32 v16, $0x3  }
0x3b8: {  	v62 =	vld [tilespmem:$0x530];
	v16 =	vand.u32 $0x7F, v16;
	v17 =	vand.u32 $0xFFFFFC00, v17  }
0x3b9: {  	v16 =	vor.u32 v16, v17  }
0x3ba: {  	v16 =	vadd.s32 v13, v16;
	_ =	sdelay $0x2  }
0x3bb: {  	v17 =	vshll.u32 v62, $0x3  }
0x3bc: {  	v18 =	vand.u32 $0x7F, v62;
	v17 =	vand.u32 $0xFFFFFC00, v17  }
0x3bd: {  	v17 =	vor.u32 v18, v17;
	v16 =	vld.idx.msk [tilespmem:v16+s11+$0x0], $0xffff  }
0x3be: {  	v17 =	vadd.s32 v14, v17;
	_ =	sdelay $0x3  }
0x3bf: {  	[tilespmem:$0x1C920] =	vst v16  }
0x3c0: {  	v16 =	vld.idx.msk [tilespmem:v17+s11+$0x0], $0xffff;
	_ =	sdelay $0x4  }
0x3c1: {  	[tilespmem:$0x1C930] =	vst v16  }
0x3c2: {  	_ =	swait.ge [sflag:s2], $0x2000  }
0x3c3: {  	[sflag:s2] =	ssyncset.done $0x0  }
0x3c4: {  	[sflag:s2] =	ssyncadd.s32 $0xFFFFE000  }
0x3c5: {  	v16 =	vld [tilespmem:$0x540];
	_ =	sdelay $0x4  }
0x3c6: {  	v17 =	vshll.u32 v16, $0x3  }
0x3c7: {  	v63 =	vld [tilespmem:$0x550];
	v16 =	vand.u32 $0x7F, v16;
	v17 =	vand.u32 $0xFFFFFC00, v17  }
0x3c8: {  	v16 =	vor.u32 v16, v17  }
0x3c9: {  	v16 =	vadd.s32 v13, v16;
	_ =	sdelay $0x2  }
0x3ca: {  	v17 =	vshll.u32 v63, $0x3  }
0x3cb: {  	v18 =	vand.u32 $0x7F, v63;
	v17 =	vand.u32 $0xFFFFFC00, v17  }
0x3cc: {  	v17 =	vor.u32 v18, v17;
	v16 =	vld.idx.msk [tilespmem:v16+s15+$0x0], $0xffff  }
0x3cd: {  	v17 =	vadd.s32 v14, v17;
	_ =	sdelay $0x3  }
0x3ce: {  	[tilespmem:$0x1C940] =	vst v16  }
0x3cf: {  	v16 =	vld.idx.msk [tilespmem:v17+s15+$0x0], $0xffff;
	_ =	sdelay $0x4  }
0x3d0: {  	[tilespmem:$0x1C950] =	vst v16  }
0x3d1: {  	_ =	swait.ge [sflag:s0], $0x800  }
0x3d2: {  	[sflag:s0] =	ssyncset.done $0x0  }
0x3d3: {  	[sflag:s0] =	ssyncadd.s32 $0xFFFFF800  }
0x3d4: {  	v16 =	vld [tilespmem:$0x560];
	_ =	sdelay $0x4  }
0x3d5: {  	v17 =	vshll.u32 v16, $0x3  }
0x3d6: {  	v16 =	vand.u32 $0x7F, v16;
	v17 =	vand.u32 $0xFFFFFC00, v17  }
0x3d7: {  	v16 =	vor.u32 v17, v16  }
0x3d8: {  	v16 =	vor.u32 v15, v16;
	_ =	sdelay $0x4  }
0x3d9: {  	v16 =	vld.idx.msk [tilespmem:v16+s19+$0x0], $0xffff;
	_ =	sdelay $0x2  }
0x3da: {  	s26 =	rddreg [dreg:$0x5]  }
0x3db: {  	p0 =	sne.s32 s4, $0x1;
	s12 =	rddreg [dreg:$0x6]  }
.Ltmp0:
0x3dc: {  	s8 =	simm.s32 $0x80;
	s5 =	rddreg [dreg:$0x7];
	[tilespmem:$0x1C960] =	vst v16;
	(pc) =	sbr.rel @p0 .LBB2_1-.Ltmp0, $4  }
0x3dd: {  	[hbm4b:s26+s8] =	stream.strided.scatter [tilespmem:s5], [sflag:$0x7], $0x400, s12, s8, $0x38;
	[tilespmem:$0x1CA00] =	vst v63  }
0x3de: {  	_ =	swait.ge [sflag:s21], $0x400  }
0x3df: {  	[sflag:s21] =	ssyncset.done $0x0  }
0x3e0: {  	s4 =	sadd.s32 $0xFFFFFFFF, s4;
	[sflag:s21] =	ssyncadd.s32 $0xFFFFFC00  }
0x3e1: {  	_ =	sfence.sel $0x180000  }
0x3e2: {  	[bflag:$0x0] =	sbarrier.arrive $0xFFFF  }
0x3e3: {  	_ =	strace $0x90000047  }
0x3e4: {  	s0 =	stileid.u32;
	[bflag:$0x2] =	sbarrier.arrive $0xFFFF  }
0x3e5: {  	p0 =	sne.s32 s0, $0x0;
	s0 =	rddreg [dreg:$0x2]  }
0x3e6: {  	s0 =	sadd.s32 @!p0 $0x100000, s0  }
0x3e7: {  	[sflag:s0] =	ssyncadd.tile.s32 @!p0 $0x1;
	_ =	shalt  }
.Lfunc_end2:
_tile_overlayer_lowered:
.L_overlay_start_2:
0x3e8: {  	(tag) =	ssettag $0x2  }
0x3e9: {  	s0 =	rddreg [dreg:$0x0];
	s2 =	stileid.u32  }
0x3ea: {  	s1 =	rddreg [dreg:$0x1];
	p0 =	sne.s32 s2, $0x0  }
0x3eb: {  	s3 =	rddreg [dreg:$0x2];
	[bflag:$0x3] =	sbarrier.arrive $0xFFFF;
	s2 =	simm.s32 @!p0 $0x1C07  }
0x3ec: {  	[timem:s3], [sflag:s2] =	dma.local @!p0 [hbm:s0], s1  }
0x3ed: {  	s0 =	simm.s32 @!p0 $0x7  }
0x3ee: {  	_ =	swait.ge @!p0 [sflag:s0], s1  }
0x3ef: {  	s1 =	ssub.s32 @!p0 $0x0, s1;
	[sflag:s0] =	ssyncset.done @!p0 $0x0  }
0x3f0: {  	[sflag:s0] =	ssyncadd.s32 @!p0 s1  }
0x3f1: {  	[bflag:$0x3] =	sbarrier.arrive $0xFFFF  }
0x3f2: {  	_ =	shalt  }

</sc_bundles>
